<compile_context>
chip_gen: v7x
topology: tpu7x:2x2x1
jax: 0.10.2.dev20260603
libtpu: 0.0.44.dev20260713+nightly
codegen_flags: <defaults>
</compile_context>

<pallas_src>
import jax
import jax.numpy as jnp
from jax import lax
from jax.experimental import pallas as pl
from jax.experimental.pallas import tpu as pltpu
from jax.experimental.pallas import tpu_sc as plsc

N = 10000
E = 320000
D = 128
H = 8
HID = 16
OUT = 40

NPAD = 10240
NC = 2
NS = 16
NW = NC * NS
CH1 = 80
NBLK1 = 129
CH2 = 80
NBLK2 = 129
EPT1 = NBLK1 * CH1
EP1 = EPT1 * NW
DUMMY = N
ROW1 = 144
ROW2 = 32
RPW = NPAD // NS
BM = 512


def _leaky_exp(sv):
    return jnp.exp(jnp.where(sv >= 0, sv, 0.2 * sv))


def _drain(sem, dst, dummy_src):
    pltpu.make_async_copy(dummy_src, dst, sem).wait()


def _zero_acc(rows0, acc, base, ch, rw, sem):
    def _z(i, carry):
        for k in range(rw // 16):
            rows0[i, pl.ds(k * 16, 16)] = jnp.zeros((16,), jnp.float32)
        return carry
    lax.fori_loop(0, ch, _z, 0)
    for i in range(RPW // ch):
        pltpu.async_copy(rows0, acc.at[pl.ds(base + i * ch, ch)], sem)
    for i in range(RPW // ch):
        _drain(sem, rows0, acc.at[pl.ds(base, ch)])


def _copy_out(rows_b, acc, part, c, base, ch, sems):
    nch = RPW // ch
    for i in range(nch):
        u = i % 2
        rr = base + i * ch
        if i >= 2:
            _drain(sems[u], rows_b[u], part.at[c, pl.ds(base, ch)])
        pltpu.sync_copy(acc.at[pl.ds(rr, ch)], rows_b[u])
        pltpu.async_copy(rows_b[u], part.at[c, pl.ds(rr, ch)], sems[u])
    for u in range(min(2, nch)):
        _drain(sems[u], rows_b[u], part.at[c, pl.ds(base, ch)])


def _ring_loop(nblk, ch, edx, wid, idx_b, isem, issue_gather, wait_gather,
               compute, issue_scatter, ssem, rows_b, dummy_hbm):
    pltpu.async_copy(edx.at[wid, 0], idx_b[0], isem[0])
    pltpu.async_copy(edx.at[wid, 1], idx_b[1], isem[1])
    _drain(isem[0], idx_b[0], edx.at[wid, 0])
    issue_gather(0)

    def _step(j, u):
        un = (u + 1) % 3
        up = (u + 2) % 3

        @pl.when(j >= 2)
        def _free_next():
            _drain(ssem[un], rows_b[un], dummy_hbm)

        @pl.when(j + 1 < nblk)
        def _issue_gather():
            _drain(isem[un], idx_b[un], edx.at[wid, 0])
            issue_gather(un)

        @pl.when(j + 2 < nblk)
        def _prefetch_idx():
            pltpu.async_copy(edx.at[wid, j + 2], idx_b[up], isem[up])

        wait_gather(u)
        compute(u)
        issue_scatter(u)

    def _chunk3(t, carry):
        for u in range(3):
            _step(3 * t + u, u)
        return carry
    lax.fori_loop(0, nblk // 3, _chunk3, 0)
    _drain(ssem[1], rows_b[1], dummy_hbm)
    _drain(ssem[2], rows_b[2], dummy_hbm)


def _sc1_body(hsrc, adt, edx, part,
              ix0, ix1, ix2, r0_, r1_, r2_, a0, a1, a2,
              acc, g0, g1, g2, q0, q1, q2, s0, s1, s2, i0, i1, i2):
    c = lax.axis_index("c")
    s = lax.axis_index("s")
    wid = s * NC + c
    idx_b = [ix0, ix1, ix2]
    rows_b = [r0_, r1_, r2_]
    adrows_b = [a0, a1, a2]
    gsem = [g0, g1, g2]
    asem = [q0, q1, q2]
    ssem = [s0, s1, s2]
    isem = [i0, i1, i2]
    base = s * RPW
    dummy = hsrc.at[pl.ds(0, CH1)]

    _zero_acc(rows_b[0], acc, base, CH1, ROW1, gsem[0])
    plsc.subcore_barrier()

    def issue_gather(u):
        pltpu.async_copy(hsrc.at[idx_b[u].at[0]], rows_b[u], gsem[u])
        pltpu.async_copy(adt.at[idx_b[u].at[1]], adrows_b[u], asem[u])

    def wait_gather(u):
        _drain(gsem[u], rows_b[u], dummy)
        _drain(asem[u], adrows_b[u], adt.at[pl.ds(0, CH1)])

    def compute(u):
        def _edge(e, c2):
            a = rows_b[u][e, pl.ds(D, 16)]
            b = adrows_b[u][e, pl.ds(0, 16)]
            w = _leaky_exp(a + b)
            w = jnp.where(lax.iota(jnp.int32, 16) < H, w, 0.0)
            rows_b[u][e, pl.ds(D, 16)] = w
            for hd in range(H):
                hv = rows_b[u][e, pl.ds(hd * HID, HID)]
                rows_b[u][e, pl.ds(hd * HID, HID)] = hv * w[hd]
            return c2
        lax.fori_loop(0, CH1, _edge, 0, unroll=2)

    def issue_scatter(u):
        pltpu.async_copy(rows_b[u], acc.at[idx_b[u].at[1]], ssem[u], add=True)

    _ring_loop(NBLK1, CH1, edx, wid, idx_b, isem, issue_gather, wait_gather,
               compute, issue_scatter, ssem, rows_b, dummy)
    plsc.subcore_barrier()
    _copy_out(rows_b, acc, part, c, base, CH1, gsem)


def _sc2_body(hsrc, av2h, edx, part,
              ix0, ix1, ix2, r0_, r1_, r2_, av2,
              acc, g0, g1, g2, s0, s1, s2, i0, i1, i2):
    c = lax.axis_index("c")
    s = lax.axis_index("s")
    wid = s * NC + c
    idx_b = [ix0, ix1, ix2]
    rows_b = [r0_, r1_, r2_]
    gsem = [g0, g1, g2]
    ssem = [s0, s1, s2]
    isem = [i0, i1, i2]
    base = s * RPW
    dummy = hsrc.at[pl.ds(0, CH2)]

    pltpu.sync_copy(av2h, av2)
    _zero_acc(rows_b[0], acc, base, CH2, ROW2, gsem[0])
    plsc.subcore_barrier()

    def issue_gather(u):
        pltpu.async_copy(hsrc.at[idx_b[u].at[0]], rows_b[u], gsem[u])

    def wait_gather(u):
        _drain(gsem[u], rows_b[u], dummy)

    zcol = jnp.zeros((16,), jnp.int32)
    ocol = jnp.ones((16,), jnp.int32)
    wcol = jnp.full((16,), HID, jnp.int32)

    def compute(u):
        def _blk(sb, c2):
            e0 = sb * 16
            eidx = e0 + lax.iota(jnp.int32, 16)
            sidx = idx_b[u][0, pl.ds(e0, 16)]
            didx = idx_b[u][1, pl.ds(e0, 16)]
            as16 = plsc.load_gather(av2, [sidx, zcol])
            ad16 = plsc.load_gather(av2, [didx, ocol])
            w16 = _leaky_exp(as16 + ad16)
            plsc.store_scatter(rows_b[u], [eidx, wcol], w16)
            for e in range(16):
                hv = rows_b[u][e0 + e, pl.ds(0, HID)]
                rows_b[u][e0 + e, pl.ds(0, HID)] = hv * w16[e]
            return c2
        lax.fori_loop(0, CH2 // 16, _blk, 0)

    def issue_scatter(u):
        pltpu.async_copy(rows_b[u], acc.at[idx_b[u].at[1]], ssem[u], add=True)

    _ring_loop(NBLK2, CH2, edx, wid, idx_b, isem, issue_gather, wait_gather,
               compute, issue_scatter, ssem, rows_b, dummy)
    plsc.subcore_barrier()
    _copy_out(rows_b, acc, part, c, base, CH2, gsem)


def _sc1_call():
    mesh = plsc.VectorSubcoreMesh(core_axis_name="c", subcore_axis_name="s",
                                  num_cores=NC, num_subcores=NS)
    return pl.kernel(
        _sc1_body,
        out_type=jax.ShapeDtypeStruct((NC, NPAD, ROW1), jnp.float32),
        mesh=mesh,
        compiler_params=pltpu.CompilerParams(use_tc_tiling_on_sc=False, needs_layout_passes=False),
        scratch_types=(
            [pltpu.VMEM((2, CH1), jnp.int32) for _ in range(3)]
            + [pltpu.VMEM((CH1, ROW1), jnp.float32) for _ in range(3)]
            + [pltpu.VMEM((CH1, 16), jnp.float32) for _ in range(3)]
            + [pltpu.VMEM_SHARED((NPAD, ROW1), jnp.float32)]
            + [pltpu.SemaphoreType.DMA for _ in range(12)]
        ),
    )


def _sc2_call():
    mesh = plsc.VectorSubcoreMesh(core_axis_name="c", subcore_axis_name="s",
                                  num_cores=NC, num_subcores=NS)
    return pl.kernel(
        _sc2_body,
        out_type=jax.ShapeDtypeStruct((NC, NPAD, ROW2), jnp.float32),
        mesh=mesh,
        compiler_params=pltpu.CompilerParams(use_tc_tiling_on_sc=False, needs_layout_passes=False),
        scratch_types=(
            [pltpu.VMEM((2, CH2), jnp.int32) for _ in range(3)]
            + [pltpu.VMEM((CH2, ROW2), jnp.float32) for _ in range(3)]
            + [pltpu.VMEM((NPAD, 2), jnp.float32)]
            + [pltpu.VMEM_SHARED((NPAD, ROW2), jnp.float32)]
            + [pltpu.SemaphoreType.DMA for _ in range(9)]
        ),
    )


def _tc1_body(x_ref, w1_ref, as_ref, ad_ref, hsrc_ref, adt_ref):
    xb = x_ref[...]
    h = jnp.dot(xb, w1_ref[...], preferred_element_type=jnp.float32)
    asrc = jnp.dot(h, as_ref[...], preferred_element_type=jnp.float32)
    adstv = jnp.dot(h, ad_ref[...], preferred_element_type=jnp.float32)
    z8 = jnp.zeros((xb.shape[0], H), jnp.float32)
    hsrc_ref[...] = jnp.concatenate([h, asrc, z8], axis=1)
    adt_ref[...] = jnp.concatenate([adstv, z8], axis=1)


def _tc2_body(p_ref, b1_ref, w2_ref, r_ref, a2s_ref, a2d_ref, h2p_ref, av2_ref):
    p0 = p_ref[0]
    p1 = p_ref[1]
    num = p0[:, :D] + p1[:, :D]
    den = p0[:, D:D + H] + p1[:, D:D + H]
    recip = 1.0 / (den + 1e-16)
    rep = jnp.dot(recip, r_ref[...], preferred_element_type=jnp.float32)
    out1 = jnp.maximum(num * rep + b1_ref[...], 0.0)
    h2 = jnp.dot(out1, w2_ref[...], preferred_element_type=jnp.float32)
    asrc2 = jnp.sum(h2 * a2s_ref[...], axis=1, keepdims=True)
    adst2 = jnp.sum(h2 * a2d_ref[...], axis=1, keepdims=True)
    h2p_ref[...] = jnp.concatenate(
        [h2, jnp.zeros((h2.shape[0], HID), jnp.float32)], axis=1)
    av2_ref[...] = jnp.concatenate([asrc2, adst2], axis=1)


def _tc3_body(p_ref, b2_ref, wl_ref, bl_ref, o_ref):
    p0 = p_ref[0]
    p1 = p_ref[1]
    num = p0[:, :HID] + p1[:, :HID]
    den = p0[:, HID:HID + 1] + p1[:, HID:HID + 1]
    out2 = num / (den + 1e-16) + b2_ref[...]
    logits = jnp.dot(out2, wl_ref[...], preferred_element_type=jnp.float32) + bl_ref[...]
    m = jnp.max(logits, axis=1, keepdims=True)
    ex = jnp.exp(logits - m)
    o_ref[...] = ex / jnp.sum(ex, axis=1, keepdims=True)


def kernel(x, edge_index, W1, a_src1, a_dst1, b1, W2, a_src2, a_dst2, b2, Wl, bl):
    xp = jnp.pad(x, ((0, NPAD - N), (0, 0)))
    sl = jnp.arange(N, dtype=jnp.int32)
    np1 = EP1 - E - N
    src1 = jnp.concatenate([edge_index[0], sl, jnp.zeros((np1,), jnp.int32)])
    dst1 = jnp.concatenate([edge_index[1], sl, jnp.full((np1,), DUMMY, jnp.int32)])
    edx1 = jnp.stack([src1.reshape(NW, NBLK1, CH1),
                      dst1.reshape(NW, NBLK1, CH1)], axis=2)
    eyeh = jnp.eye(H, dtype=jnp.float32)
    As1 = (a_src1[:, :, None] * eyeh[:, None, :]).reshape(D, H)
    Ad1 = (a_dst1[:, :, None] * eyeh[:, None, :]).reshape(D, H)
    Rrep = jnp.kron(eyeh, jnp.ones((1, HID), jnp.float32))

    grid = (NPAD // BM,)
    hsrc_t, adt1 = pl.pallas_call(
        _tc1_body,
        grid=grid,
        in_specs=[
            pl.BlockSpec((BM, D), lambda i: (i, 0)),
            pl.BlockSpec((D, D), lambda i: (0, 0)),
            pl.BlockSpec((D, H), lambda i: (0, 0)),
            pl.BlockSpec((D, H), lambda i: (0, 0)),
        ],
        out_specs=[
            pl.BlockSpec((BM, ROW1), lambda i: (i, 0)),
            pl.BlockSpec((BM, 16), lambda i: (i, 0)),
        ],
        out_shape=[
            jax.ShapeDtypeStruct((NPAD, ROW1), jnp.float32),
            jax.ShapeDtypeStruct((NPAD, 16), jnp.float32),
        ],
    )(xp, W1, As1, Ad1)

    part1 = _sc1_call()(hsrc_t, adt1, edx1)

    h2p, av2 = pl.pallas_call(
        _tc2_body,
        grid=grid,
        in_specs=[
            pl.BlockSpec((NC, BM, ROW1), lambda i: (0, i, 0)),
            pl.BlockSpec((1, D), lambda i: (0, 0)),
            pl.BlockSpec((D, HID), lambda i: (0, 0)),
            pl.BlockSpec((H, D), lambda i: (0, 0)),
            pl.BlockSpec((1, HID), lambda i: (0, 0)),
            pl.BlockSpec((1, HID), lambda i: (0, 0)),
        ],
        out_specs=[
            pl.BlockSpec((BM, ROW2), lambda i: (i, 0)),
            pl.BlockSpec((BM, 2), lambda i: (i, 0)),
        ],
        out_shape=[
            jax.ShapeDtypeStruct((NPAD, ROW2), jnp.float32),
            jax.ShapeDtypeStruct((NPAD, 2), jnp.float32),
        ],
    )(part1, b1.reshape(1, D), W2, Rrep, a_src2, a_dst2)

    part2 = _sc2_call()(h2p, av2, edx1)

    out = pl.pallas_call(
        _tc3_body,
        grid=grid,
        in_specs=[
            pl.BlockSpec((NC, BM, ROW2), lambda i: (0, i, 0)),
            pl.BlockSpec((1, HID), lambda i: (0, 0)),
            pl.BlockSpec((HID, OUT), lambda i: (0, 0)),
            pl.BlockSpec((1, OUT), lambda i: (0, 0)),
        ],
        out_specs=pl.BlockSpec((BM, OUT), lambda i: (i, 0)),
        out_shape=jax.ShapeDtypeStruct((NPAD, OUT), jnp.float32),
    )(part2, b2.reshape(1, HID), Wl, bl.reshape(1, OUT))

    return out[:N]

# --- scband reference (transcript-rebuilt; emitter-appended) ---
"""Pipeline reference for scband-simple-gatmodel-87943750353509 (READ-ONLY COPY).

The authoritative reference and input builder live on the scoring server;
editing this copy changes nothing except your own understanding.
"""

import jax, jax.numpy as jnp
import numpy as np

N = 10000
E = 320000
D = 128
H = 8
HID = 16
OUT = 40


def gat_conv(x, src, dst, W, a_src, a_dst, bias, heads, out_ch, concat):
    n = x.shape[0]
    h = (x @ W).reshape(n, heads, out_ch)
    alpha_src = (h * a_src).sum(-1)  # [n, heads]
    alpha_dst = (h * a_dst).sum(-1)  # [n, heads]
    e = alpha_src[src] + alpha_dst[dst]  # [E+n, heads]
    e = jax.nn.leaky_relu(e, 0.2)
    m = jax.ops.segment_max(e, dst, num_segments=n)
    m = jax.lax.stop_gradient(m)
    ex = jnp.exp(e - m[dst])
    den = jax.ops.segment_sum(ex, dst, num_segments=n)
    alpha = ex / (den[dst] + 1e-16)
    out = jax.ops.segment_sum(h[src] * alpha[..., None], dst, num_segments=n)
    if concat:
        out = out.reshape(n, heads * out_ch)
    else:
        out = out.mean(axis=1)
    return out + bias


def setup_inputs(seed: int = 0):
    key = jax.random.key(seed)
    ks = jax.random.split(key, 12)
    x = jax.random.normal(ks[0], (N, D), dtype=jnp.float32)
    edge_index = jax.random.randint(ks[1], (2, E), 0, N).astype(jnp.int32)
    W1 = jax.random.normal(ks[2], (D, H * HID), dtype=jnp.float32) * (1.0 / np.sqrt(D))
    a_src1 = jax.random.normal(ks[3], (H, HID), dtype=jnp.float32) * (1.0 / np.sqrt(HID))
    a_dst1 = jax.random.normal(ks[4], (H, HID), dtype=jnp.float32) * (1.0 / np.sqrt(HID))
    b1 = jnp.zeros((H * HID,), dtype=jnp.float32)
    W2 = jax.random.normal(ks[5], (H * HID, HID), dtype=jnp.float32) * (1.0 / np.sqrt(H * HID))
    a_src2 = jax.random.normal(ks[6], (1, HID), dtype=jnp.float32) * (1.0 / np.sqrt(HID))
    a_dst2 = jax.random.normal(ks[7], (1, HID), dtype=jnp.float32) * (1.0 / np.sqrt(HID))
    b2 = jnp.zeros((HID,), dtype=jnp.float32)
    Wl = jax.random.normal(ks[8], (HID, OUT), dtype=jnp.float32) * (1.0 / np.sqrt(HID))
    bl = jnp.zeros((OUT,), dtype=jnp.float32)
    return {"x": x, "edge_index": edge_index, "W1": W1, "a_src1": a_src1, "a_dst1": a_dst1, "b1": b1,
            "W2": W2, "a_src2": a_src2, "a_dst2": a_dst2, "b2": b2, "Wl": Wl, "bl": bl}


def reference(x, edge_index, W1, a_src1, a_dst1, b1, W2, a_src2, a_dst2, b2, Wl, bl):
    n = x.shape[0]
    sl = jnp.arange(n, dtype=edge_index.dtype)
    src = jnp.concatenate([edge_index[0], sl])  # add self-loops (PyG default)
    dst = jnp.concatenate([edge_index[1], sl])
    h = gat_conv(x, src, dst, W1, a_src1, a_dst1, b1, H, HID, True)
    h = jax.nn.relu(h)
    # dropout is identity in eval mode
    h = gat_conv(h, src, dst, W2, a_src2, a_dst2, b2, 1, HID, True)
    logits = h @ Wl + bl
    return jax.nn.softmax(logits, axis=1)

if __name__ == "__main__":
    import jax
    _d = setup_inputs()
    print(jax.jit(kernel)(*tuple(_d.values())))

</pallas_src>

<mosaic_0001>
#map = affine_map<(d0, d1) -> (0, 0)>
#map1 = affine_map<(d0, d1) -> (0, 0, 0, 0)>
#map2 = affine_map<(d0, d1) -> (0, 0, 0)>
module attributes {stable_mosaic.version = 14 : i64} {
  func.func @_sc2_body(%arg0: i32, %arg1: i32, %arg2: memref<10240x32xf32, #tpu.memory_space<hbm>>, %arg3: memref<10240x2xf32, #tpu.memory_space<hbm>>, %arg4: memref<32x129x2x80xi32, #tpu.memory_space<hbm>>, %arg5: memref<2x10240x32xf32, #tpu.memory_space<hbm>>, %arg6: memref<2x80xi32, #tpu.memory_space<vmem>>, %arg7: memref<2x80xi32, #tpu.memory_space<vmem>>, %arg8: memref<2x80xi32, #tpu.memory_space<vmem>>, %arg9: memref<80x32xf32, #tpu.memory_space<vmem>>, %arg10: memref<80x32xf32, #tpu.memory_space<vmem>>, %arg11: memref<80x32xf32, #tpu.memory_space<vmem>>, %arg12: memref<10240x2xf32, #tpu.memory_space<vmem>>, %arg13: memref<10240x32xf32, #tpu.memory_space<vmem_shared>>, %arg14: memref<!tpu.dma_semaphore, #tpu.memory_space<semaphore_mem>>, %arg15: memref<!tpu.dma_semaphore, #tpu.memory_space<semaphore_mem>>, %arg16: memref<!tpu.dma_semaphore, #tpu.memory_space<semaphore_mem>>, %arg17: memref<!tpu.dma_semaphore, #tpu.memory_space<semaphore_mem>>, %arg18: memref<!tpu.dma_semaphore, #tpu.memory_space<semaphore_mem>>, %arg19: memref<!tpu.dma_semaphore, #tpu.memory_space<semaphore_mem>>, %arg20: memref<!tpu.dma_semaphore, #tpu.memory_space<semaphore_mem>>, %arg21: memref<!tpu.dma_semaphore, #tpu.memory_space<semaphore_mem>>, %arg22: memref<!tpu.dma_semaphore, #tpu.memory_space<semaphore_mem>>) attributes {dimension_semantics = [#tpu.dimension_semantics<core_parallel>, #tpu.dimension_semantics<subcore_parallel>], iteration_bounds = array<i64: 2, 16>, scalar_prefetch = 0 : i64, scratch_operands = 17 : i64, tpu.core_type = #tpu.core_type<sc_vector_subcore>, window_params = [{transform_indices = #map}, {transform_indices = #map}, {transform_indices = #map1}, {transform_indices = #map2}]} {
    %mul3A = arith.constant 2 : i32
    %mul3A_0 = arith.muli %arg1, %mul3A : i32
    %add3A = arith.addi %mul3A_0, %arg0 : i32
    %mul3A_1 = arith.constant 640 : i32
    %mul3A_2 = arith.muli %arg1, %mul3A_1 : i32
    "tpu.region"() ({
      %run_scoped3A = tpu.sem_alloc : memref<!tpu.dma_semaphore, #tpu.memory_space<semaphore_mem>>
      tpu.enqueue_dma source(%arg3 : memref<10240x2xf32, #tpu.memory_space<hbm>>) target(%arg12 : memref<10240x2xf32, #tpu.memory_space<vmem>>) target_semaphore(%run_scoped3A : memref<!tpu.dma_semaphore, #tpu.memory_space<semaphore_mem>>)
      tpu.wait_dma2 semaphore(%run_scoped3A : memref<!tpu.dma_semaphore, #tpu.memory_space<semaphore_mem>>) src(%arg3 : memref<10240x2xf32, #tpu.memory_space<hbm>>) dst(%arg12 : memref<10240x2xf32, #tpu.memory_space<vmem>>)
      tpu.yield
    }) : () -> ()
    %scan3A = arith.constant 0 : i32
    %scan3A_3 = arith.constant 0 : i32
    %scan3A_4 = arith.constant 80 : i32
    %scan3A_5 = arith.addi %scan3A_3, %scan3A_4 : i32
    %scan3A_6 = arith.constant 1 : i32
    scf.for %scan3A_256 = %scan3A_3 to %scan3A_5 step %scan3A_6  : i32 {
      %broadcast_in_dim3A_257 = arith.constant 0.000000e+00 : f32
      %broadcast_in_dim3A_258 = vector.broadcast %broadcast_in_dim3A_257 : f32 to vector<16xf32>
      %swap3A = arith.index_cast %scan3A_256 : i32 to index
      %swap3A_259 = arith.constant 0 : index
      %swap3A_260 = tpu.vector_load %arg9[%swap3A, %swap3A_259] {strides = array<i32>} : memref<80x32xf32, #tpu.memory_space<vmem>>, vector<16xf32>,
      tpu.vector_store %arg9[%swap3A, %swap3A_259], %broadcast_in_dim3A_258 {strides = array<i32>} : memref<80x32xf32, #tpu.memory_space<vmem>>, vector<16xf32>,
      %broadcast_in_dim3A_261 = arith.constant 0.000000e+00 : f32
      %broadcast_in_dim3A_262 = vector.broadcast %broadcast_in_dim3A_261 : f32 to vector<16xf32>
      %swap3A_263 = arith.index_cast %scan3A_256 : i32 to index
      %swap3A_264 = arith.constant 16 : index
      %swap3A_265 = tpu.vector_load %arg9[%swap3A_263, %swap3A_264] {strides = array<i32>} : memref<80x32xf32, #tpu.memory_space<vmem>>, vector<16xf32>,
      tpu.vector_store %arg9[%swap3A_263, %swap3A_264], %broadcast_in_dim3A_262 {strides = array<i32>} : memref<80x32xf32, #tpu.memory_space<vmem>>, vector<16xf32>,
    }
    %scan3A_7 = arith.constant 80 : i32
    %add3A_8 = arith.constant 0 : i32
    %add3A_9 = arith.addi %mul3A_2, %add3A_8 : i32
    %dma_start3A = arith.constant 0 : i32
    %dma_start3A_10 = tpu.memref_slice %arg13[%add3A_9, %dma_start3A] : memref<10240x32xf32, #tpu.memory_space<vmem_shared>> -> memref<80x32xf32, #tpu.memory_space<vmem_shared>>
    %dma_start3A_11 = arith.constant 0 : i32
    %dma_start3A_12 = tpu.memref_slice %arg13[%add3A_9, %dma_start3A_11] : memref<10240x32xf32, #tpu.memory_space<vmem_shared>> -> memref<80x32xf32, #tpu.memory_space<vmem_shared>>
    tpu.enqueue_dma source(%arg9 : memref<80x32xf32, #tpu.memory_space<vmem>>) target(%dma_start3A_12 : memref<80x32xf32, #tpu.memory_space<vmem_shared>>) target_semaphore(%arg14 : memref<!tpu.dma_semaphore, #tpu.memory_space<semaphore_mem>>)
    %add3A_13 = arith.constant 80 : i32
    %add3A_14 = arith.addi %mul3A_2, %add3A_13 : i32
    %dma_start3A_15 = arith.constant 0 : i32
    %dma_start3A_16 = tpu.memref_slice %arg13[%add3A_14, %dma_start3A_15] : memref<10240x32xf32, #tpu.memory_space<vmem_shared>> -> memref<80x32xf32, #tpu.memory_space<vmem_shared>>
    %dma_start3A_17 = arith.constant 0 : i32
    %dma_start3A_18 = tpu.memref_slice %arg13[%add3A_14, %dma_start3A_17] : memref<10240x32xf32, #tpu.memory_space<vmem_shared>> -> memref<80x32xf32, #tpu.memory_space<vmem_shared>>
    tpu.enqueue_dma source(%arg9 : memref<80x32xf32, #tpu.memory_space<vmem>>) target(%dma_start3A_18 : memref<80x32xf32, #tpu.memory_space<vmem_shared>>) target_semaphore(%arg14 : memref<!tpu.dma_semaphore, #tpu.memory_space<semaphore_mem>>)
    %add3A_19 = arith.constant 160 : i32
    %add3A_20 = arith.addi %mul3A_2, %add3A_19 : i32
    %dma_start3A_21 = arith.constant 0 : i32
    %dma_start3A_22 = tpu.memref_slice %arg13[%add3A_20, %dma_start3A_21] : memref<10240x32xf32, #tpu.memory_space<vmem_shared>> -> memref<80x32xf32, #tpu.memory_space<vmem_shared>>
    %dma_start3A_23 = arith.constant 0 : i32
    %dma_start3A_24 = tpu.memref_slice %arg13[%add3A_20, %dma_start3A_23] : memref<10240x32xf32, #tpu.memory_space<vmem_shared>> -> memref<80x32xf32, #tpu.memory_space<vmem_shared>>
    tpu.enqueue_dma source(%arg9 : memref<80x32xf32, #tpu.memory_space<vmem>>) target(%dma_start3A_24 : memref<80x32xf32, #tpu.memory_space<vmem_shared>>) target_semaphore(%arg14 : memref<!tpu.dma_semaphore, #tpu.memory_space<semaphore_mem>>)
    %add3A_25 = arith.constant 240 : i32
    %add3A_26 = arith.addi %mul3A_2, %add3A_25 : i32
    %dma_start3A_27 = arith.constant 0 : i32
    %dma_start3A_28 = tpu.memref_slice %arg13[%add3A_26, %dma_start3A_27] : memref<10240x32xf32, #tpu.memory_space<vmem_shared>> -> memref<80x32xf32, #tpu.memory_space<vmem_shared>>
    %dma_start3A_29 = arith.constant 0 : i32
    %dma_start3A_30 = tpu.memref_slice %arg13[%add3A_26, %dma_start3A_29] : memref<10240x32xf32, #tpu.memory_space<vmem_shared>> -> memref<80x32xf32, #tpu.memory_space<vmem_shared>>
    tpu.enqueue_dma source(%arg9 : memref<80x32xf32, #tpu.memory_space<vmem>>) target(%dma_start3A_30 : memref<80x32xf32, #tpu.memory_space<vmem_shared>>) target_semaphore(%arg14 : memref<!tpu.dma_semaphore, #tpu.memory_space<semaphore_mem>>)
    %add3A_31 = arith.constant 320 : i32
    %add3A_32 = arith.addi %mul3A_2, %add3A_31 : i32
    %dma_start3A_33 = arith.constant 0 : i32
    %dma_start3A_34 = tpu.memref_slice %arg13[%add3A_32, %dma_start3A_33] : memref<10240x32xf32, #tpu.memory_space<vmem_shared>> -> memref<80x32xf32, #tpu.memory_space<vmem_shared>>
    %dma_start3A_35 = arith.constant 0 : i32
    %dma_start3A_36 = tpu.memref_slice %arg13[%add3A_32, %dma_start3A_35] : memref<10240x32xf32, #tpu.memory_space<vmem_shared>> -> memref<80x32xf32, #tpu.memory_space<vmem_shared>>
    tpu.enqueue_dma source(%arg9 : memref<80x32xf32, #tpu.memory_space<vmem>>) target(%dma_start3A_36 : memref<80x32xf32, #tpu.memory_space<vmem_shared>>) target_semaphore(%arg14 : memref<!tpu.dma_semaphore, #tpu.memory_space<semaphore_mem>>)
    %add3A_37 = arith.constant 400 : i32
    %add3A_38 = arith.addi %mul3A_2, %add3A_37 : i32
    %dma_start3A_39 = arith.constant 0 : i32
    %dma_start3A_40 = tpu.memref_slice %arg13[%add3A_38, %dma_start3A_39] : memref<10240x32xf32, #tpu.memory_space<vmem_shared>> -> memref<80x32xf32, #tpu.memory_space<vmem_shared>>
    %dma_start3A_41 = arith.constant 0 : i32
    %dma_start3A_42 = tpu.memref_slice %arg13[%add3A_38, %dma_start3A_41] : memref<10240x32xf32, #tpu.memory_space<vmem_shared>> -> memref<80x32xf32, #tpu.memory_space<vmem_shared>>
    tpu.enqueue_dma source(%arg9 : memref<80x32xf32, #tpu.memory_space<vmem>>) target(%dma_start3A_42 : memref<80x32xf32, #tpu.memory_space<vmem_shared>>) target_semaphore(%arg14 : memref<!tpu.dma_semaphore, #tpu.memory_space<semaphore_mem>>)
    %add3A_43 = arith.constant 480 : i32
    %add3A_44 = arith.addi %mul3A_2, %add3A_43 : i32
    %dma_start3A_45 = arith.constant 0 : i32
    %dma_start3A_46 = tpu.memref_slice %arg13[%add3A_44, %dma_start3A_45] : memref<10240x32xf32, #tpu.memory_space<vmem_shared>> -> memref<80x32xf32, #tpu.memory_space<vmem_shared>>
    %dma_start3A_47 = arith.constant 0 : i32
    %dma_start3A_48 = tpu.memref_slice %arg13[%add3A_44, %dma_start3A_47] : memref<10240x32xf32, #tpu.memory_space<vmem_shared>> -> memref<80x32xf32, #tpu.memory_space<vmem_shared>>
    tpu.enqueue_dma source(%arg9 : memref<80x32xf32, #tpu.memory_space<vmem>>) target(%dma_start3A_48 : memref<80x32xf32, #tpu.memory_space<vmem_shared>>) target_semaphore(%arg14 : memref<!tpu.dma_semaphore, #tpu.memory_space<semaphore_mem>>)
    %add3A_49 = arith.constant 560 : i32
    %add3A_50 = arith.addi %mul3A_2, %add3A_49 : i32
    %dma_start3A_51 = arith.constant 0 : i32
    %dma_start3A_52 = tpu.memref_slice %arg13[%add3A_50, %dma_start3A_51] : memref<10240x32xf32, #tpu.memory_space<vmem_shared>> -> memref<80x32xf32, #tpu.memory_space<vmem_shared>>
    %dma_start3A_53 = arith.constant 0 : i32
    %dma_start3A_54 = tpu.memref_slice %arg13[%add3A_50, %dma_start3A_53] : memref<10240x32xf32, #tpu.memory_space<vmem_shared>> -> memref<80x32xf32, #tpu.memory_space<vmem_shared>>
    tpu.enqueue_dma source(%arg9 : memref<80x32xf32, #tpu.memory_space<vmem>>) target(%dma_start3A_54 : memref<80x32xf32, #tpu.memory_space<vmem_shared>>) target_semaphore(%arg14 : memref<!tpu.dma_semaphore, #tpu.memory_space<semaphore_mem>>)
    %dma_wait3A = arith.constant 0 : i32
    %dma_wait3A_55 = tpu.memref_slice %arg13[%mul3A_2, %dma_wait3A] : memref<10240x32xf32, #tpu.memory_space<vmem_shared>> -> memref<80x32xf32, #tpu.memory_space<vmem_shared>>
    %dma_wait3A_56 = arith.constant 0 : i32
    %dma_wait3A_57 = tpu.memref_slice %arg13[%mul3A_2, %dma_wait3A_56] : memref<10240x32xf32, #tpu.memory_space<vmem_shared>> -> memref<80x32xf32, #tpu.memory_space<vmem_shared>>
    tpu.wait_dma2 semaphore(%arg14 : memref<!tpu.dma_semaphore, #tpu.memory_space<semaphore_mem>>) src(%dma_wait3A_57 : memref<80x32xf32, #tpu.memory_space<vmem_shared>>) dst(%arg9 : memref<80x32xf32, #tpu.memory_space<vmem>>)
    %dma_wait3A_58 = arith.constant 0 : i32
    %dma_wait3A_59 = tpu.memref_slice %arg13[%mul3A_2, %dma_wait3A_58] : memref<10240x32xf32, #tpu.memory_space<vmem_shared>> -> memref<80x32xf32, #tpu.memory_space<vmem_shared>>
    %dma_wait3A_60 = arith.constant 0 : i32
    %dma_wait3A_61 = tpu.memref_slice %arg13[%mul3A_2, %dma_wait3A_60] : memref<10240x32xf32, #tpu.memory_space<vmem_shared>> -> memref<80x32xf32, #tpu.memory_space<vmem_shared>>
    tpu.wait_dma2 semaphore(%arg14 : memref<!tpu.dma_semaphore, #tpu.memory_space<semaphore_mem>>) src(%dma_wait3A_61 : memref<80x32xf32, #tpu.memory_space<vmem_shared>>) dst(%arg9 : memref<80x32xf32, #tpu.memory_space<vmem>>)
    %dma_wait3A_62 = arith.constant 0 : i32
    %dma_wait3A_63 = tpu.memref_slice %arg13[%mul3A_2, %dma_wait3A_62] : memref<10240x32xf32, #tpu.memory_space<vmem_shared>> -> memref<80x32xf32, #tpu.memory_space<vmem_shared>>
    %dma_wait3A_64 = arith.constant 0 : i32
    %dma_wait3A_65 = tpu.memref_slice %arg13[%mul3A_2, %dma_wait3A_64] : memref<10240x32xf32, #tpu.memory_space<vmem_shared>> -> memref<80x32xf32, #tpu.memory_space<vmem_shared>>
    tpu.wait_dma2 semaphore(%arg14 : memref<!tpu.dma_semaphore, #tpu.memory_space<semaphore_mem>>) src(%dma_wait3A_65 : memref<80x32xf32, #tpu.memory_space<vmem_shared>>) dst(%arg9 : memref<80x32xf32, #tpu.memory_space<vmem>>)
    %dma_wait3A_66 = arith.constant 0 : i32
    %dma_wait3A_67 = tpu.memref_slice %arg13[%mul3A_2, %dma_wait3A_66] : memref<10240x32xf32, #tpu.memory_space<vmem_shared>> -> memref<80x32xf32, #tpu.memory_space<vmem_shared>>
    %dma_wait3A_68 = arith.constant 0 : i32
    %dma_wait3A_69 = tpu.memref_slice %arg13[%mul3A_2, %dma_wait3A_68] : memref<10240x32xf32, #tpu.memory_space<vmem_shared>> -> memref<80x32xf32, #tpu.memory_space<vmem_shared>>
    tpu.wait_dma2 semaphore(%arg14 : memref<!tpu.dma_semaphore, #tpu.memory_space<semaphore_mem>>) src(%dma_wait3A_69 : memref<80x32xf32, #tpu.memory_space<vmem_shared>>) dst(%arg9 : memref<80x32xf32, #tpu.memory_space<vmem>>)
    %dma_wait3A_70 = arith.constant 0 : i32
    %dma_wait3A_71 = tpu.memref_slice %arg13[%mul3A_2, %dma_wait3A_70] : memref<10240x32xf32, #tpu.memory_space<vmem_shared>> -> memref<80x32xf32, #tpu.memory_space<vmem_shared>>
    %dma_wait3A_72 = arith.constant 0 : i32
    %dma_wait3A_73 = tpu.memref_slice %arg13[%mul3A_2, %dma_wait3A_72] : memref<10240x32xf32, #tpu.memory_space<vmem_shared>> -> memref<80x32xf32, #tpu.memory_space<vmem_shared>>
    tpu.wait_dma2 semaphore(%arg14 : memref<!tpu.dma_semaphore, #tpu.memory_space<semaphore_mem>>) src(%dma_wait3A_73 : memref<80x32xf32, #tpu.memory_space<vmem_shared>>) dst(%arg9 : memref<80x32xf32, #tpu.memory_space<vmem>>)
    %dma_wait3A_74 = arith.constant 0 : i32
    %dma_wait3A_75 = tpu.memref_slice %arg13[%mul3A_2, %dma_wait3A_74] : memref<10240x32xf32, #tpu.memory_space<vmem_shared>> -> memref<80x32xf32, #tpu.memory_space<vmem_shared>>
    %dma_wait3A_76 = arith.constant 0 : i32
    %dma_wait3A_77 = tpu.memref_slice %arg13[%mul3A_2, %dma_wait3A_76] : memref<10240x32xf32, #tpu.memory_space<vmem_shared>> -> memref<80x32xf32, #tpu.memory_space<vmem_shared>>
    tpu.wait_dma2 semaphore(%arg14 : memref<!tpu.dma_semaphore, #tpu.memory_space<semaphore_mem>>) src(%dma_wait3A_77 : memref<80x32xf32, #tpu.memory_space<vmem_shared>>) dst(%arg9 : memref<80x32xf32, #tpu.memory_space<vmem>>)
    %dma_wait3A_78 = arith.constant 0 : i32
    %dma_wait3A_79 = tpu.memref_slice %arg13[%mul3A_2, %dma_wait3A_78] : memref<10240x32xf32, #tpu.memory_space<vmem_shared>> -> memref<80x32xf32, #tpu.memory_space<vmem_shared>>
    %dma_wait3A_80 = arith.constant 0 : i32
    %dma_wait3A_81 = tpu.memref_slice %arg13[%mul3A_2, %dma_wait3A_80] : memref<10240x32xf32, #tpu.memory_space<vmem_shared>> -> memref<80x32xf32, #tpu.memory_space<vmem_shared>>
    tpu.wait_dma2 semaphore(%arg14 : memref<!tpu.dma_semaphore, #tpu.memory_space<semaphore_mem>>) src(%dma_wait3A_81 : memref<80x32xf32, #tpu.memory_space<vmem_shared>>) dst(%arg9 : memref<80x32xf32, #tpu.memory_space<vmem>>)
    %dma_wait3A_82 = arith.constant 0 : i32
    %dma_wait3A_83 = tpu.memref_slice %arg13[%mul3A_2, %dma_wait3A_82] : memref<10240x32xf32, #tpu.memory_space<vmem_shared>> -> memref<80x32xf32, #tpu.memory_space<vmem_shared>>
    %dma_wait3A_84 = arith.constant 0 : i32
    %dma_wait3A_85 = tpu.memref_slice %arg13[%mul3A_2, %dma_wait3A_84] : memref<10240x32xf32, #tpu.memory_space<vmem_shared>> -> memref<80x32xf32, #tpu.memory_space<vmem_shared>>
    tpu.wait_dma2 semaphore(%arg14 : memref<!tpu.dma_semaphore, #tpu.memory_space<semaphore_mem>>) src(%dma_wait3A_85 : memref<80x32xf32, #tpu.memory_space<vmem_shared>>) dst(%arg9 : memref<80x32xf32, #tpu.memory_space<vmem>>)
    %barrier3A = arith.constant 0 : index
    tpu.barrier barrier_id(%barrier3A)
    %broadcast_in_dim3A = arith.constant 0 : i32
    %broadcast_in_dim3A_86 = vector.broadcast %broadcast_in_dim3A : i32 to vector<16xi32>
    %broadcast_in_dim3A_87 = arith.constant 1 : i32
    %broadcast_in_dim3A_88 = vector.broadcast %broadcast_in_dim3A_87 : i32 to vector<16xi32>
    %broadcast_in_dim3A_89 = arith.constant 16 : i32
    %broadcast_in_dim3A_90 = vector.broadcast %broadcast_in_dim3A_89 : i32 to vector<16xi32>
    %dma_start3A_91 = arith.constant 0 : i32
    %dma_start3A_92 = arith.constant 0 : i32
    %dma_start3A_93 = arith.constant 0 : i32
    %dma_start3A_94 = tpu.memref_slice %arg4[%add3A, %dma_start3A_91, %dma_start3A_92, %dma_start3A_93] : memref<32x129x2x80xi32, #tpu.memory_space<hbm>> -> memref<1x1x2x80xi32, #tpu.memory_space<hbm>>
    %dma_start3A_95 = tpu.memref_squeeze %dma_start3A_94 : memref<1x1x2x80xi32, #tpu.memory_space<hbm>> -> memref<2x80xi32, #tpu.memory_space<hbm>>
    %dma_start3A_96 = arith.constant 0 : i32
    %dma_start3A_97 = arith.constant 0 : i32
    %dma_start3A_98 = tpu.memref_slice %arg4[%add3A, %dma_start3A_91, %dma_start3A_96, %dma_start3A_97] : memref<32x129x2x80xi32, #tpu.memory_space<hbm>> -> memref<1x1x2x80xi32, #tpu.memory_space<hbm>>
    %dma_start3A_99 = tpu.memref_squeeze %dma_start3A_98 : memref<1x1x2x80xi32, #tpu.memory_space<hbm>> -> memref<2x80xi32, #tpu.memory_space<hbm>>
    tpu.enqueue_dma source(%dma_start3A_99 : memref<2x80xi32, #tpu.memory_space<hbm>>) target(%arg6 : memref<2x80xi32, #tpu.memory_space<vmem>>) target_semaphore(%arg20 : memref<!tpu.dma_semaphore, #tpu.memory_space<semaphore_mem>>)
    %dma_start3A_100 = arith.constant 1 : i32
    %dma_start3A_101 = arith.constant 0 : i32
    %dma_start3A_102 = arith.constant 0 : i32
    %dma_start3A_103 = tpu.memref_slice %arg4[%add3A, %dma_start3A_100, %dma_start3A_101, %dma_start3A_102] : memref<32x129x2x80xi32, #tpu.memory_space<hbm>> -> memref<1x1x2x80xi32, #tpu.memory_space<hbm>>
    %dma_start3A_104 = tpu.memref_squeeze %dma_start3A_103 : memref<1x1x2x80xi32, #tpu.memory_space<hbm>> -> memref<2x80xi32, #tpu.memory_space<hbm>>
    %dma_start3A_105 = arith.constant 0 : i32
    %dma_start3A_106 = arith.constant 0 : i32
    %dma_start3A_107 = tpu.memref_slice %arg4[%add3A, %dma_start3A_100, %dma_start3A_105, %dma_start3A_106] : memref<32x129x2x80xi32, #tpu.memory_space<hbm>> -> memref<1x1x2x80xi32, #tpu.memory_space<hbm>>
    %dma_start3A_108 = tpu.memref_squeeze %dma_start3A_107 : memref<1x1x2x80xi32, #tpu.memory_space<hbm>> -> memref<2x80xi32, #tpu.memory_space<hbm>>
    tpu.enqueue_dma source(%dma_start3A_108 : memref<2x80xi32, #tpu.memory_space<hbm>>) target(%arg7 : memref<2x80xi32, #tpu.memory_space<vmem>>) target_semaphore(%arg21 : memref<!tpu.dma_semaphore, #tpu.memory_space<semaphore_mem>>)
    %dma_wait3A_109 = arith.constant 0 : i32
    %dma_wait3A_110 = arith.constant 0 : i32
    %dma_wait3A_111 = arith.constant 0 : i32
    %dma_wait3A_112 = tpu.memref_slice %arg4[%add3A, %dma_wait3A_109, %dma_wait3A_110, %dma_wait3A_111] : memref<32x129x2x80xi32, #tpu.memory_space<hbm>> -> memref<1x1x2x80xi32, #tpu.memory_space<hbm>>
    %dma_wait3A_113 = tpu.memref_squeeze %dma_wait3A_112 : memref<1x1x2x80xi32, #tpu.memory_space<hbm>> -> memref<2x80xi32, #tpu.memory_space<hbm>>
    %dma_wait3A_114 = arith.constant 0 : i32
    %dma_wait3A_115 = arith.constant 0 : i32
    %dma_wait3A_116 = tpu.memref_slice %arg4[%add3A, %dma_wait3A_109, %dma_wait3A_114, %dma_wait3A_115] : memref<32x129x2x80xi32, #tpu.memory_space<hbm>> -> memref<1x1x2x80xi32, #tpu.memory_space<hbm>>
    %dma_wait3A_117 = tpu.memref_squeeze %dma_wait3A_116 : memref<1x1x2x80xi32, #tpu.memory_space<hbm>> -> memref<2x80xi32, #tpu.memory_space<hbm>>
    tpu.wait_dma2 semaphore(%arg20 : memref<!tpu.dma_semaphore, #tpu.memory_space<semaphore_mem>>) src(%dma_wait3A_117 : memref<2x80xi32, #tpu.memory_space<hbm>>) dst(%arg6 : memref<2x80xi32, #tpu.memory_space<vmem>>)
    %dma_start3A_118 = arith.constant 0 : i32
    %dma_start3A_119 = arith.constant 0 : i32
    %dma_start3A_120 = tpu.memref_slice %arg6[%dma_start3A_118, %dma_start3A_119] : memref<2x80xi32, #tpu.memory_space<vmem>> -> memref<1x80xi32, #tpu.memory_space<vmem>>
    %dma_start3A_121 = tpu.memref_squeeze %dma_start3A_120 : memref<1x80xi32, #tpu.memory_space<vmem>> -> memref<80xi32, #tpu.memory_space<vmem>>
    %dma_start3A_122 = arith.constant 0 : i32
    %dma_start3A_123 = arith.constant 0 : i32
    %dma_start3A_124 = tpu.memref_slice %arg2[%dma_start3A_122, %dma_start3A_123] : memref<10240x32xf32, #tpu.memory_space<hbm>> -> memref<10240x32xf32, #tpu.memory_space<hbm>>
    tpu.enqueue_indirect_dma source(%dma_start3A_124 : memref<10240x32xf32, #tpu.memory_space<hbm>>) target(%arg9 : memref<80x32xf32, #tpu.memory_space<vmem>>) offsets(%dma_start3A_121 : memref<80xi32, #tpu.memory_space<vmem>>) semaphore(%arg14 : memref<!tpu.dma_semaphore, #tpu.memory_space<semaphore_mem>>)
    %scan3A_125 = arith.constant 0 : i32
    %scan3A_126 = arith.constant 0 : i32
    %scan3A_127 = arith.constant 43 : i32
    %scan3A_128 = arith.addi %scan3A_126, %scan3A_127 : i32
    %scan3A_129 = arith.constant 1 : i32
    scf.for %scan3A_256 = %scan3A_126 to %scan3A_128 step %scan3A_129  : i32 {
      %mul3A_257 = arith.constant 3 : i32
      %mul3A_258 = arith.muli %mul3A_257, %scan3A_256 : i32
      %add3A_259 = arith.constant 0 : i32
      %add3A_260 = arith.addi %mul3A_258, %add3A_259 : i32
      %ge3A = arith.constant 2 : i32
      %ge3A_261 = arith.cmpi sge, %add3A_260, %ge3A : i32
      %convert_element_type3A = arith.extui %ge3A_261 : i1 to i32
      %cond3A = arith.constant 0 : i32
      %cond3A_262 = arith.cmpi ne, %convert_element_type3A, %cond3A : i32
      scf.if %cond3A_262 {
        %dma_wait3A_379 = arith.constant 0 : i32
        %dma_wait3A_380 = arith.constant 0 : i32
        %dma_wait3A_381 = tpu.memref_slice %arg2[%dma_wait3A_379, %dma_wait3A_380] : memref<10240x32xf32, #tpu.memory_space<hbm>> -> memref<80x32xf32, #tpu.memory_space<hbm>>
        %dma_wait3A_382 = arith.constant 0 : i32
        %dma_wait3A_383 = arith.constant 0 : i32
        %dma_wait3A_384 = tpu.memref_slice %arg2[%dma_wait3A_382, %dma_wait3A_383] : memref<10240x32xf32, #tpu.memory_space<hbm>> -> memref<80x32xf32, #tpu.memory_space<hbm>>
        tpu.wait_dma2 semaphore(%arg18 : memref<!tpu.dma_semaphore, #tpu.memory_space<semaphore_mem>>) src(%dma_wait3A_384 : memref<80x32xf32, #tpu.memory_space<hbm>>) dst(%arg10 : memref<80x32xf32, #tpu.memory_space<vmem>>)
      } else {
      }
      %add3A_263 = arith.constant 1 : i32
      %add3A_264 = arith.addi %add3A_260, %add3A_263 : i32
      %lt3A = arith.constant 129 : i32
      %lt3A_265 = arith.cmpi slt, %add3A_264, %lt3A : i32
      %convert_element_type3A_266 = arith.extui %lt3A_265 : i1 to i32
      %cond3A_267 = arith.constant 0 : i32
      %cond3A_268 = arith.cmpi ne, %convert_element_type3A_266, %cond3A_267 : i32
      scf.if %cond3A_268 {
        %dma_wait3A_379 = arith.constant 0 : i32
        %dma_wait3A_380 = arith.constant 0 : i32
        %dma_wait3A_381 = arith.constant 0 : i32
        %dma_wait3A_382 = tpu.memref_slice %arg4[%add3A, %dma_wait3A_379, %dma_wait3A_380, %dma_wait3A_381] : memref<32x129x2x80xi32, #tpu.memory_space<hbm>> -> memref<1x1x2x80xi32, #tpu.memory_space<hbm>>
        %dma_wait3A_383 = tpu.memref_squeeze %dma_wait3A_382 : memref<1x1x2x80xi32, #tpu.memory_space<hbm>> -> memref<2x80xi32, #tpu.memory_space<hbm>>
        %dma_wait3A_384 = arith.constant 0 : i32
        %dma_wait3A_385 = arith.constant 0 : i32
        %dma_wait3A_386 = tpu.memref_slice %arg4[%add3A, %dma_wait3A_379, %dma_wait3A_384, %dma_wait3A_385] : memref<32x129x2x80xi32, #tpu.memory_space<hbm>> -> memref<1x1x2x80xi32, #tpu.memory_space<hbm>>
        %dma_wait3A_387 = tpu.memref_squeeze %dma_wait3A_386 : memref<1x1x2x80xi32, #tpu.memory_space<hbm>> -> memref<2x80xi32, #tpu.memory_space<hbm>>
        tpu.wait_dma2 semaphore(%arg21 : memref<!tpu.dma_semaphore, #tpu.memory_space<semaphore_mem>>) src(%dma_wait3A_387 : memref<2x80xi32, #tpu.memory_space<hbm>>) dst(%arg7 : memref<2x80xi32, #tpu.memory_space<vmem>>)
        %dma_start3A_388 = arith.constant 0 : i32
        %dma_start3A_389 = arith.constant 0 : i32
        %dma_start3A_390 = tpu.memref_slice %arg7[%dma_start3A_388, %dma_start3A_389] : memref<2x80xi32, #tpu.memory_space<vmem>> -> memref<1x80xi32, #tpu.memory_space<vmem>>
        %dma_start3A_391 = tpu.memref_squeeze %dma_start3A_390 : memref<1x80xi32, #tpu.memory_space<vmem>> -> memref<80xi32, #tpu.memory_space<vmem>>
        %dma_start3A_392 = arith.constant 0 : i32
        %dma_start3A_393 = arith.constant 0 : i32
        %dma_start3A_394 = tpu.memref_slice %arg2[%dma_start3A_392, %dma_start3A_393] : memref<10240x32xf32, #tpu.memory_space<hbm>> -> memref<10240x32xf32, #tpu.memory_space<hbm>>
        tpu.enqueue_indirect_dma source(%dma_start3A_394 : memref<10240x32xf32, #tpu.memory_space<hbm>>) target(%arg10 : memref<80x32xf32, #tpu.memory_space<vmem>>) offsets(%dma_start3A_391 : memref<80xi32, #tpu.memory_space<vmem>>) semaphore(%arg15 : memref<!tpu.dma_semaphore, #tpu.memory_space<semaphore_mem>>)
      } else {
      }
      %add3A_269 = arith.constant 2 : i32
      %add3A_270 = arith.addi %add3A_260, %add3A_269 : i32
      %lt3A_271 = arith.constant 129 : i32
      %lt3A_272 = arith.cmpi slt, %add3A_270, %lt3A_271 : i32
      %convert_element_type3A_273 = arith.extui %lt3A_272 : i1 to i32
      %cond3A_274 = arith.constant 0 : i32
      %cond3A_275 = arith.cmpi ne, %convert_element_type3A_273, %cond3A_274 : i32
      scf.if %cond3A_275 {
        %add3A_379 = arith.constant 2 : i32
        %add3A_380 = arith.addi %add3A_260, %add3A_379 : i32
        %dma_start3A_381 = arith.constant 0 : i32
        %dma_start3A_382 = arith.constant 0 : i32
        %dma_start3A_383 = tpu.memref_slice %arg4[%add3A, %add3A_380, %dma_start3A_381, %dma_start3A_382] : memref<32x129x2x80xi32, #tpu.memory_space<hbm>> -> memref<1x1x2x80xi32, #tpu.memory_space<hbm>>
        %dma_start3A_384 = tpu.memref_squeeze %dma_start3A_383 : memref<1x1x2x80xi32, #tpu.memory_space<hbm>> -> memref<2x80xi32, #tpu.memory_space<hbm>>
        %dma_start3A_385 = arith.constant 0 : i32
        %dma_start3A_386 = arith.constant 0 : i32
        %dma_start3A_387 = tpu.memref_slice %arg4[%add3A, %add3A_380, %dma_start3A_385, %dma_start3A_386] : memref<32x129x2x80xi32, #tpu.memory_space<hbm>> -> memref<1x1x2x80xi32, #tpu.memory_space<hbm>>
        %dma_start3A_388 = tpu.memref_squeeze %dma_start3A_387 : memref<1x1x2x80xi32, #tpu.memory_space<hbm>> -> memref<2x80xi32, #tpu.memory_space<hbm>>
        tpu.enqueue_dma source(%dma_start3A_388 : memref<2x80xi32, #tpu.memory_space<hbm>>) target(%arg8 : memref<2x80xi32, #tpu.memory_space<vmem>>) target_semaphore(%arg22 : memref<!tpu.dma_semaphore, #tpu.memory_space<semaphore_mem>>)
      } else {
      }
      %dma_wait3A_276 = arith.constant 0 : i32
      %dma_wait3A_277 = arith.constant 0 : i32
      %dma_wait3A_278 = tpu.memref_slice %arg2[%dma_wait3A_276, %dma_wait3A_277] : memref<10240x32xf32, #tpu.memory_space<hbm>> -> memref<80x32xf32, #tpu.memory_space<hbm>>
      %dma_wait3A_279 = arith.constant 0 : i32
      %dma_wait3A_280 = arith.constant 0 : i32
      %dma_wait3A_281 = tpu.memref_slice %arg2[%dma_wait3A_279, %dma_wait3A_280] : memref<10240x32xf32, #tpu.memory_space<hbm>> -> memref<80x32xf32, #tpu.memory_space<hbm>>
      tpu.wait_dma2 semaphore(%arg14 : memref<!tpu.dma_semaphore, #tpu.memory_space<semaphore_mem>>) src(%dma_wait3A_281 : memref<80x32xf32, #tpu.memory_space<hbm>>) dst(%arg9 : memref<80x32xf32, #tpu.memory_space<vmem>>)
      %scan3A_282 = arith.constant 0 : i32
      %scan3A_283 = arith.constant 0 : i32
      %scan3A_284 = arith.constant 5 : i32
      %scan3A_285 = arith.addi %scan3A_283, %scan3A_284 : i32
      %scan3A_286 = arith.constant 1 : i32
      scf.for %scan3A_379 = %scan3A_283 to %scan3A_285 step %scan3A_286  : i32 {
        %mul3A_380 = arith.constant 16 : i32
        %mul3A_381 = arith.muli %scan3A_379, %mul3A_380 : i32
        %iota3A = tpu.iota {dimensions = array<i32: 0>} : vector<16xi32>
        %add3A_382 = vector.broadcast %mul3A_381 : i32 to vector<16xi32>
        %add3A_383 = arith.addi %add3A_382, %iota3A : vector<16xi32>
        %get3A = arith.constant 0 : i32
        %get3A_384 = arith.index_cast %get3A : i32 to index
        %get3A_385 = arith.index_cast %mul3A_381 : i32 to index
        %get3A_386 = tpu.vector_load %arg6[%get3A_384, %get3A_385] {strides = array<i32>} : memref<2x80xi32, #tpu.memory_space<vmem>>, vector<16xi32>,
        %get3A_387 = arith.constant 1 : i32
        %get3A_388 = arith.index_cast %get3A_387 : i32 to index
        %get3A_389 = arith.index_cast %mul3A_381 : i32 to index
        %get3A_390 = tpu.vector_load %arg6[%get3A_388, %get3A_389] {strides = array<i32>} : memref<2x80xi32, #tpu.memory_space<vmem>>, vector<16xi32>,
        %gather3A = tpu.vector_load_idx %arg12[%get3A_386, %broadcast_in_dim3A_86] : memref<10240x2xf32, #tpu.memory_space<vmem>>[vector<16xi32>, vector<16xi32>], vector<16xf32>,
        %gather3A_391 = tpu.vector_load_idx %arg12[%get3A_390, %broadcast_in_dim3A_88] : memref<10240x2xf32, #tpu.memory_space<vmem>>[vector<16xi32>, vector<16xi32>], vector<16xf32>,
        %add3A_392 = arith.addf %gather3A, %gather3A_391 : vector<16xf32>
        %ge3A_393 = arith.constant 0.000000e+00 : f32
        %ge3A_394 = vector.broadcast %ge3A_393 : f32 to vector<16xf32>
        %ge3A_395 = arith.cmpf oge, %add3A_392, %ge3A_394 : vector<16xf32>
        %mul3A_396 = arith.constant 2.000000e-01 : f32
        %mul3A_397 = vector.broadcast %mul3A_396 : f32 to vector<16xf32>
        %mul3A_398 = arith.mulf %mul3A_397, %add3A_392 : vector<16xf32>
        %select_n3A = arith.select %ge3A_395, %add3A_392, %mul3A_398 : vector<16xi1>, vector<16xf32>
        %exp3A = math.exp %select_n3A : vector<16xf32>
        tpu.vector_store_idx %arg9[%add3A_383, %broadcast_in_dim3A_90], %exp3A : memref<80x32xf32, #tpu.memory_space<vmem>>[vector<16xi32>, vector<16xi32>], vector<16xf32>,
        %add3A_399 = arith.constant 0 : i32
        %add3A_400 = arith.addi %mul3A_381, %add3A_399 : i32
        %get3A_401 = arith.index_cast %add3A_400 : i32 to index
        %get3A_402 = arith.constant 0 : index
        %get3A_403 = tpu.vector_load %arg9[%get3A_401, %get3A_402] {strides = array<i32>} : memref<80x32xf32, #tpu.memory_space<vmem>>, vector<16xf32>,
        %slice3A = vector.extract_strided_slice %exp3A {offsets = [0], sizes = [1], strides = [1]} : vector<16xf32> to vector<1xf32>
        %squeeze3A = vector.extract %slice3A[0] : f32 from vector<1xf32>
        %mul3A_404 = vector.broadcast %squeeze3A : f32 to vector<16xf32>
        %mul3A_405 = arith.mulf %get3A_403, %mul3A_404 : vector<16xf32>
        %add3A_406 = arith.constant 0 : i32
        %add3A_407 = arith.addi %mul3A_381, %add3A_406 : i32
        %swap3A = arith.index_cast %add3A_407 : i32 to index
        %swap3A_408 = arith.constant 0 : index
        %swap3A_409 = tpu.vector_load %arg9[%swap3A, %swap3A_408] {strides = array<i32>} : memref<80x32xf32, #tpu.memory_space<vmem>>, vector<16xf32>,
        tpu.vector_store %arg9[%swap3A, %swap3A_408], %mul3A_405 {strides = array<i32>} : memref<80x32xf32, #tpu.memory_space<vmem>>, vector<16xf32>,
        %add3A_410 = arith.constant 1 : i32
        %add3A_411 = arith.addi %mul3A_381, %add3A_410 : i32
        %get3A_412 = arith.index_cast %add3A_411 : i32 to index
        %get3A_413 = arith.constant 0 : index
        %get3A_414 = tpu.vector_load %arg9[%get3A_412, %get3A_413] {strides = array<i32>} : memref<80x32xf32, #tpu.memory_space<vmem>>, vector<16xf32>,
        %slice3A_415 = vector.extract_strided_slice %exp3A {offsets = [1], sizes = [1], strides = [1]} : vector<16xf32> to vector<1xf32>
        %squeeze3A_416 = vector.extract %slice3A_415[0] : f32 from vector<1xf32>
        %mul3A_417 = vector.broadcast %squeeze3A_416 : f32 to vector<16xf32>
        %mul3A_418 = arith.mulf %get3A_414, %mul3A_417 : vector<16xf32>
        %add3A_419 = arith.constant 1 : i32
        %add3A_420 = arith.addi %mul3A_381, %add3A_419 : i32
        %swap3A_421 = arith.index_cast %add3A_420 : i32 to index
        %swap3A_422 = arith.constant 0 : index
        %swap3A_423 = tpu.vector_load %arg9[%swap3A_421, %swap3A_422] {strides = array<i32>} : memref<80x32xf32, #tpu.memory_space<vmem>>, vector<16xf32>,
        tpu.vector_store %arg9[%swap3A_421, %swap3A_422], %mul3A_418 {strides = array<i32>} : memref<80x32xf32, #tpu.memory_space<vmem>>, vector<16xf32>,
        %add3A_424 = arith.constant 2 : i32
        %add3A_425 = arith.addi %mul3A_381, %add3A_424 : i32
        %get3A_426 = arith.index_cast %add3A_425 : i32 to index
        %get3A_427 = arith.constant 0 : index
        %get3A_428 = tpu.vector_load %arg9[%get3A_426, %get3A_427] {strides = array<i32>} : memref<80x32xf32, #tpu.memory_space<vmem>>, vector<16xf32>,
        %slice3A_429 = vector.extract_strided_slice %exp3A {offsets = [2], sizes = [1], strides = [1]} : vector<16xf32> to vector<1xf32>
        %squeeze3A_430 = vector.extract %slice3A_429[0] : f32 from vector<1xf32>
        %mul3A_431 = vector.broadcast %squeeze3A_430 : f32 to vector<16xf32>
        %mul3A_432 = arith.mulf %get3A_428, %mul3A_431 : vector<16xf32>
        %add3A_433 = arith.constant 2 : i32
        %add3A_434 = arith.addi %mul3A_381, %add3A_433 : i32
        %swap3A_435 = arith.index_cast %add3A_434 : i32 to index
        %swap3A_436 = arith.constant 0 : index
        %swap3A_437 = tpu.vector_load %arg9[%swap3A_435, %swap3A_436] {strides = array<i32>} : memref<80x32xf32, #tpu.memory_space<vmem>>, vector<16xf32>,
        tpu.vector_store %arg9[%swap3A_435, %swap3A_436], %mul3A_432 {strides = array<i32>} : memref<80x32xf32, #tpu.memory_space<vmem>>, vector<16xf32>,
        %add3A_438 = arith.constant 3 : i32
        %add3A_439 = arith.addi %mul3A_381, %add3A_438 : i32
        %get3A_440 = arith.index_cast %add3A_439 : i32 to index
        %get3A_441 = arith.constant 0 : index
        %get3A_442 = tpu.vector_load %arg9[%get3A_440, %get3A_441] {strides = array<i32>} : memref<80x32xf32, #tpu.memory_space<vmem>>, vector<16xf32>,
        %slice3A_443 = vector.extract_strided_slice %exp3A {offsets = [3], sizes = [1], strides = [1]} : vector<16xf32> to vector<1xf32>
        %squeeze3A_444 = vector.extract %slice3A_443[0] : f32 from vector<1xf32>
        %mul3A_445 = vector.broadcast %squeeze3A_444 : f32 to vector<16xf32>
        %mul3A_446 = arith.mulf %get3A_442, %mul3A_445 : vector<16xf32>
        %add3A_447 = arith.constant 3 : i32
        %add3A_448 = arith.addi %mul3A_381, %add3A_447 : i32
        %swap3A_449 = arith.index_cast %add3A_448 : i32 to index
        %swap3A_450 = arith.constant 0 : index
        %swap3A_451 = tpu.vector_load %arg9[%swap3A_449, %swap3A_450] {strides = array<i32>} : memref<80x32xf32, #tpu.memory_space<vmem>>, vector<16xf32>,
        tpu.vector_store %arg9[%swap3A_449, %swap3A_450], %mul3A_446 {strides = array<i32>} : memref<80x32xf32, #tpu.memory_space<vmem>>, vector<16xf32>,
        %add3A_452 = arith.constant 4 : i32
        %add3A_453 = arith.addi %mul3A_381, %add3A_452 : i32
        %get3A_454 = arith.index_cast %add3A_453 : i32 to index
        %get3A_455 = arith.constant 0 : index
        %get3A_456 = tpu.vector_load %arg9[%get3A_454, %get3A_455] {strides = array<i32>} : memref<80x32xf32, #tpu.memory_space<vmem>>, vector<16xf32>,
        %slice3A_457 = vector.extract_strided_slice %exp3A {offsets = [4], sizes = [1], strides = [1]} : vector<16xf32> to vector<1xf32>
        %squeeze3A_458 = vector.extract %slice3A_457[0] : f32 from vector<1xf32>
        %mul3A_459 = vector.broadcast %squeeze3A_458 : f32 to vector<16xf32>
        %mul3A_460 = arith.mulf %get3A_456, %mul3A_459 : vector<16xf32>
        %add3A_461 = arith.constant 4 : i32
        %add3A_462 = arith.addi %mul3A_381, %add3A_461 : i32
        %swap3A_463 = arith.index_cast %add3A_462 : i32 to index
        %swap3A_464 = arith.constant 0 : index
        %swap3A_465 = tpu.vector_load %arg9[%swap3A_463, %swap3A_464] {strides = array<i32>} : memref<80x32xf32, #tpu.memory_space<vmem>>, vector<16xf32>,
        tpu.vector_store %arg9[%swap3A_463, %swap3A_464], %mul3A_460 {strides = array<i32>} : memref<80x32xf32, #tpu.memory_space<vmem>>, vector<16xf32>,
        %add3A_466 = arith.constant 5 : i32
        %add3A_467 = arith.addi %mul3A_381, %add3A_466 : i32
        %get3A_468 = arith.index_cast %add3A_467 : i32 to index
        %get3A_469 = arith.constant 0 : index
        %get3A_470 = tpu.vector_load %arg9[%get3A_468, %get3A_469] {strides = array<i32>} : memref<80x32xf32, #tpu.memory_space<vmem>>, vector<16xf32>,
        %slice3A_471 = vector.extract_strided_slice %exp3A {offsets = [5], sizes = [1], strides = [1]} : vector<16xf32> to vector<1xf32>
        %squeeze3A_472 = vector.extract %slice3A_471[0] : f32 from vector<1xf32>
        %mul3A_473 = vector.broadcast %squeeze3A_472 : f32 to vector<16xf32>
        %mul3A_474 = arith.mulf %get3A_470, %mul3A_473 : vector<16xf32>
        %add3A_475 = arith.constant 5 : i32
        %add3A_476 = arith.addi %mul3A_381, %add3A_475 : i32
        %swap3A_477 = arith.index_cast %add3A_476 : i32 to index
        %swap3A_478 = arith.constant 0 : index
        %swap3A_479 = tpu.vector_load %arg9[%swap3A_477, %swap3A_478] {strides = array<i32>} : memref<80x32xf32, #tpu.memory_space<vmem>>, vector<16xf32>,
        tpu.vector_store %arg9[%swap3A_477, %swap3A_478], %mul3A_474 {strides = array<i32>} : memref<80x32xf32, #tpu.memory_space<vmem>>, vector<16xf32>,
        %add3A_480 = arith.constant 6 : i32
        %add3A_481 = arith.addi %mul3A_381, %add3A_480 : i32
        %get3A_482 = arith.index_cast %add3A_481 : i32 to index
        %get3A_483 = arith.constant 0 : index
        %get3A_484 = tpu.vector_load %arg9[%get3A_482, %get3A_483] {strides = array<i32>} : memref<80x32xf32, #tpu.memory_space<vmem>>, vector<16xf32>,
        %slice3A_485 = vector.extract_strided_slice %exp3A {offsets = [6], sizes = [1], strides = [1]} : vector<16xf32> to vector<1xf32>
        %squeeze3A_486 = vector.extract %slice3A_485[0] : f32 from vector<1xf32>
        %mul3A_487 = vector.broadcast %squeeze3A_486 : f32 to vector<16xf32>
        %mul3A_488 = arith.mulf %get3A_484, %mul3A_487 : vector<16xf32>
        %add3A_489 = arith.constant 6 : i32
        %add3A_490 = arith.addi %mul3A_381, %add3A_489 : i32
        %swap3A_491 = arith.index_cast %add3A_490 : i32 to index
        %swap3A_492 = arith.constant 0 : index
        %swap3A_493 = tpu.vector_load %arg9[%swap3A_491, %swap3A_492] {strides = array<i32>} : memref<80x32xf32, #tpu.memory_space<vmem>>, vector<16xf32>,
        tpu.vector_store %arg9[%swap3A_491, %swap3A_492], %mul3A_488 {strides = array<i32>} : memref<80x32xf32, #tpu.memory_space<vmem>>, vector<16xf32>,
        %add3A_494 = arith.constant 7 : i32
        %add3A_495 = arith.addi %mul3A_381, %add3A_494 : i32
        %get3A_496 = arith.index_cast %add3A_495 : i32 to index
        %get3A_497 = arith.constant 0 : index
        %get3A_498 = tpu.vector_load %arg9[%get3A_496, %get3A_497] {strides = array<i32>} : memref<80x32xf32, #tpu.memory_space<vmem>>, vector<16xf32>,
        %slice3A_499 = vector.extract_strided_slice %exp3A {offsets = [7], sizes = [1], strides = [1]} : vector<16xf32> to vector<1xf32>
        %squeeze3A_500 = vector.extract %slice3A_499[0] : f32 from vector<1xf32>
        %mul3A_501 = vector.broadcast %squeeze3A_500 : f32 to vector<16xf32>
        %mul3A_502 = arith.mulf %get3A_498, %mul3A_501 : vector<16xf32>
        %add3A_503 = arith.constant 7 : i32
        %add3A_504 = arith.addi %mul3A_381, %add3A_503 : i32
        %swap3A_505 = arith.index_cast %add3A_504 : i32 to index
        %swap3A_506 = arith.constant 0 : index
        %swap3A_507 = tpu.vector_load %arg9[%swap3A_505, %swap3A_506] {strides = array<i32>} : memref<80x32xf32, #tpu.memory_space<vmem>>, vector<16xf32>,
        tpu.vector_store %arg9[%swap3A_505, %swap3A_506], %mul3A_502 {strides = array<i32>} : memref<80x32xf32, #tpu.memory_space<vmem>>, vector<16xf32>,
        %add3A_508 = arith.constant 8 : i32
        %add3A_509 = arith.addi %mul3A_381, %add3A_508 : i32
        %get3A_510 = arith.index_cast %add3A_509 : i32 to index
        %get3A_511 = arith.constant 0 : index
        %get3A_512 = tpu.vector_load %arg9[%get3A_510, %get3A_511] {strides = array<i32>} : memref<80x32xf32, #tpu.memory_space<vmem>>, vector<16xf32>,
        %slice3A_513 = vector.extract_strided_slice %exp3A {offsets = [8], sizes = [1], strides = [1]} : vector<16xf32> to vector<1xf32>
        %squeeze3A_514 = vector.extract %slice3A_513[0] : f32 from vector<1xf32>
        %mul3A_515 = vector.broadcast %squeeze3A_514 : f32 to vector<16xf32>
        %mul3A_516 = arith.mulf %get3A_512, %mul3A_515 : vector<16xf32>
        %add3A_517 = arith.constant 8 : i32
        %add3A_518 = arith.addi %mul3A_381, %add3A_517 : i32
        %swap3A_519 = arith.index_cast %add3A_518 : i32 to index
        %swap3A_520 = arith.constant 0 : index
        %swap3A_521 = tpu.vector_load %arg9[%swap3A_519, %swap3A_520] {strides = array<i32>} : memref<80x32xf32, #tpu.memory_space<vmem>>, vector<16xf32>,
        tpu.vector_store %arg9[%swap3A_519, %swap3A_520], %mul3A_516 {strides = array<i32>} : memref<80x32xf32, #tpu.memory_space<vmem>>, vector<16xf32>,
        %add3A_522 = arith.constant 9 : i32
        %add3A_523 = arith.addi %mul3A_381, %add3A_522 : i32
        %get3A_524 = arith.index_cast %add3A_523 : i32 to index
        %get3A_525 = arith.constant 0 : index
        %get3A_526 = tpu.vector_load %arg9[%get3A_524, %get3A_525] {strides = array<i32>} : memref<80x32xf32, #tpu.memory_space<vmem>>, vector<16xf32>,
        %slice3A_527 = vector.extract_strided_slice %exp3A {offsets = [9], sizes = [1], strides = [1]} : vector<16xf32> to vector<1xf32>
        %squeeze3A_528 = vector.extract %slice3A_527[0] : f32 from vector<1xf32>
        %mul3A_529 = vector.broadcast %squeeze3A_528 : f32 to vector<16xf32>
        %mul3A_530 = arith.mulf %get3A_526, %mul3A_529 : vector<16xf32>
        %add3A_531 = arith.constant 9 : i32
        %add3A_532 = arith.addi %mul3A_381, %add3A_531 : i32
        %swap3A_533 = arith.index_cast %add3A_532 : i32 to index
        %swap3A_534 = arith.constant 0 : index
        %swap3A_535 = tpu.vector_load %arg9[%swap3A_533, %swap3A_534] {strides = array<i32>} : memref<80x32xf32, #tpu.memory_space<vmem>>, vector<16xf32>,
        tpu.vector_store %arg9[%swap3A_533, %swap3A_534], %mul3A_530 {strides = array<i32>} : memref<80x32xf32, #tpu.memory_space<vmem>>, vector<16xf32>,
        %add3A_536 = arith.constant 10 : i32
        %add3A_537 = arith.addi %mul3A_381, %add3A_536 : i32
        %get3A_538 = arith.index_cast %add3A_537 : i32 to index
        %get3A_539 = arith.constant 0 : index
        %get3A_540 = tpu.vector_load %arg9[%get3A_538, %get3A_539] {strides = array<i32>} : memref<80x32xf32, #tpu.memory_space<vmem>>, vector<16xf32>,
        %slice3A_541 = vector.extract_strided_slice %exp3A {offsets = [10], sizes = [1], strides = [1]} : vector<16xf32> to vector<1xf32>
        %squeeze3A_542 = vector.extract %slice3A_541[0] : f32 from vector<1xf32>
        %mul3A_543 = vector.broadcast %squeeze3A_542 : f32 to vector<16xf32>
        %mul3A_544 = arith.mulf %get3A_540, %mul3A_543 : vector<16xf32>
        %add3A_545 = arith.constant 10 : i32
        %add3A_546 = arith.addi %mul3A_381, %add3A_545 : i32
        %swap3A_547 = arith.index_cast %add3A_546 : i32 to index
        %swap3A_548 = arith.constant 0 : index
        %swap3A_549 = tpu.vector_load %arg9[%swap3A_547, %swap3A_548] {strides = array<i32>} : memref<80x32xf32, #tpu.memory_space<vmem>>, vector<16xf32>,
        tpu.vector_store %arg9[%swap3A_547, %swap3A_548], %mul3A_544 {strides = array<i32>} : memref<80x32xf32, #tpu.memory_space<vmem>>, vector<16xf32>,
        %add3A_550 = arith.constant 11 : i32
        %add3A_551 = arith.addi %mul3A_381, %add3A_550 : i32
        %get3A_552 = arith.index_cast %add3A_551 : i32 to index
        %get3A_553 = arith.constant 0 : index
        %get3A_554 = tpu.vector_load %arg9[%get3A_552, %get3A_553] {strides = array<i32>} : memref<80x32xf32, #tpu.memory_space<vmem>>, vector<16xf32>,
        %slice3A_555 = vector.extract_strided_slice %exp3A {offsets = [11], sizes = [1], strides = [1]} : vector<16xf32> to vector<1xf32>
        %squeeze3A_556 = vector.extract %slice3A_555[0] : f32 from vector<1xf32>
        %mul3A_557 = vector.broadcast %squeeze3A_556 : f32 to vector<16xf32>
        %mul3A_558 = arith.mulf %get3A_554, %mul3A_557 : vector<16xf32>
        %add3A_559 = arith.constant 11 : i32
        %add3A_560 = arith.addi %mul3A_381, %add3A_559 : i32
        %swap3A_561 = arith.index_cast %add3A_560 : i32 to index
        %swap3A_562 = arith.constant 0 : index
        %swap3A_563 = tpu.vector_load %arg9[%swap3A_561, %swap3A_562] {strides = array<i32>} : memref<80x32xf32, #tpu.memory_space<vmem>>, vector<16xf32>,
        tpu.vector_store %arg9[%swap3A_561, %swap3A_562], %mul3A_558 {strides = array<i32>} : memref<80x32xf32, #tpu.memory_space<vmem>>, vector<16xf32>,
        %add3A_564 = arith.constant 12 : i32
        %add3A_565 = arith.addi %mul3A_381, %add3A_564 : i32
        %get3A_566 = arith.index_cast %add3A_565 : i32 to index
        %get3A_567 = arith.constant 0 : index
        %get3A_568 = tpu.vector_load %arg9[%get3A_566, %get3A_567] {strides = array<i32>} : memref<80x32xf32, #tpu.memory_space<vmem>>, vector<16xf32>,
        %slice3A_569 = vector.extract_strided_slice %exp3A {offsets = [12], sizes = [1], strides = [1]} : vector<16xf32> to vector<1xf32>
        %squeeze3A_570 = vector.extract %slice3A_569[0] : f32 from vector<1xf32>
        %mul3A_571 = vector.broadcast %squeeze3A_570 : f32 to vector<16xf32>
        %mul3A_572 = arith.mulf %get3A_568, %mul3A_571 : vector<16xf32>
        %add3A_573 = arith.constant 12 : i32
        %add3A_574 = arith.addi %mul3A_381, %add3A_573 : i32
        %swap3A_575 = arith.index_cast %add3A_574 : i32 to index
        %swap3A_576 = arith.constant 0 : index
        %swap3A_577 = tpu.vector_load %arg9[%swap3A_575, %swap3A_576] {strides = array<i32>} : memref<80x32xf32, #tpu.memory_space<vmem>>, vector<16xf32>,
        tpu.vector_store %arg9[%swap3A_575, %swap3A_576], %mul3A_572 {strides = array<i32>} : memref<80x32xf32, #tpu.memory_space<vmem>>, vector<16xf32>,
        %add3A_578 = arith.constant 13 : i32
        %add3A_579 = arith.addi %mul3A_381, %add3A_578 : i32
        %get3A_580 = arith.index_cast %add3A_579 : i32 to index
        %get3A_581 = arith.constant 0 : index
        %get3A_582 = tpu.vector_load %arg9[%get3A_580, %get3A_581] {strides = array<i32>} : memref<80x32xf32, #tpu.memory_space<vmem>>, vector<16xf32>,
        %slice3A_583 = vector.extract_strided_slice %exp3A {offsets = [13], sizes = [1], strides = [1]} : vector<16xf32> to vector<1xf32>
        %squeeze3A_584 = vector.extract %slice3A_583[0] : f32 from vector<1xf32>
        %mul3A_585 = vector.broadcast %squeeze3A_584 : f32 to vector<16xf32>
        %mul3A_586 = arith.mulf %get3A_582, %mul3A_585 : vector<16xf32>
        %add3A_587 = arith.constant 13 : i32
        %add3A_588 = arith.addi %mul3A_381, %add3A_587 : i32
        %swap3A_589 = arith.index_cast %add3A_588 : i32 to index
        %swap3A_590 = arith.constant 0 : index
        %swap3A_591 = tpu.vector_load %arg9[%swap3A_589, %swap3A_590] {strides = array<i32>} : memref<80x32xf32, #tpu.memory_space<vmem>>, vector<16xf32>,
        tpu.vector_store %arg9[%swap3A_589, %swap3A_590], %mul3A_586 {strides = array<i32>} : memref<80x32xf32, #tpu.memory_space<vmem>>, vector<16xf32>,
        %add3A_592 = arith.constant 14 : i32
        %add3A_593 = arith.addi %mul3A_381, %add3A_592 : i32
        %get3A_594 = arith.index_cast %add3A_593 : i32 to index
        %get3A_595 = arith.constant 0 : index
        %get3A_596 = tpu.vector_load %arg9[%get3A_594, %get3A_595] {strides = array<i32>} : memref<80x32xf32, #tpu.memory_space<vmem>>, vector<16xf32>,
        %slice3A_597 = vector.extract_strided_slice %exp3A {offsets = [14], sizes = [1], strides = [1]} : vector<16xf32> to vector<1xf32>
        %squeeze3A_598 = vector.extract %slice3A_597[0] : f32 from vector<1xf32>
        %mul3A_599 = vector.broadcast %squeeze3A_598 : f32 to vector<16xf32>
        %mul3A_600 = arith.mulf %get3A_596, %mul3A_599 : vector<16xf32>
        %add3A_601 = arith.constant 14 : i32
        %add3A_602 = arith.addi %mul3A_381, %add3A_601 : i32
        %swap3A_603 = arith.index_cast %add3A_602 : i32 to index
        %swap3A_604 = arith.constant 0 : index
        %swap3A_605 = tpu.vector_load %arg9[%swap3A_603, %swap3A_604] {strides = array<i32>} : memref<80x32xf32, #tpu.memory_space<vmem>>, vector<16xf32>,
        tpu.vector_store %arg9[%swap3A_603, %swap3A_604], %mul3A_600 {strides = array<i32>} : memref<80x32xf32, #tpu.memory_space<vmem>>, vector<16xf32>,
        %add3A_606 = arith.constant 15 : i32
        %add3A_607 = arith.addi %mul3A_381, %add3A_606 : i32
        %get3A_608 = arith.index_cast %add3A_607 : i32 to index
        %get3A_609 = arith.constant 0 : index
        %get3A_610 = tpu.vector_load %arg9[%get3A_608, %get3A_609] {strides = array<i32>} : memref<80x32xf32, #tpu.memory_space<vmem>>, vector<16xf32>,
        %slice3A_611 = vector.extract_strided_slice %exp3A {offsets = [15], sizes = [1], strides = [1]} : vector<16xf32> to vector<1xf32>
        %squeeze3A_612 = vector.extract %slice3A_611[0] : f32 from vector<1xf32>
        %mul3A_613 = vector.broadcast %squeeze3A_612 : f32 to vector<16xf32>
        %mul3A_614 = arith.mulf %get3A_610, %mul3A_613 : vector<16xf32>
        %add3A_615 = arith.constant 15 : i32
        %add3A_616 = arith.addi %mul3A_381, %add3A_615 : i32
        %swap3A_617 = arith.index_cast %add3A_616 : i32 to index
        %swap3A_618 = arith.constant 0 : index
        %swap3A_619 = tpu.vector_load %arg9[%swap3A_617, %swap3A_618] {strides = array<i32>} : memref<80x32xf32, #tpu.memory_space<vmem>>, vector<16xf32>,
        tpu.vector_store %arg9[%swap3A_617, %swap3A_618], %mul3A_614 {strides = array<i32>} : memref<80x32xf32, #tpu.memory_space<vmem>>, vector<16xf32>,
      }
      %scan3A_287 = arith.constant 5 : i32
      %dma_start3A_288 = arith.constant 1 : i32
      %dma_start3A_289 = arith.constant 0 : i32
      %dma_start3A_290 = tpu.memref_slice %arg6[%dma_start3A_288, %dma_start3A_289] : memref<2x80xi32, #tpu.memory_space<vmem>> -> memref<1x80xi32, #tpu.memory_space<vmem>>
      %dma_start3A_291 = tpu.memref_squeeze %dma_start3A_290 : memref<1x80xi32, #tpu.memory_space<vmem>> -> memref<80xi32, #tpu.memory_space<vmem>>
      %dma_start3A_292 = arith.constant 0 : i32
      %dma_start3A_293 = arith.constant 0 : i32
      %dma_start3A_294 = tpu.memref_slice %arg13[%dma_start3A_292, %dma_start3A_293] : memref<10240x32xf32, #tpu.memory_space<vmem_shared>> -> memref<10240x32xf32, #tpu.memory_space<vmem_shared>>
      tpu.enqueue_indirect_dma source(%arg9 : memref<80x32xf32, #tpu.memory_space<vmem>>) target(%dma_start3A_294 : memref<10240x32xf32, #tpu.memory_space<vmem_shared>>) offsets(%dma_start3A_291 : memref<80xi32, #tpu.memory_space<vmem>>) semaphore(%arg17 : memref<!tpu.dma_semaphore, #tpu.memory_space<semaphore_mem>>) {add = true}
      %mul3A_295 = arith.constant 3 : i32
      %mul3A_296 = arith.muli %mul3A_295, %scan3A_256 : i32
      %add3A_297 = arith.constant 1 : i32
      %add3A_298 = arith.addi %mul3A_296, %add3A_297 : i32
      %ge3A_299 = arith.constant 2 : i32
      %ge3A_300 = arith.cmpi sge, %add3A_298, %ge3A_299 : i32
      %convert_element_type3A_301 = arith.extui %ge3A_300 : i1 to i32
      %cond3A_302 = arith.constant 0 : i32
      %cond3A_303 = arith.cmpi ne, %convert_element_type3A_301, %cond3A_302 : i32
      scf.if %cond3A_303 {
        %dma_wait3A_379 = arith.constant 0 : i32
        %dma_wait3A_380 = arith.constant 0 : i32
        %dma_wait3A_381 = tpu.memref_slice %arg2[%dma_wait3A_379, %dma_wait3A_380] : memref<10240x32xf32, #tpu.memory_space<hbm>> -> memref<80x32xf32, #tpu.memory_space<hbm>>
        %dma_wait3A_382 = arith.constant 0 : i32
        %dma_wait3A_383 = arith.constant 0 : i32
        %dma_wait3A_384 = tpu.memref_slice %arg2[%dma_wait3A_382, %dma_wait3A_383] : memref<10240x32xf32, #tpu.memory_space<hbm>> -> memref<80x32xf32, #tpu.memory_space<hbm>>
        tpu.wait_dma2 semaphore(%arg19 : memref<!tpu.dma_semaphore, #tpu.memory_space<semaphore_mem>>) src(%dma_wait3A_384 : memref<80x32xf32, #tpu.memory_space<hbm>>) dst(%arg11 : memref<80x32xf32, #tpu.memory_space<vmem>>)
      } else {
      }
      %add3A_304 = arith.constant 1 : i32
      %add3A_305 = arith.addi %add3A_298, %add3A_304 : i32
      %lt3A_306 = arith.constant 129 : i32
      %lt3A_307 = arith.cmpi slt, %add3A_305, %lt3A_306 : i32
      %convert_element_type3A_308 = arith.extui %lt3A_307 : i1 to i32
      %cond3A_309 = arith.constant 0 : i32
      %cond3A_310 = arith.cmpi ne, %convert_element_type3A_308, %cond3A_309 : i32
      scf.if %cond3A_310 {
        %dma_wait3A_379 = arith.constant 0 : i32
        %dma_wait3A_380 = arith.constant 0 : i32
        %dma_wait3A_381 = arith.constant 0 : i32
        %dma_wait3A_382 = tpu.memref_slice %arg4[%add3A, %dma_wait3A_379, %dma_wait3A_380, %dma_wait3A_381] : memref<32x129x2x80xi32, #tpu.memory_space<hbm>> -> memref<1x1x2x80xi32, #tpu.memory_space<hbm>>
        %dma_wait3A_383 = tpu.memref_squeeze %dma_wait3A_382 : memref<1x1x2x80xi32, #tpu.memory_space<hbm>> -> memref<2x80xi32, #tpu.memory_space<hbm>>
        %dma_wait3A_384 = arith.constant 0 : i32
        %dma_wait3A_385 = arith.constant 0 : i32
        %dma_wait3A_386 = tpu.memref_slice %arg4[%add3A, %dma_wait3A_379, %dma_wait3A_384, %dma_wait3A_385] : memref<32x129x2x80xi32, #tpu.memory_space<hbm>> -> memref<1x1x2x80xi32, #tpu.memory_space<hbm>>
        %dma_wait3A_387 = tpu.memref_squeeze %dma_wait3A_386 : memref<1x1x2x80xi32, #tpu.memory_space<hbm>> -> memref<2x80xi32, #tpu.memory_space<hbm>>
        tpu.wait_dma2 semaphore(%arg22 : memref<!tpu.dma_semaphore, #tpu.memory_space<semaphore_mem>>) src(%dma_wait3A_387 : memref<2x80xi32, #tpu.memory_space<hbm>>) dst(%arg8 : memref<2x80xi32, #tpu.memory_space<vmem>>)
        %dma_start3A_388 = arith.constant 0 : i32
        %dma_start3A_389 = arith.constant 0 : i32
        %dma_start3A_390 = tpu.memref_slice %arg8[%dma_start3A_388, %dma_start3A_389] : memref<2x80xi32, #tpu.memory_space<vmem>> -> memref<1x80xi32, #tpu.memory_space<vmem>>
        %dma_start3A_391 = tpu.memref_squeeze %dma_start3A_390 : memref<1x80xi32, #tpu.memory_space<vmem>> -> memref<80xi32, #tpu.memory_space<vmem>>
        %dma_start3A_392 = arith.constant 0 : i32
        %dma_start3A_393 = arith.constant 0 : i32
        %dma_start3A_394 = tpu.memref_slice %arg2[%dma_start3A_392, %dma_start3A_393] : memref<10240x32xf32, #tpu.memory_space<hbm>> -> memref<10240x32xf32, #tpu.memory_space<hbm>>
        tpu.enqueue_indirect_dma source(%dma_start3A_394 : memref<10240x32xf32, #tpu.memory_space<hbm>>) target(%arg11 : memref<80x32xf32, #tpu.memory_space<vmem>>) offsets(%dma_start3A_391 : memref<80xi32, #tpu.memory_space<vmem>>) semaphore(%arg16 : memref<!tpu.dma_semaphore, #tpu.memory_space<semaphore_mem>>)
      } else {
      }
      %add3A_311 = arith.constant 2 : i32
      %add3A_312 = arith.addi %add3A_298, %add3A_311 : i32
      %lt3A_313 = arith.constant 129 : i32
      %lt3A_314 = arith.cmpi slt, %add3A_312, %lt3A_313 : i32
      %convert_element_type3A_315 = arith.extui %lt3A_314 : i1 to i32
      %cond3A_316 = arith.constant 0 : i32
      %cond3A_317 = arith.cmpi ne, %convert_element_type3A_315, %cond3A_316 : i32
      scf.if %cond3A_317 {
        %add3A_379 = arith.constant 2 : i32
        %add3A_380 = arith.addi %add3A_298, %add3A_379 : i32
        %dma_start3A_381 = arith.constant 0 : i32
        %dma_start3A_382 = arith.constant 0 : i32
        %dma_start3A_383 = tpu.memref_slice %arg4[%add3A, %add3A_380, %dma_start3A_381, %dma_start3A_382] : memref<32x129x2x80xi32, #tpu.memory_space<hbm>> -> memref<1x1x2x80xi32, #tpu.memory_space<hbm>>
        %dma_start3A_384 = tpu.memref_squeeze %dma_start3A_383 : memref<1x1x2x80xi32, #tpu.memory_space<hbm>> -> memref<2x80xi32, #tpu.memory_space<hbm>>
        %dma_start3A_385 = arith.constant 0 : i32
        %dma_start3A_386 = arith.constant 0 : i32
        %dma_start3A_387 = tpu.memref_slice %arg4[%add3A, %add3A_380, %dma_start3A_385, %dma_start3A_386] : memref<32x129x2x80xi32, #tpu.memory_space<hbm>> -> memref<1x1x2x80xi32, #tpu.memory_space<hbm>>
        %dma_start3A_388 = tpu.memref_squeeze %dma_start3A_387 : memref<1x1x2x80xi32, #tpu.memory_space<hbm>> -> memref<2x80xi32, #tpu.memory_space<hbm>>
        tpu.enqueue_dma source(%dma_start3A_388 : memref<2x80xi32, #tpu.memory_space<hbm>>) target(%arg6 : memref<2x80xi32, #tpu.memory_space<vmem>>) target_semaphore(%arg20 : memref<!tpu.dma_semaphore, #tpu.memory_space<semaphore_mem>>)
      } else {
      }
      %dma_wait3A_318 = arith.constant 0 : i32
      %dma_wait3A_319 = arith.constant 0 : i32
      %dma_wait3A_320 = tpu.memref_slice %arg2[%dma_wait3A_318, %dma_wait3A_319] : memref<10240x32xf32, #tpu.memory_space<hbm>> -> memref<80x32xf32, #tpu.memory_space<hbm>>
      %dma_wait3A_321 = arith.constant 0 : i32
      %dma_wait3A_322 = arith.constant 0 : i32
      %dma_wait3A_323 = tpu.memref_slice %arg2[%dma_wait3A_321, %dma_wait3A_322] : memref<10240x32xf32, #tpu.memory_space<hbm>> -> memref<80x32xf32, #tpu.memory_space<hbm>>
      tpu.wait_dma2 semaphore(%arg15 : memref<!tpu.dma_semaphore, #tpu.memory_space<semaphore_mem>>) src(%dma_wait3A_323 : memref<80x32xf32, #tpu.memory_space<hbm>>) dst(%arg10 : memref<80x32xf32, #tpu.memory_space<vmem>>)
      %scan3A_324 = arith.constant 0 : i32
      %scan3A_325 = arith.constant 0 : i32
      %scan3A_326 = arith.constant 5 : i32
      %scan3A_327 = arith.addi %scan3A_325, %scan3A_326 : i32
      %scan3A_328 = arith.constant 1 : i32
      scf.for %scan3A_379 = %scan3A_325 to %scan3A_327 step %scan3A_328  : i32 {
        %mul3A_380 = arith.constant 16 : i32
        %mul3A_381 = arith.muli %scan3A_379, %mul3A_380 : i32
        %iota3A = tpu.iota {dimensions = array<i32: 0>} : vector<16xi32>
        %add3A_382 = vector.broadcast %mul3A_381 : i32 to vector<16xi32>
        %add3A_383 = arith.addi %add3A_382, %iota3A : vector<16xi32>
        %get3A = arith.constant 0 : i32
        %get3A_384 = arith.index_cast %get3A : i32 to index
        %get3A_385 = arith.index_cast %mul3A_381 : i32 to index
        %get3A_386 = tpu.vector_load %arg7[%get3A_384, %get3A_385] {strides = array<i32>} : memref<2x80xi32, #tpu.memory_space<vmem>>, vector<16xi32>,
        %get3A_387 = arith.constant 1 : i32
        %get3A_388 = arith.index_cast %get3A_387 : i32 to index
        %get3A_389 = arith.index_cast %mul3A_381 : i32 to index
        %get3A_390 = tpu.vector_load %arg7[%get3A_388, %get3A_389] {strides = array<i32>} : memref<2x80xi32, #tpu.memory_space<vmem>>, vector<16xi32>,
        %gather3A = tpu.vector_load_idx %arg12[%get3A_386, %broadcast_in_dim3A_86] : memref<10240x2xf32, #tpu.memory_space<vmem>>[vector<16xi32>, vector<16xi32>], vector<16xf32>,
        %gather3A_391 = tpu.vector_load_idx %arg12[%get3A_390, %broadcast_in_dim3A_88] : memref<10240x2xf32, #tpu.memory_space<vmem>>[vector<16xi32>, vector<16xi32>], vector<16xf32>,
        %add3A_392 = arith.addf %gather3A, %gather3A_391 : vector<16xf32>
        %ge3A_393 = arith.constant 0.000000e+00 : f32
        %ge3A_394 = vector.broadcast %ge3A_393 : f32 to vector<16xf32>
        %ge3A_395 = arith.cmpf oge, %add3A_392, %ge3A_394 : vector<16xf32>
        %mul3A_396 = arith.constant 2.000000e-01 : f32
        %mul3A_397 = vector.broadcast %mul3A_396 : f32 to vector<16xf32>
        %mul3A_398 = arith.mulf %mul3A_397, %add3A_392 : vector<16xf32>
        %select_n3A = arith.select %ge3A_395, %add3A_392, %mul3A_398 : vector<16xi1>, vector<16xf32>
        %exp3A = math.exp %select_n3A : vector<16xf32>
        tpu.vector_store_idx %arg10[%add3A_383, %broadcast_in_dim3A_90], %exp3A : memref<80x32xf32, #tpu.memory_space<vmem>>[vector<16xi32>, vector<16xi32>], vector<16xf32>,
        %add3A_399 = arith.constant 0 : i32
        %add3A_400 = arith.addi %mul3A_381, %add3A_399 : i32
        %get3A_401 = arith.index_cast %add3A_400 : i32 to index
        %get3A_402 = arith.constant 0 : index
        %get3A_403 = tpu.vector_load %arg10[%get3A_401, %get3A_402] {strides = array<i32>} : memref<80x32xf32, #tpu.memory_space<vmem>>, vector<16xf32>,
        %slice3A = vector.extract_strided_slice %exp3A {offsets = [0], sizes = [1], strides = [1]} : vector<16xf32> to vector<1xf32>
        %squeeze3A = vector.extract %slice3A[0] : f32 from vector<1xf32>
        %mul3A_404 = vector.broadcast %squeeze3A : f32 to vector<16xf32>
        %mul3A_405 = arith.mulf %get3A_403, %mul3A_404 : vector<16xf32>
        %add3A_406 = arith.constant 0 : i32
        %add3A_407 = arith.addi %mul3A_381, %add3A_406 : i32
        %swap3A = arith.index_cast %add3A_407 : i32 to index
        %swap3A_408 = arith.constant 0 : index
        %swap3A_409 = tpu.vector_load %arg10[%swap3A, %swap3A_408] {strides = array<i32>} : memref<80x32xf32, #tpu.memory_space<vmem>>, vector<16xf32>,
        tpu.vector_store %arg10[%swap3A, %swap3A_408], %mul3A_405 {strides = array<i32>} : memref<80x32xf32, #tpu.memory_space<vmem>>, vector<16xf32>,
        %add3A_410 = arith.constant 1 : i32
        %add3A_411 = arith.addi %mul3A_381, %add3A_410 : i32
        %get3A_412 = arith.index_cast %add3A_411 : i32 to index
        %get3A_413 = arith.constant 0 : index
        %get3A_414 = tpu.vector_load %arg10[%get3A_412, %get3A_413] {strides = array<i32>} : memref<80x32xf32, #tpu.memory_space<vmem>>, vector<16xf32>,
        %slice3A_415 = vector.extract_strided_slice %exp3A {offsets = [1], sizes = [1], strides = [1]} : vector<16xf32> to vector<1xf32>
        %squeeze3A_416 = vector.extract %slice3A_415[0] : f32 from vector<1xf32>
        %mul3A_417 = vector.broadcast %squeeze3A_416 : f32 to vector<16xf32>
        %mul3A_418 = arith.mulf %get3A_414, %mul3A_417 : vector<16xf32>
        %add3A_419 = arith.constant 1 : i32
        %add3A_420 = arith.addi %mul3A_381, %add3A_419 : i32
        %swap3A_421 = arith.index_cast %add3A_420 : i32 to index
        %swap3A_422 = arith.constant 0 : index
        %swap3A_423 = tpu.vector_load %arg10[%swap3A_421, %swap3A_422] {strides = array<i32>} : memref<80x32xf32, #tpu.memory_space<vmem>>, vector<16xf32>,
        tpu.vector_store %arg10[%swap3A_421, %swap3A_422], %mul3A_418 {strides = array<i32>} : memref<80x32xf32, #tpu.memory_space<vmem>>, vector<16xf32>,
        %add3A_424 = arith.constant 2 : i32
        %add3A_425 = arith.addi %mul3A_381, %add3A_424 : i32
        %get3A_426 = arith.index_cast %add3A_425 : i32 to index
        %get3A_427 = arith.constant 0 : index
        %get3A_428 = tpu.vector_load %arg10[%get3A_426, %get3A_427] {strides = array<i32>} : memref<80x32xf32, #tpu.memory_space<vmem>>, vector<16xf32>,
        %slice3A_429 = vector.extract_strided_slice %exp3A {offsets = [2], sizes = [1], strides = [1]} : vector<16xf32> to vector<1xf32>
        %squeeze3A_430 = vector.extract %slice3A_429[0] : f32 from vector<1xf32>
        %mul3A_431 = vector.broadcast %squeeze3A_430 : f32 to vector<16xf32>
        %mul3A_432 = arith.mulf %get3A_428, %mul3A_431 : vector<16xf32>
        %add3A_433 = arith.constant 2 : i32
        %add3A_434 = arith.addi %mul3A_381, %add3A_433 : i32
        %swap3A_435 = arith.index_cast %add3A_434 : i32 to index
        %swap3A_436 = arith.constant 0 : index
        %swap3A_437 = tpu.vector_load %arg10[%swap3A_435, %swap3A_436] {strides = array<i32>} : memref<80x32xf32, #tpu.memory_space<vmem>>, vector<16xf32>,
        tpu.vector_store %arg10[%swap3A_435, %swap3A_436], %mul3A_432 {strides = array<i32>} : memref<80x32xf32, #tpu.memory_space<vmem>>, vector<16xf32>,
        %add3A_438 = arith.constant 3 : i32
        %add3A_439 = arith.addi %mul3A_381, %add3A_438 : i32
        %get3A_440 = arith.index_cast %add3A_439 : i32 to index
        %get3A_441 = arith.constant 0 : index
        %get3A_442 = tpu.vector_load %arg10[%get3A_440, %get3A_441] {strides = array<i32>} : memref<80x32xf32, #tpu.memory_space<vmem>>, vector<16xf32>,
        %slice3A_443 = vector.extract_strided_slice %exp3A {offsets = [3], sizes = [1], strides = [1]} : vector<16xf32> to vector<1xf32>
        %squeeze3A_444 = vector.extract %slice3A_443[0] : f32 from vector<1xf32>
        %mul3A_445 = vector.broadcast %squeeze3A_444 : f32 to vector<16xf32>
        %mul3A_446 = arith.mulf %get3A_442, %mul3A_445 : vector<16xf32>
        %add3A_447 = arith.constant 3 : i32
        %add3A_448 = arith.addi %mul3A_381, %add3A_447 : i32
        %swap3A_449 = arith.index_cast %add3A_448 : i32 to index
        %swap3A_450 = arith.constant 0 : index
        %swap3A_451 = tpu.vector_load %arg10[%swap3A_449, %swap3A_450] {strides = array<i32>} : memref<80x32xf32, #tpu.memory_space<vmem>>, vector<16xf32>,
        tpu.vector_store %arg10[%swap3A_449, %swap3A_450], %mul3A_446 {strides = array<i32>} : memref<80x32xf32, #tpu.memory_space<vmem>>, vector<16xf32>,
        %add3A_452 = arith.constant 4 : i32
        %add3A_453 = arith.addi %mul3A_381, %add3A_452 : i32
        %get3A_454 = arith.index_cast %add3A_453 : i32 to index
        %get3A_455 = arith.constant 0 : index
        %get3A_456 = tpu.vector_load %arg10[%get3A_454, %get3A_455] {strides = array<i32>} : memref<80x32xf32, #tpu.memory_space<vmem>>, vector<16xf32>,
        %slice3A_457 = vector.extract_strided_slice %exp3A {offsets = [4], sizes = [1], strides = [1]} : vector<16xf32> to vector<1xf32>
        %squeeze3A_458 = vector.extract %slice3A_457[0] : f32 from vector<1xf32>
        %mul3A_459 = vector.broadcast %squeeze3A_458 : f32 to vector<16xf32>
        %mul3A_460 = arith.mulf %get3A_456, %mul3A_459 : vector<16xf32>
        %add3A_461 = arith.constant 4 : i32
        %add3A_462 = arith.addi %mul3A_381, %add3A_461 : i32
        %swap3A_463 = arith.index_cast %add3A_462 : i32 to index
        %swap3A_464 = arith.constant 0 : index
        %swap3A_465 = tpu.vector_load %arg10[%swap3A_463, %swap3A_464] {strides = array<i32>} : memref<80x32xf32, #tpu.memory_space<vmem>>, vector<16xf32>,
        tpu.vector_store %arg10[%swap3A_463, %swap3A_464], %mul3A_460 {strides = array<i32>} : memref<80x32xf32, #tpu.memory_space<vmem>>, vector<16xf32>,
        %add3A_466 = arith.constant 5 : i32
        %add3A_467 = arith.addi %mul3A_381, %add3A_466 : i32
        %get3A_468 = arith.index_cast %add3A_467 : i32 to index
        %get3A_469 = arith.constant 0 : index
        %get3A_470 = tpu.vector_load %arg10[%get3A_468, %get3A_469] {strides = array<i32>} : memref<80x32xf32, #tpu.memory_space<vmem>>, vector<16xf32>,
        %slice3A_471 = vector.extract_strided_slice %exp3A {offsets = [5], sizes = [1], strides = [1]} : vector<16xf32> to vector<1xf32>
        %squeeze3A_472 = vector.extract %slice3A_471[0] : f32 from vector<1xf32>
        %mul3A_473 = vector.broadcast %squeeze3A_472 : f32 to vector<16xf32>
        %mul3A_474 = arith.mulf %get3A_470, %mul3A_473 : vector<16xf32>
        %add3A_475 = arith.constant 5 : i32
        %add3A_476 = arith.addi %mul3A_381, %add3A_475 : i32
        %swap3A_477 = arith.index_cast %add3A_476 : i32 to index
        %swap3A_478 = arith.constant 0 : index
        %swap3A_479 = tpu.vector_load %arg10[%swap3A_477, %swap3A_478] {strides = array<i32>} : memref<80x32xf32, #tpu.memory_space<vmem>>, vector<16xf32>,
        tpu.vector_store %arg10[%swap3A_477, %swap3A_478], %mul3A_474 {strides = array<i32>} : memref<80x32xf32, #tpu.memory_space<vmem>>, vector<16xf32>,
        %add3A_480 = arith.constant 6 : i32
        %add3A_481 = arith.addi %mul3A_381, %add3A_480 : i32
        %get3A_482 = arith.index_cast %add3A_481 : i32 to index
        %get3A_483 = arith.constant 0 : index
        %get3A_484 = tpu.vector_load %arg10[%get3A_482, %get3A_483] {strides = array<i32>} : memref<80x32xf32, #tpu.memory_space<vmem>>, vector<16xf32>,
        %slice3A_485 = vector.extract_strided_slice %exp3A {offsets = [6], sizes = [1], strides = [1]} : vector<16xf32> to vector<1xf32>
        %squeeze3A_486 = vector.extract %slice3A_485[0] : f32 from vector<1xf32>
        %mul3A_487 = vector.broadcast %squeeze3A_486 : f32 to vector<16xf32>
        %mul3A_488 = arith.mulf %get3A_484, %mul3A_487 : vector<16xf32>
        %add3A_489 = arith.constant 6 : i32
        %add3A_490 = arith.addi %mul3A_381, %add3A_489 : i32
        %swap3A_491 = arith.index_cast %add3A_490 : i32 to index
        %swap3A_492 = arith.constant 0 : index
        %swap3A_493 = tpu.vector_load %arg10[%swap3A_491, %swap3A_492] {strides = array<i32>} : memref<80x32xf32, #tpu.memory_space<vmem>>, vector<16xf32>,
        tpu.vector_store %arg10[%swap3A_491, %swap3A_492], %mul3A_488 {strides = array<i32>} : memref<80x32xf32, #tpu.memory_space<vmem>>, vector<16xf32>,
        %add3A_494 = arith.constant 7 : i32
        %add3A_495 = arith.addi %mul3A_381, %add3A_494 : i32
        %get3A_496 = arith.index_cast %add3A_495 : i32 to index
        %get3A_497 = arith.constant 0 : index
        %get3A_498 = tpu.vector_load %arg10[%get3A_496, %get3A_497] {strides = array<i32>} : memref<80x32xf32, #tpu.memory_space<vmem>>, vector<16xf32>,
        %slice3A_499 = vector.extract_strided_slice %exp3A {offsets = [7], sizes = [1], strides = [1]} : vector<16xf32> to vector<1xf32>
        %squeeze3A_500 = vector.extract %slice3A_499[0] : f32 from vector<1xf32>
        %mul3A_501 = vector.broadcast %squeeze3A_500 : f32 to vector<16xf32>
        %mul3A_502 = arith.mulf %get3A_498, %mul3A_501 : vector<16xf32>
        %add3A_503 = arith.constant 7 : i32
        %add3A_504 = arith.addi %mul3A_381, %add3A_503 : i32
        %swap3A_505 = arith.index_cast %add3A_504 : i32 to index
        %swap3A_506 = arith.constant 0 : index
        %swap3A_507 = tpu.vector_load %arg10[%swap3A_505, %swap3A_506] {strides = array<i32>} : memref<80x32xf32, #tpu.memory_space<vmem>>, vector<16xf32>,
        tpu.vector_store %arg10[%swap3A_505, %swap3A_506], %mul3A_502 {strides = array<i32>} : memref<80x32xf32, #tpu.memory_space<vmem>>, vector<16xf32>,
        %add3A_508 = arith.constant 8 : i32
        %add3A_509 = arith.addi %mul3A_381, %add3A_508 : i32
        %get3A_510 = arith.index_cast %add3A_509 : i32 to index
        %get3A_511 = arith.constant 0 : index
        %get3A_512 = tpu.vector_load %arg10[%get3A_510, %get3A_511] {strides = array<i32>} : memref<80x32xf32, #tpu.memory_space<vmem>>, vector<16xf32>,
        %slice3A_513 = vector.extract_strided_slice %exp3A {offsets = [8], sizes = [1], strides = [1]} : vector<16xf32> to vector<1xf32>
        %squeeze3A_514 = vector.extract %slice3A_513[0] : f32 from vector<1xf32>
        %mul3A_515 = vector.broadcast %squeeze3A_514 : f32 to vector<16xf32>
        %mul3A_516 = arith.mulf %get3A_512, %mul3A_515 : vector<16xf32>
        %add3A_517 = arith.constant 8 : i32
        %add3A_518 = arith.addi %mul3A_381, %add3A_517 : i32
        %swap3A_519 = arith.index_cast %add3A_518 : i32 to index
        %swap3A_520 = arith.constant 0 : index
        %swap3A_521 = tpu.vector_load %arg10[%swap3A_519, %swap3A_520] {strides = array<i32>} : memref<80x32xf32, #tpu.memory_space<vmem>>, vector<16xf32>,
        tpu.vector_store %arg10[%swap3A_519, %swap3A_520], %mul3A_516 {strides = array<i32>} : memref<80x32xf32, #tpu.memory_space<vmem>>, vector<16xf32>,
        %add3A_522 = arith.constant 9 : i32
        %add3A_523 = arith.addi %mul3A_381, %add3A_522 : i32
        %get3A_524 = arith.index_cast %add3A_523 : i32 to index
        %get3A_525 = arith.constant 0 : index
        %get3A_526 = tpu.vector_load %arg10[%get3A_524, %get3A_525] {strides = array<i32>} : memref<80x32xf32, #tpu.memory_space<vmem>>, vector<16xf32>,
        %slice3A_527 = vector.extract_strided_slice %exp3A {offsets = [9], sizes = [1], strides = [1]} : vector<16xf32> to vector<1xf32>
        %squeeze3A_528 = vector.extract %slice3A_527[0] : f32 from vector<1xf32>
        %mul3A_529 = vector.broadcast %squeeze3A_528 : f32 to vector<16xf32>
        %mul3A_530 = arith.mulf %get3A_526, %mul3A_529 : vector<16xf32>
        %add3A_531 = arith.constant 9 : i32
        %add3A_532 = arith.addi %mul3A_381, %add3A_531 : i32
        %swap3A_533 = arith.index_cast %add3A_532 : i32 to index
        %swap3A_534 = arith.constant 0 : index
        %swap3A_535 = tpu.vector_load %arg10[%swap3A_533, %swap3A_534] {strides = array<i32>} : memref<80x32xf32, #tpu.memory_space<vmem>>, vector<16xf32>,
        tpu.vector_store %arg10[%swap3A_533, %swap3A_534], %mul3A_530 {strides = array<i32>} : memref<80x32xf32, #tpu.memory_space<vmem>>, vector<16xf32>,
        %add3A_536 = arith.constant 10 : i32
        %add3A_537 = arith.addi %mul3A_381, %add3A_536 : i32
        %get3A_538 = arith.index_cast %add3A_537 : i32 to index
        %get3A_539 = arith.constant 0 : index
        %get3A_540 = tpu.vector_load %arg10[%get3A_538, %get3A_539] {strides = array<i32>} : memref<80x32xf32, #tpu.memory_space<vmem>>, vector<16xf32>,
        %slice3A_541 = vector.extract_strided_slice %exp3A {offsets = [10], sizes = [1], strides = [1]} : vector<16xf32> to vector<1xf32>
        %squeeze3A_542 = vector.extract %slice3A_541[0] : f32 from vector<1xf32>
        %mul3A_543 = vector.broadcast %squeeze3A_542 : f32 to vector<16xf32>
        %mul3A_544 = arith.mulf %get3A_540, %mul3A_543 : vector<16xf32>
        %add3A_545 = arith.constant 10 : i32
        %add3A_546 = arith.addi %mul3A_381, %add3A_545 : i32
        %swap3A_547 = arith.index_cast %add3A_546 : i32 to index
        %swap3A_548 = arith.constant 0 : index
        %swap3A_549 = tpu.vector_load %arg10[%swap3A_547, %swap3A_548] {strides = array<i32>} : memref<80x32xf32, #tpu.memory_space<vmem>>, vector<16xf32>,
        tpu.vector_store %arg10[%swap3A_547, %swap3A_548], %mul3A_544 {strides = array<i32>} : memref<80x32xf32, #tpu.memory_space<vmem>>, vector<16xf32>,
        %add3A_550 = arith.constant 11 : i32
        %add3A_551 = arith.addi %mul3A_381, %add3A_550 : i32
        %get3A_552 = arith.index_cast %add3A_551 : i32 to index
        %get3A_553 = arith.constant 0 : index
        %get3A_554 = tpu.vector_load %arg10[%get3A_552, %get3A_553] {strides = array<i32>} : memref<80x32xf32, #tpu.memory_space<vmem>>, vector<16xf32>,
        %slice3A_555 = vector.extract_strided_slice %exp3A {offsets = [11], sizes = [1], strides = [1]} : vector<16xf32> to vector<1xf32>
        %squeeze3A_556 = vector.extract %slice3A_555[0] : f32 from vector<1xf32>
        %mul3A_557 = vector.broadcast %squeeze3A_556 : f32 to vector<16xf32>
        %mul3A_558 = arith.mulf %get3A_554, %mul3A_557 : vector<16xf32>
        %add3A_559 = arith.constant 11 : i32
        %add3A_560 = arith.addi %mul3A_381, %add3A_559 : i32
        %swap3A_561 = arith.index_cast %add3A_560 : i32 to index
        %swap3A_562 = arith.constant 0 : index
        %swap3A_563 = tpu.vector_load %arg10[%swap3A_561, %swap3A_562] {strides = array<i32>} : memref<80x32xf32, #tpu.memory_space<vmem>>, vector<16xf32>,
        tpu.vector_store %arg10[%swap3A_561, %swap3A_562], %mul3A_558 {strides = array<i32>} : memref<80x32xf32, #tpu.memory_space<vmem>>, vector<16xf32>,
        %add3A_564 = arith.constant 12 : i32
        %add3A_565 = arith.addi %mul3A_381, %add3A_564 : i32
        %get3A_566 = arith.index_cast %add3A_565 : i32 to index
        %get3A_567 = arith.constant 0 : index
        %get3A_568 = tpu.vector_load %arg10[%get3A_566, %get3A_567] {strides = array<i32>} : memref<80x32xf32, #tpu.memory_space<vmem>>, vector<16xf32>,
        %slice3A_569 = vector.extract_strided_slice %exp3A {offsets = [12], sizes = [1], strides = [1]} : vector<16xf32> to vector<1xf32>
        %squeeze3A_570 = vector.extract %slice3A_569[0] : f32 from vector<1xf32>
        %mul3A_571 = vector.broadcast %squeeze3A_570 : f32 to vector<16xf32>
        %mul3A_572 = arith.mulf %get3A_568, %mul3A_571 : vector<16xf32>
        %add3A_573 = arith.constant 12 : i32
        %add3A_574 = arith.addi %mul3A_381, %add3A_573 : i32
        %swap3A_575 = arith.index_cast %add3A_574 : i32 to index
        %swap3A_576 = arith.constant 0 : index
        %swap3A_577 = tpu.vector_load %arg10[%swap3A_575, %swap3A_576] {strides = array<i32>} : memref<80x32xf32, #tpu.memory_space<vmem>>, vector<16xf32>,
        tpu.vector_store %arg10[%swap3A_575, %swap3A_576], %mul3A_572 {strides = array<i32>} : memref<80x32xf32, #tpu.memory_space<vmem>>, vector<16xf32>,
        %add3A_578 = arith.constant 13 : i32
        %add3A_579 = arith.addi %mul3A_381, %add3A_578 : i32
        %get3A_580 = arith.index_cast %add3A_579 : i32 to index
        %get3A_581 = arith.constant 0 : index
        %get3A_582 = tpu.vector_load %arg10[%get3A_580, %get3A_581] {strides = array<i32>} : memref<80x32xf32, #tpu.memory_space<vmem>>, vector<16xf32>,
        %slice3A_583 = vector.extract_strided_slice %exp3A {offsets = [13], sizes = [1], strides = [1]} : vector<16xf32> to vector<1xf32>
        %squeeze3A_584 = vector.extract %slice3A_583[0] : f32 from vector<1xf32>
        %mul3A_585 = vector.broadcast %squeeze3A_584 : f32 to vector<16xf32>
        %mul3A_586 = arith.mulf %get3A_582, %mul3A_585 : vector<16xf32>
        %add3A_587 = arith.constant 13 : i32
        %add3A_588 = arith.addi %mul3A_381, %add3A_587 : i32
        %swap3A_589 = arith.index_cast %add3A_588 : i32 to index
        %swap3A_590 = arith.constant 0 : index
        %swap3A_591 = tpu.vector_load %arg10[%swap3A_589, %swap3A_590] {strides = array<i32>} : memref<80x32xf32, #tpu.memory_space<vmem>>, vector<16xf32>,
        tpu.vector_store %arg10[%swap3A_589, %swap3A_590], %mul3A_586 {strides = array<i32>} : memref<80x32xf32, #tpu.memory_space<vmem>>, vector<16xf32>,
        %add3A_592 = arith.constant 14 : i32
        %add3A_593 = arith.addi %mul3A_381, %add3A_592 : i32
        %get3A_594 = arith.index_cast %add3A_593 : i32 to index
        %get3A_595 = arith.constant 0 : index
        %get3A_596 = tpu.vector_load %arg10[%get3A_594, %get3A_595] {strides = array<i32>} : memref<80x32xf32, #tpu.memory_space<vmem>>, vector<16xf32>,
        %slice3A_597 = vector.extract_strided_slice %exp3A {offsets = [14], sizes = [1], strides = [1]} : vector<16xf32> to vector<1xf32>
        %squeeze3A_598 = vector.extract %slice3A_597[0] : f32 from vector<1xf32>
        %mul3A_599 = vector.broadcast %squeeze3A_598 : f32 to vector<16xf32>
        %mul3A_600 = arith.mulf %get3A_596, %mul3A_599 : vector<16xf32>
        %add3A_601 = arith.constant 14 : i32
        %add3A_602 = arith.addi %mul3A_381, %add3A_601 : i32
        %swap3A_603 = arith.index_cast %add3A_602 : i32 to index
        %swap3A_604 = arith.constant 0 : index
        %swap3A_605 = tpu.vector_load %arg10[%swap3A_603, %swap3A_604] {strides = array<i32>} : memref<80x32xf32, #tpu.memory_space<vmem>>, vector<16xf32>,
        tpu.vector_store %arg10[%swap3A_603, %swap3A_604], %mul3A_600 {strides = array<i32>} : memref<80x32xf32, #tpu.memory_space<vmem>>, vector<16xf32>,
        %add3A_606 = arith.constant 15 : i32
        %add3A_607 = arith.addi %mul3A_381, %add3A_606 : i32
        %get3A_608 = arith.index_cast %add3A_607 : i32 to index
        %get3A_609 = arith.constant 0 : index
        %get3A_610 = tpu.vector_load %arg10[%get3A_608, %get3A_609] {strides = array<i32>} : memref<80x32xf32, #tpu.memory_space<vmem>>, vector<16xf32>,
        %slice3A_611 = vector.extract_strided_slice %exp3A {offsets = [15], sizes = [1], strides = [1]} : vector<16xf32> to vector<1xf32>
        %squeeze3A_612 = vector.extract %slice3A_611[0] : f32 from vector<1xf32>
        %mul3A_613 = vector.broadcast %squeeze3A_612 : f32 to vector<16xf32>
        %mul3A_614 = arith.mulf %get3A_610, %mul3A_613 : vector<16xf32>
        %add3A_615 = arith.constant 15 : i32
        %add3A_616 = arith.addi %mul3A_381, %add3A_615 : i32
        %swap3A_617 = arith.index_cast %add3A_616 : i32 to index
        %swap3A_618 = arith.constant 0 : index
        %swap3A_619 = tpu.vector_load %arg10[%swap3A_617, %swap3A_618] {strides = array<i32>} : memref<80x32xf32, #tpu.memory_space<vmem>>, vector<16xf32>,
        tpu.vector_store %arg10[%swap3A_617, %swap3A_618], %mul3A_614 {strides = array<i32>} : memref<80x32xf32, #tpu.memory_space<vmem>>, vector<16xf32>,
      }
      %scan3A_329 = arith.constant 5 : i32
      %dma_start3A_330 = arith.constant 1 : i32
      %dma_start3A_331 = arith.constant 0 : i32
      %dma_start3A_332 = tpu.memref_slice %arg7[%dma_start3A_330, %dma_start3A_331] : memref<2x80xi32, #tpu.memory_space<vmem>> -> memref<1x80xi32, #tpu.memory_space<vmem>>
      %dma_start3A_333 = tpu.memref_squeeze %dma_start3A_332 : memref<1x80xi32, #tpu.memory_space<vmem>> -> memref<80xi32, #tpu.memory_space<vmem>>
      %dma_start3A_334 = arith.constant 0 : i32
      %dma_start3A_335 = arith.constant 0 : i32
      %dma_start3A_336 = tpu.memref_slice %arg13[%dma_start3A_334, %dma_start3A_335] : memref<10240x32xf32, #tpu.memory_space<vmem_shared>> -> memref<10240x32xf32, #tpu.memory_space<vmem_shared>>
      tpu.enqueue_indirect_dma source(%arg10 : memref<80x32xf32, #tpu.memory_space<vmem>>) target(%dma_start3A_336 : memref<10240x32xf32, #tpu.memory_space<vmem_shared>>) offsets(%dma_start3A_333 : memref<80xi32, #tpu.memory_space<vmem>>) semaphore(%arg18 : memref<!tpu.dma_semaphore, #tpu.memory_space<semaphore_mem>>) {add = true}
      %mul3A_337 = arith.constant 3 : i32
      %mul3A_338 = arith.muli %mul3A_337, %scan3A_256 : i32
      %add3A_339 = arith.constant 2 : i32
      %add3A_340 = arith.addi %mul3A_338, %add3A_339 : i32
      %ge3A_341 = arith.constant 2 : i32
      %ge3A_342 = arith.cmpi sge, %add3A_340, %ge3A_341 : i32
      %convert_element_type3A_343 = arith.extui %ge3A_342 : i1 to i32
      %cond3A_344 = arith.constant 0 : i32
      %cond3A_345 = arith.cmpi ne, %convert_element_type3A_343, %cond3A_344 : i32
      scf.if %cond3A_345 {
        %dma_wait3A_379 = arith.constant 0 : i32
        %dma_wait3A_380 = arith.constant 0 : i32
        %dma_wait3A_381 = tpu.memref_slice %arg2[%dma_wait3A_379, %dma_wait3A_380] : memref<10240x32xf32, #tpu.memory_space<hbm>> -> memref<80x32xf32, #tpu.memory_space<hbm>>
        %dma_wait3A_382 = arith.constant 0 : i32
        %dma_wait3A_383 = arith.constant 0 : i32
        %dma_wait3A_384 = tpu.memref_slice %arg2[%dma_wait3A_382, %dma_wait3A_383] : memref<10240x32xf32, #tpu.memory_space<hbm>> -> memref<80x32xf32, #tpu.memory_space<hbm>>
        tpu.wait_dma2 semaphore(%arg17 : memref<!tpu.dma_semaphore, #tpu.memory_space<semaphore_mem>>) src(%dma_wait3A_384 : memref<80x32xf32, #tpu.memory_space<hbm>>) dst(%arg9 : memref<80x32xf32, #tpu.memory_space<vmem>>)
      } else {
      }
      %add3A_346 = arith.constant 1 : i32
      %add3A_347 = arith.addi %add3A_340, %add3A_346 : i32
      %lt3A_348 = arith.constant 129 : i32
      %lt3A_349 = arith.cmpi slt, %add3A_347, %lt3A_348 : i32
      %convert_element_type3A_350 = arith.extui %lt3A_349 : i1 to i32
      %cond3A_351 = arith.constant 0 : i32
      %cond3A_352 = arith.cmpi ne, %convert_element_type3A_350, %cond3A_351 : i32
      scf.if %cond3A_352 {
        %dma_wait3A_379 = arith.constant 0 : i32
        %dma_wait3A_380 = arith.constant 0 : i32
        %dma_wait3A_381 = arith.constant 0 : i32
        %dma_wait3A_382 = tpu.memref_slice %arg4[%add3A, %dma_wait3A_379, %dma_wait3A_380, %dma_wait3A_381] : memref<32x129x2x80xi32, #tpu.memory_space<hbm>> -> memref<1x1x2x80xi32, #tpu.memory_space<hbm>>
        %dma_wait3A_383 = tpu.memref_squeeze %dma_wait3A_382 : memref<1x1x2x80xi32, #tpu.memory_space<hbm>> -> memref<2x80xi32, #tpu.memory_space<hbm>>
        %dma_wait3A_384 = arith.constant 0 : i32
        %dma_wait3A_385 = arith.constant 0 : i32
        %dma_wait3A_386 = tpu.memref_slice %arg4[%add3A, %dma_wait3A_379, %dma_wait3A_384, %dma_wait3A_385] : memref<32x129x2x80xi32, #tpu.memory_space<hbm>> -> memref<1x1x2x80xi32, #tpu.memory_space<hbm>>
        %dma_wait3A_387 = tpu.memref_squeeze %dma_wait3A_386 : memref<1x1x2x80xi32, #tpu.memory_space<hbm>> -> memref<2x80xi32, #tpu.memory_space<hbm>>
        tpu.wait_dma2 semaphore(%arg20 : memref<!tpu.dma_semaphore, #tpu.memory_space<semaphore_mem>>) src(%dma_wait3A_387 : memref<2x80xi32, #tpu.memory_space<hbm>>) dst(%arg6 : memref<2x80xi32, #tpu.memory_space<vmem>>)
        %dma_start3A_388 = arith.constant 0 : i32
        %dma_start3A_389 = arith.constant 0 : i32
        %dma_start3A_390 = tpu.memref_slice %arg6[%dma_start3A_388, %dma_start3A_389] : memref<2x80xi32, #tpu.memory_space<vmem>> -> memref<1x80xi32, #tpu.memory_space<vmem>>
        %dma_start3A_391 = tpu.memref_squeeze %dma_start3A_390 : memref<1x80xi32, #tpu.memory_space<vmem>> -> memref<80xi32, #tpu.memory_space<vmem>>
        %dma_start3A_392 = arith.constant 0 : i32
        %dma_start3A_393 = arith.constant 0 : i32
        %dma_start3A_394 = tpu.memref_slice %arg2[%dma_start3A_392, %dma_start3A_393] : memref<10240x32xf32, #tpu.memory_space<hbm>> -> memref<10240x32xf32, #tpu.memory_space<hbm>>
        tpu.enqueue_indirect_dma source(%dma_start3A_394 : memref<10240x32xf32, #tpu.memory_space<hbm>>) target(%arg9 : memref<80x32xf32, #tpu.memory_space<vmem>>) offsets(%dma_start3A_391 : memref<80xi32, #tpu.memory_space<vmem>>) semaphore(%arg14 : memref<!tpu.dma_semaphore, #tpu.memory_space<semaphore_mem>>)
      } else {
      }
      %add3A_353 = arith.constant 2 : i32
      %add3A_354 = arith.addi %add3A_340, %add3A_353 : i32
      %lt3A_355 = arith.constant 129 : i32
      %lt3A_356 = arith.cmpi slt, %add3A_354, %lt3A_355 : i32
      %convert_element_type3A_357 = arith.extui %lt3A_356 : i1 to i32
      %cond3A_358 = arith.constant 0 : i32
      %cond3A_359 = arith.cmpi ne, %convert_element_type3A_357, %cond3A_358 : i32
      scf.if %cond3A_359 {
        %add3A_379 = arith.constant 2 : i32
        %add3A_380 = arith.addi %add3A_340, %add3A_379 : i32
        %dma_start3A_381 = arith.constant 0 : i32
        %dma_start3A_382 = arith.constant 0 : i32
        %dma_start3A_383 = tpu.memref_slice %arg4[%add3A, %add3A_380, %dma_start3A_381, %dma_start3A_382] : memref<32x129x2x80xi32, #tpu.memory_space<hbm>> -> memref<1x1x2x80xi32, #tpu.memory_space<hbm>>
        %dma_start3A_384 = tpu.memref_squeeze %dma_start3A_383 : memref<1x1x2x80xi32, #tpu.memory_space<hbm>> -> memref<2x80xi32, #tpu.memory_space<hbm>>
        %dma_start3A_385 = arith.constant 0 : i32
        %dma_start3A_386 = arith.constant 0 : i32
        %dma_start3A_387 = tpu.memref_slice %arg4[%add3A, %add3A_380, %dma_start3A_385, %dma_start3A_386] : memref<32x129x2x80xi32, #tpu.memory_space<hbm>> -> memref<1x1x2x80xi32, #tpu.memory_space<hbm>>
        %dma_start3A_388 = tpu.memref_squeeze %dma_start3A_387 : memref<1x1x2x80xi32, #tpu.memory_space<hbm>> -> memref<2x80xi32, #tpu.memory_space<hbm>>
        tpu.enqueue_dma source(%dma_start3A_388 : memref<2x80xi32, #tpu.memory_space<hbm>>) target(%arg7 : memref<2x80xi32, #tpu.memory_space<vmem>>) target_semaphore(%arg21 : memref<!tpu.dma_semaphore, #tpu.memory_space<semaphore_mem>>)
      } else {
      }
      %dma_wait3A_360 = arith.constant 0 : i32
      %dma_wait3A_361 = arith.constant 0 : i32
      %dma_wait3A_362 = tpu.memref_slice %arg2[%dma_wait3A_360, %dma_wait3A_361] : memref<10240x32xf32, #tpu.memory_space<hbm>> -> memref<80x32xf32, #tpu.memory_space<hbm>>
      %dma_wait3A_363 = arith.constant 0 : i32
      %dma_wait3A_364 = arith.constant 0 : i32
      %dma_wait3A_365 = tpu.memref_slice %arg2[%dma_wait3A_363, %dma_wait3A_364] : memref<10240x32xf32, #tpu.memory_space<hbm>> -> memref<80x32xf32, #tpu.memory_space<hbm>>
      tpu.wait_dma2 semaphore(%arg16 : memref<!tpu.dma_semaphore, #tpu.memory_space<semaphore_mem>>) src(%dma_wait3A_365 : memref<80x32xf32, #tpu.memory_space<hbm>>) dst(%arg11 : memref<80x32xf32, #tpu.memory_space<vmem>>)
      %scan3A_366 = arith.constant 0 : i32
      %scan3A_367 = arith.constant 0 : i32
      %scan3A_368 = arith.constant 5 : i32
      %scan3A_369 = arith.addi %scan3A_367, %scan3A_368 : i32
      %scan3A_370 = arith.constant 1 : i32
      scf.for %scan3A_379 = %scan3A_367 to %scan3A_369 step %scan3A_370  : i32 {
        %mul3A_380 = arith.constant 16 : i32
        %mul3A_381 = arith.muli %scan3A_379, %mul3A_380 : i32
        %iota3A = tpu.iota {dimensions = array<i32: 0>} : vector<16xi32>
        %add3A_382 = vector.broadcast %mul3A_381 : i32 to vector<16xi32>
        %add3A_383 = arith.addi %add3A_382, %iota3A : vector<16xi32>
        %get3A = arith.constant 0 : i32
        %get3A_384 = arith.index_cast %get3A : i32 to index
        %get3A_385 = arith.index_cast %mul3A_381 : i32 to index
        %get3A_386 = tpu.vector_load %arg8[%get3A_384, %get3A_385] {strides = array<i32>} : memref<2x80xi32, #tpu.memory_space<vmem>>, vector<16xi32>,
        %get3A_387 = arith.constant 1 : i32
        %get3A_388 = arith.index_cast %get3A_387 : i32 to index
        %get3A_389 = arith.index_cast %mul3A_381 : i32 to index
        %get3A_390 = tpu.vector_load %arg8[%get3A_388, %get3A_389] {strides = array<i32>} : memref<2x80xi32, #tpu.memory_space<vmem>>, vector<16xi32>,
        %gather3A = tpu.vector_load_idx %arg12[%get3A_386, %broadcast_in_dim3A_86] : memref<10240x2xf32, #tpu.memory_space<vmem>>[vector<16xi32>, vector<16xi32>], vector<16xf32>,
        %gather3A_391 = tpu.vector_load_idx %arg12[%get3A_390, %broadcast_in_dim3A_88] : memref<10240x2xf32, #tpu.memory_space<vmem>>[vector<16xi32>, vector<16xi32>], vector<16xf32>,
        %add3A_392 = arith.addf %gather3A, %gather3A_391 : vector<16xf32>
        %ge3A_393 = arith.constant 0.000000e+00 : f32
        %ge3A_394 = vector.broadcast %ge3A_393 : f32 to vector<16xf32>
        %ge3A_395 = arith.cmpf oge, %add3A_392, %ge3A_394 : vector<16xf32>
        %mul3A_396 = arith.constant 2.000000e-01 : f32
        %mul3A_397 = vector.broadcast %mul3A_396 : f32 to vector<16xf32>
        %mul3A_398 = arith.mulf %mul3A_397, %add3A_392 : vector<16xf32>
        %select_n3A = arith.select %ge3A_395, %add3A_392, %mul3A_398 : vector<16xi1>, vector<16xf32>
        %exp3A = math.exp %select_n3A : vector<16xf32>
        tpu.vector_store_idx %arg11[%add3A_383, %broadcast_in_dim3A_90], %exp3A : memref<80x32xf32, #tpu.memory_space<vmem>>[vector<16xi32>, vector<16xi32>], vector<16xf32>,
        %add3A_399 = arith.constant 0 : i32
        %add3A_400 = arith.addi %mul3A_381, %add3A_399 : i32
        %get3A_401 = arith.index_cast %add3A_400 : i32 to index
        %get3A_402 = arith.constant 0 : index
        %get3A_403 = tpu.vector_load %arg11[%get3A_401, %get3A_402] {strides = array<i32>} : memref<80x32xf32, #tpu.memory_space<vmem>>, vector<16xf32>,
        %slice3A = vector.extract_strided_slice %exp3A {offsets = [0], sizes = [1], strides = [1]} : vector<16xf32> to vector<1xf32>
        %squeeze3A = vector.extract %slice3A[0] : f32 from vector<1xf32>
        %mul3A_404 = vector.broadcast %squeeze3A : f32 to vector<16xf32>
        %mul3A_405 = arith.mulf %get3A_403, %mul3A_404 : vector<16xf32>
        %add3A_406 = arith.constant 0 : i32
        %add3A_407 = arith.addi %mul3A_381, %add3A_406 : i32
        %swap3A = arith.index_cast %add3A_407 : i32 to index
        %swap3A_408 = arith.constant 0 : index
        %swap3A_409 = tpu.vector_load %arg11[%swap3A, %swap3A_408] {strides = array<i32>} : memref<80x32xf32, #tpu.memory_space<vmem>>, vector<16xf32>,
        tpu.vector_store %arg11[%swap3A, %swap3A_408], %mul3A_405 {strides = array<i32>} : memref<80x32xf32, #tpu.memory_space<vmem>>, vector<16xf32>,
        %add3A_410 = arith.constant 1 : i32
        %add3A_411 = arith.addi %mul3A_381, %add3A_410 : i32
        %get3A_412 = arith.index_cast %add3A_411 : i32 to index
        %get3A_413 = arith.constant 0 : index
        %get3A_414 = tpu.vector_load %arg11[%get3A_412, %get3A_413] {strides = array<i32>} : memref<80x32xf32, #tpu.memory_space<vmem>>, vector<16xf32>,
        %slice3A_415 = vector.extract_strided_slice %exp3A {offsets = [1], sizes = [1], strides = [1]} : vector<16xf32> to vector<1xf32>
        %squeeze3A_416 = vector.extract %slice3A_415[0] : f32 from vector<1xf32>
        %mul3A_417 = vector.broadcast %squeeze3A_416 : f32 to vector<16xf32>
        %mul3A_418 = arith.mulf %get3A_414, %mul3A_417 : vector<16xf32>
        %add3A_419 = arith.constant 1 : i32
        %add3A_420 = arith.addi %mul3A_381, %add3A_419 : i32
        %swap3A_421 = arith.index_cast %add3A_420 : i32 to index
        %swap3A_422 = arith.constant 0 : index
        %swap3A_423 = tpu.vector_load %arg11[%swap3A_421, %swap3A_422] {strides = array<i32>} : memref<80x32xf32, #tpu.memory_space<vmem>>, vector<16xf32>,
        tpu.vector_store %arg11[%swap3A_421, %swap3A_422], %mul3A_418 {strides = array<i32>} : memref<80x32xf32, #tpu.memory_space<vmem>>, vector<16xf32>,
        %add3A_424 = arith.constant 2 : i32
        %add3A_425 = arith.addi %mul3A_381, %add3A_424 : i32
        %get3A_426 = arith.index_cast %add3A_425 : i32 to index
        %get3A_427 = arith.constant 0 : index
        %get3A_428 = tpu.vector_load %arg11[%get3A_426, %get3A_427] {strides = array<i32>} : memref<80x32xf32, #tpu.memory_space<vmem>>, vector<16xf32>,
        %slice3A_429 = vector.extract_strided_slice %exp3A {offsets = [2], sizes = [1], strides = [1]} : vector<16xf32> to vector<1xf32>
        %squeeze3A_430 = vector.extract %slice3A_429[0] : f32 from vector<1xf32>
        %mul3A_431 = vector.broadcast %squeeze3A_430 : f32 to vector<16xf32>
        %mul3A_432 = arith.mulf %get3A_428, %mul3A_431 : vector<16xf32>
        %add3A_433 = arith.constant 2 : i32
        %add3A_434 = arith.addi %mul3A_381, %add3A_433 : i32
        %swap3A_435 = arith.index_cast %add3A_434 : i32 to index
        %swap3A_436 = arith.constant 0 : index
        %swap3A_437 = tpu.vector_load %arg11[%swap3A_435, %swap3A_436] {strides = array<i32>} : memref<80x32xf32, #tpu.memory_space<vmem>>, vector<16xf32>,
        tpu.vector_store %arg11[%swap3A_435, %swap3A_436], %mul3A_432 {strides = array<i32>} : memref<80x32xf32, #tpu.memory_space<vmem>>, vector<16xf32>,
        %add3A_438 = arith.constant 3 : i32
        %add3A_439 = arith.addi %mul3A_381, %add3A_438 : i32
        %get3A_440 = arith.index_cast %add3A_439 : i32 to index
        %get3A_441 = arith.constant 0 : index
        %get3A_442 = tpu.vector_load %arg11[%get3A_440, %get3A_441] {strides = array<i32>} : memref<80x32xf32, #tpu.memory_space<vmem>>, vector<16xf32>,
        %slice3A_443 = vector.extract_strided_slice %exp3A {offsets = [3], sizes = [1], strides = [1]} : vector<16xf32> to vector<1xf32>
        %squeeze3A_444 = vector.extract %slice3A_443[0] : f32 from vector<1xf32>
        %mul3A_445 = vector.broadcast %squeeze3A_444 : f32 to vector<16xf32>
        %mul3A_446 = arith.mulf %get3A_442, %mul3A_445 : vector<16xf32>
        %add3A_447 = arith.constant 3 : i32
        %add3A_448 = arith.addi %mul3A_381, %add3A_447 : i32
        %swap3A_449 = arith.index_cast %add3A_448 : i32 to index
        %swap3A_450 = arith.constant 0 : index
        %swap3A_451 = tpu.vector_load %arg11[%swap3A_449, %swap3A_450] {strides = array<i32>} : memref<80x32xf32, #tpu.memory_space<vmem>>, vector<16xf32>,
        tpu.vector_store %arg11[%swap3A_449, %swap3A_450], %mul3A_446 {strides = array<i32>} : memref<80x32xf32, #tpu.memory_space<vmem>>, vector<16xf32>,
        %add3A_452 = arith.constant 4 : i32
        %add3A_453 = arith.addi %mul3A_381, %add3A_452 : i32
        %get3A_454 = arith.index_cast %add3A_453 : i32 to index
        %get3A_455 = arith.constant 0 : index
        %get3A_456 = tpu.vector_load %arg11[%get3A_454, %get3A_455] {strides = array<i32>} : memref<80x32xf32, #tpu.memory_space<vmem>>, vector<16xf32>,
        %slice3A_457 = vector.extract_strided_slice %exp3A {offsets = [4], sizes = [1], strides = [1]} : vector<16xf32> to vector<1xf32>
        %squeeze3A_458 = vector.extract %slice3A_457[0] : f32 from vector<1xf32>
        %mul3A_459 = vector.broadcast %squeeze3A_458 : f32 to vector<16xf32>
        %mul3A_460 = arith.mulf %get3A_456, %mul3A_459 : vector<16xf32>
        %add3A_461 = arith.constant 4 : i32
        %add3A_462 = arith.addi %mul3A_381, %add3A_461 : i32
        %swap3A_463 = arith.index_cast %add3A_462 : i32 to index
        %swap3A_464 = arith.constant 0 : index
        %swap3A_465 = tpu.vector_load %arg11[%swap3A_463, %swap3A_464] {strides = array<i32>} : memref<80x32xf32, #tpu.memory_space<vmem>>, vector<16xf32>,
        tpu.vector_store %arg11[%swap3A_463, %swap3A_464], %mul3A_460 {strides = array<i32>} : memref<80x32xf32, #tpu.memory_space<vmem>>, vector<16xf32>,
        %add3A_466 = arith.constant 5 : i32
        %add3A_467 = arith.addi %mul3A_381, %add3A_466 : i32
        %get3A_468 = arith.index_cast %add3A_467 : i32 to index
        %get3A_469 = arith.constant 0 : index
        %get3A_470 = tpu.vector_load %arg11[%get3A_468, %get3A_469] {strides = array<i32>} : memref<80x32xf32, #tpu.memory_space<vmem>>, vector<16xf32>,
        %slice3A_471 = vector.extract_strided_slice %exp3A {offsets = [5], sizes = [1], strides = [1]} : vector<16xf32> to vector<1xf32>
        %squeeze3A_472 = vector.extract %slice3A_471[0] : f32 from vector<1xf32>
        %mul3A_473 = vector.broadcast %squeeze3A_472 : f32 to vector<16xf32>
        %mul3A_474 = arith.mulf %get3A_470, %mul3A_473 : vector<16xf32>
        %add3A_475 = arith.constant 5 : i32
        %add3A_476 = arith.addi %mul3A_381, %add3A_475 : i32
        %swap3A_477 = arith.index_cast %add3A_476 : i32 to index
        %swap3A_478 = arith.constant 0 : index
        %swap3A_479 = tpu.vector_load %arg11[%swap3A_477, %swap3A_478] {strides = array<i32>} : memref<80x32xf32, #tpu.memory_space<vmem>>, vector<16xf32>,
        tpu.vector_store %arg11[%swap3A_477, %swap3A_478], %mul3A_474 {strides = array<i32>} : memref<80x32xf32, #tpu.memory_space<vmem>>, vector<16xf32>,
        %add3A_480 = arith.constant 6 : i32
        %add3A_481 = arith.addi %mul3A_381, %add3A_480 : i32
        %get3A_482 = arith.index_cast %add3A_481 : i32 to index
        %get3A_483 = arith.constant 0 : index
        %get3A_484 = tpu.vector_load %arg11[%get3A_482, %get3A_483] {strides = array<i32>} : memref<80x32xf32, #tpu.memory_space<vmem>>, vector<16xf32>,
        %slice3A_485 = vector.extract_strided_slice %exp3A {offsets = [6], sizes = [1], strides = [1]} : vector<16xf32> to vector<1xf32>
        %squeeze3A_486 = vector.extract %slice3A_485[0] : f32 from vector<1xf32>
        %mul3A_487 = vector.broadcast %squeeze3A_486 : f32 to vector<16xf32>
        %mul3A_488 = arith.mulf %get3A_484, %mul3A_487 : vector<16xf32>
        %add3A_489 = arith.constant 6 : i32
        %add3A_490 = arith.addi %mul3A_381, %add3A_489 : i32
        %swap3A_491 = arith.index_cast %add3A_490 : i32 to index
        %swap3A_492 = arith.constant 0 : index
        %swap3A_493 = tpu.vector_load %arg11[%swap3A_491, %swap3A_492] {strides = array<i32>} : memref<80x32xf32, #tpu.memory_space<vmem>>, vector<16xf32>,
        tpu.vector_store %arg11[%swap3A_491, %swap3A_492], %mul3A_488 {strides = array<i32>} : memref<80x32xf32, #tpu.memory_space<vmem>>, vector<16xf32>,
        %add3A_494 = arith.constant 7 : i32
        %add3A_495 = arith.addi %mul3A_381, %add3A_494 : i32
        %get3A_496 = arith.index_cast %add3A_495 : i32 to index
        %get3A_497 = arith.constant 0 : index
        %get3A_498 = tpu.vector_load %arg11[%get3A_496, %get3A_497] {strides = array<i32>} : memref<80x32xf32, #tpu.memory_space<vmem>>, vector<16xf32>,
        %slice3A_499 = vector.extract_strided_slice %exp3A {offsets = [7], sizes = [1], strides = [1]} : vector<16xf32> to vector<1xf32>
        %squeeze3A_500 = vector.extract %slice3A_499[0] : f32 from vector<1xf32>
        %mul3A_501 = vector.broadcast %squeeze3A_500 : f32 to vector<16xf32>
        %mul3A_502 = arith.mulf %get3A_498, %mul3A_501 : vector<16xf32>
        %add3A_503 = arith.constant 7 : i32
        %add3A_504 = arith.addi %mul3A_381, %add3A_503 : i32
        %swap3A_505 = arith.index_cast %add3A_504 : i32 to index
        %swap3A_506 = arith.constant 0 : index
        %swap3A_507 = tpu.vector_load %arg11[%swap3A_505, %swap3A_506] {strides = array<i32>} : memref<80x32xf32, #tpu.memory_space<vmem>>, vector<16xf32>,
        tpu.vector_store %arg11[%swap3A_505, %swap3A_506], %mul3A_502 {strides = array<i32>} : memref<80x32xf32, #tpu.memory_space<vmem>>, vector<16xf32>,
        %add3A_508 = arith.constant 8 : i32
        %add3A_509 = arith.addi %mul3A_381, %add3A_508 : i32
        %get3A_510 = arith.index_cast %add3A_509 : i32 to index
        %get3A_511 = arith.constant 0 : index
        %get3A_512 = tpu.vector_load %arg11[%get3A_510, %get3A_511] {strides = array<i32>} : memref<80x32xf32, #tpu.memory_space<vmem>>, vector<16xf32>,
        %slice3A_513 = vector.extract_strided_slice %exp3A {offsets = [8], sizes = [1], strides = [1]} : vector<16xf32> to vector<1xf32>
        %squeeze3A_514 = vector.extract %slice3A_513[0] : f32 from vector<1xf32>
        %mul3A_515 = vector.broadcast %squeeze3A_514 : f32 to vector<16xf32>
        %mul3A_516 = arith.mulf %get3A_512, %mul3A_515 : vector<16xf32>
        %add3A_517 = arith.constant 8 : i32
        %add3A_518 = arith.addi %mul3A_381, %add3A_517 : i32
        %swap3A_519 = arith.index_cast %add3A_518 : i32 to index
        %swap3A_520 = arith.constant 0 : index
        %swap3A_521 = tpu.vector_load %arg11[%swap3A_519, %swap3A_520] {strides = array<i32>} : memref<80x32xf32, #tpu.memory_space<vmem>>, vector<16xf32>,
        tpu.vector_store %arg11[%swap3A_519, %swap3A_520], %mul3A_516 {strides = array<i32>} : memref<80x32xf32, #tpu.memory_space<vmem>>, vector<16xf32>,
        %add3A_522 = arith.constant 9 : i32
        %add3A_523 = arith.addi %mul3A_381, %add3A_522 : i32
        %get3A_524 = arith.index_cast %add3A_523 : i32 to index
        %get3A_525 = arith.constant 0 : index
        %get3A_526 = tpu.vector_load %arg11[%get3A_524, %get3A_525] {strides = array<i32>} : memref<80x32xf32, #tpu.memory_space<vmem>>, vector<16xf32>,
        %slice3A_527 = vector.extract_strided_slice %exp3A {offsets = [9], sizes = [1], strides = [1]} : vector<16xf32> to vector<1xf32>
        %squeeze3A_528 = vector.extract %slice3A_527[0] : f32 from vector<1xf32>
        %mul3A_529 = vector.broadcast %squeeze3A_528 : f32 to vector<16xf32>
        %mul3A_530 = arith.mulf %get3A_526, %mul3A_529 : vector<16xf32>
        %add3A_531 = arith.constant 9 : i32
        %add3A_532 = arith.addi %mul3A_381, %add3A_531 : i32
        %swap3A_533 = arith.index_cast %add3A_532 : i32 to index
        %swap3A_534 = arith.constant 0 : index
        %swap3A_535 = tpu.vector_load %arg11[%swap3A_533, %swap3A_534] {strides = array<i32>} : memref<80x32xf32, #tpu.memory_space<vmem>>, vector<16xf32>,
        tpu.vector_store %arg11[%swap3A_533, %swap3A_534], %mul3A_530 {strides = array<i32>} : memref<80x32xf32, #tpu.memory_space<vmem>>, vector<16xf32>,
        %add3A_536 = arith.constant 10 : i32
        %add3A_537 = arith.addi %mul3A_381, %add3A_536 : i32
        %get3A_538 = arith.index_cast %add3A_537 : i32 to index
        %get3A_539 = arith.constant 0 : index
        %get3A_540 = tpu.vector_load %arg11[%get3A_538, %get3A_539] {strides = array<i32>} : memref<80x32xf32, #tpu.memory_space<vmem>>, vector<16xf32>,
        %slice3A_541 = vector.extract_strided_slice %exp3A {offsets = [10], sizes = [1], strides = [1]} : vector<16xf32> to vector<1xf32>
        %squeeze3A_542 = vector.extract %slice3A_541[0] : f32 from vector<1xf32>
        %mul3A_543 = vector.broadcast %squeeze3A_542 : f32 to vector<16xf32>
        %mul3A_544 = arith.mulf %get3A_540, %mul3A_543 : vector<16xf32>
        %add3A_545 = arith.constant 10 : i32
        %add3A_546 = arith.addi %mul3A_381, %add3A_545 : i32
        %swap3A_547 = arith.index_cast %add3A_546 : i32 to index
        %swap3A_548 = arith.constant 0 : index
        %swap3A_549 = tpu.vector_load %arg11[%swap3A_547, %swap3A_548] {strides = array<i32>} : memref<80x32xf32, #tpu.memory_space<vmem>>, vector<16xf32>,
        tpu.vector_store %arg11[%swap3A_547, %swap3A_548], %mul3A_544 {strides = array<i32>} : memref<80x32xf32, #tpu.memory_space<vmem>>, vector<16xf32>,
        %add3A_550 = arith.constant 11 : i32
        %add3A_551 = arith.addi %mul3A_381, %add3A_550 : i32
        %get3A_552 = arith.index_cast %add3A_551 : i32 to index
        %get3A_553 = arith.constant 0 : index
        %get3A_554 = tpu.vector_load %arg11[%get3A_552, %get3A_553] {strides = array<i32>} : memref<80x32xf32, #tpu.memory_space<vmem>>, vector<16xf32>,
        %slice3A_555 = vector.extract_strided_slice %exp3A {offsets = [11], sizes = [1], strides = [1]} : vector<16xf32> to vector<1xf32>
        %squeeze3A_556 = vector.extract %slice3A_555[0] : f32 from vector<1xf32>
        %mul3A_557 = vector.broadcast %squeeze3A_556 : f32 to vector<16xf32>
        %mul3A_558 = arith.mulf %get3A_554, %mul3A_557 : vector<16xf32>
        %add3A_559 = arith.constant 11 : i32
        %add3A_560 = arith.addi %mul3A_381, %add3A_559 : i32
        %swap3A_561 = arith.index_cast %add3A_560 : i32 to index
        %swap3A_562 = arith.constant 0 : index
        %swap3A_563 = tpu.vector_load %arg11[%swap3A_561, %swap3A_562] {strides = array<i32>} : memref<80x32xf32, #tpu.memory_space<vmem>>, vector<16xf32>,
        tpu.vector_store %arg11[%swap3A_561, %swap3A_562], %mul3A_558 {strides = array<i32>} : memref<80x32xf32, #tpu.memory_space<vmem>>, vector<16xf32>,
        %add3A_564 = arith.constant 12 : i32
        %add3A_565 = arith.addi %mul3A_381, %add3A_564 : i32
        %get3A_566 = arith.index_cast %add3A_565 : i32 to index
        %get3A_567 = arith.constant 0 : index
        %get3A_568 = tpu.vector_load %arg11[%get3A_566, %get3A_567] {strides = array<i32>} : memref<80x32xf32, #tpu.memory_space<vmem>>, vector<16xf32>,
        %slice3A_569 = vector.extract_strided_slice %exp3A {offsets = [12], sizes = [1], strides = [1]} : vector<16xf32> to vector<1xf32>
        %squeeze3A_570 = vector.extract %slice3A_569[0] : f32 from vector<1xf32>
        %mul3A_571 = vector.broadcast %squeeze3A_570 : f32 to vector<16xf32>
        %mul3A_572 = arith.mulf %get3A_568, %mul3A_571 : vector<16xf32>
        %add3A_573 = arith.constant 12 : i32
        %add3A_574 = arith.addi %mul3A_381, %add3A_573 : i32
        %swap3A_575 = arith.index_cast %add3A_574 : i32 to index
        %swap3A_576 = arith.constant 0 : index
        %swap3A_577 = tpu.vector_load %arg11[%swap3A_575, %swap3A_576] {strides = array<i32>} : memref<80x32xf32, #tpu.memory_space<vmem>>, vector<16xf32>,
        tpu.vector_store %arg11[%swap3A_575, %swap3A_576], %mul3A_572 {strides = array<i32>} : memref<80x32xf32, #tpu.memory_space<vmem>>, vector<16xf32>,
        %add3A_578 = arith.constant 13 : i32
        %add3A_579 = arith.addi %mul3A_381, %add3A_578 : i32
        %get3A_580 = arith.index_cast %add3A_579 : i32 to index
        %get3A_581 = arith.constant 0 : index
        %get3A_582 = tpu.vector_load %arg11[%get3A_580, %get3A_581] {strides = array<i32>} : memref<80x32xf32, #tpu.memory_space<vmem>>, vector<16xf32>,
        %slice3A_583 = vector.extract_strided_slice %exp3A {offsets = [13], sizes = [1], strides = [1]} : vector<16xf32> to vector<1xf32>
        %squeeze3A_584 = vector.extract %slice3A_583[0] : f32 from vector<1xf32>
        %mul3A_585 = vector.broadcast %squeeze3A_584 : f32 to vector<16xf32>
        %mul3A_586 = arith.mulf %get3A_582, %mul3A_585 : vector<16xf32>
        %add3A_587 = arith.constant 13 : i32
        %add3A_588 = arith.addi %mul3A_381, %add3A_587 : i32
        %swap3A_589 = arith.index_cast %add3A_588 : i32 to index
        %swap3A_590 = arith.constant 0 : index
        %swap3A_591 = tpu.vector_load %arg11[%swap3A_589, %swap3A_590] {strides = array<i32>} : memref<80x32xf32, #tpu.memory_space<vmem>>, vector<16xf32>,
        tpu.vector_store %arg11[%swap3A_589, %swap3A_590], %mul3A_586 {strides = array<i32>} : memref<80x32xf32, #tpu.memory_space<vmem>>, vector<16xf32>,
        %add3A_592 = arith.constant 14 : i32
        %add3A_593 = arith.addi %mul3A_381, %add3A_592 : i32
        %get3A_594 = arith.index_cast %add3A_593 : i32 to index
        %get3A_595 = arith.constant 0 : index
        %get3A_596 = tpu.vector_load %arg11[%get3A_594, %get3A_595] {strides = array<i32>} : memref<80x32xf32, #tpu.memory_space<vmem>>, vector<16xf32>,
        %slice3A_597 = vector.extract_strided_slice %exp3A {offsets = [14], sizes = [1], strides = [1]} : vector<16xf32> to vector<1xf32>
        %squeeze3A_598 = vector.extract %slice3A_597[0] : f32 from vector<1xf32>
        %mul3A_599 = vector.broadcast %squeeze3A_598 : f32 to vector<16xf32>
        %mul3A_600 = arith.mulf %get3A_596, %mul3A_599 : vector<16xf32>
        %add3A_601 = arith.constant 14 : i32
        %add3A_602 = arith.addi %mul3A_381, %add3A_601 : i32
        %swap3A_603 = arith.index_cast %add3A_602 : i32 to index
        %swap3A_604 = arith.constant 0 : index
        %swap3A_605 = tpu.vector_load %arg11[%swap3A_603, %swap3A_604] {strides = array<i32>} : memref<80x32xf32, #tpu.memory_space<vmem>>, vector<16xf32>,
        tpu.vector_store %arg11[%swap3A_603, %swap3A_604], %mul3A_600 {strides = array<i32>} : memref<80x32xf32, #tpu.memory_space<vmem>>, vector<16xf32>,
        %add3A_606 = arith.constant 15 : i32
        %add3A_607 = arith.addi %mul3A_381, %add3A_606 : i32
        %get3A_608 = arith.index_cast %add3A_607 : i32 to index
        %get3A_609 = arith.constant 0 : index
        %get3A_610 = tpu.vector_load %arg11[%get3A_608, %get3A_609] {strides = array<i32>} : memref<80x32xf32, #tpu.memory_space<vmem>>, vector<16xf32>,
        %slice3A_611 = vector.extract_strided_slice %exp3A {offsets = [15], sizes = [1], strides = [1]} : vector<16xf32> to vector<1xf32>
        %squeeze3A_612 = vector.extract %slice3A_611[0] : f32 from vector<1xf32>
        %mul3A_613 = vector.broadcast %squeeze3A_612 : f32 to vector<16xf32>
        %mul3A_614 = arith.mulf %get3A_610, %mul3A_613 : vector<16xf32>
        %add3A_615 = arith.constant 15 : i32
        %add3A_616 = arith.addi %mul3A_381, %add3A_615 : i32
        %swap3A_617 = arith.index_cast %add3A_616 : i32 to index
        %swap3A_618 = arith.constant 0 : index
        %swap3A_619 = tpu.vector_load %arg11[%swap3A_617, %swap3A_618] {strides = array<i32>} : memref<80x32xf32, #tpu.memory_space<vmem>>, vector<16xf32>,
        tpu.vector_store %arg11[%swap3A_617, %swap3A_618], %mul3A_614 {strides = array<i32>} : memref<80x32xf32, #tpu.memory_space<vmem>>, vector<16xf32>,
      }
      %scan3A_371 = arith.constant 5 : i32
      %dma_start3A_372 = arith.constant 1 : i32
      %dma_start3A_373 = arith.constant 0 : i32
      %dma_start3A_374 = tpu.memref_slice %arg8[%dma_start3A_372, %dma_start3A_373] : memref<2x80xi32, #tpu.memory_space<vmem>> -> memref<1x80xi32, #tpu.memory_space<vmem>>
      %dma_start3A_375 = tpu.memref_squeeze %dma_start3A_374 : memref<1x80xi32, #tpu.memory_space<vmem>> -> memref<80xi32, #tpu.memory_space<vmem>>
      %dma_start3A_376 = arith.constant 0 : i32
      %dma_start3A_377 = arith.constant 0 : i32
      %dma_start3A_378 = tpu.memref_slice %arg13[%dma_start3A_376, %dma_start3A_377] : memref<10240x32xf32, #tpu.memory_space<vmem_shared>> -> memref<10240x32xf32, #tpu.memory_space<vmem_shared>>
      tpu.enqueue_indirect_dma source(%arg11 : memref<80x32xf32, #tpu.memory_space<vmem>>) target(%dma_start3A_378 : memref<10240x32xf32, #tpu.memory_space<vmem_shared>>) offsets(%dma_start3A_375 : memref<80xi32, #tpu.memory_space<vmem>>) semaphore(%arg19 : memref<!tpu.dma_semaphore, #tpu.memory_space<semaphore_mem>>) {add = true}
    }
    %scan3A_130 = arith.constant 43 : i32
    %dma_wait3A_131 = arith.constant 0 : i32
    %dma_wait3A_132 = arith.constant 0 : i32
    %dma_wait3A_133 = tpu.memref_slice %arg2[%dma_wait3A_131, %dma_wait3A_132] : memref<10240x32xf32, #tpu.memory_space<hbm>> -> memref<80x32xf32, #tpu.memory_space<hbm>>
    %dma_wait3A_134 = arith.constant 0 : i32
    %dma_wait3A_135 = arith.constant 0 : i32
    %dma_wait3A_136 = tpu.memref_slice %arg2[%dma_wait3A_134, %dma_wait3A_135] : memref<10240x32xf32, #tpu.memory_space<hbm>> -> memref<80x32xf32, #tpu.memory_space<hbm>>
    tpu.wait_dma2 semaphore(%arg18 : memref<!tpu.dma_semaphore, #tpu.memory_space<semaphore_mem>>) src(%dma_wait3A_136 : memref<80x32xf32, #tpu.memory_space<hbm>>) dst(%arg10 : memref<80x32xf32, #tpu.memory_space<vmem>>)
    %dma_wait3A_137 = arith.constant 0 : i32
    %dma_wait3A_138 = arith.constant 0 : i32
    %dma_wait3A_139 = tpu.memref_slice %arg2[%dma_wait3A_137, %dma_wait3A_138] : memref<10240x32xf32, #tpu.memory_space<hbm>> -> memref<80x32xf32, #tpu.memory_space<hbm>>
    %dma_wait3A_140 = arith.constant 0 : i32
    %dma_wait3A_141 = arith.constant 0 : i32
    %dma_wait3A_142 = tpu.memref_slice %arg2[%dma_wait3A_140, %dma_wait3A_141] : memref<10240x32xf32, #tpu.memory_space<hbm>> -> memref<80x32xf32, #tpu.memory_space<hbm>>
    tpu.wait_dma2 semaphore(%arg19 : memref<!tpu.dma_semaphore, #tpu.memory_space<semaphore_mem>>) src(%dma_wait3A_142 : memref<80x32xf32, #tpu.memory_space<hbm>>) dst(%arg11 : memref<80x32xf32, #tpu.memory_space<vmem>>)
    %barrier3A_143 = arith.constant 0 : index
    tpu.barrier barrier_id(%barrier3A_143)
    %add3A_144 = arith.constant 0 : i32
    %add3A_145 = arith.addi %mul3A_2, %add3A_144 : i32
    "tpu.region"() ({
      %run_scoped3A = tpu.sem_alloc : memref<!tpu.dma_semaphore, #tpu.memory_space<semaphore_mem>>
      %dma_start3A_256 = arith.constant 0 : i32
      %dma_start3A_257 = tpu.memref_slice %arg13[%add3A_145, %dma_start3A_256] : memref<10240x32xf32, #tpu.memory_space<vmem_shared>> -> memref<80x32xf32, #tpu.memory_space<vmem_shared>>
      %dma_start3A_258 = arith.constant 0 : i32
      %dma_start3A_259 = tpu.memref_slice %arg13[%add3A_145, %dma_start3A_258] : memref<10240x32xf32, #tpu.memory_space<vmem_shared>> -> memref<80x32xf32, #tpu.memory_space<vmem_shared>>
      tpu.enqueue_dma source(%dma_start3A_259 : memref<80x32xf32, #tpu.memory_space<vmem_shared>>) target(%arg9 : memref<80x32xf32, #tpu.memory_space<vmem>>) target_semaphore(%run_scoped3A : memref<!tpu.dma_semaphore, #tpu.memory_space<semaphore_mem>>)
      %dma_wait3A_260 = arith.constant 0 : i32
      %dma_wait3A_261 = tpu.memref_slice %arg13[%add3A_145, %dma_wait3A_260] : memref<10240x32xf32, #tpu.memory_space<vmem_shared>> -> memref<80x32xf32, #tpu.memory_space<vmem_shared>>
      %dma_wait3A_262 = arith.constant 0 : i32
      %dma_wait3A_263 = tpu.memref_slice %arg13[%add3A_145, %dma_wait3A_262] : memref<10240x32xf32, #tpu.memory_space<vmem_shared>> -> memref<80x32xf32, #tpu.memory_space<vmem_shared>>
      tpu.wait_dma2 semaphore(%run_scoped3A : memref<!tpu.dma_semaphore, #tpu.memory_space<semaphore_mem>>) src(%dma_wait3A_263 : memref<80x32xf32, #tpu.memory_space<vmem_shared>>) dst(%arg9 : memref<80x32xf32, #tpu.memory_space<vmem>>)
      tpu.yield
    }) : () -> ()
    %dma_start3A_146 = arith.constant 0 : i32
    %dma_start3A_147 = tpu.memref_slice %arg5[%arg0, %add3A_145, %dma_start3A_146] : memref<2x10240x32xf32, #tpu.memory_space<hbm>> -> memref<1x80x32xf32, #tpu.memory_space<hbm>>
    %dma_start3A_148 = tpu.memref_squeeze %dma_start3A_147 : memref<1x80x32xf32, #tpu.memory_space<hbm>> -> memref<80x32xf32, #tpu.memory_space<hbm>>
    %dma_start3A_149 = arith.constant 0 : i32
    %dma_start3A_150 = tpu.memref_slice %arg5[%arg0, %add3A_145, %dma_start3A_149] : memref<2x10240x32xf32, #tpu.memory_space<hbm>> -> memref<1x80x32xf32, #tpu.memory_space<hbm>>
    %dma_start3A_151 = tpu.memref_squeeze %dma_start3A_150 : memref<1x80x32xf32, #tpu.memory_space<hbm>> -> memref<80x32xf32, #tpu.memory_space<hbm>>
    tpu.enqueue_dma source(%arg9 : memref<80x32xf32, #tpu.memory_space<vmem>>) target(%dma_start3A_151 : memref<80x32xf32, #tpu.memory_space<hbm>>) target_semaphore(%arg14 : memref<!tpu.dma_semaphore, #tpu.memory_space<semaphore_mem>>)
    %add3A_152 = arith.constant 80 : i32
    %add3A_153 = arith.addi %mul3A_2, %add3A_152 : i32
    "tpu.region"() ({
      %run_scoped3A = tpu.sem_alloc : memref<!tpu.dma_semaphore, #tpu.memory_space<semaphore_mem>>
      %dma_start3A_256 = arith.constant 0 : i32
      %dma_start3A_257 = tpu.memref_slice %arg13[%add3A_153, %dma_start3A_256] : memref<10240x32xf32, #tpu.memory_space<vmem_shared>> -> memref<80x32xf32, #tpu.memory_space<vmem_shared>>
      %dma_start3A_258 = arith.constant 0 : i32
      %dma_start3A_259 = tpu.memref_slice %arg13[%add3A_153, %dma_start3A_258] : memref<10240x32xf32, #tpu.memory_space<vmem_shared>> -> memref<80x32xf32, #tpu.memory_space<vmem_shared>>
      tpu.enqueue_dma source(%dma_start3A_259 : memref<80x32xf32, #tpu.memory_space<vmem_shared>>) target(%arg10 : memref<80x32xf32, #tpu.memory_space<vmem>>) target_semaphore(%run_scoped3A : memref<!tpu.dma_semaphore, #tpu.memory_space<semaphore_mem>>)
      %dma_wait3A_260 = arith.constant 0 : i32
      %dma_wait3A_261 = tpu.memref_slice %arg13[%add3A_153, %dma_wait3A_260] : memref<10240x32xf32, #tpu.memory_space<vmem_shared>> -> memref<80x32xf32, #tpu.memory_space<vmem_shared>>
      %dma_wait3A_262 = arith.constant 0 : i32
      %dma_wait3A_263 = tpu.memref_slice %arg13[%add3A_153, %dma_wait3A_262] : memref<10240x32xf32, #tpu.memory_space<vmem_shared>> -> memref<80x32xf32, #tpu.memory_space<vmem_shared>>
      tpu.wait_dma2 semaphore(%run_scoped3A : memref<!tpu.dma_semaphore, #tpu.memory_space<semaphore_mem>>) src(%dma_wait3A_263 : memref<80x32xf32, #tpu.memory_space<vmem_shared>>) dst(%arg10 : memref<80x32xf32, #tpu.memory_space<vmem>>)
      tpu.yield
    }) : () -> ()
    %dma_start3A_154 = arith.constant 0 : i32
    %dma_start3A_155 = tpu.memref_slice %arg5[%arg0, %add3A_153, %dma_start3A_154] : memref<2x10240x32xf32, #tpu.memory_space<hbm>> -> memref<1x80x32xf32, #tpu.memory_space<hbm>>
    %dma_start3A_156 = tpu.memref_squeeze %dma_start3A_155 : memref<1x80x32xf32, #tpu.memory_space<hbm>> -> memref<80x32xf32, #tpu.memory_space<hbm>>
    %dma_start3A_157 = arith.constant 0 : i32
    %dma_start3A_158 = tpu.memref_slice %arg5[%arg0, %add3A_153, %dma_start3A_157] : memref<2x10240x32xf32, #tpu.memory_space<hbm>> -> memref<1x80x32xf32, #tpu.memory_space<hbm>>
    %dma_start3A_159 = tpu.memref_squeeze %dma_start3A_158 : memref<1x80x32xf32, #tpu.memory_space<hbm>> -> memref<80x32xf32, #tpu.memory_space<hbm>>
    tpu.enqueue_dma source(%arg10 : memref<80x32xf32, #tpu.memory_space<vmem>>) target(%dma_start3A_159 : memref<80x32xf32, #tpu.memory_space<hbm>>) target_semaphore(%arg15 : memref<!tpu.dma_semaphore, #tpu.memory_space<semaphore_mem>>)
    %add3A_160 = arith.constant 160 : i32
    %add3A_161 = arith.addi %mul3A_2, %add3A_160 : i32
    %dma_wait3A_162 = arith.constant 0 : i32
    %dma_wait3A_163 = tpu.memref_slice %arg5[%arg0, %mul3A_2, %dma_wait3A_162] : memref<2x10240x32xf32, #tpu.memory_space<hbm>> -> memref<1x80x32xf32, #tpu.memory_space<hbm>>
    %dma_wait3A_164 = tpu.memref_squeeze %dma_wait3A_163 : memref<1x80x32xf32, #tpu.memory_space<hbm>> -> memref<80x32xf32, #tpu.memory_space<hbm>>
    %dma_wait3A_165 = arith.constant 0 : i32
    %dma_wait3A_166 = tpu.memref_slice %arg5[%arg0, %mul3A_2, %dma_wait3A_165] : memref<2x10240x32xf32, #tpu.memory_space<hbm>> -> memref<1x80x32xf32, #tpu.memory_space<hbm>>
    %dma_wait3A_167 = tpu.memref_squeeze %dma_wait3A_166 : memref<1x80x32xf32, #tpu.memory_space<hbm>> -> memref<80x32xf32, #tpu.memory_space<hbm>>
    tpu.wait_dma2 semaphore(%arg14 : memref<!tpu.dma_semaphore, #tpu.memory_space<semaphore_mem>>) src(%dma_wait3A_167 : memref<80x32xf32, #tpu.memory_space<hbm>>) dst(%arg9 : memref<80x32xf32, #tpu.memory_space<vmem>>)
    "tpu.region"() ({
      %run_scoped3A = tpu.sem_alloc : memref<!tpu.dma_semaphore, #tpu.memory_space<semaphore_mem>>
      %dma_start3A_256 = arith.constant 0 : i32
      %dma_start3A_257 = tpu.memref_slice %arg13[%add3A_161, %dma_start3A_256] : memref<10240x32xf32, #tpu.memory_space<vmem_shared>> -> memref<80x32xf32, #tpu.memory_space<vmem_shared>>
      %dma_start3A_258 = arith.constant 0 : i32
      %dma_start3A_259 = tpu.memref_slice %arg13[%add3A_161, %dma_start3A_258] : memref<10240x32xf32, #tpu.memory_space<vmem_shared>> -> memref<80x32xf32, #tpu.memory_space<vmem_shared>>
      tpu.enqueue_dma source(%dma_start3A_259 : memref<80x32xf32, #tpu.memory_space<vmem_shared>>) target(%arg9 : memref<80x32xf32, #tpu.memory_space<vmem>>) target_semaphore(%run_scoped3A : memref<!tpu.dma_semaphore, #tpu.memory_space<semaphore_mem>>)
      %dma_wait3A_260 = arith.constant 0 : i32
      %dma_wait3A_261 = tpu.memref_slice %arg13[%add3A_161, %dma_wait3A_260] : memref<10240x32xf32, #tpu.memory_space<vmem_shared>> -> memref<80x32xf32, #tpu.memory_space<vmem_shared>>
      %dma_wait3A_262 = arith.constant 0 : i32
      %dma_wait3A_263 = tpu.memref_slice %arg13[%add3A_161, %dma_wait3A_262] : memref<10240x32xf32, #tpu.memory_space<vmem_shared>> -> memref<80x32xf32, #tpu.memory_space<vmem_shared>>
      tpu.wait_dma2 semaphore(%run_scoped3A : memref<!tpu.dma_semaphore, #tpu.memory_space<semaphore_mem>>) src(%dma_wait3A_263 : memref<80x32xf32, #tpu.memory_space<vmem_shared>>) dst(%arg9 : memref<80x32xf32, #tpu.memory_space<vmem>>)
      tpu.yield
    }) : () -> ()
    %dma_start3A_168 = arith.constant 0 : i32
    %dma_start3A_169 = tpu.memref_slice %arg5[%arg0, %add3A_161, %dma_start3A_168] : memref<2x10240x32xf32, #tpu.memory_space<hbm>> -> memref<1x80x32xf32, #tpu.memory_space<hbm>>
    %dma_start3A_170 = tpu.memref_squeeze %dma_start3A_169 : memref<1x80x32xf32, #tpu.memory_space<hbm>> -> memref<80x32xf32, #tpu.memory_space<hbm>>
    %dma_start3A_171 = arith.constant 0 : i32
    %dma_start3A_172 = tpu.memref_slice %arg5[%arg0, %add3A_161, %dma_start3A_171] : memref<2x10240x32xf32, #tpu.memory_space<hbm>> -> memref<1x80x32xf32, #tpu.memory_space<hbm>>
    %dma_start3A_173 = tpu.memref_squeeze %dma_start3A_172 : memref<1x80x32xf32, #tpu.memory_space<hbm>> -> memref<80x32xf32, #tpu.memory_space<hbm>>
    tpu.enqueue_dma source(%arg9 : memref<80x32xf32, #tpu.memory_space<vmem>>) target(%dma_start3A_173 : memref<80x32xf32, #tpu.memory_space<hbm>>) target_semaphore(%arg14 : memref<!tpu.dma_semaphore, #tpu.memory_space<semaphore_mem>>)
    %add3A_174 = arith.constant 240 : i32
    %add3A_175 = arith.addi %mul3A_2, %add3A_174 : i32
    %dma_wait3A_176 = arith.constant 0 : i32
    %dma_wait3A_177 = tpu.memref_slice %arg5[%arg0, %mul3A_2, %dma_wait3A_176] : memref<2x10240x32xf32, #tpu.memory_space<hbm>> -> memref<1x80x32xf32, #tpu.memory_space<hbm>>
    %dma_wait3A_178 = tpu.memref_squeeze %dma_wait3A_177 : memref<1x80x32xf32, #tpu.memory_space<hbm>> -> memref<80x32xf32, #tpu.memory_space<hbm>>
    %dma_wait3A_179 = arith.constant 0 : i32
    %dma_wait3A_180 = tpu.memref_slice %arg5[%arg0, %mul3A_2, %dma_wait3A_179] : memref<2x10240x32xf32, #tpu.memory_space<hbm>> -> memref<1x80x32xf32, #tpu.memory_space<hbm>>
    %dma_wait3A_181 = tpu.memref_squeeze %dma_wait3A_180 : memref<1x80x32xf32, #tpu.memory_space<hbm>> -> memref<80x32xf32, #tpu.memory_space<hbm>>
    tpu.wait_dma2 semaphore(%arg15 : memref<!tpu.dma_semaphore, #tpu.memory_space<semaphore_mem>>) src(%dma_wait3A_181 : memref<80x32xf32, #tpu.memory_space<hbm>>) dst(%arg10 : memref<80x32xf32, #tpu.memory_space<vmem>>)
    "tpu.region"() ({
      %run_scoped3A = tpu.sem_alloc : memref<!tpu.dma_semaphore, #tpu.memory_space<semaphore_mem>>
      %dma_start3A_256 = arith.constant 0 : i32
      %dma_start3A_257 = tpu.memref_slice %arg13[%add3A_175, %dma_start3A_256] : memref<10240x32xf32, #tpu.memory_space<vmem_shared>> -> memref<80x32xf32, #tpu.memory_space<vmem_shared>>
      %dma_start3A_258 = arith.constant 0 : i32
      %dma_start3A_259 = tpu.memref_slice %arg13[%add3A_175, %dma_start3A_258] : memref<10240x32xf32, #tpu.memory_space<vmem_shared>> -> memref<80x32xf32, #tpu.memory_space<vmem_shared>>
      tpu.enqueue_dma source(%dma_start3A_259 : memref<80x32xf32, #tpu.memory_space<vmem_shared>>) target(%arg10 : memref<80x32xf32, #tpu.memory_space<vmem>>) target_semaphore(%run_scoped3A : memref<!tpu.dma_semaphore, #tpu.memory_space<semaphore_mem>>)
      %dma_wait3A_260 = arith.constant 0 : i32
      %dma_wait3A_261 = tpu.memref_slice %arg13[%add3A_175, %dma_wait3A_260] : memref<10240x32xf32, #tpu.memory_space<vmem_shared>> -> memref<80x32xf32, #tpu.memory_space<vmem_shared>>
      %dma_wait3A_262 = arith.constant 0 : i32
      %dma_wait3A_263 = tpu.memref_slice %arg13[%add3A_175, %dma_wait3A_262] : memref<10240x32xf32, #tpu.memory_space<vmem_shared>> -> memref<80x32xf32, #tpu.memory_space<vmem_shared>>
      tpu.wait_dma2 semaphore(%run_scoped3A : memref<!tpu.dma_semaphore, #tpu.memory_space<semaphore_mem>>) src(%dma_wait3A_263 : memref<80x32xf32, #tpu.memory_space<vmem_shared>>) dst(%arg10 : memref<80x32xf32, #tpu.memory_space<vmem>>)
      tpu.yield
    }) : () -> ()
    %dma_start3A_182 = arith.constant 0 : i32
    %dma_start3A_183 = tpu.memref_slice %arg5[%arg0, %add3A_175, %dma_start3A_182] : memref<2x10240x32xf32, #tpu.memory_space<hbm>> -> memref<1x80x32xf32, #tpu.memory_space<hbm>>
    %dma_start3A_184 = tpu.memref_squeeze %dma_start3A_183 : memref<1x80x32xf32, #tpu.memory_space<hbm>> -> memref<80x32xf32, #tpu.memory_space<hbm>>
    %dma_start3A_185 = arith.constant 0 : i32
    %dma_start3A_186 = tpu.memref_slice %arg5[%arg0, %add3A_175, %dma_start3A_185] : memref<2x10240x32xf32, #tpu.memory_space<hbm>> -> memref<1x80x32xf32, #tpu.memory_space<hbm>>
    %dma_start3A_187 = tpu.memref_squeeze %dma_start3A_186 : memref<1x80x32xf32, #tpu.memory_space<hbm>> -> memref<80x32xf32, #tpu.memory_space<hbm>>
    tpu.enqueue_dma source(%arg10 : memref<80x32xf32, #tpu.memory_space<vmem>>) target(%dma_start3A_187 : memref<80x32xf32, #tpu.memory_space<hbm>>) target_semaphore(%arg15 : memref<!tpu.dma_semaphore, #tpu.memory_space<semaphore_mem>>)
    %add3A_188 = arith.constant 320 : i32
    %add3A_189 = arith.addi %mul3A_2, %add3A_188 : i32
    %dma_wait3A_190 = arith.constant 0 : i32
    %dma_wait3A_191 = tpu.memref_slice %arg5[%arg0, %mul3A_2, %dma_wait3A_190] : memref<2x10240x32xf32, #tpu.memory_space<hbm>> -> memref<1x80x32xf32, #tpu.memory_space<hbm>>
    %dma_wait3A_192 = tpu.memref_squeeze %dma_wait3A_191 : memref<1x80x32xf32, #tpu.memory_space<hbm>> -> memref<80x32xf32, #tpu.memory_space<hbm>>
    %dma_wait3A_193 = arith.constant 0 : i32
    %dma_wait3A_194 = tpu.memref_slice %arg5[%arg0, %mul3A_2, %dma_wait3A_193] : memref<2x10240x32xf32, #tpu.memory_space<hbm>> -> memref<1x80x32xf32, #tpu.memory_space<hbm>>
    %dma_wait3A_195 = tpu.memref_squeeze %dma_wait3A_194 : memref<1x80x32xf32, #tpu.memory_space<hbm>> -> memref<80x32xf32, #tpu.memory_space<hbm>>
    tpu.wait_dma2 semaphore(%arg14 : memref<!tpu.dma_semaphore, #tpu.memory_space<semaphore_mem>>) src(%dma_wait3A_195 : memref<80x32xf32, #tpu.memory_space<hbm>>) dst(%arg9 : memref<80x32xf32, #tpu.memory_space<vmem>>)
    "tpu.region"() ({
      %run_scoped3A = tpu.sem_alloc : memref<!tpu.dma_semaphore, #tpu.memory_space<semaphore_mem>>
      %dma_start3A_256 = arith.constant 0 : i32
      %dma_start3A_257 = tpu.memref_slice %arg13[%add3A_189, %dma_start3A_256] : memref<10240x32xf32, #tpu.memory_space<vmem_shared>> -> memref<80x32xf32, #tpu.memory_space<vmem_shared>>
      %dma_start3A_258 = arith.constant 0 : i32
      %dma_start3A_259 = tpu.memref_slice %arg13[%add3A_189, %dma_start3A_258] : memref<10240x32xf32, #tpu.memory_space<vmem_shared>> -> memref<80x32xf32, #tpu.memory_space<vmem_shared>>
      tpu.enqueue_dma source(%dma_start3A_259 : memref<80x32xf32, #tpu.memory_space<vmem_shared>>) target(%arg9 : memref<80x32xf32, #tpu.memory_space<vmem>>) target_semaphore(%run_scoped3A : memref<!tpu.dma_semaphore, #tpu.memory_space<semaphore_mem>>)
      %dma_wait3A_260 = arith.constant 0 : i32
      %dma_wait3A_261 = tpu.memref_slice %arg13[%add3A_189, %dma_wait3A_260] : memref<10240x32xf32, #tpu.memory_space<vmem_shared>> -> memref<80x32xf32, #tpu.memory_space<vmem_shared>>
      %dma_wait3A_262 = arith.constant 0 : i32
      %dma_wait3A_263 = tpu.memref_slice %arg13[%add3A_189, %dma_wait3A_262] : memref<10240x32xf32, #tpu.memory_space<vmem_shared>> -> memref<80x32xf32, #tpu.memory_space<vmem_shared>>
      tpu.wait_dma2 semaphore(%run_scoped3A : memref<!tpu.dma_semaphore, #tpu.memory_space<semaphore_mem>>) src(%dma_wait3A_263 : memref<80x32xf32, #tpu.memory_space<vmem_shared>>) dst(%arg9 : memref<80x32xf32, #tpu.memory_space<vmem>>)
      tpu.yield
    }) : () -> ()
    %dma_start3A_196 = arith.constant 0 : i32
    %dma_start3A_197 = tpu.memref_slice %arg5[%arg0, %add3A_189, %dma_start3A_196] : memref<2x10240x32xf32, #tpu.memory_space<hbm>> -> memref<1x80x32xf32, #tpu.memory_space<hbm>>
    %dma_start3A_198 = tpu.memref_squeeze %dma_start3A_197 : memref<1x80x32xf32, #tpu.memory_space<hbm>> -> memref<80x32xf32, #tpu.memory_space<hbm>>
    %dma_start3A_199 = arith.constant 0 : i32
    %dma_start3A_200 = tpu.memref_slice %arg5[%arg0, %add3A_189, %dma_start3A_199] : memref<2x10240x32xf32, #tpu.memory_space<hbm>> -> memref<1x80x32xf32, #tpu.memory_space<hbm>>
    %dma_start3A_201 = tpu.memref_squeeze %dma_start3A_200 : memref<1x80x32xf32, #tpu.memory_space<hbm>> -> memref<80x32xf32, #tpu.memory_space<hbm>>
    tpu.enqueue_dma source(%arg9 : memref<80x32xf32, #tpu.memory_space<vmem>>) target(%dma_start3A_201 : memref<80x32xf32, #tpu.memory_space<hbm>>) target_semaphore(%arg14 : memref<!tpu.dma_semaphore, #tpu.memory_space<semaphore_mem>>)
    %add3A_202 = arith.constant 400 : i32
    %add3A_203 = arith.addi %mul3A_2, %add3A_202 : i32
    %dma_wait3A_204 = arith.constant 0 : i32
    %dma_wait3A_205 = tpu.memref_slice %arg5[%arg0, %mul3A_2, %dma_wait3A_204] : memref<2x10240x32xf32, #tpu.memory_space<hbm>> -> memref<1x80x32xf32, #tpu.memory_space<hbm>>
    %dma_wait3A_206 = tpu.memref_squeeze %dma_wait3A_205 : memref<1x80x32xf32, #tpu.memory_space<hbm>> -> memref<80x32xf32, #tpu.memory_space<hbm>>
    %dma_wait3A_207 = arith.constant 0 : i32
    %dma_wait3A_208 = tpu.memref_slice %arg5[%arg0, %mul3A_2, %dma_wait3A_207] : memref<2x10240x32xf32, #tpu.memory_space<hbm>> -> memref<1x80x32xf32, #tpu.memory_space<hbm>>
    %dma_wait3A_209 = tpu.memref_squeeze %dma_wait3A_208 : memref<1x80x32xf32, #tpu.memory_space<hbm>> -> memref<80x32xf32, #tpu.memory_space<hbm>>
    tpu.wait_dma2 semaphore(%arg15 : memref<!tpu.dma_semaphore, #tpu.memory_space<semaphore_mem>>) src(%dma_wait3A_209 : memref<80x32xf32, #tpu.memory_space<hbm>>) dst(%arg10 : memref<80x32xf32, #tpu.memory_space<vmem>>)
    "tpu.region"() ({
      %run_scoped3A = tpu.sem_alloc : memref<!tpu.dma_semaphore, #tpu.memory_space<semaphore_mem>>
      %dma_start3A_256 = arith.constant 0 : i32
      %dma_start3A_257 = tpu.memref_slice %arg13[%add3A_203, %dma_start3A_256] : memref<10240x32xf32, #tpu.memory_space<vmem_shared>> -> memref<80x32xf32, #tpu.memory_space<vmem_shared>>
      %dma_start3A_258 = arith.constant 0 : i32
      %dma_start3A_259 = tpu.memref_slice %arg13[%add3A_203, %dma_start3A_258] : memref<10240x32xf32, #tpu.memory_space<vmem_shared>> -> memref<80x32xf32, #tpu.memory_space<vmem_shared>>
      tpu.enqueue_dma source(%dma_start3A_259 : memref<80x32xf32, #tpu.memory_space<vmem_shared>>) target(%arg10 : memref<80x32xf32, #tpu.memory_space<vmem>>) target_semaphore(%run_scoped3A : memref<!tpu.dma_semaphore, #tpu.memory_space<semaphore_mem>>)
      %dma_wait3A_260 = arith.constant 0 : i32
      %dma_wait3A_261 = tpu.memref_slice %arg13[%add3A_203, %dma_wait3A_260] : memref<10240x32xf32, #tpu.memory_space<vmem_shared>> -> memref<80x32xf32, #tpu.memory_space<vmem_shared>>
      %dma_wait3A_262 = arith.constant 0 : i32
      %dma_wait3A_263 = tpu.memref_slice %arg13[%add3A_203, %dma_wait3A_262] : memref<10240x32xf32, #tpu.memory_space<vmem_shared>> -> memref<80x32xf32, #tpu.memory_space<vmem_shared>>
      tpu.wait_dma2 semaphore(%run_scoped3A : memref<!tpu.dma_semaphore, #tpu.memory_space<semaphore_mem>>) src(%dma_wait3A_263 : memref<80x32xf32, #tpu.memory_space<vmem_shared>>) dst(%arg10 : memref<80x32xf32, #tpu.memory_space<vmem>>)
      tpu.yield
    }) : () -> ()
    %dma_start3A_210 = arith.constant 0 : i32
    %dma_start3A_211 = tpu.memref_slice %arg5[%arg0, %add3A_203, %dma_start3A_210] : memref<2x10240x32xf32, #tpu.memory_space<hbm>> -> memref<1x80x32xf32, #tpu.memory_space<hbm>>
    %dma_start3A_212 = tpu.memref_squeeze %dma_start3A_211 : memref<1x80x32xf32, #tpu.memory_space<hbm>> -> memref<80x32xf32, #tpu.memory_space<hbm>>
    %dma_start3A_213 = arith.constant 0 : i32
    %dma_start3A_214 = tpu.memref_slice %arg5[%arg0, %add3A_203, %dma_start3A_213] : memref<2x10240x32xf32, #tpu.memory_space<hbm>> -> memref<1x80x32xf32, #tpu.memory_space<hbm>>
    %dma_start3A_215 = tpu.memref_squeeze %dma_start3A_214 : memref<1x80x32xf32, #tpu.memory_space<hbm>> -> memref<80x32xf32, #tpu.memory_space<hbm>>
    tpu.enqueue_dma source(%arg10 : memref<80x32xf32, #tpu.memory_space<vmem>>) target(%dma_start3A_215 : memref<80x32xf32, #tpu.memory_space<hbm>>) target_semaphore(%arg15 : memref<!tpu.dma_semaphore, #tpu.memory_space<semaphore_mem>>)
    %add3A_216 = arith.constant 480 : i32
    %add3A_217 = arith.addi %mul3A_2, %add3A_216 : i32
    %dma_wait3A_218 = arith.constant 0 : i32
    %dma_wait3A_219 = tpu.memref_slice %arg5[%arg0, %mul3A_2, %dma_wait3A_218] : memref<2x10240x32xf32, #tpu.memory_space<hbm>> -> memref<1x80x32xf32, #tpu.memory_space<hbm>>
    %dma_wait3A_220 = tpu.memref_squeeze %dma_wait3A_219 : memref<1x80x32xf32, #tpu.memory_space<hbm>> -> memref<80x32xf32, #tpu.memory_space<hbm>>
    %dma_wait3A_221 = arith.constant 0 : i32
    %dma_wait3A_222 = tpu.memref_slice %arg5[%arg0, %mul3A_2, %dma_wait3A_221] : memref<2x10240x32xf32, #tpu.memory_space<hbm>> -> memref<1x80x32xf32, #tpu.memory_space<hbm>>
    %dma_wait3A_223 = tpu.memref_squeeze %dma_wait3A_222 : memref<1x80x32xf32, #tpu.memory_space<hbm>> -> memref<80x32xf32, #tpu.memory_space<hbm>>
    tpu.wait_dma2 semaphore(%arg14 : memref<!tpu.dma_semaphore, #tpu.memory_space<semaphore_mem>>) src(%dma_wait3A_223 : memref<80x32xf32, #tpu.memory_space<hbm>>) dst(%arg9 : memref<80x32xf32, #tpu.memory_space<vmem>>)
    "tpu.region"() ({
      %run_scoped3A = tpu.sem_alloc : memref<!tpu.dma_semaphore, #tpu.memory_space<semaphore_mem>>
      %dma_start3A_256 = arith.constant 0 : i32
      %dma_start3A_257 = tpu.memref_slice %arg13[%add3A_217, %dma_start3A_256] : memref<10240x32xf32, #tpu.memory_space<vmem_shared>> -> memref<80x32xf32, #tpu.memory_space<vmem_shared>>
      %dma_start3A_258 = arith.constant 0 : i32
      %dma_start3A_259 = tpu.memref_slice %arg13[%add3A_217, %dma_start3A_258] : memref<10240x32xf32, #tpu.memory_space<vmem_shared>> -> memref<80x32xf32, #tpu.memory_space<vmem_shared>>
      tpu.enqueue_dma source(%dma_start3A_259 : memref<80x32xf32, #tpu.memory_space<vmem_shared>>) target(%arg9 : memref<80x32xf32, #tpu.memory_space<vmem>>) target_semaphore(%run_scoped3A : memref<!tpu.dma_semaphore, #tpu.memory_space<semaphore_mem>>)
      %dma_wait3A_260 = arith.constant 0 : i32
      %dma_wait3A_261 = tpu.memref_slice %arg13[%add3A_217, %dma_wait3A_260] : memref<10240x32xf32, #tpu.memory_space<vmem_shared>> -> memref<80x32xf32, #tpu.memory_space<vmem_shared>>
      %dma_wait3A_262 = arith.constant 0 : i32
      %dma_wait3A_263 = tpu.memref_slice %arg13[%add3A_217, %dma_wait3A_262] : memref<10240x32xf32, #tpu.memory_space<vmem_shared>> -> memref<80x32xf32, #tpu.memory_space<vmem_shared>>
      tpu.wait_dma2 semaphore(%run_scoped3A : memref<!tpu.dma_semaphore, #tpu.memory_space<semaphore_mem>>) src(%dma_wait3A_263 : memref<80x32xf32, #tpu.memory_space<vmem_shared>>) dst(%arg9 : memref<80x32xf32, #tpu.memory_space<vmem>>)
      tpu.yield
    }) : () -> ()
    %dma_start3A_224 = arith.constant 0 : i32
    %dma_start3A_225 = tpu.memref_slice %arg5[%arg0, %add3A_217, %dma_start3A_224] : memref<2x10240x32xf32, #tpu.memory_space<hbm>> -> memref<1x80x32xf32, #tpu.memory_space<hbm>>
    %dma_start3A_226 = tpu.memref_squeeze %dma_start3A_225 : memref<1x80x32xf32, #tpu.memory_space<hbm>> -> memref<80x32xf32, #tpu.memory_space<hbm>>
    %dma_start3A_227 = arith.constant 0 : i32
    %dma_start3A_228 = tpu.memref_slice %arg5[%arg0, %add3A_217, %dma_start3A_227] : memref<2x10240x32xf32, #tpu.memory_space<hbm>> -> memref<1x80x32xf32, #tpu.memory_space<hbm>>
    %dma_start3A_229 = tpu.memref_squeeze %dma_start3A_228 : memref<1x80x32xf32, #tpu.memory_space<hbm>> -> memref<80x32xf32, #tpu.memory_space<hbm>>
    tpu.enqueue_dma source(%arg9 : memref<80x32xf32, #tpu.memory_space<vmem>>) target(%dma_start3A_229 : memref<80x32xf32, #tpu.memory_space<hbm>>) target_semaphore(%arg14 : memref<!tpu.dma_semaphore, #tpu.memory_space<semaphore_mem>>)
    %add3A_230 = arith.constant 560 : i32
    %add3A_231 = arith.addi %mul3A_2, %add3A_230 : i32
    %dma_wait3A_232 = arith.constant 0 : i32
    %dma_wait3A_233 = tpu.memref_slice %arg5[%arg0, %mul3A_2, %dma_wait3A_232] : memref<2x10240x32xf32, #tpu.memory_space<hbm>> -> memref<1x80x32xf32, #tpu.memory_space<hbm>>
    %dma_wait3A_234 = tpu.memref_squeeze %dma_wait3A_233 : memref<1x80x32xf32, #tpu.memory_space<hbm>> -> memref<80x32xf32, #tpu.memory_space<hbm>>
    %dma_wait3A_235 = arith.constant 0 : i32
    %dma_wait3A_236 = tpu.memref_slice %arg5[%arg0, %mul3A_2, %dma_wait3A_235] : memref<2x10240x32xf32, #tpu.memory_space<hbm>> -> memref<1x80x32xf32, #tpu.memory_space<hbm>>
    %dma_wait3A_237 = tpu.memref_squeeze %dma_wait3A_236 : memref<1x80x32xf32, #tpu.memory_space<hbm>> -> memref<80x32xf32, #tpu.memory_space<hbm>>
    tpu.wait_dma2 semaphore(%arg15 : memref<!tpu.dma_semaphore, #tpu.memory_space<semaphore_mem>>) src(%dma_wait3A_237 : memref<80x32xf32, #tpu.memory_space<hbm>>) dst(%arg10 : memref<80x32xf32, #tpu.memory_space<vmem>>)
    "tpu.region"() ({
      %run_scoped3A = tpu.sem_alloc : memref<!tpu.dma_semaphore, #tpu.memory_space<semaphore_mem>>
      %dma_start3A_256 = arith.constant 0 : i32
      %dma_start3A_257 = tpu.memref_slice %arg13[%add3A_231, %dma_start3A_256] : memref<10240x32xf32, #tpu.memory_space<vmem_shared>> -> memref<80x32xf32, #tpu.memory_space<vmem_shared>>
      %dma_start3A_258 = arith.constant 0 : i32
      %dma_start3A_259 = tpu.memref_slice %arg13[%add3A_231, %dma_start3A_258] : memref<10240x32xf32, #tpu.memory_space<vmem_shared>> -> memref<80x32xf32, #tpu.memory_space<vmem_shared>>
      tpu.enqueue_dma source(%dma_start3A_259 : memref<80x32xf32, #tpu.memory_space<vmem_shared>>) target(%arg10 : memref<80x32xf32, #tpu.memory_space<vmem>>) target_semaphore(%run_scoped3A : memref<!tpu.dma_semaphore, #tpu.memory_space<semaphore_mem>>)
      %dma_wait3A_260 = arith.constant 0 : i32
      %dma_wait3A_261 = tpu.memref_slice %arg13[%add3A_231, %dma_wait3A_260] : memref<10240x32xf32, #tpu.memory_space<vmem_shared>> -> memref<80x32xf32, #tpu.memory_space<vmem_shared>>
      %dma_wait3A_262 = arith.constant 0 : i32
      %dma_wait3A_263 = tpu.memref_slice %arg13[%add3A_231, %dma_wait3A_262] : memref<10240x32xf32, #tpu.memory_space<vmem_shared>> -> memref<80x32xf32, #tpu.memory_space<vmem_shared>>
      tpu.wait_dma2 semaphore(%run_scoped3A : memref<!tpu.dma_semaphore, #tpu.memory_space<semaphore_mem>>) src(%dma_wait3A_263 : memref<80x32xf32, #tpu.memory_space<vmem_shared>>) dst(%arg10 : memref<80x32xf32, #tpu.memory_space<vmem>>)
      tpu.yield
    }) : () -> ()
    %dma_start3A_238 = arith.constant 0 : i32
    %dma_start3A_239 = tpu.memref_slice %arg5[%arg0, %add3A_231, %dma_start3A_238] : memref<2x10240x32xf32, #tpu.memory_space<hbm>> -> memref<1x80x32xf32, #tpu.memory_space<hbm>>
    %dma_start3A_240 = tpu.memref_squeeze %dma_start3A_239 : memref<1x80x32xf32, #tpu.memory_space<hbm>> -> memref<80x32xf32, #tpu.memory_space<hbm>>
    %dma_start3A_241 = arith.constant 0 : i32
    %dma_start3A_242 = tpu.memref_slice %arg5[%arg0, %add3A_231, %dma_start3A_241] : memref<2x10240x32xf32, #tpu.memory_space<hbm>> -> memref<1x80x32xf32, #tpu.memory_space<hbm>>
    %dma_start3A_243 = tpu.memref_squeeze %dma_start3A_242 : memref<1x80x32xf32, #tpu.memory_space<hbm>> -> memref<80x32xf32, #tpu.memory_space<hbm>>
    tpu.enqueue_dma source(%arg10 : memref<80x32xf32, #tpu.memory_space<vmem>>) target(%dma_start3A_243 : memref<80x32xf32, #tpu.memory_space<hbm>>) target_semaphore(%arg15 : memref<!tpu.dma_semaphore, #tpu.memory_space<semaphore_mem>>)
    %dma_wait3A_244 = arith.constant 0 : i32
    %dma_wait3A_245 = tpu.memref_slice %arg5[%arg0, %mul3A_2, %dma_wait3A_244] : memref<2x10240x32xf32, #tpu.memory_space<hbm>> -> memref<1x80x32xf32, #tpu.memory_space<hbm>>
    %dma_wait3A_246 = tpu.memref_squeeze %dma_wait3A_245 : memref<1x80x32xf32, #tpu.memory_space<hbm>> -> memref<80x32xf32, #tpu.memory_space<hbm>>
    %dma_wait3A_247 = arith.constant 0 : i32
    %dma_wait3A_248 = tpu.memref_slice %arg5[%arg0, %mul3A_2, %dma_wait3A_247] : memref<2x10240x32xf32, #tpu.memory_space<hbm>> -> memref<1x80x32xf32, #tpu.memory_space<hbm>>
    %dma_wait3A_249 = tpu.memref_squeeze %dma_wait3A_248 : memref<1x80x32xf32, #tpu.memory_space<hbm>> -> memref<80x32xf32, #tpu.memory_space<hbm>>
    tpu.wait_dma2 semaphore(%arg14 : memref<!tpu.dma_semaphore, #tpu.memory_space<semaphore_mem>>) src(%dma_wait3A_249 : memref<80x32xf32, #tpu.memory_space<hbm>>) dst(%arg9 : memref<80x32xf32, #tpu.memory_space<vmem>>)
    %dma_wait3A_250 = arith.constant 0 : i32
    %dma_wait3A_251 = tpu.memref_slice %arg5[%arg0, %mul3A_2, %dma_wait3A_250] : memref<2x10240x32xf32, #tpu.memory_space<hbm>> -> memref<1x80x32xf32, #tpu.memory_space<hbm>>
    %dma_wait3A_252 = tpu.memref_squeeze %dma_wait3A_251 : memref<1x80x32xf32, #tpu.memory_space<hbm>> -> memref<80x32xf32, #tpu.memory_space<hbm>>
    %dma_wait3A_253 = arith.constant 0 : i32
    %dma_wait3A_254 = tpu.memref_slice %arg5[%arg0, %mul3A_2, %dma_wait3A_253] : memref<2x10240x32xf32, #tpu.memory_space<hbm>> -> memref<1x80x32xf32, #tpu.memory_space<hbm>>
    %dma_wait3A_255 = tpu.memref_squeeze %dma_wait3A_254 : memref<1x80x32xf32, #tpu.memory_space<hbm>> -> memref<80x32xf32, #tpu.memory_space<hbm>>
    tpu.wait_dma2 semaphore(%arg15 : memref<!tpu.dma_semaphore, #tpu.memory_space<semaphore_mem>>) src(%dma_wait3A_255 : memref<80x32xf32, #tpu.memory_space<hbm>>) dst(%arg10 : memref<80x32xf32, #tpu.memory_space<vmem>>)
    return
  }
}

#map = affine_map<(d0, d1) -> (0, 0)>
#map1 = affine_map<(d0, d1) -> (0, 0, 0, 0)>
#map2 = affine_map<(d0, d1) -> (0, 0, 0)>
module attributes {stable_mosaic.version = 14 : i64} {
  func.func @_sc1_body(%arg0: i32, %arg1: i32, %arg2: memref<10240x144xf32, #tpu.memory_space<hbm>>, %arg3: memref<10240x16xf32, #tpu.memory_space<hbm>>, %arg4: memref<32x129x2x80xi32, #tpu.memory_space<hbm>>, %arg5: memref<2x10240x144xf32, #tpu.memory_space<hbm>>, %arg6: memref<2x80xi32, #tpu.memory_space<vmem>>, %arg7: memref<2x80xi32, #tpu.memory_space<vmem>>, %arg8: memref<2x80xi32, #tpu.memory_space<vmem>>, %arg9: memref<80x144xf32, #tpu.memory_space<vmem>>, %arg10: memref<80x144xf32, #tpu.memory_space<vmem>>, %arg11: memref<80x144xf32, #tpu.memory_space<vmem>>, %arg12: memref<80x16xf32, #tpu.memory_space<vmem>>, %arg13: memref<80x16xf32, #tpu.memory_space<vmem>>, %arg14: memref<80x16xf32, #tpu.memory_space<vmem>>, %arg15: memref<10240x144xf32, #tpu.memory_space<vmem_shared>>, %arg16: memref<!tpu.dma_semaphore, #tpu.memory_space<semaphore_mem>>, %arg17: memref<!tpu.dma_semaphore, #tpu.memory_space<semaphore_mem>>, %arg18: memref<!tpu.dma_semaphore, #tpu.memory_space<semaphore_mem>>, %arg19: memref<!tpu.dma_semaphore, #tpu.memory_space<semaphore_mem>>, %arg20: memref<!tpu.dma_semaphore, #tpu.memory_space<semaphore_mem>>, %arg21: memref<!tpu.dma_semaphore, #tpu.memory_space<semaphore_mem>>, %arg22: memref<!tpu.dma_semaphore, #tpu.memory_space<semaphore_mem>>, %arg23: memref<!tpu.dma_semaphore, #tpu.memory_space<semaphore_mem>>, %arg24: memref<!tpu.dma_semaphore, #tpu.memory_space<semaphore_mem>>, %arg25: memref<!tpu.dma_semaphore, #tpu.memory_space<semaphore_mem>>, %arg26: memref<!tpu.dma_semaphore, #tpu.memory_space<semaphore_mem>>, %arg27: memref<!tpu.dma_semaphore, #tpu.memory_space<semaphore_mem>>) attributes {dimension_semantics = [#tpu.dimension_semantics<core_parallel>, #tpu.dimension_semantics<subcore_parallel>], iteration_bounds = array<i64: 2, 16>, scalar_prefetch = 0 : i64, scratch_operands = 22 : i64, tpu.core_type = #tpu.core_type<sc_vector_subcore>, window_params = [{transform_indices = #map}, {transform_indices = #map}, {transform_indices = #map1}, {transform_indices = #map2}]} {
    %mul3A = arith.constant 2 : i32
    %mul3A_0 = arith.muli %arg1, %mul3A : i32
    %add3A = arith.addi %mul3A_0, %arg0 : i32
    %mul3A_1 = arith.constant 640 : i32
    %mul3A_2 = arith.muli %arg1, %mul3A_1 : i32
    %scan3A = arith.constant 0 : i32
    %scan3A_3 = arith.constant 0 : i32
    %scan3A_4 = arith.constant 80 : i32
    %scan3A_5 = arith.addi %scan3A_3, %scan3A_4 : i32
    %scan3A_6 = arith.constant 1 : i32
    scf.for %scan3A_258 = %scan3A_3 to %scan3A_5 step %scan3A_6  : i32 {
      %broadcast_in_dim3A = arith.constant 0.000000e+00 : f32
      %broadcast_in_dim3A_259 = vector.broadcast %broadcast_in_dim3A : f32 to vector<16xf32>
      %swap3A = arith.index_cast %scan3A_258 : i32 to index
      %swap3A_260 = arith.constant 0 : index
      %swap3A_261 = tpu.vector_load %arg9[%swap3A, %swap3A_260] {strides = array<i32>} : memref<80x144xf32, #tpu.memory_space<vmem>>, vector<16xf32>,
      tpu.vector_store %arg9[%swap3A, %swap3A_260], %broadcast_in_dim3A_259 {strides = array<i32>} : memref<80x144xf32, #tpu.memory_space<vmem>>, vector<16xf32>,
      %broadcast_in_dim3A_262 = arith.constant 0.000000e+00 : f32
      %broadcast_in_dim3A_263 = vector.broadcast %broadcast_in_dim3A_262 : f32 to vector<16xf32>
      %swap3A_264 = arith.index_cast %scan3A_258 : i32 to index
      %swap3A_265 = arith.constant 16 : index
      %swap3A_266 = tpu.vector_load %arg9[%swap3A_264, %swap3A_265] {strides = array<i32>} : memref<80x144xf32, #tpu.memory_space<vmem>>, vector<16xf32>,
      tpu.vector_store %arg9[%swap3A_264, %swap3A_265], %broadcast_in_dim3A_263 {strides = array<i32>} : memref<80x144xf32, #tpu.memory_space<vmem>>, vector<16xf32>,
      %broadcast_in_dim3A_267 = arith.constant 0.000000e+00 : f32
      %broadcast_in_dim3A_268 = vector.broadcast %broadcast_in_dim3A_267 : f32 to vector<16xf32>
      %swap3A_269 = arith.index_cast %scan3A_258 : i32 to index
      %swap3A_270 = arith.constant 32 : index
      %swap3A_271 = tpu.vector_load %arg9[%swap3A_269, %swap3A_270] {strides = array<i32>} : memref<80x144xf32, #tpu.memory_space<vmem>>, vector<16xf32>,
      tpu.vector_store %arg9[%swap3A_269, %swap3A_270], %broadcast_in_dim3A_268 {strides = array<i32>} : memref<80x144xf32, #tpu.memory_space<vmem>>, vector<16xf32>,
      %broadcast_in_dim3A_272 = arith.constant 0.000000e+00 : f32
      %broadcast_in_dim3A_273 = vector.broadcast %broadcast_in_dim3A_272 : f32 to vector<16xf32>
      %swap3A_274 = arith.index_cast %scan3A_258 : i32 to index
      %swap3A_275 = arith.constant 48 : index
      %swap3A_276 = tpu.vector_load %arg9[%swap3A_274, %swap3A_275] {strides = array<i32>} : memref<80x144xf32, #tpu.memory_space<vmem>>, vector<16xf32>,
      tpu.vector_store %arg9[%swap3A_274, %swap3A_275], %broadcast_in_dim3A_273 {strides = array<i32>} : memref<80x144xf32, #tpu.memory_space<vmem>>, vector<16xf32>,
      %broadcast_in_dim3A_277 = arith.constant 0.000000e+00 : f32
      %broadcast_in_dim3A_278 = vector.broadcast %broadcast_in_dim3A_277 : f32 to vector<16xf32>
      %swap3A_279 = arith.index_cast %scan3A_258 : i32 to index
      %swap3A_280 = arith.constant 64 : index
      %swap3A_281 = tpu.vector_load %arg9[%swap3A_279, %swap3A_280] {strides = array<i32>} : memref<80x144xf32, #tpu.memory_space<vmem>>, vector<16xf32>,
      tpu.vector_store %arg9[%swap3A_279, %swap3A_280], %broadcast_in_dim3A_278 {strides = array<i32>} : memref<80x144xf32, #tpu.memory_space<vmem>>, vector<16xf32>,
      %broadcast_in_dim3A_282 = arith.constant 0.000000e+00 : f32
      %broadcast_in_dim3A_283 = vector.broadcast %broadcast_in_dim3A_282 : f32 to vector<16xf32>
      %swap3A_284 = arith.index_cast %scan3A_258 : i32 to index
      %swap3A_285 = arith.constant 80 : index
      %swap3A_286 = tpu.vector_load %arg9[%swap3A_284, %swap3A_285] {strides = array<i32>} : memref<80x144xf32, #tpu.memory_space<vmem>>, vector<16xf32>,
      tpu.vector_store %arg9[%swap3A_284, %swap3A_285], %broadcast_in_dim3A_283 {strides = array<i32>} : memref<80x144xf32, #tpu.memory_space<vmem>>, vector<16xf32>,
      %broadcast_in_dim3A_287 = arith.constant 0.000000e+00 : f32
      %broadcast_in_dim3A_288 = vector.broadcast %broadcast_in_dim3A_287 : f32 to vector<16xf32>
      %swap3A_289 = arith.index_cast %scan3A_258 : i32 to index
      %swap3A_290 = arith.constant 96 : index
      %swap3A_291 = tpu.vector_load %arg9[%swap3A_289, %swap3A_290] {strides = array<i32>} : memref<80x144xf32, #tpu.memory_space<vmem>>, vector<16xf32>,
      tpu.vector_store %arg9[%swap3A_289, %swap3A_290], %broadcast_in_dim3A_288 {strides = array<i32>} : memref<80x144xf32, #tpu.memory_space<vmem>>, vector<16xf32>,
      %broadcast_in_dim3A_292 = arith.constant 0.000000e+00 : f32
      %broadcast_in_dim3A_293 = vector.broadcast %broadcast_in_dim3A_292 : f32 to vector<16xf32>
      %swap3A_294 = arith.index_cast %scan3A_258 : i32 to index
      %swap3A_295 = arith.constant 112 : index
      %swap3A_296 = tpu.vector_load %arg9[%swap3A_294, %swap3A_295] {strides = array<i32>} : memref<80x144xf32, #tpu.memory_space<vmem>>, vector<16xf32>,
      tpu.vector_store %arg9[%swap3A_294, %swap3A_295], %broadcast_in_dim3A_293 {strides = array<i32>} : memref<80x144xf32, #tpu.memory_space<vmem>>, vector<16xf32>,
      %broadcast_in_dim3A_297 = arith.constant 0.000000e+00 : f32
      %broadcast_in_dim3A_298 = vector.broadcast %broadcast_in_dim3A_297 : f32 to vector<16xf32>
      %swap3A_299 = arith.index_cast %scan3A_258 : i32 to index
      %swap3A_300 = arith.constant 128 : index
      %swap3A_301 = tpu.vector_load %arg9[%swap3A_299, %swap3A_300] {strides = array<i32>} : memref<80x144xf32, #tpu.memory_space<vmem>>, vector<16xf32>,
      tpu.vector_store %arg9[%swap3A_299, %swap3A_300], %broadcast_in_dim3A_298 {strides = array<i32>} : memref<80x144xf32, #tpu.memory_space<vmem>>, vector<16xf32>,
    }
    %scan3A_7 = arith.constant 80 : i32
    %add3A_8 = arith.constant 0 : i32
    %add3A_9 = arith.addi %mul3A_2, %add3A_8 : i32
    %dma_start3A = arith.constant 0 : i32
    %dma_start3A_10 = tpu.memref_slice %arg15[%add3A_9, %dma_start3A] : memref<10240x144xf32, #tpu.memory_space<vmem_shared>> -> memref<80x144xf32, #tpu.memory_space<vmem_shared>>
    %dma_start3A_11 = arith.constant 0 : i32
    %dma_start3A_12 = tpu.memref_slice %arg15[%add3A_9, %dma_start3A_11] : memref<10240x144xf32, #tpu.memory_space<vmem_shared>> -> memref<80x144xf32, #tpu.memory_space<vmem_shared>>
    tpu.enqueue_dma source(%arg9 : memref<80x144xf32, #tpu.memory_space<vmem>>) target(%dma_start3A_12 : memref<80x144xf32, #tpu.memory_space<vmem_shared>>) target_semaphore(%arg16 : memref<!tpu.dma_semaphore, #tpu.memory_space<semaphore_mem>>)
    %add3A_13 = arith.constant 80 : i32
    %add3A_14 = arith.addi %mul3A_2, %add3A_13 : i32
    %dma_start3A_15 = arith.constant 0 : i32
    %dma_start3A_16 = tpu.memref_slice %arg15[%add3A_14, %dma_start3A_15] : memref<10240x144xf32, #tpu.memory_space<vmem_shared>> -> memref<80x144xf32, #tpu.memory_space<vmem_shared>>
    %dma_start3A_17 = arith.constant 0 : i32
    %dma_start3A_18 = tpu.memref_slice %arg15[%add3A_14, %dma_start3A_17] : memref<10240x144xf32, #tpu.memory_space<vmem_shared>> -> memref<80x144xf32, #tpu.memory_space<vmem_shared>>
    tpu.enqueue_dma source(%arg9 : memref<80x144xf32, #tpu.memory_space<vmem>>) target(%dma_start3A_18 : memref<80x144xf32, #tpu.memory_space<vmem_shared>>) target_semaphore(%arg16 : memref<!tpu.dma_semaphore, #tpu.memory_space<semaphore_mem>>)
    %add3A_19 = arith.constant 160 : i32
    %add3A_20 = arith.addi %mul3A_2, %add3A_19 : i32
    %dma_start3A_21 = arith.constant 0 : i32
    %dma_start3A_22 = tpu.memref_slice %arg15[%add3A_20, %dma_start3A_21] : memref<10240x144xf32, #tpu.memory_space<vmem_shared>> -> memref<80x144xf32, #tpu.memory_space<vmem_shared>>
    %dma_start3A_23 = arith.constant 0 : i32
    %dma_start3A_24 = tpu.memref_slice %arg15[%add3A_20, %dma_start3A_23] : memref<10240x144xf32, #tpu.memory_space<vmem_shared>> -> memref<80x144xf32, #tpu.memory_space<vmem_shared>>
    tpu.enqueue_dma source(%arg9 : memref<80x144xf32, #tpu.memory_space<vmem>>) target(%dma_start3A_24 : memref<80x144xf32, #tpu.memory_space<vmem_shared>>) target_semaphore(%arg16 : memref<!tpu.dma_semaphore, #tpu.memory_space<semaphore_mem>>)
    %add3A_25 = arith.constant 240 : i32
    %add3A_26 = arith.addi %mul3A_2, %add3A_25 : i32
    %dma_start3A_27 = arith.constant 0 : i32
    %dma_start3A_28 = tpu.memref_slice %arg15[%add3A_26, %dma_start3A_27] : memref<10240x144xf32, #tpu.memory_space<vmem_shared>> -> memref<80x144xf32, #tpu.memory_space<vmem_shared>>
    %dma_start3A_29 = arith.constant 0 : i32
    %dma_start3A_30 = tpu.memref_slice %arg15[%add3A_26, %dma_start3A_29] : memref<10240x144xf32, #tpu.memory_space<vmem_shared>> -> memref<80x144xf32, #tpu.memory_space<vmem_shared>>
    tpu.enqueue_dma source(%arg9 : memref<80x144xf32, #tpu.memory_space<vmem>>) target(%dma_start3A_30 : memref<80x144xf32, #tpu.memory_space<vmem_shared>>) target_semaphore(%arg16 : memref<!tpu.dma_semaphore, #tpu.memory_space<semaphore_mem>>)
    %add3A_31 = arith.constant 320 : i32
    %add3A_32 = arith.addi %mul3A_2, %add3A_31 : i32
    %dma_start3A_33 = arith.constant 0 : i32
    %dma_start3A_34 = tpu.memref_slice %arg15[%add3A_32, %dma_start3A_33] : memref<10240x144xf32, #tpu.memory_space<vmem_shared>> -> memref<80x144xf32, #tpu.memory_space<vmem_shared>>
    %dma_start3A_35 = arith.constant 0 : i32
    %dma_start3A_36 = tpu.memref_slice %arg15[%add3A_32, %dma_start3A_35] : memref<10240x144xf32, #tpu.memory_space<vmem_shared>> -> memref<80x144xf32, #tpu.memory_space<vmem_shared>>
    tpu.enqueue_dma source(%arg9 : memref<80x144xf32, #tpu.memory_space<vmem>>) target(%dma_start3A_36 : memref<80x144xf32, #tpu.memory_space<vmem_shared>>) target_semaphore(%arg16 : memref<!tpu.dma_semaphore, #tpu.memory_space<semaphore_mem>>)
    %add3A_37 = arith.constant 400 : i32
    %add3A_38 = arith.addi %mul3A_2, %add3A_37 : i32
    %dma_start3A_39 = arith.constant 0 : i32
    %dma_start3A_40 = tpu.memref_slice %arg15[%add3A_38, %dma_start3A_39] : memref<10240x144xf32, #tpu.memory_space<vmem_shared>> -> memref<80x144xf32, #tpu.memory_space<vmem_shared>>
    %dma_start3A_41 = arith.constant 0 : i32
    %dma_start3A_42 = tpu.memref_slice %arg15[%add3A_38, %dma_start3A_41] : memref<10240x144xf32, #tpu.memory_space<vmem_shared>> -> memref<80x144xf32, #tpu.memory_space<vmem_shared>>
    tpu.enqueue_dma source(%arg9 : memref<80x144xf32, #tpu.memory_space<vmem>>) target(%dma_start3A_42 : memref<80x144xf32, #tpu.memory_space<vmem_shared>>) target_semaphore(%arg16 : memref<!tpu.dma_semaphore, #tpu.memory_space<semaphore_mem>>)
    %add3A_43 = arith.constant 480 : i32
    %add3A_44 = arith.addi %mul3A_2, %add3A_43 : i32
    %dma_start3A_45 = arith.constant 0 : i32
    %dma_start3A_46 = tpu.memref_slice %arg15[%add3A_44, %dma_start3A_45] : memref<10240x144xf32, #tpu.memory_space<vmem_shared>> -> memref<80x144xf32, #tpu.memory_space<vmem_shared>>
    %dma_start3A_47 = arith.constant 0 : i32
    %dma_start3A_48 = tpu.memref_slice %arg15[%add3A_44, %dma_start3A_47] : memref<10240x144xf32, #tpu.memory_space<vmem_shared>> -> memref<80x144xf32, #tpu.memory_space<vmem_shared>>
    tpu.enqueue_dma source(%arg9 : memref<80x144xf32, #tpu.memory_space<vmem>>) target(%dma_start3A_48 : memref<80x144xf32, #tpu.memory_space<vmem_shared>>) target_semaphore(%arg16 : memref<!tpu.dma_semaphore, #tpu.memory_space<semaphore_mem>>)
    %add3A_49 = arith.constant 560 : i32
    %add3A_50 = arith.addi %mul3A_2, %add3A_49 : i32
    %dma_start3A_51 = arith.constant 0 : i32
    %dma_start3A_52 = tpu.memref_slice %arg15[%add3A_50, %dma_start3A_51] : memref<10240x144xf32, #tpu.memory_space<vmem_shared>> -> memref<80x144xf32, #tpu.memory_space<vmem_shared>>
    %dma_start3A_53 = arith.constant 0 : i32
    %dma_start3A_54 = tpu.memref_slice %arg15[%add3A_50, %dma_start3A_53] : memref<10240x144xf32, #tpu.memory_space<vmem_shared>> -> memref<80x144xf32, #tpu.memory_space<vmem_shared>>
    tpu.enqueue_dma source(%arg9 : memref<80x144xf32, #tpu.memory_space<vmem>>) target(%dma_start3A_54 : memref<80x144xf32, #tpu.memory_space<vmem_shared>>) target_semaphore(%arg16 : memref<!tpu.dma_semaphore, #tpu.memory_space<semaphore_mem>>)
    %dma_wait3A = arith.constant 0 : i32
    %dma_wait3A_55 = tpu.memref_slice %arg15[%mul3A_2, %dma_wait3A] : memref<10240x144xf32, #tpu.memory_space<vmem_shared>> -> memref<80x144xf32, #tpu.memory_space<vmem_shared>>
    %dma_wait3A_56 = arith.constant 0 : i32
    %dma_wait3A_57 = tpu.memref_slice %arg15[%mul3A_2, %dma_wait3A_56] : memref<10240x144xf32, #tpu.memory_space<vmem_shared>> -> memref<80x144xf32, #tpu.memory_space<vmem_shared>>
    tpu.wait_dma2 semaphore(%arg16 : memref<!tpu.dma_semaphore, #tpu.memory_space<semaphore_mem>>) src(%dma_wait3A_57 : memref<80x144xf32, #tpu.memory_space<vmem_shared>>) dst(%arg9 : memref<80x144xf32, #tpu.memory_space<vmem>>)
    %dma_wait3A_58 = arith.constant 0 : i32
    %dma_wait3A_59 = tpu.memref_slice %arg15[%mul3A_2, %dma_wait3A_58] : memref<10240x144xf32, #tpu.memory_space<vmem_shared>> -> memref<80x144xf32, #tpu.memory_space<vmem_shared>>
    %dma_wait3A_60 = arith.constant 0 : i32
    %dma_wait3A_61 = tpu.memref_slice %arg15[%mul3A_2, %dma_wait3A_60] : memref<10240x144xf32, #tpu.memory_space<vmem_shared>> -> memref<80x144xf32, #tpu.memory_space<vmem_shared>>
    tpu.wait_dma2 semaphore(%arg16 : memref<!tpu.dma_semaphore, #tpu.memory_space<semaphore_mem>>) src(%dma_wait3A_61 : memref<80x144xf32, #tpu.memory_space<vmem_shared>>) dst(%arg9 : memref<80x144xf32, #tpu.memory_space<vmem>>)
    %dma_wait3A_62 = arith.constant 0 : i32
    %dma_wait3A_63 = tpu.memref_slice %arg15[%mul3A_2, %dma_wait3A_62] : memref<10240x144xf32, #tpu.memory_space<vmem_shared>> -> memref<80x144xf32, #tpu.memory_space<vmem_shared>>
    %dma_wait3A_64 = arith.constant 0 : i32
    %dma_wait3A_65 = tpu.memref_slice %arg15[%mul3A_2, %dma_wait3A_64] : memref<10240x144xf32, #tpu.memory_space<vmem_shared>> -> memref<80x144xf32, #tpu.memory_space<vmem_shared>>
    tpu.wait_dma2 semaphore(%arg16 : memref<!tpu.dma_semaphore, #tpu.memory_space<semaphore_mem>>) src(%dma_wait3A_65 : memref<80x144xf32, #tpu.memory_space<vmem_shared>>) dst(%arg9 : memref<80x144xf32, #tpu.memory_space<vmem>>)
    %dma_wait3A_66 = arith.constant 0 : i32
    %dma_wait3A_67 = tpu.memref_slice %arg15[%mul3A_2, %dma_wait3A_66] : memref<10240x144xf32, #tpu.memory_space<vmem_shared>> -> memref<80x144xf32, #tpu.memory_space<vmem_shared>>
    %dma_wait3A_68 = arith.constant 0 : i32
    %dma_wait3A_69 = tpu.memref_slice %arg15[%mul3A_2, %dma_wait3A_68] : memref<10240x144xf32, #tpu.memory_space<vmem_shared>> -> memref<80x144xf32, #tpu.memory_space<vmem_shared>>
    tpu.wait_dma2 semaphore(%arg16 : memref<!tpu.dma_semaphore, #tpu.memory_space<semaphore_mem>>) src(%dma_wait3A_69 : memref<80x144xf32, #tpu.memory_space<vmem_shared>>) dst(%arg9 : memref<80x144xf32, #tpu.memory_space<vmem>>)
    %dma_wait3A_70 = arith.constant 0 : i32
    %dma_wait3A_71 = tpu.memref_slice %arg15[%mul3A_2, %dma_wait3A_70] : memref<10240x144xf32, #tpu.memory_space<vmem_shared>> -> memref<80x144xf32, #tpu.memory_space<vmem_shared>>
    %dma_wait3A_72 = arith.constant 0 : i32
    %dma_wait3A_73 = tpu.memref_slice %arg15[%mul3A_2, %dma_wait3A_72] : memref<10240x144xf32, #tpu.memory_space<vmem_shared>> -> memref<80x144xf32, #tpu.memory_space<vmem_shared>>
    tpu.wait_dma2 semaphore(%arg16 : memref<!tpu.dma_semaphore, #tpu.memory_space<semaphore_mem>>) src(%dma_wait3A_73 : memref<80x144xf32, #tpu.memory_space<vmem_shared>>) dst(%arg9 : memref<80x144xf32, #tpu.memory_space<vmem>>)
    %dma_wait3A_74 = arith.constant 0 : i32
    %dma_wait3A_75 = tpu.memref_slice %arg15[%mul3A_2, %dma_wait3A_74] : memref<10240x144xf32, #tpu.memory_space<vmem_shared>> -> memref<80x144xf32, #tpu.memory_space<vmem_shared>>
    %dma_wait3A_76 = arith.constant 0 : i32
    %dma_wait3A_77 = tpu.memref_slice %arg15[%mul3A_2, %dma_wait3A_76] : memref<10240x144xf32, #tpu.memory_space<vmem_shared>> -> memref<80x144xf32, #tpu.memory_space<vmem_shared>>
    tpu.wait_dma2 semaphore(%arg16 : memref<!tpu.dma_semaphore, #tpu.memory_space<semaphore_mem>>) src(%dma_wait3A_77 : memref<80x144xf32, #tpu.memory_space<vmem_shared>>) dst(%arg9 : memref<80x144xf32, #tpu.memory_space<vmem>>)
    %dma_wait3A_78 = arith.constant 0 : i32
    %dma_wait3A_79 = tpu.memref_slice %arg15[%mul3A_2, %dma_wait3A_78] : memref<10240x144xf32, #tpu.memory_space<vmem_shared>> -> memref<80x144xf32, #tpu.memory_space<vmem_shared>>
    %dma_wait3A_80 = arith.constant 0 : i32
    %dma_wait3A_81 = tpu.memref_slice %arg15[%mul3A_2, %dma_wait3A_80] : memref<10240x144xf32, #tpu.memory_space<vmem_shared>> -> memref<80x144xf32, #tpu.memory_space<vmem_shared>>
    tpu.wait_dma2 semaphore(%arg16 : memref<!tpu.dma_semaphore, #tpu.memory_space<semaphore_mem>>) src(%dma_wait3A_81 : memref<80x144xf32, #tpu.memory_space<vmem_shared>>) dst(%arg9 : memref<80x144xf32, #tpu.memory_space<vmem>>)
    %dma_wait3A_82 = arith.constant 0 : i32
    %dma_wait3A_83 = tpu.memref_slice %arg15[%mul3A_2, %dma_wait3A_82] : memref<10240x144xf32, #tpu.memory_space<vmem_shared>> -> memref<80x144xf32, #tpu.memory_space<vmem_shared>>
    %dma_wait3A_84 = arith.constant 0 : i32
    %dma_wait3A_85 = tpu.memref_slice %arg15[%mul3A_2, %dma_wait3A_84] : memref<10240x144xf32, #tpu.memory_space<vmem_shared>> -> memref<80x144xf32, #tpu.memory_space<vmem_shared>>
    tpu.wait_dma2 semaphore(%arg16 : memref<!tpu.dma_semaphore, #tpu.memory_space<semaphore_mem>>) src(%dma_wait3A_85 : memref<80x144xf32, #tpu.memory_space<vmem_shared>>) dst(%arg9 : memref<80x144xf32, #tpu.memory_space<vmem>>)
    %barrier3A = arith.constant 0 : index
    tpu.barrier barrier_id(%barrier3A)
    %dma_start3A_86 = arith.constant 0 : i32
    %dma_start3A_87 = arith.constant 0 : i32
    %dma_start3A_88 = arith.constant 0 : i32
    %dma_start3A_89 = tpu.memref_slice %arg4[%add3A, %dma_start3A_86, %dma_start3A_87, %dma_start3A_88] : memref<32x129x2x80xi32, #tpu.memory_space<hbm>> -> memref<1x1x2x80xi32, #tpu.memory_space<hbm>>
    %dma_start3A_90 = tpu.memref_squeeze %dma_start3A_89 : memref<1x1x2x80xi32, #tpu.memory_space<hbm>> -> memref<2x80xi32, #tpu.memory_space<hbm>>
    %dma_start3A_91 = arith.constant 0 : i32
    %dma_start3A_92 = arith.constant 0 : i32
    %dma_start3A_93 = tpu.memref_slice %arg4[%add3A, %dma_start3A_86, %dma_start3A_91, %dma_start3A_92] : memref<32x129x2x80xi32, #tpu.memory_space<hbm>> -> memref<1x1x2x80xi32, #tpu.memory_space<hbm>>
    %dma_start3A_94 = tpu.memref_squeeze %dma_start3A_93 : memref<1x1x2x80xi32, #tpu.memory_space<hbm>> -> memref<2x80xi32, #tpu.memory_space<hbm>>
    tpu.enqueue_dma source(%dma_start3A_94 : memref<2x80xi32, #tpu.memory_space<hbm>>) target(%arg6 : memref<2x80xi32, #tpu.memory_space<vmem>>) target_semaphore(%arg25 : memref<!tpu.dma_semaphore, #tpu.memory_space<semaphore_mem>>)
    %dma_start3A_95 = arith.constant 1 : i32
    %dma_start3A_96 = arith.constant 0 : i32
    %dma_start3A_97 = arith.constant 0 : i32
    %dma_start3A_98 = tpu.memref_slice %arg4[%add3A, %dma_start3A_95, %dma_start3A_96, %dma_start3A_97] : memref<32x129x2x80xi32, #tpu.memory_space<hbm>> -> memref<1x1x2x80xi32, #tpu.memory_space<hbm>>
    %dma_start3A_99 = tpu.memref_squeeze %dma_start3A_98 : memref<1x1x2x80xi32, #tpu.memory_space<hbm>> -> memref<2x80xi32, #tpu.memory_space<hbm>>
    %dma_start3A_100 = arith.constant 0 : i32
    %dma_start3A_101 = arith.constant 0 : i32
    %dma_start3A_102 = tpu.memref_slice %arg4[%add3A, %dma_start3A_95, %dma_start3A_100, %dma_start3A_101] : memref<32x129x2x80xi32, #tpu.memory_space<hbm>> -> memref<1x1x2x80xi32, #tpu.memory_space<hbm>>
    %dma_start3A_103 = tpu.memref_squeeze %dma_start3A_102 : memref<1x1x2x80xi32, #tpu.memory_space<hbm>> -> memref<2x80xi32, #tpu.memory_space<hbm>>
    tpu.enqueue_dma source(%dma_start3A_103 : memref<2x80xi32, #tpu.memory_space<hbm>>) target(%arg7 : memref<2x80xi32, #tpu.memory_space<vmem>>) target_semaphore(%arg26 : memref<!tpu.dma_semaphore, #tpu.memory_space<semaphore_mem>>)
    %dma_wait3A_104 = arith.constant 0 : i32
    %dma_wait3A_105 = arith.constant 0 : i32
    %dma_wait3A_106 = arith.constant 0 : i32
    %dma_wait3A_107 = tpu.memref_slice %arg4[%add3A, %dma_wait3A_104, %dma_wait3A_105, %dma_wait3A_106] : memref<32x129x2x80xi32, #tpu.memory_space<hbm>> -> memref<1x1x2x80xi32, #tpu.memory_space<hbm>>
    %dma_wait3A_108 = tpu.memref_squeeze %dma_wait3A_107 : memref<1x1x2x80xi32, #tpu.memory_space<hbm>> -> memref<2x80xi32, #tpu.memory_space<hbm>>
    %dma_wait3A_109 = arith.constant 0 : i32
    %dma_wait3A_110 = arith.constant 0 : i32
    %dma_wait3A_111 = tpu.memref_slice %arg4[%add3A, %dma_wait3A_104, %dma_wait3A_109, %dma_wait3A_110] : memref<32x129x2x80xi32, #tpu.memory_space<hbm>> -> memref<1x1x2x80xi32, #tpu.memory_space<hbm>>
    %dma_wait3A_112 = tpu.memref_squeeze %dma_wait3A_111 : memref<1x1x2x80xi32, #tpu.memory_space<hbm>> -> memref<2x80xi32, #tpu.memory_space<hbm>>
    tpu.wait_dma2 semaphore(%arg25 : memref<!tpu.dma_semaphore, #tpu.memory_space<semaphore_mem>>) src(%dma_wait3A_112 : memref<2x80xi32, #tpu.memory_space<hbm>>) dst(%arg6 : memref<2x80xi32, #tpu.memory_space<vmem>>)
    %dma_start3A_113 = arith.constant 0 : i32
    %dma_start3A_114 = arith.constant 0 : i32
    %dma_start3A_115 = tpu.memref_slice %arg6[%dma_start3A_113, %dma_start3A_114] : memref<2x80xi32, #tpu.memory_space<vmem>> -> memref<1x80xi32, #tpu.memory_space<vmem>>
    %dma_start3A_116 = tpu.memref_squeeze %dma_start3A_115 : memref<1x80xi32, #tpu.memory_space<vmem>> -> memref<80xi32, #tpu.memory_space<vmem>>
    %dma_start3A_117 = arith.constant 0 : i32
    %dma_start3A_118 = arith.constant 0 : i32
    %dma_start3A_119 = tpu.memref_slice %arg2[%dma_start3A_117, %dma_start3A_118] : memref<10240x144xf32, #tpu.memory_space<hbm>> -> memref<10240x144xf32, #tpu.memory_space<hbm>>
    tpu.enqueue_indirect_dma source(%dma_start3A_119 : memref<10240x144xf32, #tpu.memory_space<hbm>>) target(%arg9 : memref<80x144xf32, #tpu.memory_space<vmem>>) offsets(%dma_start3A_116 : memref<80xi32, #tpu.memory_space<vmem>>) semaphore(%arg16 : memref<!tpu.dma_semaphore, #tpu.memory_space<semaphore_mem>>)
    %dma_start3A_120 = arith.constant 1 : i32
    %dma_start3A_121 = arith.constant 0 : i32
    %dma_start3A_122 = tpu.memref_slice %arg6[%dma_start3A_120, %dma_start3A_121] : memref<2x80xi32, #tpu.memory_space<vmem>> -> memref<1x80xi32, #tpu.memory_space<vmem>>
    %dma_start3A_123 = tpu.memref_squeeze %dma_start3A_122 : memref<1x80xi32, #tpu.memory_space<vmem>> -> memref<80xi32, #tpu.memory_space<vmem>>
    %dma_start3A_124 = arith.constant 0 : i32
    %dma_start3A_125 = arith.constant 0 : i32
    %dma_start3A_126 = tpu.memref_slice %arg3[%dma_start3A_124, %dma_start3A_125] : memref<10240x16xf32, #tpu.memory_space<hbm>> -> memref<10240x16xf32, #tpu.memory_space<hbm>>
    tpu.enqueue_indirect_dma source(%dma_start3A_126 : memref<10240x16xf32, #tpu.memory_space<hbm>>) target(%arg12 : memref<80x16xf32, #tpu.memory_space<vmem>>) offsets(%dma_start3A_123 : memref<80xi32, #tpu.memory_space<vmem>>) semaphore(%arg19 : memref<!tpu.dma_semaphore, #tpu.memory_space<semaphore_mem>>)
    %scan3A_127 = arith.constant 0 : i32
    %scan3A_128 = arith.constant 0 : i32
    %scan3A_129 = arith.constant 43 : i32
    %scan3A_130 = arith.addi %scan3A_128, %scan3A_129 : i32
    %scan3A_131 = arith.constant 1 : i32
    scf.for %scan3A_258 = %scan3A_128 to %scan3A_130 step %scan3A_131  : i32 {
      %mul3A_259 = arith.constant 3 : i32
      %mul3A_260 = arith.muli %mul3A_259, %scan3A_258 : i32
      %add3A_261 = arith.constant 0 : i32
      %add3A_262 = arith.addi %mul3A_260, %add3A_261 : i32
      %ge3A = arith.constant 2 : i32
      %ge3A_263 = arith.cmpi sge, %add3A_262, %ge3A : i32
      %convert_element_type3A = arith.extui %ge3A_263 : i1 to i32
      %cond3A = arith.constant 0 : i32
      %cond3A_264 = arith.cmpi ne, %convert_element_type3A, %cond3A : i32
      scf.if %cond3A_264 {
        %dma_wait3A_399 = arith.constant 0 : i32
        %dma_wait3A_400 = arith.constant 0 : i32
        %dma_wait3A_401 = tpu.memref_slice %arg2[%dma_wait3A_399, %dma_wait3A_400] : memref<10240x144xf32, #tpu.memory_space<hbm>> -> memref<80x144xf32, #tpu.memory_space<hbm>>
        %dma_wait3A_402 = arith.constant 0 : i32
        %dma_wait3A_403 = arith.constant 0 : i32
        %dma_wait3A_404 = tpu.memref_slice %arg2[%dma_wait3A_402, %dma_wait3A_403] : memref<10240x144xf32, #tpu.memory_space<hbm>> -> memref<80x144xf32, #tpu.memory_space<hbm>>
        tpu.wait_dma2 semaphore(%arg23 : memref<!tpu.dma_semaphore, #tpu.memory_space<semaphore_mem>>) src(%dma_wait3A_404 : memref<80x144xf32, #tpu.memory_space<hbm>>) dst(%arg10 : memref<80x144xf32, #tpu.memory_space<vmem>>)
      } else {
      }
      %add3A_265 = arith.constant 1 : i32
      %add3A_266 = arith.addi %add3A_262, %add3A_265 : i32
      %lt3A = arith.constant 129 : i32
      %lt3A_267 = arith.cmpi slt, %add3A_266, %lt3A : i32
      %convert_element_type3A_268 = arith.extui %lt3A_267 : i1 to i32
      %cond3A_269 = arith.constant 0 : i32
      %cond3A_270 = arith.cmpi ne, %convert_element_type3A_268, %cond3A_269 : i32
      scf.if %cond3A_270 {
        %dma_wait3A_399 = arith.constant 0 : i32
        %dma_wait3A_400 = arith.constant 0 : i32
        %dma_wait3A_401 = arith.constant 0 : i32
        %dma_wait3A_402 = tpu.memref_slice %arg4[%add3A, %dma_wait3A_399, %dma_wait3A_400, %dma_wait3A_401] : memref<32x129x2x80xi32, #tpu.memory_space<hbm>> -> memref<1x1x2x80xi32, #tpu.memory_space<hbm>>
        %dma_wait3A_403 = tpu.memref_squeeze %dma_wait3A_402 : memref<1x1x2x80xi32, #tpu.memory_space<hbm>> -> memref<2x80xi32, #tpu.memory_space<hbm>>
        %dma_wait3A_404 = arith.constant 0 : i32
        %dma_wait3A_405 = arith.constant 0 : i32
        %dma_wait3A_406 = tpu.memref_slice %arg4[%add3A, %dma_wait3A_399, %dma_wait3A_404, %dma_wait3A_405] : memref<32x129x2x80xi32, #tpu.memory_space<hbm>> -> memref<1x1x2x80xi32, #tpu.memory_space<hbm>>
        %dma_wait3A_407 = tpu.memref_squeeze %dma_wait3A_406 : memref<1x1x2x80xi32, #tpu.memory_space<hbm>> -> memref<2x80xi32, #tpu.memory_space<hbm>>
        tpu.wait_dma2 semaphore(%arg26 : memref<!tpu.dma_semaphore, #tpu.memory_space<semaphore_mem>>) src(%dma_wait3A_407 : memref<2x80xi32, #tpu.memory_space<hbm>>) dst(%arg7 : memref<2x80xi32, #tpu.memory_space<vmem>>)
        %dma_start3A_408 = arith.constant 0 : i32
        %dma_start3A_409 = arith.constant 0 : i32
        %dma_start3A_410 = tpu.memref_slice %arg7[%dma_start3A_408, %dma_start3A_409] : memref<2x80xi32, #tpu.memory_space<vmem>> -> memref<1x80xi32, #tpu.memory_space<vmem>>
        %dma_start3A_411 = tpu.memref_squeeze %dma_start3A_410 : memref<1x80xi32, #tpu.memory_space<vmem>> -> memref<80xi32, #tpu.memory_space<vmem>>
        %dma_start3A_412 = arith.constant 0 : i32
        %dma_start3A_413 = arith.constant 0 : i32
        %dma_start3A_414 = tpu.memref_slice %arg2[%dma_start3A_412, %dma_start3A_413] : memref<10240x144xf32, #tpu.memory_space<hbm>> -> memref<10240x144xf32, #tpu.memory_space<hbm>>
        tpu.enqueue_indirect_dma source(%dma_start3A_414 : memref<10240x144xf32, #tpu.memory_space<hbm>>) target(%arg10 : memref<80x144xf32, #tpu.memory_space<vmem>>) offsets(%dma_start3A_411 : memref<80xi32, #tpu.memory_space<vmem>>) semaphore(%arg17 : memref<!tpu.dma_semaphore, #tpu.memory_space<semaphore_mem>>)
        %dma_start3A_415 = arith.constant 1 : i32
        %dma_start3A_416 = arith.constant 0 : i32
        %dma_start3A_417 = tpu.memref_slice %arg7[%dma_start3A_415, %dma_start3A_416] : memref<2x80xi32, #tpu.memory_space<vmem>> -> memref<1x80xi32, #tpu.memory_space<vmem>>
        %dma_start3A_418 = tpu.memref_squeeze %dma_start3A_417 : memref<1x80xi32, #tpu.memory_space<vmem>> -> memref<80xi32, #tpu.memory_space<vmem>>
        %dma_start3A_419 = arith.constant 0 : i32
        %dma_start3A_420 = arith.constant 0 : i32
        %dma_start3A_421 = tpu.memref_slice %arg3[%dma_start3A_419, %dma_start3A_420] : memref<10240x16xf32, #tpu.memory_space<hbm>> -> memref<10240x16xf32, #tpu.memory_space<hbm>>
        tpu.enqueue_indirect_dma source(%dma_start3A_421 : memref<10240x16xf32, #tpu.memory_space<hbm>>) target(%arg13 : memref<80x16xf32, #tpu.memory_space<vmem>>) offsets(%dma_start3A_418 : memref<80xi32, #tpu.memory_space<vmem>>) semaphore(%arg20 : memref<!tpu.dma_semaphore, #tpu.memory_space<semaphore_mem>>)
      } else {
      }
      %add3A_271 = arith.constant 2 : i32
      %add3A_272 = arith.addi %add3A_262, %add3A_271 : i32
      %lt3A_273 = arith.constant 129 : i32
      %lt3A_274 = arith.cmpi slt, %add3A_272, %lt3A_273 : i32
      %convert_element_type3A_275 = arith.extui %lt3A_274 : i1 to i32
      %cond3A_276 = arith.constant 0 : i32
      %cond3A_277 = arith.cmpi ne, %convert_element_type3A_275, %cond3A_276 : i32
      scf.if %cond3A_277 {
        %add3A_399 = arith.constant 2 : i32
        %add3A_400 = arith.addi %add3A_262, %add3A_399 : i32
        %dma_start3A_401 = arith.constant 0 : i32
        %dma_start3A_402 = arith.constant 0 : i32
        %dma_start3A_403 = tpu.memref_slice %arg4[%add3A, %add3A_400, %dma_start3A_401, %dma_start3A_402] : memref<32x129x2x80xi32, #tpu.memory_space<hbm>> -> memref<1x1x2x80xi32, #tpu.memory_space<hbm>>
        %dma_start3A_404 = tpu.memref_squeeze %dma_start3A_403 : memref<1x1x2x80xi32, #tpu.memory_space<hbm>> -> memref<2x80xi32, #tpu.memory_space<hbm>>
        %dma_start3A_405 = arith.constant 0 : i32
        %dma_start3A_406 = arith.constant 0 : i32
        %dma_start3A_407 = tpu.memref_slice %arg4[%add3A, %add3A_400, %dma_start3A_405, %dma_start3A_406] : memref<32x129x2x80xi32, #tpu.memory_space<hbm>> -> memref<1x1x2x80xi32, #tpu.memory_space<hbm>>
        %dma_start3A_408 = tpu.memref_squeeze %dma_start3A_407 : memref<1x1x2x80xi32, #tpu.memory_space<hbm>> -> memref<2x80xi32, #tpu.memory_space<hbm>>
        tpu.enqueue_dma source(%dma_start3A_408 : memref<2x80xi32, #tpu.memory_space<hbm>>) target(%arg8 : memref<2x80xi32, #tpu.memory_space<vmem>>) target_semaphore(%arg27 : memref<!tpu.dma_semaphore, #tpu.memory_space<semaphore_mem>>)
      } else {
      }
      %dma_wait3A_278 = arith.constant 0 : i32
      %dma_wait3A_279 = arith.constant 0 : i32
      %dma_wait3A_280 = tpu.memref_slice %arg2[%dma_wait3A_278, %dma_wait3A_279] : memref<10240x144xf32, #tpu.memory_space<hbm>> -> memref<80x144xf32, #tpu.memory_space<hbm>>
      %dma_wait3A_281 = arith.constant 0 : i32
      %dma_wait3A_282 = arith.constant 0 : i32
      %dma_wait3A_283 = tpu.memref_slice %arg2[%dma_wait3A_281, %dma_wait3A_282] : memref<10240x144xf32, #tpu.memory_space<hbm>> -> memref<80x144xf32, #tpu.memory_space<hbm>>
      tpu.wait_dma2 semaphore(%arg16 : memref<!tpu.dma_semaphore, #tpu.memory_space<semaphore_mem>>) src(%dma_wait3A_283 : memref<80x144xf32, #tpu.memory_space<hbm>>) dst(%arg9 : memref<80x144xf32, #tpu.memory_space<vmem>>)
      %dma_wait3A_284 = arith.constant 0 : i32
      %dma_wait3A_285 = arith.constant 0 : i32
      %dma_wait3A_286 = tpu.memref_slice %arg3[%dma_wait3A_284, %dma_wait3A_285] : memref<10240x16xf32, #tpu.memory_space<hbm>> -> memref<80x16xf32, #tpu.memory_space<hbm>>
      %dma_wait3A_287 = arith.constant 0 : i32
      %dma_wait3A_288 = arith.constant 0 : i32
      %dma_wait3A_289 = tpu.memref_slice %arg3[%dma_wait3A_287, %dma_wait3A_288] : memref<10240x16xf32, #tpu.memory_space<hbm>> -> memref<80x16xf32, #tpu.memory_space<hbm>>
      tpu.wait_dma2 semaphore(%arg19 : memref<!tpu.dma_semaphore, #tpu.memory_space<semaphore_mem>>) src(%dma_wait3A_289 : memref<80x16xf32, #tpu.memory_space<hbm>>) dst(%arg12 : memref<80x16xf32, #tpu.memory_space<vmem>>)
      %scan3A_290 = arith.constant 0 : i32
      %scan3A_291 = arith.constant 0 : i32
      %scan3A_292 = arith.constant 80 : i32
      %scan3A_293 = arith.addi %scan3A_291, %scan3A_292 : i32
      %scan3A_294 = arith.constant 2 : i32
      scf.for %scan3A_399 = %scan3A_291 to %scan3A_293 step %scan3A_294  : i32 {
        %get3A = arith.index_cast %scan3A_399 : i32 to index
        %get3A_400 = arith.constant 128 : index
        %get3A_401 = tpu.vector_load %arg9[%get3A, %get3A_400] {strides = array<i32>} : memref<80x144xf32, #tpu.memory_space<vmem>>, vector<16xf32>,
        %get3A_402 = arith.index_cast %scan3A_399 : i32 to index
        %get3A_403 = arith.constant 0 : index
        %get3A_404 = tpu.vector_load %arg12[%get3A_402, %get3A_403] {strides = array<i32>} : memref<80x16xf32, #tpu.memory_space<vmem>>, vector<16xf32>,
        %add3A_405 = arith.addf %get3A_401, %get3A_404 : vector<16xf32>
        %ge3A_406 = arith.constant 0.000000e+00 : f32
        %ge3A_407 = vector.broadcast %ge3A_406 : f32 to vector<16xf32>
        %ge3A_408 = arith.cmpf oge, %add3A_405, %ge3A_407 : vector<16xf32>
        %mul3A_409 = arith.constant 2.000000e-01 : f32
        %mul3A_410 = vector.broadcast %mul3A_409 : f32 to vector<16xf32>
        %mul3A_411 = arith.mulf %mul3A_410, %add3A_405 : vector<16xf32>
        %select_n3A = arith.select %ge3A_408, %add3A_405, %mul3A_411 : vector<16xi1>, vector<16xf32>
        %exp3A = math.exp %select_n3A : vector<16xf32>
        %iota3A = tpu.iota {dimensions = array<i32: 0>} : vector<16xi32>
        %lt3A_412 = arith.constant 8 : i32
        %lt3A_413 = vector.broadcast %lt3A_412 : i32 to vector<16xi32>
        %lt3A_414 = arith.cmpi slt, %iota3A, %lt3A_413 : vector<16xi32>
        %jit3A = arith.constant 0.000000e+00 : f32
        %broadcast_in_dim3A = vector.broadcast %jit3A : f32 to vector<16xf32>
        %select_n3A_415 = arith.select %lt3A_414, %exp3A, %broadcast_in_dim3A : vector<16xi1>, vector<16xf32>
        %swap3A = arith.index_cast %scan3A_399 : i32 to index
        %swap3A_416 = arith.constant 128 : index
        %swap3A_417 = tpu.vector_load %arg9[%swap3A, %swap3A_416] {strides = array<i32>} : memref<80x144xf32, #tpu.memory_space<vmem>>, vector<16xf32>,
        tpu.vector_store %arg9[%swap3A, %swap3A_416], %select_n3A_415 {strides = array<i32>} : memref<80x144xf32, #tpu.memory_space<vmem>>, vector<16xf32>,
        %get3A_418 = arith.index_cast %scan3A_399 : i32 to index
        %get3A_419 = arith.constant 0 : index
        %get3A_420 = tpu.vector_load %arg9[%get3A_418, %get3A_419] {strides = array<i32>} : memref<80x144xf32, #tpu.memory_space<vmem>>, vector<16xf32>,
        %slice3A = vector.extract_strided_slice %select_n3A_415 {offsets = [0], sizes = [1], strides = [1]} : vector<16xf32> to vector<1xf32>
        %squeeze3A = vector.extract %slice3A[0] : f32 from vector<1xf32>
        %mul3A_421 = vector.broadcast %squeeze3A : f32 to vector<16xf32>
        %mul3A_422 = arith.mulf %get3A_420, %mul3A_421 : vector<16xf32>
        %swap3A_423 = arith.index_cast %scan3A_399 : i32 to index
        %swap3A_424 = arith.constant 0 : index
        %swap3A_425 = tpu.vector_load %arg9[%swap3A_423, %swap3A_424] {strides = array<i32>} : memref<80x144xf32, #tpu.memory_space<vmem>>, vector<16xf32>,
        tpu.vector_store %arg9[%swap3A_423, %swap3A_424], %mul3A_422 {strides = array<i32>} : memref<80x144xf32, #tpu.memory_space<vmem>>, vector<16xf32>,
        %get3A_426 = arith.index_cast %scan3A_399 : i32 to index
        %get3A_427 = arith.constant 16 : index
        %get3A_428 = tpu.vector_load %arg9[%get3A_426, %get3A_427] {strides = array<i32>} : memref<80x144xf32, #tpu.memory_space<vmem>>, vector<16xf32>,
        %slice3A_429 = vector.extract_strided_slice %select_n3A_415 {offsets = [1], sizes = [1], strides = [1]} : vector<16xf32> to vector<1xf32>
        %squeeze3A_430 = vector.extract %slice3A_429[0] : f32 from vector<1xf32>
        %mul3A_431 = vector.broadcast %squeeze3A_430 : f32 to vector<16xf32>
        %mul3A_432 = arith.mulf %get3A_428, %mul3A_431 : vector<16xf32>
        %swap3A_433 = arith.index_cast %scan3A_399 : i32 to index
        %swap3A_434 = arith.constant 16 : index
        %swap3A_435 = tpu.vector_load %arg9[%swap3A_433, %swap3A_434] {strides = array<i32>} : memref<80x144xf32, #tpu.memory_space<vmem>>, vector<16xf32>,
        tpu.vector_store %arg9[%swap3A_433, %swap3A_434], %mul3A_432 {strides = array<i32>} : memref<80x144xf32, #tpu.memory_space<vmem>>, vector<16xf32>,
        %get3A_436 = arith.index_cast %scan3A_399 : i32 to index
        %get3A_437 = arith.constant 32 : index
        %get3A_438 = tpu.vector_load %arg9[%get3A_436, %get3A_437] {strides = array<i32>} : memref<80x144xf32, #tpu.memory_space<vmem>>, vector<16xf32>,
        %slice3A_439 = vector.extract_strided_slice %select_n3A_415 {offsets = [2], sizes = [1], strides = [1]} : vector<16xf32> to vector<1xf32>
        %squeeze3A_440 = vector.extract %slice3A_439[0] : f32 from vector<1xf32>
        %mul3A_441 = vector.broadcast %squeeze3A_440 : f32 to vector<16xf32>
        %mul3A_442 = arith.mulf %get3A_438, %mul3A_441 : vector<16xf32>
        %swap3A_443 = arith.index_cast %scan3A_399 : i32 to index
        %swap3A_444 = arith.constant 32 : index
        %swap3A_445 = tpu.vector_load %arg9[%swap3A_443, %swap3A_444] {strides = array<i32>} : memref<80x144xf32, #tpu.memory_space<vmem>>, vector<16xf32>,
        tpu.vector_store %arg9[%swap3A_443, %swap3A_444], %mul3A_442 {strides = array<i32>} : memref<80x144xf32, #tpu.memory_space<vmem>>, vector<16xf32>,
        %get3A_446 = arith.index_cast %scan3A_399 : i32 to index
        %get3A_447 = arith.constant 48 : index
        %get3A_448 = tpu.vector_load %arg9[%get3A_446, %get3A_447] {strides = array<i32>} : memref<80x144xf32, #tpu.memory_space<vmem>>, vector<16xf32>,
        %slice3A_449 = vector.extract_strided_slice %select_n3A_415 {offsets = [3], sizes = [1], strides = [1]} : vector<16xf32> to vector<1xf32>
        %squeeze3A_450 = vector.extract %slice3A_449[0] : f32 from vector<1xf32>
        %mul3A_451 = vector.broadcast %squeeze3A_450 : f32 to vector<16xf32>
        %mul3A_452 = arith.mulf %get3A_448, %mul3A_451 : vector<16xf32>
        %swap3A_453 = arith.index_cast %scan3A_399 : i32 to index
        %swap3A_454 = arith.constant 48 : index
        %swap3A_455 = tpu.vector_load %arg9[%swap3A_453, %swap3A_454] {strides = array<i32>} : memref<80x144xf32, #tpu.memory_space<vmem>>, vector<16xf32>,
        tpu.vector_store %arg9[%swap3A_453, %swap3A_454], %mul3A_452 {strides = array<i32>} : memref<80x144xf32, #tpu.memory_space<vmem>>, vector<16xf32>,
        %get3A_456 = arith.index_cast %scan3A_399 : i32 to index
        %get3A_457 = arith.constant 64 : index
        %get3A_458 = tpu.vector_load %arg9[%get3A_456, %get3A_457] {strides = array<i32>} : memref<80x144xf32, #tpu.memory_space<vmem>>, vector<16xf32>,
        %slice3A_459 = vector.extract_strided_slice %select_n3A_415 {offsets = [4], sizes = [1], strides = [1]} : vector<16xf32> to vector<1xf32>
        %squeeze3A_460 = vector.extract %slice3A_459[0] : f32 from vector<1xf32>
        %mul3A_461 = vector.broadcast %squeeze3A_460 : f32 to vector<16xf32>
        %mul3A_462 = arith.mulf %get3A_458, %mul3A_461 : vector<16xf32>
        %swap3A_463 = arith.index_cast %scan3A_399 : i32 to index
        %swap3A_464 = arith.constant 64 : index
        %swap3A_465 = tpu.vector_load %arg9[%swap3A_463, %swap3A_464] {strides = array<i32>} : memref<80x144xf32, #tpu.memory_space<vmem>>, vector<16xf32>,
        tpu.vector_store %arg9[%swap3A_463, %swap3A_464], %mul3A_462 {strides = array<i32>} : memref<80x144xf32, #tpu.memory_space<vmem>>, vector<16xf32>,
        %get3A_466 = arith.index_cast %scan3A_399 : i32 to index
        %get3A_467 = arith.constant 80 : index
        %get3A_468 = tpu.vector_load %arg9[%get3A_466, %get3A_467] {strides = array<i32>} : memref<80x144xf32, #tpu.memory_space<vmem>>, vector<16xf32>,
        %slice3A_469 = vector.extract_strided_slice %select_n3A_415 {offsets = [5], sizes = [1], strides = [1]} : vector<16xf32> to vector<1xf32>
        %squeeze3A_470 = vector.extract %slice3A_469[0] : f32 from vector<1xf32>
        %mul3A_471 = vector.broadcast %squeeze3A_470 : f32 to vector<16xf32>
        %mul3A_472 = arith.mulf %get3A_468, %mul3A_471 : vector<16xf32>
        %swap3A_473 = arith.index_cast %scan3A_399 : i32 to index
        %swap3A_474 = arith.constant 80 : index
        %swap3A_475 = tpu.vector_load %arg9[%swap3A_473, %swap3A_474] {strides = array<i32>} : memref<80x144xf32, #tpu.memory_space<vmem>>, vector<16xf32>,
        tpu.vector_store %arg9[%swap3A_473, %swap3A_474], %mul3A_472 {strides = array<i32>} : memref<80x144xf32, #tpu.memory_space<vmem>>, vector<16xf32>,
        %get3A_476 = arith.index_cast %scan3A_399 : i32 to index
        %get3A_477 = arith.constant 96 : index
        %get3A_478 = tpu.vector_load %arg9[%get3A_476, %get3A_477] {strides = array<i32>} : memref<80x144xf32, #tpu.memory_space<vmem>>, vector<16xf32>,
        %slice3A_479 = vector.extract_strided_slice %select_n3A_415 {offsets = [6], sizes = [1], strides = [1]} : vector<16xf32> to vector<1xf32>
        %squeeze3A_480 = vector.extract %slice3A_479[0] : f32 from vector<1xf32>
        %mul3A_481 = vector.broadcast %squeeze3A_480 : f32 to vector<16xf32>
        %mul3A_482 = arith.mulf %get3A_478, %mul3A_481 : vector<16xf32>
        %swap3A_483 = arith.index_cast %scan3A_399 : i32 to index
        %swap3A_484 = arith.constant 96 : index
        %swap3A_485 = tpu.vector_load %arg9[%swap3A_483, %swap3A_484] {strides = array<i32>} : memref<80x144xf32, #tpu.memory_space<vmem>>, vector<16xf32>,
        tpu.vector_store %arg9[%swap3A_483, %swap3A_484], %mul3A_482 {strides = array<i32>} : memref<80x144xf32, #tpu.memory_space<vmem>>, vector<16xf32>,
        %get3A_486 = arith.index_cast %scan3A_399 : i32 to index
        %get3A_487 = arith.constant 112 : index
        %get3A_488 = tpu.vector_load %arg9[%get3A_486, %get3A_487] {strides = array<i32>} : memref<80x144xf32, #tpu.memory_space<vmem>>, vector<16xf32>,
        %slice3A_489 = vector.extract_strided_slice %select_n3A_415 {offsets = [7], sizes = [1], strides = [1]} : vector<16xf32> to vector<1xf32>
        %squeeze3A_490 = vector.extract %slice3A_489[0] : f32 from vector<1xf32>
        %mul3A_491 = vector.broadcast %squeeze3A_490 : f32 to vector<16xf32>
        %mul3A_492 = arith.mulf %get3A_488, %mul3A_491 : vector<16xf32>
        %swap3A_493 = arith.index_cast %scan3A_399 : i32 to index
        %swap3A_494 = arith.constant 112 : index
        %swap3A_495 = tpu.vector_load %arg9[%swap3A_493, %swap3A_494] {strides = array<i32>} : memref<80x144xf32, #tpu.memory_space<vmem>>, vector<16xf32>,
        tpu.vector_store %arg9[%swap3A_493, %swap3A_494], %mul3A_492 {strides = array<i32>} : memref<80x144xf32, #tpu.memory_space<vmem>>, vector<16xf32>,
        %scan3A_496 = arith.constant 1 : i32
        %scan3A_497 = arith.addi %scan3A_399, %scan3A_496 : i32
        %get3A_498 = arith.index_cast %scan3A_497 : i32 to index
        %get3A_499 = arith.constant 128 : index
        %get3A_500 = tpu.vector_load %arg9[%get3A_498, %get3A_499] {strides = array<i32>} : memref<80x144xf32, #tpu.memory_space<vmem>>, vector<16xf32>,
        %get3A_501 = arith.index_cast %scan3A_497 : i32 to index
        %get3A_502 = arith.constant 0 : index
        %get3A_503 = tpu.vector_load %arg12[%get3A_501, %get3A_502] {strides = array<i32>} : memref<80x16xf32, #tpu.memory_space<vmem>>, vector<16xf32>,
        %add3A_504 = arith.addf %get3A_500, %get3A_503 : vector<16xf32>
        %ge3A_505 = arith.constant 0.000000e+00 : f32
        %ge3A_506 = vector.broadcast %ge3A_505 : f32 to vector<16xf32>
        %ge3A_507 = arith.cmpf oge, %add3A_504, %ge3A_506 : vector<16xf32>
        %mul3A_508 = arith.constant 2.000000e-01 : f32
        %mul3A_509 = vector.broadcast %mul3A_508 : f32 to vector<16xf32>
        %mul3A_510 = arith.mulf %mul3A_509, %add3A_504 : vector<16xf32>
        %select_n3A_511 = arith.select %ge3A_507, %add3A_504, %mul3A_510 : vector<16xi1>, vector<16xf32>
        %exp3A_512 = math.exp %select_n3A_511 : vector<16xf32>
        %iota3A_513 = tpu.iota {dimensions = array<i32: 0>} : vector<16xi32>
        %lt3A_514 = arith.constant 8 : i32
        %lt3A_515 = vector.broadcast %lt3A_514 : i32 to vector<16xi32>
        %lt3A_516 = arith.cmpi slt, %iota3A_513, %lt3A_515 : vector<16xi32>
        %jit3A_517 = arith.constant 0.000000e+00 : f32
        %broadcast_in_dim3A_518 = vector.broadcast %jit3A_517 : f32 to vector<16xf32>
        %select_n3A_519 = arith.select %lt3A_516, %exp3A_512, %broadcast_in_dim3A_518 : vector<16xi1>, vector<16xf32>
        %swap3A_520 = arith.index_cast %scan3A_497 : i32 to index
        %swap3A_521 = arith.constant 128 : index
        %swap3A_522 = tpu.vector_load %arg9[%swap3A_520, %swap3A_521] {strides = array<i32>} : memref<80x144xf32, #tpu.memory_space<vmem>>, vector<16xf32>,
        tpu.vector_store %arg9[%swap3A_520, %swap3A_521], %select_n3A_519 {strides = array<i32>} : memref<80x144xf32, #tpu.memory_space<vmem>>, vector<16xf32>,
        %get3A_523 = arith.index_cast %scan3A_497 : i32 to index
        %get3A_524 = arith.constant 0 : index
        %get3A_525 = tpu.vector_load %arg9[%get3A_523, %get3A_524] {strides = array<i32>} : memref<80x144xf32, #tpu.memory_space<vmem>>, vector<16xf32>,
        %slice3A_526 = vector.extract_strided_slice %select_n3A_519 {offsets = [0], sizes = [1], strides = [1]} : vector<16xf32> to vector<1xf32>
        %squeeze3A_527 = vector.extract %slice3A_526[0] : f32 from vector<1xf32>
        %mul3A_528 = vector.broadcast %squeeze3A_527 : f32 to vector<16xf32>
        %mul3A_529 = arith.mulf %get3A_525, %mul3A_528 : vector<16xf32>
        %swap3A_530 = arith.index_cast %scan3A_497 : i32 to index
        %swap3A_531 = arith.constant 0 : index
        %swap3A_532 = tpu.vector_load %arg9[%swap3A_530, %swap3A_531] {strides = array<i32>} : memref<80x144xf32, #tpu.memory_space<vmem>>, vector<16xf32>,
        tpu.vector_store %arg9[%swap3A_530, %swap3A_531], %mul3A_529 {strides = array<i32>} : memref<80x144xf32, #tpu.memory_space<vmem>>, vector<16xf32>,
        %get3A_533 = arith.index_cast %scan3A_497 : i32 to index
        %get3A_534 = arith.constant 16 : index
        %get3A_535 = tpu.vector_load %arg9[%get3A_533, %get3A_534] {strides = array<i32>} : memref<80x144xf32, #tpu.memory_space<vmem>>, vector<16xf32>,
        %slice3A_536 = vector.extract_strided_slice %select_n3A_519 {offsets = [1], sizes = [1], strides = [1]} : vector<16xf32> to vector<1xf32>
        %squeeze3A_537 = vector.extract %slice3A_536[0] : f32 from vector<1xf32>
        %mul3A_538 = vector.broadcast %squeeze3A_537 : f32 to vector<16xf32>
        %mul3A_539 = arith.mulf %get3A_535, %mul3A_538 : vector<16xf32>
        %swap3A_540 = arith.index_cast %scan3A_497 : i32 to index
        %swap3A_541 = arith.constant 16 : index
        %swap3A_542 = tpu.vector_load %arg9[%swap3A_540, %swap3A_541] {strides = array<i32>} : memref<80x144xf32, #tpu.memory_space<vmem>>, vector<16xf32>,
        tpu.vector_store %arg9[%swap3A_540, %swap3A_541], %mul3A_539 {strides = array<i32>} : memref<80x144xf32, #tpu.memory_space<vmem>>, vector<16xf32>,
        %get3A_543 = arith.index_cast %scan3A_497 : i32 to index
        %get3A_544 = arith.constant 32 : index
        %get3A_545 = tpu.vector_load %arg9[%get3A_543, %get3A_544] {strides = array<i32>} : memref<80x144xf32, #tpu.memory_space<vmem>>, vector<16xf32>,
        %slice3A_546 = vector.extract_strided_slice %select_n3A_519 {offsets = [2], sizes = [1], strides = [1]} : vector<16xf32> to vector<1xf32>
        %squeeze3A_547 = vector.extract %slice3A_546[0] : f32 from vector<1xf32>
        %mul3A_548 = vector.broadcast %squeeze3A_547 : f32 to vector<16xf32>
        %mul3A_549 = arith.mulf %get3A_545, %mul3A_548 : vector<16xf32>
        %swap3A_550 = arith.index_cast %scan3A_497 : i32 to index
        %swap3A_551 = arith.constant 32 : index
        %swap3A_552 = tpu.vector_load %arg9[%swap3A_550, %swap3A_551] {strides = array<i32>} : memref<80x144xf32, #tpu.memory_space<vmem>>, vector<16xf32>,
        tpu.vector_store %arg9[%swap3A_550, %swap3A_551], %mul3A_549 {strides = array<i32>} : memref<80x144xf32, #tpu.memory_space<vmem>>, vector<16xf32>,
        %get3A_553 = arith.index_cast %scan3A_497 : i32 to index
        %get3A_554 = arith.constant 48 : index
        %get3A_555 = tpu.vector_load %arg9[%get3A_553, %get3A_554] {strides = array<i32>} : memref<80x144xf32, #tpu.memory_space<vmem>>, vector<16xf32>,
        %slice3A_556 = vector.extract_strided_slice %select_n3A_519 {offsets = [3], sizes = [1], strides = [1]} : vector<16xf32> to vector<1xf32>
        %squeeze3A_557 = vector.extract %slice3A_556[0] : f32 from vector<1xf32>
        %mul3A_558 = vector.broadcast %squeeze3A_557 : f32 to vector<16xf32>
        %mul3A_559 = arith.mulf %get3A_555, %mul3A_558 : vector<16xf32>
        %swap3A_560 = arith.index_cast %scan3A_497 : i32 to index
        %swap3A_561 = arith.constant 48 : index
        %swap3A_562 = tpu.vector_load %arg9[%swap3A_560, %swap3A_561] {strides = array<i32>} : memref<80x144xf32, #tpu.memory_space<vmem>>, vector<16xf32>,
        tpu.vector_store %arg9[%swap3A_560, %swap3A_561], %mul3A_559 {strides = array<i32>} : memref<80x144xf32, #tpu.memory_space<vmem>>, vector<16xf32>,
        %get3A_563 = arith.index_cast %scan3A_497 : i32 to index
        %get3A_564 = arith.constant 64 : index
        %get3A_565 = tpu.vector_load %arg9[%get3A_563, %get3A_564] {strides = array<i32>} : memref<80x144xf32, #tpu.memory_space<vmem>>, vector<16xf32>,
        %slice3A_566 = vector.extract_strided_slice %select_n3A_519 {offsets = [4], sizes = [1], strides = [1]} : vector<16xf32> to vector<1xf32>
        %squeeze3A_567 = vector.extract %slice3A_566[0] : f32 from vector<1xf32>
        %mul3A_568 = vector.broadcast %squeeze3A_567 : f32 to vector<16xf32>
        %mul3A_569 = arith.mulf %get3A_565, %mul3A_568 : vector<16xf32>
        %swap3A_570 = arith.index_cast %scan3A_497 : i32 to index
        %swap3A_571 = arith.constant 64 : index
        %swap3A_572 = tpu.vector_load %arg9[%swap3A_570, %swap3A_571] {strides = array<i32>} : memref<80x144xf32, #tpu.memory_space<vmem>>, vector<16xf32>,
        tpu.vector_store %arg9[%swap3A_570, %swap3A_571], %mul3A_569 {strides = array<i32>} : memref<80x144xf32, #tpu.memory_space<vmem>>, vector<16xf32>,
        %get3A_573 = arith.index_cast %scan3A_497 : i32 to index
        %get3A_574 = arith.constant 80 : index
        %get3A_575 = tpu.vector_load %arg9[%get3A_573, %get3A_574] {strides = array<i32>} : memref<80x144xf32, #tpu.memory_space<vmem>>, vector<16xf32>,
        %slice3A_576 = vector.extract_strided_slice %select_n3A_519 {offsets = [5], sizes = [1], strides = [1]} : vector<16xf32> to vector<1xf32>
        %squeeze3A_577 = vector.extract %slice3A_576[0] : f32 from vector<1xf32>
        %mul3A_578 = vector.broadcast %squeeze3A_577 : f32 to vector<16xf32>
        %mul3A_579 = arith.mulf %get3A_575, %mul3A_578 : vector<16xf32>
        %swap3A_580 = arith.index_cast %scan3A_497 : i32 to index
        %swap3A_581 = arith.constant 80 : index
        %swap3A_582 = tpu.vector_load %arg9[%swap3A_580, %swap3A_581] {strides = array<i32>} : memref<80x144xf32, #tpu.memory_space<vmem>>, vector<16xf32>,
        tpu.vector_store %arg9[%swap3A_580, %swap3A_581], %mul3A_579 {strides = array<i32>} : memref<80x144xf32, #tpu.memory_space<vmem>>, vector<16xf32>,
        %get3A_583 = arith.index_cast %scan3A_497 : i32 to index
        %get3A_584 = arith.constant 96 : index
        %get3A_585 = tpu.vector_load %arg9[%get3A_583, %get3A_584] {strides = array<i32>} : memref<80x144xf32, #tpu.memory_space<vmem>>, vector<16xf32>,
        %slice3A_586 = vector.extract_strided_slice %select_n3A_519 {offsets = [6], sizes = [1], strides = [1]} : vector<16xf32> to vector<1xf32>
        %squeeze3A_587 = vector.extract %slice3A_586[0] : f32 from vector<1xf32>
        %mul3A_588 = vector.broadcast %squeeze3A_587 : f32 to vector<16xf32>
        %mul3A_589 = arith.mulf %get3A_585, %mul3A_588 : vector<16xf32>
        %swap3A_590 = arith.index_cast %scan3A_497 : i32 to index
        %swap3A_591 = arith.constant 96 : index
        %swap3A_592 = tpu.vector_load %arg9[%swap3A_590, %swap3A_591] {strides = array<i32>} : memref<80x144xf32, #tpu.memory_space<vmem>>, vector<16xf32>,
        tpu.vector_store %arg9[%swap3A_590, %swap3A_591], %mul3A_589 {strides = array<i32>} : memref<80x144xf32, #tpu.memory_space<vmem>>, vector<16xf32>,
        %get3A_593 = arith.index_cast %scan3A_497 : i32 to index
        %get3A_594 = arith.constant 112 : index
        %get3A_595 = tpu.vector_load %arg9[%get3A_593, %get3A_594] {strides = array<i32>} : memref<80x144xf32, #tpu.memory_space<vmem>>, vector<16xf32>,
        %slice3A_596 = vector.extract_strided_slice %select_n3A_519 {offsets = [7], sizes = [1], strides = [1]} : vector<16xf32> to vector<1xf32>
        %squeeze3A_597 = vector.extract %slice3A_596[0] : f32 from vector<1xf32>
        %mul3A_598 = vector.broadcast %squeeze3A_597 : f32 to vector<16xf32>
        %mul3A_599 = arith.mulf %get3A_595, %mul3A_598 : vector<16xf32>
        %swap3A_600 = arith.index_cast %scan3A_497 : i32 to index
        %swap3A_601 = arith.constant 112 : index
        %swap3A_602 = tpu.vector_load %arg9[%swap3A_600, %swap3A_601] {strides = array<i32>} : memref<80x144xf32, #tpu.memory_space<vmem>>, vector<16xf32>,
        tpu.vector_store %arg9[%swap3A_600, %swap3A_601], %mul3A_599 {strides = array<i32>} : memref<80x144xf32, #tpu.memory_space<vmem>>, vector<16xf32>,
      }
      %scan3A_295 = arith.constant 80 : i32
      %dma_start3A_296 = arith.constant 1 : i32
      %dma_start3A_297 = arith.constant 0 : i32
      %dma_start3A_298 = tpu.memref_slice %arg6[%dma_start3A_296, %dma_start3A_297] : memref<2x80xi32, #tpu.memory_space<vmem>> -> memref<1x80xi32, #tpu.memory_space<vmem>>
      %dma_start3A_299 = tpu.memref_squeeze %dma_start3A_298 : memref<1x80xi32, #tpu.memory_space<vmem>> -> memref<80xi32, #tpu.memory_space<vmem>>
      %dma_start3A_300 = arith.constant 0 : i32
      %dma_start3A_301 = arith.constant 0 : i32
      %dma_start3A_302 = tpu.memref_slice %arg15[%dma_start3A_300, %dma_start3A_301] : memref<10240x144xf32, #tpu.memory_space<vmem_shared>> -> memref<10240x144xf32, #tpu.memory_space<vmem_shared>>
      tpu.enqueue_indirect_dma source(%arg9 : memref<80x144xf32, #tpu.memory_space<vmem>>) target(%dma_start3A_302 : memref<10240x144xf32, #tpu.memory_space<vmem_shared>>) offsets(%dma_start3A_299 : memref<80xi32, #tpu.memory_space<vmem>>) semaphore(%arg22 : memref<!tpu.dma_semaphore, #tpu.memory_space<semaphore_mem>>) {add = true}
      %mul3A_303 = arith.constant 3 : i32
      %mul3A_304 = arith.muli %mul3A_303, %scan3A_258 : i32
      %add3A_305 = arith.constant 1 : i32
      %add3A_306 = arith.addi %mul3A_304, %add3A_305 : i32
      %ge3A_307 = arith.constant 2 : i32
      %ge3A_308 = arith.cmpi sge, %add3A_306, %ge3A_307 : i32
      %convert_element_type3A_309 = arith.extui %ge3A_308 : i1 to i32
      %cond3A_310 = arith.constant 0 : i32
      %cond3A_311 = arith.cmpi ne, %convert_element_type3A_309, %cond3A_310 : i32
      scf.if %cond3A_311 {
        %dma_wait3A_399 = arith.constant 0 : i32
        %dma_wait3A_400 = arith.constant 0 : i32
        %dma_wait3A_401 = tpu.memref_slice %arg2[%dma_wait3A_399, %dma_wait3A_400] : memref<10240x144xf32, #tpu.memory_space<hbm>> -> memref<80x144xf32, #tpu.memory_space<hbm>>
        %dma_wait3A_402 = arith.constant 0 : i32
        %dma_wait3A_403 = arith.constant 0 : i32
        %dma_wait3A_404 = tpu.memref_slice %arg2[%dma_wait3A_402, %dma_wait3A_403] : memref<10240x144xf32, #tpu.memory_space<hbm>> -> memref<80x144xf32, #tpu.memory_space<hbm>>
        tpu.wait_dma2 semaphore(%arg24 : memref<!tpu.dma_semaphore, #tpu.memory_space<semaphore_mem>>) src(%dma_wait3A_404 : memref<80x144xf32, #tpu.memory_space<hbm>>) dst(%arg11 : memref<80x144xf32, #tpu.memory_space<vmem>>)
      } else {
      }
      %add3A_312 = arith.constant 1 : i32
      %add3A_313 = arith.addi %add3A_306, %add3A_312 : i32
      %lt3A_314 = arith.constant 129 : i32
      %lt3A_315 = arith.cmpi slt, %add3A_313, %lt3A_314 : i32
      %convert_element_type3A_316 = arith.extui %lt3A_315 : i1 to i32
      %cond3A_317 = arith.constant 0 : i32
      %cond3A_318 = arith.cmpi ne, %convert_element_type3A_316, %cond3A_317 : i32
      scf.if %cond3A_318 {
        %dma_wait3A_399 = arith.constant 0 : i32
        %dma_wait3A_400 = arith.constant 0 : i32
        %dma_wait3A_401 = arith.constant 0 : i32
        %dma_wait3A_402 = tpu.memref_slice %arg4[%add3A, %dma_wait3A_399, %dma_wait3A_400, %dma_wait3A_401] : memref<32x129x2x80xi32, #tpu.memory_space<hbm>> -> memref<1x1x2x80xi32, #tpu.memory_space<hbm>>
        %dma_wait3A_403 = tpu.memref_squeeze %dma_wait3A_402 : memref<1x1x2x80xi32, #tpu.memory_space<hbm>> -> memref<2x80xi32, #tpu.memory_space<hbm>>
        %dma_wait3A_404 = arith.constant 0 : i32
        %dma_wait3A_405 = arith.constant 0 : i32
        %dma_wait3A_406 = tpu.memref_slice %arg4[%add3A, %dma_wait3A_399, %dma_wait3A_404, %dma_wait3A_405] : memref<32x129x2x80xi32, #tpu.memory_space<hbm>> -> memref<1x1x2x80xi32, #tpu.memory_space<hbm>>
        %dma_wait3A_407 = tpu.memref_squeeze %dma_wait3A_406 : memref<1x1x2x80xi32, #tpu.memory_space<hbm>> -> memref<2x80xi32, #tpu.memory_space<hbm>>
        tpu.wait_dma2 semaphore(%arg27 : memref<!tpu.dma_semaphore, #tpu.memory_space<semaphore_mem>>) src(%dma_wait3A_407 : memref<2x80xi32, #tpu.memory_space<hbm>>) dst(%arg8 : memref<2x80xi32, #tpu.memory_space<vmem>>)
        %dma_start3A_408 = arith.constant 0 : i32
        %dma_start3A_409 = arith.constant 0 : i32
        %dma_start3A_410 = tpu.memref_slice %arg8[%dma_start3A_408, %dma_start3A_409] : memref<2x80xi32, #tpu.memory_space<vmem>> -> memref<1x80xi32, #tpu.memory_space<vmem>>
        %dma_start3A_411 = tpu.memref_squeeze %dma_start3A_410 : memref<1x80xi32, #tpu.memory_space<vmem>> -> memref<80xi32, #tpu.memory_space<vmem>>
        %dma_start3A_412 = arith.constant 0 : i32
        %dma_start3A_413 = arith.constant 0 : i32
        %dma_start3A_414 = tpu.memref_slice %arg2[%dma_start3A_412, %dma_start3A_413] : memref<10240x144xf32, #tpu.memory_space<hbm>> -> memref<10240x144xf32, #tpu.memory_space<hbm>>
        tpu.enqueue_indirect_dma source(%dma_start3A_414 : memref<10240x144xf32, #tpu.memory_space<hbm>>) target(%arg11 : memref<80x144xf32, #tpu.memory_space<vmem>>) offsets(%dma_start3A_411 : memref<80xi32, #tpu.memory_space<vmem>>) semaphore(%arg18 : memref<!tpu.dma_semaphore, #tpu.memory_space<semaphore_mem>>)
        %dma_start3A_415 = arith.constant 1 : i32
        %dma_start3A_416 = arith.constant 0 : i32
        %dma_start3A_417 = tpu.memref_slice %arg8[%dma_start3A_415, %dma_start3A_416] : memref<2x80xi32, #tpu.memory_space<vmem>> -> memref<1x80xi32, #tpu.memory_space<vmem>>
        %dma_start3A_418 = tpu.memref_squeeze %dma_start3A_417 : memref<1x80xi32, #tpu.memory_space<vmem>> -> memref<80xi32, #tpu.memory_space<vmem>>
        %dma_start3A_419 = arith.constant 0 : i32
        %dma_start3A_420 = arith.constant 0 : i32
        %dma_start3A_421 = tpu.memref_slice %arg3[%dma_start3A_419, %dma_start3A_420] : memref<10240x16xf32, #tpu.memory_space<hbm>> -> memref<10240x16xf32, #tpu.memory_space<hbm>>
        tpu.enqueue_indirect_dma source(%dma_start3A_421 : memref<10240x16xf32, #tpu.memory_space<hbm>>) target(%arg14 : memref<80x16xf32, #tpu.memory_space<vmem>>) offsets(%dma_start3A_418 : memref<80xi32, #tpu.memory_space<vmem>>) semaphore(%arg21 : memref<!tpu.dma_semaphore, #tpu.memory_space<semaphore_mem>>)
      } else {
      }
      %add3A_319 = arith.constant 2 : i32
      %add3A_320 = arith.addi %add3A_306, %add3A_319 : i32
      %lt3A_321 = arith.constant 129 : i32
      %lt3A_322 = arith.cmpi slt, %add3A_320, %lt3A_321 : i32
      %convert_element_type3A_323 = arith.extui %lt3A_322 : i1 to i32
      %cond3A_324 = arith.constant 0 : i32
      %cond3A_325 = arith.cmpi ne, %convert_element_type3A_323, %cond3A_324 : i32
      scf.if %cond3A_325 {
        %add3A_399 = arith.constant 2 : i32
        %add3A_400 = arith.addi %add3A_306, %add3A_399 : i32
        %dma_start3A_401 = arith.constant 0 : i32
        %dma_start3A_402 = arith.constant 0 : i32
        %dma_start3A_403 = tpu.memref_slice %arg4[%add3A, %add3A_400, %dma_start3A_401, %dma_start3A_402] : memref<32x129x2x80xi32, #tpu.memory_space<hbm>> -> memref<1x1x2x80xi32, #tpu.memory_space<hbm>>
        %dma_start3A_404 = tpu.memref_squeeze %dma_start3A_403 : memref<1x1x2x80xi32, #tpu.memory_space<hbm>> -> memref<2x80xi32, #tpu.memory_space<hbm>>
        %dma_start3A_405 = arith.constant 0 : i32
        %dma_start3A_406 = arith.constant 0 : i32
        %dma_start3A_407 = tpu.memref_slice %arg4[%add3A, %add3A_400, %dma_start3A_405, %dma_start3A_406] : memref<32x129x2x80xi32, #tpu.memory_space<hbm>> -> memref<1x1x2x80xi32, #tpu.memory_space<hbm>>
        %dma_start3A_408 = tpu.memref_squeeze %dma_start3A_407 : memref<1x1x2x80xi32, #tpu.memory_space<hbm>> -> memref<2x80xi32, #tpu.memory_space<hbm>>
        tpu.enqueue_dma source(%dma_start3A_408 : memref<2x80xi32, #tpu.memory_space<hbm>>) target(%arg6 : memref<2x80xi32, #tpu.memory_space<vmem>>) target_semaphore(%arg25 : memref<!tpu.dma_semaphore, #tpu.memory_space<semaphore_mem>>)
      } else {
      }
      %dma_wait3A_326 = arith.constant 0 : i32
      %dma_wait3A_327 = arith.constant 0 : i32
      %dma_wait3A_328 = tpu.memref_slice %arg2[%dma_wait3A_326, %dma_wait3A_327] : memref<10240x144xf32, #tpu.memory_space<hbm>> -> memref<80x144xf32, #tpu.memory_space<hbm>>
      %dma_wait3A_329 = arith.constant 0 : i32
      %dma_wait3A_330 = arith.constant 0 : i32
      %dma_wait3A_331 = tpu.memref_slice %arg2[%dma_wait3A_329, %dma_wait3A_330] : memref<10240x144xf32, #tpu.memory_space<hbm>> -> memref<80x144xf32, #tpu.memory_space<hbm>>
      tpu.wait_dma2 semaphore(%arg17 : memref<!tpu.dma_semaphore, #tpu.memory_space<semaphore_mem>>) src(%dma_wait3A_331 : memref<80x144xf32, #tpu.memory_space<hbm>>) dst(%arg10 : memref<80x144xf32, #tpu.memory_space<vmem>>)
      %dma_wait3A_332 = arith.constant 0 : i32
      %dma_wait3A_333 = arith.constant 0 : i32
      %dma_wait3A_334 = tpu.memref_slice %arg3[%dma_wait3A_332, %dma_wait3A_333] : memref<10240x16xf32, #tpu.memory_space<hbm>> -> memref<80x16xf32, #tpu.memory_space<hbm>>
      %dma_wait3A_335 = arith.constant 0 : i32
      %dma_wait3A_336 = arith.constant 0 : i32
      %dma_wait3A_337 = tpu.memref_slice %arg3[%dma_wait3A_335, %dma_wait3A_336] : memref<10240x16xf32, #tpu.memory_space<hbm>> -> memref<80x16xf32, #tpu.memory_space<hbm>>
      tpu.wait_dma2 semaphore(%arg20 : memref<!tpu.dma_semaphore, #tpu.memory_space<semaphore_mem>>) src(%dma_wait3A_337 : memref<80x16xf32, #tpu.memory_space<hbm>>) dst(%arg13 : memref<80x16xf32, #tpu.memory_space<vmem>>)
      %scan3A_338 = arith.constant 0 : i32
      %scan3A_339 = arith.constant 0 : i32
      %scan3A_340 = arith.constant 80 : i32
      %scan3A_341 = arith.addi %scan3A_339, %scan3A_340 : i32
      %scan3A_342 = arith.constant 2 : i32
      scf.for %scan3A_399 = %scan3A_339 to %scan3A_341 step %scan3A_342  : i32 {
        %get3A = arith.index_cast %scan3A_399 : i32 to index
        %get3A_400 = arith.constant 128 : index
        %get3A_401 = tpu.vector_load %arg10[%get3A, %get3A_400] {strides = array<i32>} : memref<80x144xf32, #tpu.memory_space<vmem>>, vector<16xf32>,
        %get3A_402 = arith.index_cast %scan3A_399 : i32 to index
        %get3A_403 = arith.constant 0 : index
        %get3A_404 = tpu.vector_load %arg13[%get3A_402, %get3A_403] {strides = array<i32>} : memref<80x16xf32, #tpu.memory_space<vmem>>, vector<16xf32>,
        %add3A_405 = arith.addf %get3A_401, %get3A_404 : vector<16xf32>
        %ge3A_406 = arith.constant 0.000000e+00 : f32
        %ge3A_407 = vector.broadcast %ge3A_406 : f32 to vector<16xf32>
        %ge3A_408 = arith.cmpf oge, %add3A_405, %ge3A_407 : vector<16xf32>
        %mul3A_409 = arith.constant 2.000000e-01 : f32
        %mul3A_410 = vector.broadcast %mul3A_409 : f32 to vector<16xf32>
        %mul3A_411 = arith.mulf %mul3A_410, %add3A_405 : vector<16xf32>
        %select_n3A = arith.select %ge3A_408, %add3A_405, %mul3A_411 : vector<16xi1>, vector<16xf32>
        %exp3A = math.exp %select_n3A : vector<16xf32>
        %iota3A = tpu.iota {dimensions = array<i32: 0>} : vector<16xi32>
        %lt3A_412 = arith.constant 8 : i32
        %lt3A_413 = vector.broadcast %lt3A_412 : i32 to vector<16xi32>
        %lt3A_414 = arith.cmpi slt, %iota3A, %lt3A_413 : vector<16xi32>
        %jit3A = arith.constant 0.000000e+00 : f32
        %broadcast_in_dim3A = vector.broadcast %jit3A : f32 to vector<16xf32>
        %select_n3A_415 = arith.select %lt3A_414, %exp3A, %broadcast_in_dim3A : vector<16xi1>, vector<16xf32>
        %swap3A = arith.index_cast %scan3A_399 : i32 to index
        %swap3A_416 = arith.constant 128 : index
        %swap3A_417 = tpu.vector_load %arg10[%swap3A, %swap3A_416] {strides = array<i32>} : memref<80x144xf32, #tpu.memory_space<vmem>>, vector<16xf32>,
        tpu.vector_store %arg10[%swap3A, %swap3A_416], %select_n3A_415 {strides = array<i32>} : memref<80x144xf32, #tpu.memory_space<vmem>>, vector<16xf32>,
        %get3A_418 = arith.index_cast %scan3A_399 : i32 to index
        %get3A_419 = arith.constant 0 : index
        %get3A_420 = tpu.vector_load %arg10[%get3A_418, %get3A_419] {strides = array<i32>} : memref<80x144xf32, #tpu.memory_space<vmem>>, vector<16xf32>,
        %slice3A = vector.extract_strided_slice %select_n3A_415 {offsets = [0], sizes = [1], strides = [1]} : vector<16xf32> to vector<1xf32>
        %squeeze3A = vector.extract %slice3A[0] : f32 from vector<1xf32>
        %mul3A_421 = vector.broadcast %squeeze3A : f32 to vector<16xf32>
        %mul3A_422 = arith.mulf %get3A_420, %mul3A_421 : vector<16xf32>
        %swap3A_423 = arith.index_cast %scan3A_399 : i32 to index
        %swap3A_424 = arith.constant 0 : index
        %swap3A_425 = tpu.vector_load %arg10[%swap3A_423, %swap3A_424] {strides = array<i32>} : memref<80x144xf32, #tpu.memory_space<vmem>>, vector<16xf32>,
        tpu.vector_store %arg10[%swap3A_423, %swap3A_424], %mul3A_422 {strides = array<i32>} : memref<80x144xf32, #tpu.memory_space<vmem>>, vector<16xf32>,
        %get3A_426 = arith.index_cast %scan3A_399 : i32 to index
        %get3A_427 = arith.constant 16 : index
        %get3A_428 = tpu.vector_load %arg10[%get3A_426, %get3A_427] {strides = array<i32>} : memref<80x144xf32, #tpu.memory_space<vmem>>, vector<16xf32>,
        %slice3A_429 = vector.extract_strided_slice %select_n3A_415 {offsets = [1], sizes = [1], strides = [1]} : vector<16xf32> to vector<1xf32>
        %squeeze3A_430 = vector.extract %slice3A_429[0] : f32 from vector<1xf32>
        %mul3A_431 = vector.broadcast %squeeze3A_430 : f32 to vector<16xf32>
        %mul3A_432 = arith.mulf %get3A_428, %mul3A_431 : vector<16xf32>
        %swap3A_433 = arith.index_cast %scan3A_399 : i32 to index
        %swap3A_434 = arith.constant 16 : index
        %swap3A_435 = tpu.vector_load %arg10[%swap3A_433, %swap3A_434] {strides = array<i32>} : memref<80x144xf32, #tpu.memory_space<vmem>>, vector<16xf32>,
        tpu.vector_store %arg10[%swap3A_433, %swap3A_434], %mul3A_432 {strides = array<i32>} : memref<80x144xf32, #tpu.memory_space<vmem>>, vector<16xf32>,
        %get3A_436 = arith.index_cast %scan3A_399 : i32 to index
        %get3A_437 = arith.constant 32 : index
        %get3A_438 = tpu.vector_load %arg10[%get3A_436, %get3A_437] {strides = array<i32>} : memref<80x144xf32, #tpu.memory_space<vmem>>, vector<16xf32>,
        %slice3A_439 = vector.extract_strided_slice %select_n3A_415 {offsets = [2], sizes = [1], strides = [1]} : vector<16xf32> to vector<1xf32>
        %squeeze3A_440 = vector.extract %slice3A_439[0] : f32 from vector<1xf32>
        %mul3A_441 = vector.broadcast %squeeze3A_440 : f32 to vector<16xf32>
        %mul3A_442 = arith.mulf %get3A_438, %mul3A_441 : vector<16xf32>
        %swap3A_443 = arith.index_cast %scan3A_399 : i32 to index
        %swap3A_444 = arith.constant 32 : index
        %swap3A_445 = tpu.vector_load %arg10[%swap3A_443, %swap3A_444] {strides = array<i32>} : memref<80x144xf32, #tpu.memory_space<vmem>>, vector<16xf32>,
        tpu.vector_store %arg10[%swap3A_443, %swap3A_444], %mul3A_442 {strides = array<i32>} : memref<80x144xf32, #tpu.memory_space<vmem>>, vector<16xf32>,
        %get3A_446 = arith.index_cast %scan3A_399 : i32 to index
        %get3A_447 = arith.constant 48 : index
        %get3A_448 = tpu.vector_load %arg10[%get3A_446, %get3A_447] {strides = array<i32>} : memref<80x144xf32, #tpu.memory_space<vmem>>, vector<16xf32>,
        %slice3A_449 = vector.extract_strided_slice %select_n3A_415 {offsets = [3], sizes = [1], strides = [1]} : vector<16xf32> to vector<1xf32>
        %squeeze3A_450 = vector.extract %slice3A_449[0] : f32 from vector<1xf32>
        %mul3A_451 = vector.broadcast %squeeze3A_450 : f32 to vector<16xf32>
        %mul3A_452 = arith.mulf %get3A_448, %mul3A_451 : vector<16xf32>
        %swap3A_453 = arith.index_cast %scan3A_399 : i32 to index
        %swap3A_454 = arith.constant 48 : index
        %swap3A_455 = tpu.vector_load %arg10[%swap3A_453, %swap3A_454] {strides = array<i32>} : memref<80x144xf32, #tpu.memory_space<vmem>>, vector<16xf32>,
        tpu.vector_store %arg10[%swap3A_453, %swap3A_454], %mul3A_452 {strides = array<i32>} : memref<80x144xf32, #tpu.memory_space<vmem>>, vector<16xf32>,
        %get3A_456 = arith.index_cast %scan3A_399 : i32 to index
        %get3A_457 = arith.constant 64 : index
        %get3A_458 = tpu.vector_load %arg10[%get3A_456, %get3A_457] {strides = array<i32>} : memref<80x144xf32, #tpu.memory_space<vmem>>, vector<16xf32>,
        %slice3A_459 = vector.extract_strided_slice %select_n3A_415 {offsets = [4], sizes = [1], strides = [1]} : vector<16xf32> to vector<1xf32>
        %squeeze3A_460 = vector.extract %slice3A_459[0] : f32 from vector<1xf32>
        %mul3A_461 = vector.broadcast %squeeze3A_460 : f32 to vector<16xf32>
        %mul3A_462 = arith.mulf %get3A_458, %mul3A_461 : vector<16xf32>
        %swap3A_463 = arith.index_cast %scan3A_399 : i32 to index
        %swap3A_464 = arith.constant 64 : index
        %swap3A_465 = tpu.vector_load %arg10[%swap3A_463, %swap3A_464] {strides = array<i32>} : memref<80x144xf32, #tpu.memory_space<vmem>>, vector<16xf32>,
        tpu.vector_store %arg10[%swap3A_463, %swap3A_464], %mul3A_462 {strides = array<i32>} : memref<80x144xf32, #tpu.memory_space<vmem>>, vector<16xf32>,
        %get3A_466 = arith.index_cast %scan3A_399 : i32 to index
        %get3A_467 = arith.constant 80 : index
        %get3A_468 = tpu.vector_load %arg10[%get3A_466, %get3A_467] {strides = array<i32>} : memref<80x144xf32, #tpu.memory_space<vmem>>, vector<16xf32>,
        %slice3A_469 = vector.extract_strided_slice %select_n3A_415 {offsets = [5], sizes = [1], strides = [1]} : vector<16xf32> to vector<1xf32>
        %squeeze3A_470 = vector.extract %slice3A_469[0] : f32 from vector<1xf32>
        %mul3A_471 = vector.broadcast %squeeze3A_470 : f32 to vector<16xf32>
        %mul3A_472 = arith.mulf %get3A_468, %mul3A_471 : vector<16xf32>
        %swap3A_473 = arith.index_cast %scan3A_399 : i32 to index
        %swap3A_474 = arith.constant 80 : index
        %swap3A_475 = tpu.vector_load %arg10[%swap3A_473, %swap3A_474] {strides = array<i32>} : memref<80x144xf32, #tpu.memory_space<vmem>>, vector<16xf32>,
        tpu.vector_store %arg10[%swap3A_473, %swap3A_474], %mul3A_472 {strides = array<i32>} : memref<80x144xf32, #tpu.memory_space<vmem>>, vector<16xf32>,
        %get3A_476 = arith.index_cast %scan3A_399 : i32 to index
        %get3A_477 = arith.constant 96 : index
        %get3A_478 = tpu.vector_load %arg10[%get3A_476, %get3A_477] {strides = array<i32>} : memref<80x144xf32, #tpu.memory_space<vmem>>, vector<16xf32>,
        %slice3A_479 = vector.extract_strided_slice %select_n3A_415 {offsets = [6], sizes = [1], strides = [1]} : vector<16xf32> to vector<1xf32>
        %squeeze3A_480 = vector.extract %slice3A_479[0] : f32 from vector<1xf32>
        %mul3A_481 = vector.broadcast %squeeze3A_480 : f32 to vector<16xf32>
        %mul3A_482 = arith.mulf %get3A_478, %mul3A_481 : vector<16xf32>
        %swap3A_483 = arith.index_cast %scan3A_399 : i32 to index
        %swap3A_484 = arith.constant 96 : index
        %swap3A_485 = tpu.vector_load %arg10[%swap3A_483, %swap3A_484] {strides = array<i32>} : memref<80x144xf32, #tpu.memory_space<vmem>>, vector<16xf32>,
        tpu.vector_store %arg10[%swap3A_483, %swap3A_484], %mul3A_482 {strides = array<i32>} : memref<80x144xf32, #tpu.memory_space<vmem>>, vector<16xf32>,
        %get3A_486 = arith.index_cast %scan3A_399 : i32 to index
        %get3A_487 = arith.constant 112 : index
        %get3A_488 = tpu.vector_load %arg10[%get3A_486, %get3A_487] {strides = array<i32>} : memref<80x144xf32, #tpu.memory_space<vmem>>, vector<16xf32>,
        %slice3A_489 = vector.extract_strided_slice %select_n3A_415 {offsets = [7], sizes = [1], strides = [1]} : vector<16xf32> to vector<1xf32>
        %squeeze3A_490 = vector.extract %slice3A_489[0] : f32 from vector<1xf32>
        %mul3A_491 = vector.broadcast %squeeze3A_490 : f32 to vector<16xf32>
        %mul3A_492 = arith.mulf %get3A_488, %mul3A_491 : vector<16xf32>
        %swap3A_493 = arith.index_cast %scan3A_399 : i32 to index
        %swap3A_494 = arith.constant 112 : index
        %swap3A_495 = tpu.vector_load %arg10[%swap3A_493, %swap3A_494] {strides = array<i32>} : memref<80x144xf32, #tpu.memory_space<vmem>>, vector<16xf32>,
        tpu.vector_store %arg10[%swap3A_493, %swap3A_494], %mul3A_492 {strides = array<i32>} : memref<80x144xf32, #tpu.memory_space<vmem>>, vector<16xf32>,
        %scan3A_496 = arith.constant 1 : i32
        %scan3A_497 = arith.addi %scan3A_399, %scan3A_496 : i32
        %get3A_498 = arith.index_cast %scan3A_497 : i32 to index
        %get3A_499 = arith.constant 128 : index
        %get3A_500 = tpu.vector_load %arg10[%get3A_498, %get3A_499] {strides = array<i32>} : memref<80x144xf32, #tpu.memory_space<vmem>>, vector<16xf32>,
        %get3A_501 = arith.index_cast %scan3A_497 : i32 to index
        %get3A_502 = arith.constant 0 : index
        %get3A_503 = tpu.vector_load %arg13[%get3A_501, %get3A_502] {strides = array<i32>} : memref<80x16xf32, #tpu.memory_space<vmem>>, vector<16xf32>,
        %add3A_504 = arith.addf %get3A_500, %get3A_503 : vector<16xf32>
        %ge3A_505 = arith.constant 0.000000e+00 : f32
        %ge3A_506 = vector.broadcast %ge3A_505 : f32 to vector<16xf32>
        %ge3A_507 = arith.cmpf oge, %add3A_504, %ge3A_506 : vector<16xf32>
        %mul3A_508 = arith.constant 2.000000e-01 : f32
        %mul3A_509 = vector.broadcast %mul3A_508 : f32 to vector<16xf32>
        %mul3A_510 = arith.mulf %mul3A_509, %add3A_504 : vector<16xf32>
        %select_n3A_511 = arith.select %ge3A_507, %add3A_504, %mul3A_510 : vector<16xi1>, vector<16xf32>
        %exp3A_512 = math.exp %select_n3A_511 : vector<16xf32>
        %iota3A_513 = tpu.iota {dimensions = array<i32: 0>} : vector<16xi32>
        %lt3A_514 = arith.constant 8 : i32
        %lt3A_515 = vector.broadcast %lt3A_514 : i32 to vector<16xi32>
        %lt3A_516 = arith.cmpi slt, %iota3A_513, %lt3A_515 : vector<16xi32>
        %jit3A_517 = arith.constant 0.000000e+00 : f32
        %broadcast_in_dim3A_518 = vector.broadcast %jit3A_517 : f32 to vector<16xf32>
        %select_n3A_519 = arith.select %lt3A_516, %exp3A_512, %broadcast_in_dim3A_518 : vector<16xi1>, vector<16xf32>
        %swap3A_520 = arith.index_cast %scan3A_497 : i32 to index
        %swap3A_521 = arith.constant 128 : index
        %swap3A_522 = tpu.vector_load %arg10[%swap3A_520, %swap3A_521] {strides = array<i32>} : memref<80x144xf32, #tpu.memory_space<vmem>>, vector<16xf32>,
        tpu.vector_store %arg10[%swap3A_520, %swap3A_521], %select_n3A_519 {strides = array<i32>} : memref<80x144xf32, #tpu.memory_space<vmem>>, vector<16xf32>,
        %get3A_523 = arith.index_cast %scan3A_497 : i32 to index
        %get3A_524 = arith.constant 0 : index
        %get3A_525 = tpu.vector_load %arg10[%get3A_523, %get3A_524] {strides = array<i32>} : memref<80x144xf32, #tpu.memory_space<vmem>>, vector<16xf32>,
        %slice3A_526 = vector.extract_strided_slice %select_n3A_519 {offsets = [0], sizes = [1], strides = [1]} : vector<16xf32> to vector<1xf32>
        %squeeze3A_527 = vector.extract %slice3A_526[0] : f32 from vector<1xf32>
        %mul3A_528 = vector.broadcast %squeeze3A_527 : f32 to vector<16xf32>
        %mul3A_529 = arith.mulf %get3A_525, %mul3A_528 : vector<16xf32>
        %swap3A_530 = arith.index_cast %scan3A_497 : i32 to index
        %swap3A_531 = arith.constant 0 : index
        %swap3A_532 = tpu.vector_load %arg10[%swap3A_530, %swap3A_531] {strides = array<i32>} : memref<80x144xf32, #tpu.memory_space<vmem>>, vector<16xf32>,
        tpu.vector_store %arg10[%swap3A_530, %swap3A_531], %mul3A_529 {strides = array<i32>} : memref<80x144xf32, #tpu.memory_space<vmem>>, vector<16xf32>,
        %get3A_533 = arith.index_cast %scan3A_497 : i32 to index
        %get3A_534 = arith.constant 16 : index
        %get3A_535 = tpu.vector_load %arg10[%get3A_533, %get3A_534] {strides = array<i32>} : memref<80x144xf32, #tpu.memory_space<vmem>>, vector<16xf32>,
        %slice3A_536 = vector.extract_strided_slice %select_n3A_519 {offsets = [1], sizes = [1], strides = [1]} : vector<16xf32> to vector<1xf32>
        %squeeze3A_537 = vector.extract %slice3A_536[0] : f32 from vector<1xf32>
        %mul3A_538 = vector.broadcast %squeeze3A_537 : f32 to vector<16xf32>
        %mul3A_539 = arith.mulf %get3A_535, %mul3A_538 : vector<16xf32>
        %swap3A_540 = arith.index_cast %scan3A_497 : i32 to index
        %swap3A_541 = arith.constant 16 : index
        %swap3A_542 = tpu.vector_load %arg10[%swap3A_540, %swap3A_541] {strides = array<i32>} : memref<80x144xf32, #tpu.memory_space<vmem>>, vector<16xf32>,
        tpu.vector_store %arg10[%swap3A_540, %swap3A_541], %mul3A_539 {strides = array<i32>} : memref<80x144xf32, #tpu.memory_space<vmem>>, vector<16xf32>,
        %get3A_543 = arith.index_cast %scan3A_497 : i32 to index
        %get3A_544 = arith.constant 32 : index
        %get3A_545 = tpu.vector_load %arg10[%get3A_543, %get3A_544] {strides = array<i32>} : memref<80x144xf32, #tpu.memory_space<vmem>>, vector<16xf32>,
        %slice3A_546 = vector.extract_strided_slice %select_n3A_519 {offsets = [2], sizes = [1], strides = [1]} : vector<16xf32> to vector<1xf32>
        %squeeze3A_547 = vector.extract %slice3A_546[0] : f32 from vector<1xf32>
        %mul3A_548 = vector.broadcast %squeeze3A_547 : f32 to vector<16xf32>
        %mul3A_549 = arith.mulf %get3A_545, %mul3A_548 : vector<16xf32>
        %swap3A_550 = arith.index_cast %scan3A_497 : i32 to index
        %swap3A_551 = arith.constant 32 : index
        %swap3A_552 = tpu.vector_load %arg10[%swap3A_550, %swap3A_551] {strides = array<i32>} : memref<80x144xf32, #tpu.memory_space<vmem>>, vector<16xf32>,
        tpu.vector_store %arg10[%swap3A_550, %swap3A_551], %mul3A_549 {strides = array<i32>} : memref<80x144xf32, #tpu.memory_space<vmem>>, vector<16xf32>,
        %get3A_553 = arith.index_cast %scan3A_497 : i32 to index
        %get3A_554 = arith.constant 48 : index
        %get3A_555 = tpu.vector_load %arg10[%get3A_553, %get3A_554] {strides = array<i32>} : memref<80x144xf32, #tpu.memory_space<vmem>>, vector<16xf32>,
        %slice3A_556 = vector.extract_strided_slice %select_n3A_519 {offsets = [3], sizes = [1], strides = [1]} : vector<16xf32> to vector<1xf32>
        %squeeze3A_557 = vector.extract %slice3A_556[0] : f32 from vector<1xf32>
        %mul3A_558 = vector.broadcast %squeeze3A_557 : f32 to vector<16xf32>
        %mul3A_559 = arith.mulf %get3A_555, %mul3A_558 : vector<16xf32>
        %swap3A_560 = arith.index_cast %scan3A_497 : i32 to index
        %swap3A_561 = arith.constant 48 : index
        %swap3A_562 = tpu.vector_load %arg10[%swap3A_560, %swap3A_561] {strides = array<i32>} : memref<80x144xf32, #tpu.memory_space<vmem>>, vector<16xf32>,
        tpu.vector_store %arg10[%swap3A_560, %swap3A_561], %mul3A_559 {strides = array<i32>} : memref<80x144xf32, #tpu.memory_space<vmem>>, vector<16xf32>,
        %get3A_563 = arith.index_cast %scan3A_497 : i32 to index
        %get3A_564 = arith.constant 64 : index
        %get3A_565 = tpu.vector_load %arg10[%get3A_563, %get3A_564] {strides = array<i32>} : memref<80x144xf32, #tpu.memory_space<vmem>>, vector<16xf32>,
        %slice3A_566 = vector.extract_strided_slice %select_n3A_519 {offsets = [4], sizes = [1], strides = [1]} : vector<16xf32> to vector<1xf32>
        %squeeze3A_567 = vector.extract %slice3A_566[0] : f32 from vector<1xf32>
        %mul3A_568 = vector.broadcast %squeeze3A_567 : f32 to vector<16xf32>
        %mul3A_569 = arith.mulf %get3A_565, %mul3A_568 : vector<16xf32>
        %swap3A_570 = arith.index_cast %scan3A_497 : i32 to index
        %swap3A_571 = arith.constant 64 : index
        %swap3A_572 = tpu.vector_load %arg10[%swap3A_570, %swap3A_571] {strides = array<i32>} : memref<80x144xf32, #tpu.memory_space<vmem>>, vector<16xf32>,
        tpu.vector_store %arg10[%swap3A_570, %swap3A_571], %mul3A_569 {strides = array<i32>} : memref<80x144xf32, #tpu.memory_space<vmem>>, vector<16xf32>,
        %get3A_573 = arith.index_cast %scan3A_497 : i32 to index
        %get3A_574 = arith.constant 80 : index
        %get3A_575 = tpu.vector_load %arg10[%get3A_573, %get3A_574] {strides = array<i32>} : memref<80x144xf32, #tpu.memory_space<vmem>>, vector<16xf32>,
        %slice3A_576 = vector.extract_strided_slice %select_n3A_519 {offsets = [5], sizes = [1], strides = [1]} : vector<16xf32> to vector<1xf32>
        %squeeze3A_577 = vector.extract %slice3A_576[0] : f32 from vector<1xf32>
        %mul3A_578 = vector.broadcast %squeeze3A_577 : f32 to vector<16xf32>
        %mul3A_579 = arith.mulf %get3A_575, %mul3A_578 : vector<16xf32>
        %swap3A_580 = arith.index_cast %scan3A_497 : i32 to index
        %swap3A_581 = arith.constant 80 : index
        %swap3A_582 = tpu.vector_load %arg10[%swap3A_580, %swap3A_581] {strides = array<i32>} : memref<80x144xf32, #tpu.memory_space<vmem>>, vector<16xf32>,
        tpu.vector_store %arg10[%swap3A_580, %swap3A_581], %mul3A_579 {strides = array<i32>} : memref<80x144xf32, #tpu.memory_space<vmem>>, vector<16xf32>,
        %get3A_583 = arith.index_cast %scan3A_497 : i32 to index
        %get3A_584 = arith.constant 96 : index
        %get3A_585 = tpu.vector_load %arg10[%get3A_583, %get3A_584] {strides = array<i32>} : memref<80x144xf32, #tpu.memory_space<vmem>>, vector<16xf32>,
        %slice3A_586 = vector.extract_strided_slice %select_n3A_519 {offsets = [6], sizes = [1], strides = [1]} : vector<16xf32> to vector<1xf32>
        %squeeze3A_587 = vector.extract %slice3A_586[0] : f32 from vector<1xf32>
        %mul3A_588 = vector.broadcast %squeeze3A_587 : f32 to vector<16xf32>
        %mul3A_589 = arith.mulf %get3A_585, %mul3A_588 : vector<16xf32>
        %swap3A_590 = arith.index_cast %scan3A_497 : i32 to index
        %swap3A_591 = arith.constant 96 : index
        %swap3A_592 = tpu.vector_load %arg10[%swap3A_590, %swap3A_591] {strides = array<i32>} : memref<80x144xf32, #tpu.memory_space<vmem>>, vector<16xf32>,
        tpu.vector_store %arg10[%swap3A_590, %swap3A_591], %mul3A_589 {strides = array<i32>} : memref<80x144xf32, #tpu.memory_space<vmem>>, vector<16xf32>,
        %get3A_593 = arith.index_cast %scan3A_497 : i32 to index
        %get3A_594 = arith.constant 112 : index
        %get3A_595 = tpu.vector_load %arg10[%get3A_593, %get3A_594] {strides = array<i32>} : memref<80x144xf32, #tpu.memory_space<vmem>>, vector<16xf32>,
        %slice3A_596 = vector.extract_strided_slice %select_n3A_519 {offsets = [7], sizes = [1], strides = [1]} : vector<16xf32> to vector<1xf32>
        %squeeze3A_597 = vector.extract %slice3A_596[0] : f32 from vector<1xf32>
        %mul3A_598 = vector.broadcast %squeeze3A_597 : f32 to vector<16xf32>
        %mul3A_599 = arith.mulf %get3A_595, %mul3A_598 : vector<16xf32>
        %swap3A_600 = arith.index_cast %scan3A_497 : i32 to index
        %swap3A_601 = arith.constant 112 : index
        %swap3A_602 = tpu.vector_load %arg10[%swap3A_600, %swap3A_601] {strides = array<i32>} : memref<80x144xf32, #tpu.memory_space<vmem>>, vector<16xf32>,
        tpu.vector_store %arg10[%swap3A_600, %swap3A_601], %mul3A_599 {strides = array<i32>} : memref<80x144xf32, #tpu.memory_space<vmem>>, vector<16xf32>,
      }
      %scan3A_343 = arith.constant 80 : i32
      %dma_start3A_344 = arith.constant 1 : i32
      %dma_start3A_345 = arith.constant 0 : i32
      %dma_start3A_346 = tpu.memref_slice %arg7[%dma_start3A_344, %dma_start3A_345] : memref<2x80xi32, #tpu.memory_space<vmem>> -> memref<1x80xi32, #tpu.memory_space<vmem>>
      %dma_start3A_347 = tpu.memref_squeeze %dma_start3A_346 : memref<1x80xi32, #tpu.memory_space<vmem>> -> memref<80xi32, #tpu.memory_space<vmem>>
      %dma_start3A_348 = arith.constant 0 : i32
      %dma_start3A_349 = arith.constant 0 : i32
      %dma_start3A_350 = tpu.memref_slice %arg15[%dma_start3A_348, %dma_start3A_349] : memref<10240x144xf32, #tpu.memory_space<vmem_shared>> -> memref<10240x144xf32, #tpu.memory_space<vmem_shared>>
      tpu.enqueue_indirect_dma source(%arg10 : memref<80x144xf32, #tpu.memory_space<vmem>>) target(%dma_start3A_350 : memref<10240x144xf32, #tpu.memory_space<vmem_shared>>) offsets(%dma_start3A_347 : memref<80xi32, #tpu.memory_space<vmem>>) semaphore(%arg23 : memref<!tpu.dma_semaphore, #tpu.memory_space<semaphore_mem>>) {add = true}
      %mul3A_351 = arith.constant 3 : i32
      %mul3A_352 = arith.muli %mul3A_351, %scan3A_258 : i32
      %add3A_353 = arith.constant 2 : i32
      %add3A_354 = arith.addi %mul3A_352, %add3A_353 : i32
      %ge3A_355 = arith.constant 2 : i32
      %ge3A_356 = arith.cmpi sge, %add3A_354, %ge3A_355 : i32
      %convert_element_type3A_357 = arith.extui %ge3A_356 : i1 to i32
      %cond3A_358 = arith.constant 0 : i32
      %cond3A_359 = arith.cmpi ne, %convert_element_type3A_357, %cond3A_358 : i32
      scf.if %cond3A_359 {
        %dma_wait3A_399 = arith.constant 0 : i32
        %dma_wait3A_400 = arith.constant 0 : i32
        %dma_wait3A_401 = tpu.memref_slice %arg2[%dma_wait3A_399, %dma_wait3A_400] : memref<10240x144xf32, #tpu.memory_space<hbm>> -> memref<80x144xf32, #tpu.memory_space<hbm>>
        %dma_wait3A_402 = arith.constant 0 : i32
        %dma_wait3A_403 = arith.constant 0 : i32
        %dma_wait3A_404 = tpu.memref_slice %arg2[%dma_wait3A_402, %dma_wait3A_403] : memref<10240x144xf32, #tpu.memory_space<hbm>> -> memref<80x144xf32, #tpu.memory_space<hbm>>
        tpu.wait_dma2 semaphore(%arg22 : memref<!tpu.dma_semaphore, #tpu.memory_space<semaphore_mem>>) src(%dma_wait3A_404 : memref<80x144xf32, #tpu.memory_space<hbm>>) dst(%arg9 : memref<80x144xf32, #tpu.memory_space<vmem>>)
      } else {
      }
      %add3A_360 = arith.constant 1 : i32
      %add3A_361 = arith.addi %add3A_354, %add3A_360 : i32
      %lt3A_362 = arith.constant 129 : i32
      %lt3A_363 = arith.cmpi slt, %add3A_361, %lt3A_362 : i32
      %convert_element_type3A_364 = arith.extui %lt3A_363 : i1 to i32
      %cond3A_365 = arith.constant 0 : i32
      %cond3A_366 = arith.cmpi ne, %convert_element_type3A_364, %cond3A_365 : i32
      scf.if %cond3A_366 {
        %dma_wait3A_399 = arith.constant 0 : i32
        %dma_wait3A_400 = arith.constant 0 : i32
        %dma_wait3A_401 = arith.constant 0 : i32
        %dma_wait3A_402 = tpu.memref_slice %arg4[%add3A, %dma_wait3A_399, %dma_wait3A_400, %dma_wait3A_401] : memref<32x129x2x80xi32, #tpu.memory_space<hbm>> -> memref<1x1x2x80xi32, #tpu.memory_space<hbm>>
        %dma_wait3A_403 = tpu.memref_squeeze %dma_wait3A_402 : memref<1x1x2x80xi32, #tpu.memory_space<hbm>> -> memref<2x80xi32, #tpu.memory_space<hbm>>
        %dma_wait3A_404 = arith.constant 0 : i32
        %dma_wait3A_405 = arith.constant 0 : i32
        %dma_wait3A_406 = tpu.memref_slice %arg4[%add3A, %dma_wait3A_399, %dma_wait3A_404, %dma_wait3A_405] : memref<32x129x2x80xi32, #tpu.memory_space<hbm>> -> memref<1x1x2x80xi32, #tpu.memory_space<hbm>>
        %dma_wait3A_407 = tpu.memref_squeeze %dma_wait3A_406 : memref<1x1x2x80xi32, #tpu.memory_space<hbm>> -> memref<2x80xi32, #tpu.memory_space<hbm>>
        tpu.wait_dma2 semaphore(%arg25 : memref<!tpu.dma_semaphore, #tpu.memory_space<semaphore_mem>>) src(%dma_wait3A_407 : memref<2x80xi32, #tpu.memory_space<hbm>>) dst(%arg6 : memref<2x80xi32, #tpu.memory_space<vmem>>)
        %dma_start3A_408 = arith.constant 0 : i32
        %dma_start3A_409 = arith.constant 0 : i32
        %dma_start3A_410 = tpu.memref_slice %arg6[%dma_start3A_408, %dma_start3A_409] : memref<2x80xi32, #tpu.memory_space<vmem>> -> memref<1x80xi32, #tpu.memory_space<vmem>>
        %dma_start3A_411 = tpu.memref_squeeze %dma_start3A_410 : memref<1x80xi32, #tpu.memory_space<vmem>> -> memref<80xi32, #tpu.memory_space<vmem>>
        %dma_start3A_412 = arith.constant 0 : i32
        %dma_start3A_413 = arith.constant 0 : i32
        %dma_start3A_414 = tpu.memref_slice %arg2[%dma_start3A_412, %dma_start3A_413] : memref<10240x144xf32, #tpu.memory_space<hbm>> -> memref<10240x144xf32, #tpu.memory_space<hbm>>
        tpu.enqueue_indirect_dma source(%dma_start3A_414 : memref<10240x144xf32, #tpu.memory_space<hbm>>) target(%arg9 : memref<80x144xf32, #tpu.memory_space<vmem>>) offsets(%dma_start3A_411 : memref<80xi32, #tpu.memory_space<vmem>>) semaphore(%arg16 : memref<!tpu.dma_semaphore, #tpu.memory_space<semaphore_mem>>)
        %dma_start3A_415 = arith.constant 1 : i32
        %dma_start3A_416 = arith.constant 0 : i32
        %dma_start3A_417 = tpu.memref_slice %arg6[%dma_start3A_415, %dma_start3A_416] : memref<2x80xi32, #tpu.memory_space<vmem>> -> memref<1x80xi32, #tpu.memory_space<vmem>>
        %dma_start3A_418 = tpu.memref_squeeze %dma_start3A_417 : memref<1x80xi32, #tpu.memory_space<vmem>> -> memref<80xi32, #tpu.memory_space<vmem>>
        %dma_start3A_419 = arith.constant 0 : i32
        %dma_start3A_420 = arith.constant 0 : i32
        %dma_start3A_421 = tpu.memref_slice %arg3[%dma_start3A_419, %dma_start3A_420] : memref<10240x16xf32, #tpu.memory_space<hbm>> -> memref<10240x16xf32, #tpu.memory_space<hbm>>
        tpu.enqueue_indirect_dma source(%dma_start3A_421 : memref<10240x16xf32, #tpu.memory_space<hbm>>) target(%arg12 : memref<80x16xf32, #tpu.memory_space<vmem>>) offsets(%dma_start3A_418 : memref<80xi32, #tpu.memory_space<vmem>>) semaphore(%arg19 : memref<!tpu.dma_semaphore, #tpu.memory_space<semaphore_mem>>)
      } else {
      }
      %add3A_367 = arith.constant 2 : i32
      %add3A_368 = arith.addi %add3A_354, %add3A_367 : i32
      %lt3A_369 = arith.constant 129 : i32
      %lt3A_370 = arith.cmpi slt, %add3A_368, %lt3A_369 : i32
      %convert_element_type3A_371 = arith.extui %lt3A_370 : i1 to i32
      %cond3A_372 = arith.constant 0 : i32
      %cond3A_373 = arith.cmpi ne, %convert_element_type3A_371, %cond3A_372 : i32
      scf.if %cond3A_373 {
        %add3A_399 = arith.constant 2 : i32
        %add3A_400 = arith.addi %add3A_354, %add3A_399 : i32
        %dma_start3A_401 = arith.constant 0 : i32
        %dma_start3A_402 = arith.constant 0 : i32
        %dma_start3A_403 = tpu.memref_slice %arg4[%add3A, %add3A_400, %dma_start3A_401, %dma_start3A_402] : memref<32x129x2x80xi32, #tpu.memory_space<hbm>> -> memref<1x1x2x80xi32, #tpu.memory_space<hbm>>
        %dma_start3A_404 = tpu.memref_squeeze %dma_start3A_403 : memref<1x1x2x80xi32, #tpu.memory_space<hbm>> -> memref<2x80xi32, #tpu.memory_space<hbm>>
        %dma_start3A_405 = arith.constant 0 : i32
        %dma_start3A_406 = arith.constant 0 : i32
        %dma_start3A_407 = tpu.memref_slice %arg4[%add3A, %add3A_400, %dma_start3A_405, %dma_start3A_406] : memref<32x129x2x80xi32, #tpu.memory_space<hbm>> -> memref<1x1x2x80xi32, #tpu.memory_space<hbm>>
        %dma_start3A_408 = tpu.memref_squeeze %dma_start3A_407 : memref<1x1x2x80xi32, #tpu.memory_space<hbm>> -> memref<2x80xi32, #tpu.memory_space<hbm>>
        tpu.enqueue_dma source(%dma_start3A_408 : memref<2x80xi32, #tpu.memory_space<hbm>>) target(%arg7 : memref<2x80xi32, #tpu.memory_space<vmem>>) target_semaphore(%arg26 : memref<!tpu.dma_semaphore, #tpu.memory_space<semaphore_mem>>)
      } else {
      }
      %dma_wait3A_374 = arith.constant 0 : i32
      %dma_wait3A_375 = arith.constant 0 : i32
      %dma_wait3A_376 = tpu.memref_slice %arg2[%dma_wait3A_374, %dma_wait3A_375] : memref<10240x144xf32, #tpu.memory_space<hbm>> -> memref<80x144xf32, #tpu.memory_space<hbm>>
      %dma_wait3A_377 = arith.constant 0 : i32
      %dma_wait3A_378 = arith.constant 0 : i32
      %dma_wait3A_379 = tpu.memref_slice %arg2[%dma_wait3A_377, %dma_wait3A_378] : memref<10240x144xf32, #tpu.memory_space<hbm>> -> memref<80x144xf32, #tpu.memory_space<hbm>>
      tpu.wait_dma2 semaphore(%arg18 : memref<!tpu.dma_semaphore, #tpu.memory_space<semaphore_mem>>) src(%dma_wait3A_379 : memref<80x144xf32, #tpu.memory_space<hbm>>) dst(%arg11 : memref<80x144xf32, #tpu.memory_space<vmem>>)
      %dma_wait3A_380 = arith.constant 0 : i32
      %dma_wait3A_381 = arith.constant 0 : i32
      %dma_wait3A_382 = tpu.memref_slice %arg3[%dma_wait3A_380, %dma_wait3A_381] : memref<10240x16xf32, #tpu.memory_space<hbm>> -> memref<80x16xf32, #tpu.memory_space<hbm>>
      %dma_wait3A_383 = arith.constant 0 : i32
      %dma_wait3A_384 = arith.constant 0 : i32
      %dma_wait3A_385 = tpu.memref_slice %arg3[%dma_wait3A_383, %dma_wait3A_384] : memref<10240x16xf32, #tpu.memory_space<hbm>> -> memref<80x16xf32, #tpu.memory_space<hbm>>
      tpu.wait_dma2 semaphore(%arg21 : memref<!tpu.dma_semaphore, #tpu.memory_space<semaphore_mem>>) src(%dma_wait3A_385 : memref<80x16xf32, #tpu.memory_space<hbm>>) dst(%arg14 : memref<80x16xf32, #tpu.memory_space<vmem>>)
      %scan3A_386 = arith.constant 0 : i32
      %scan3A_387 = arith.constant 0 : i32
      %scan3A_388 = arith.constant 80 : i32
      %scan3A_389 = arith.addi %scan3A_387, %scan3A_388 : i32
      %scan3A_390 = arith.constant 2 : i32
      scf.for %scan3A_399 = %scan3A_387 to %scan3A_389 step %scan3A_390  : i32 {
        %get3A = arith.index_cast %scan3A_399 : i32 to index
        %get3A_400 = arith.constant 128 : index
        %get3A_401 = tpu.vector_load %arg11[%get3A, %get3A_400] {strides = array<i32>} : memref<80x144xf32, #tpu.memory_space<vmem>>, vector<16xf32>,
        %get3A_402 = arith.index_cast %scan3A_399 : i32 to index
        %get3A_403 = arith.constant 0 : index
        %get3A_404 = tpu.vector_load %arg14[%get3A_402, %get3A_403] {strides = array<i32>} : memref<80x16xf32, #tpu.memory_space<vmem>>, vector<16xf32>,
        %add3A_405 = arith.addf %get3A_401, %get3A_404 : vector<16xf32>
        %ge3A_406 = arith.constant 0.000000e+00 : f32
        %ge3A_407 = vector.broadcast %ge3A_406 : f32 to vector<16xf32>
        %ge3A_408 = arith.cmpf oge, %add3A_405, %ge3A_407 : vector<16xf32>
        %mul3A_409 = arith.constant 2.000000e-01 : f32
        %mul3A_410 = vector.broadcast %mul3A_409 : f32 to vector<16xf32>
        %mul3A_411 = arith.mulf %mul3A_410, %add3A_405 : vector<16xf32>
        %select_n3A = arith.select %ge3A_408, %add3A_405, %mul3A_411 : vector<16xi1>, vector<16xf32>
        %exp3A = math.exp %select_n3A : vector<16xf32>
        %iota3A = tpu.iota {dimensions = array<i32: 0>} : vector<16xi32>
        %lt3A_412 = arith.constant 8 : i32
        %lt3A_413 = vector.broadcast %lt3A_412 : i32 to vector<16xi32>
        %lt3A_414 = arith.cmpi slt, %iota3A, %lt3A_413 : vector<16xi32>
        %jit3A = arith.constant 0.000000e+00 : f32
        %broadcast_in_dim3A = vector.broadcast %jit3A : f32 to vector<16xf32>
        %select_n3A_415 = arith.select %lt3A_414, %exp3A, %broadcast_in_dim3A : vector<16xi1>, vector<16xf32>
        %swap3A = arith.index_cast %scan3A_399 : i32 to index
        %swap3A_416 = arith.constant 128 : index
        %swap3A_417 = tpu.vector_load %arg11[%swap3A, %swap3A_416] {strides = array<i32>} : memref<80x144xf32, #tpu.memory_space<vmem>>, vector<16xf32>,
        tpu.vector_store %arg11[%swap3A, %swap3A_416], %select_n3A_415 {strides = array<i32>} : memref<80x144xf32, #tpu.memory_space<vmem>>, vector<16xf32>,
        %get3A_418 = arith.index_cast %scan3A_399 : i32 to index
        %get3A_419 = arith.constant 0 : index
        %get3A_420 = tpu.vector_load %arg11[%get3A_418, %get3A_419] {strides = array<i32>} : memref<80x144xf32, #tpu.memory_space<vmem>>, vector<16xf32>,
        %slice3A = vector.extract_strided_slice %select_n3A_415 {offsets = [0], sizes = [1], strides = [1]} : vector<16xf32> to vector<1xf32>
        %squeeze3A = vector.extract %slice3A[0] : f32 from vector<1xf32>
        %mul3A_421 = vector.broadcast %squeeze3A : f32 to vector<16xf32>
        %mul3A_422 = arith.mulf %get3A_420, %mul3A_421 : vector<16xf32>
        %swap3A_423 = arith.index_cast %scan3A_399 : i32 to index
        %swap3A_424 = arith.constant 0 : index
        %swap3A_425 = tpu.vector_load %arg11[%swap3A_423, %swap3A_424] {strides = array<i32>} : memref<80x144xf32, #tpu.memory_space<vmem>>, vector<16xf32>,
        tpu.vector_store %arg11[%swap3A_423, %swap3A_424], %mul3A_422 {strides = array<i32>} : memref<80x144xf32, #tpu.memory_space<vmem>>, vector<16xf32>,
        %get3A_426 = arith.index_cast %scan3A_399 : i32 to index
        %get3A_427 = arith.constant 16 : index
        %get3A_428 = tpu.vector_load %arg11[%get3A_426, %get3A_427] {strides = array<i32>} : memref<80x144xf32, #tpu.memory_space<vmem>>, vector<16xf32>,
        %slice3A_429 = vector.extract_strided_slice %select_n3A_415 {offsets = [1], sizes = [1], strides = [1]} : vector<16xf32> to vector<1xf32>
        %squeeze3A_430 = vector.extract %slice3A_429[0] : f32 from vector<1xf32>
        %mul3A_431 = vector.broadcast %squeeze3A_430 : f32 to vector<16xf32>
        %mul3A_432 = arith.mulf %get3A_428, %mul3A_431 : vector<16xf32>
        %swap3A_433 = arith.index_cast %scan3A_399 : i32 to index
        %swap3A_434 = arith.constant 16 : index
        %swap3A_435 = tpu.vector_load %arg11[%swap3A_433, %swap3A_434] {strides = array<i32>} : memref<80x144xf32, #tpu.memory_space<vmem>>, vector<16xf32>,
        tpu.vector_store %arg11[%swap3A_433, %swap3A_434], %mul3A_432 {strides = array<i32>} : memref<80x144xf32, #tpu.memory_space<vmem>>, vector<16xf32>,
        %get3A_436 = arith.index_cast %scan3A_399 : i32 to index
        %get3A_437 = arith.constant 32 : index
        %get3A_438 = tpu.vector_load %arg11[%get3A_436, %get3A_437] {strides = array<i32>} : memref<80x144xf32, #tpu.memory_space<vmem>>, vector<16xf32>,
        %slice3A_439 = vector.extract_strided_slice %select_n3A_415 {offsets = [2], sizes = [1], strides = [1]} : vector<16xf32> to vector<1xf32>
        %squeeze3A_440 = vector.extract %slice3A_439[0] : f32 from vector<1xf32>
        %mul3A_441 = vector.broadcast %squeeze3A_440 : f32 to vector<16xf32>
        %mul3A_442 = arith.mulf %get3A_438, %mul3A_441 : vector<16xf32>
        %swap3A_443 = arith.index_cast %scan3A_399 : i32 to index
        %swap3A_444 = arith.constant 32 : index
        %swap3A_445 = tpu.vector_load %arg11[%swap3A_443, %swap3A_444] {strides = array<i32>} : memref<80x144xf32, #tpu.memory_space<vmem>>, vector<16xf32>,
        tpu.vector_store %arg11[%swap3A_443, %swap3A_444], %mul3A_442 {strides = array<i32>} : memref<80x144xf32, #tpu.memory_space<vmem>>, vector<16xf32>,
        %get3A_446 = arith.index_cast %scan3A_399 : i32 to index
        %get3A_447 = arith.constant 48 : index
        %get3A_448 = tpu.vector_load %arg11[%get3A_446, %get3A_447] {strides = array<i32>} : memref<80x144xf32, #tpu.memory_space<vmem>>, vector<16xf32>,
        %slice3A_449 = vector.extract_strided_slice %select_n3A_415 {offsets = [3], sizes = [1], strides = [1]} : vector<16xf32> to vector<1xf32>
        %squeeze3A_450 = vector.extract %slice3A_449[0] : f32 from vector<1xf32>
        %mul3A_451 = vector.broadcast %squeeze3A_450 : f32 to vector<16xf32>
        %mul3A_452 = arith.mulf %get3A_448, %mul3A_451 : vector<16xf32>
        %swap3A_453 = arith.index_cast %scan3A_399 : i32 to index
        %swap3A_454 = arith.constant 48 : index
        %swap3A_455 = tpu.vector_load %arg11[%swap3A_453, %swap3A_454] {strides = array<i32>} : memref<80x144xf32, #tpu.memory_space<vmem>>, vector<16xf32>,
        tpu.vector_store %arg11[%swap3A_453, %swap3A_454], %mul3A_452 {strides = array<i32>} : memref<80x144xf32, #tpu.memory_space<vmem>>, vector<16xf32>,
        %get3A_456 = arith.index_cast %scan3A_399 : i32 to index
        %get3A_457 = arith.constant 64 : index
        %get3A_458 = tpu.vector_load %arg11[%get3A_456, %get3A_457] {strides = array<i32>} : memref<80x144xf32, #tpu.memory_space<vmem>>, vector<16xf32>,
        %slice3A_459 = vector.extract_strided_slice %select_n3A_415 {offsets = [4], sizes = [1], strides = [1]} : vector<16xf32> to vector<1xf32>
        %squeeze3A_460 = vector.extract %slice3A_459[0] : f32 from vector<1xf32>
        %mul3A_461 = vector.broadcast %squeeze3A_460 : f32 to vector<16xf32>
        %mul3A_462 = arith.mulf %get3A_458, %mul3A_461 : vector<16xf32>
        %swap3A_463 = arith.index_cast %scan3A_399 : i32 to index
        %swap3A_464 = arith.constant 64 : index
        %swap3A_465 = tpu.vector_load %arg11[%swap3A_463, %swap3A_464] {strides = array<i32>} : memref<80x144xf32, #tpu.memory_space<vmem>>, vector<16xf32>,
        tpu.vector_store %arg11[%swap3A_463, %swap3A_464], %mul3A_462 {strides = array<i32>} : memref<80x144xf32, #tpu.memory_space<vmem>>, vector<16xf32>,
        %get3A_466 = arith.index_cast %scan3A_399 : i32 to index
        %get3A_467 = arith.constant 80 : index
        %get3A_468 = tpu.vector_load %arg11[%get3A_466, %get3A_467] {strides = array<i32>} : memref<80x144xf32, #tpu.memory_space<vmem>>, vector<16xf32>,
        %slice3A_469 = vector.extract_strided_slice %select_n3A_415 {offsets = [5], sizes = [1], strides = [1]} : vector<16xf32> to vector<1xf32>
        %squeeze3A_470 = vector.extract %slice3A_469[0] : f32 from vector<1xf32>
        %mul3A_471 = vector.broadcast %squeeze3A_470 : f32 to vector<16xf32>
        %mul3A_472 = arith.mulf %get3A_468, %mul3A_471 : vector<16xf32>
        %swap3A_473 = arith.index_cast %scan3A_399 : i32 to index
        %swap3A_474 = arith.constant 80 : index
        %swap3A_475 = tpu.vector_load %arg11[%swap3A_473, %swap3A_474] {strides = array<i32>} : memref<80x144xf32, #tpu.memory_space<vmem>>, vector<16xf32>,
        tpu.vector_store %arg11[%swap3A_473, %swap3A_474], %mul3A_472 {strides = array<i32>} : memref<80x144xf32, #tpu.memory_space<vmem>>, vector<16xf32>,
        %get3A_476 = arith.index_cast %scan3A_399 : i32 to index
        %get3A_477 = arith.constant 96 : index
        %get3A_478 = tpu.vector_load %arg11[%get3A_476, %get3A_477] {strides = array<i32>} : memref<80x144xf32, #tpu.memory_space<vmem>>, vector<16xf32>,
        %slice3A_479 = vector.extract_strided_slice %select_n3A_415 {offsets = [6], sizes = [1], strides = [1]} : vector<16xf32> to vector<1xf32>
        %squeeze3A_480 = vector.extract %slice3A_479[0] : f32 from vector<1xf32>
        %mul3A_481 = vector.broadcast %squeeze3A_480 : f32 to vector<16xf32>
        %mul3A_482 = arith.mulf %get3A_478, %mul3A_481 : vector<16xf32>
        %swap3A_483 = arith.index_cast %scan3A_399 : i32 to index
        %swap3A_484 = arith.constant 96 : index
        %swap3A_485 = tpu.vector_load %arg11[%swap3A_483, %swap3A_484] {strides = array<i32>} : memref<80x144xf32, #tpu.memory_space<vmem>>, vector<16xf32>,
        tpu.vector_store %arg11[%swap3A_483, %swap3A_484], %mul3A_482 {strides = array<i32>} : memref<80x144xf32, #tpu.memory_space<vmem>>, vector<16xf32>,
        %get3A_486 = arith.index_cast %scan3A_399 : i32 to index
        %get3A_487 = arith.constant 112 : index
        %get3A_488 = tpu.vector_load %arg11[%get3A_486, %get3A_487] {strides = array<i32>} : memref<80x144xf32, #tpu.memory_space<vmem>>, vector<16xf32>,
        %slice3A_489 = vector.extract_strided_slice %select_n3A_415 {offsets = [7], sizes = [1], strides = [1]} : vector<16xf32> to vector<1xf32>
        %squeeze3A_490 = vector.extract %slice3A_489[0] : f32 from vector<1xf32>
        %mul3A_491 = vector.broadcast %squeeze3A_490 : f32 to vector<16xf32>
        %mul3A_492 = arith.mulf %get3A_488, %mul3A_491 : vector<16xf32>
        %swap3A_493 = arith.index_cast %scan3A_399 : i32 to index
        %swap3A_494 = arith.constant 112 : index
        %swap3A_495 = tpu.vector_load %arg11[%swap3A_493, %swap3A_494] {strides = array<i32>} : memref<80x144xf32, #tpu.memory_space<vmem>>, vector<16xf32>,
        tpu.vector_store %arg11[%swap3A_493, %swap3A_494], %mul3A_492 {strides = array<i32>} : memref<80x144xf32, #tpu.memory_space<vmem>>, vector<16xf32>,
        %scan3A_496 = arith.constant 1 : i32
        %scan3A_497 = arith.addi %scan3A_399, %scan3A_496 : i32
        %get3A_498 = arith.index_cast %scan3A_497 : i32 to index
        %get3A_499 = arith.constant 128 : index
        %get3A_500 = tpu.vector_load %arg11[%get3A_498, %get3A_499] {strides = array<i32>} : memref<80x144xf32, #tpu.memory_space<vmem>>, vector<16xf32>,
        %get3A_501 = arith.index_cast %scan3A_497 : i32 to index
        %get3A_502 = arith.constant 0 : index
        %get3A_503 = tpu.vector_load %arg14[%get3A_501, %get3A_502] {strides = array<i32>} : memref<80x16xf32, #tpu.memory_space<vmem>>, vector<16xf32>,
        %add3A_504 = arith.addf %get3A_500, %get3A_503 : vector<16xf32>
        %ge3A_505 = arith.constant 0.000000e+00 : f32
        %ge3A_506 = vector.broadcast %ge3A_505 : f32 to vector<16xf32>
        %ge3A_507 = arith.cmpf oge, %add3A_504, %ge3A_506 : vector<16xf32>
        %mul3A_508 = arith.constant 2.000000e-01 : f32
        %mul3A_509 = vector.broadcast %mul3A_508 : f32 to vector<16xf32>
        %mul3A_510 = arith.mulf %mul3A_509, %add3A_504 : vector<16xf32>
        %select_n3A_511 = arith.select %ge3A_507, %add3A_504, %mul3A_510 : vector<16xi1>, vector<16xf32>
        %exp3A_512 = math.exp %select_n3A_511 : vector<16xf32>
        %iota3A_513 = tpu.iota {dimensions = array<i32: 0>} : vector<16xi32>
        %lt3A_514 = arith.constant 8 : i32
        %lt3A_515 = vector.broadcast %lt3A_514 : i32 to vector<16xi32>
        %lt3A_516 = arith.cmpi slt, %iota3A_513, %lt3A_515 : vector<16xi32>
        %jit3A_517 = arith.constant 0.000000e+00 : f32
        %broadcast_in_dim3A_518 = vector.broadcast %jit3A_517 : f32 to vector<16xf32>
        %select_n3A_519 = arith.select %lt3A_516, %exp3A_512, %broadcast_in_dim3A_518 : vector<16xi1>, vector<16xf32>
        %swap3A_520 = arith.index_cast %scan3A_497 : i32 to index
        %swap3A_521 = arith.constant 128 : index
        %swap3A_522 = tpu.vector_load %arg11[%swap3A_520, %swap3A_521] {strides = array<i32>} : memref<80x144xf32, #tpu.memory_space<vmem>>, vector<16xf32>,
        tpu.vector_store %arg11[%swap3A_520, %swap3A_521], %select_n3A_519 {strides = array<i32>} : memref<80x144xf32, #tpu.memory_space<vmem>>, vector<16xf32>,
        %get3A_523 = arith.index_cast %scan3A_497 : i32 to index
        %get3A_524 = arith.constant 0 : index
        %get3A_525 = tpu.vector_load %arg11[%get3A_523, %get3A_524] {strides = array<i32>} : memref<80x144xf32, #tpu.memory_space<vmem>>, vector<16xf32>,
        %slice3A_526 = vector.extract_strided_slice %select_n3A_519 {offsets = [0], sizes = [1], strides = [1]} : vector<16xf32> to vector<1xf32>
        %squeeze3A_527 = vector.extract %slice3A_526[0] : f32 from vector<1xf32>
        %mul3A_528 = vector.broadcast %squeeze3A_527 : f32 to vector<16xf32>
        %mul3A_529 = arith.mulf %get3A_525, %mul3A_528 : vector<16xf32>
        %swap3A_530 = arith.index_cast %scan3A_497 : i32 to index
        %swap3A_531 = arith.constant 0 : index
        %swap3A_532 = tpu.vector_load %arg11[%swap3A_530, %swap3A_531] {strides = array<i32>} : memref<80x144xf32, #tpu.memory_space<vmem>>, vector<16xf32>,
        tpu.vector_store %arg11[%swap3A_530, %swap3A_531], %mul3A_529 {strides = array<i32>} : memref<80x144xf32, #tpu.memory_space<vmem>>, vector<16xf32>,
        %get3A_533 = arith.index_cast %scan3A_497 : i32 to index
        %get3A_534 = arith.constant 16 : index
        %get3A_535 = tpu.vector_load %arg11[%get3A_533, %get3A_534] {strides = array<i32>} : memref<80x144xf32, #tpu.memory_space<vmem>>, vector<16xf32>,
        %slice3A_536 = vector.extract_strided_slice %select_n3A_519 {offsets = [1], sizes = [1], strides = [1]} : vector<16xf32> to vector<1xf32>
        %squeeze3A_537 = vector.extract %slice3A_536[0] : f32 from vector<1xf32>
        %mul3A_538 = vector.broadcast %squeeze3A_537 : f32 to vector<16xf32>
        %mul3A_539 = arith.mulf %get3A_535, %mul3A_538 : vector<16xf32>
        %swap3A_540 = arith.index_cast %scan3A_497 : i32 to index
        %swap3A_541 = arith.constant 16 : index
        %swap3A_542 = tpu.vector_load %arg11[%swap3A_540, %swap3A_541] {strides = array<i32>} : memref<80x144xf32, #tpu.memory_space<vmem>>, vector<16xf32>,
        tpu.vector_store %arg11[%swap3A_540, %swap3A_541], %mul3A_539 {strides = array<i32>} : memref<80x144xf32, #tpu.memory_space<vmem>>, vector<16xf32>,
        %get3A_543 = arith.index_cast %scan3A_497 : i32 to index
        %get3A_544 = arith.constant 32 : index
        %get3A_545 = tpu.vector_load %arg11[%get3A_543, %get3A_544] {strides = array<i32>} : memref<80x144xf32, #tpu.memory_space<vmem>>, vector<16xf32>,
        %slice3A_546 = vector.extract_strided_slice %select_n3A_519 {offsets = [2], sizes = [1], strides = [1]} : vector<16xf32> to vector<1xf32>
        %squeeze3A_547 = vector.extract %slice3A_546[0] : f32 from vector<1xf32>
        %mul3A_548 = vector.broadcast %squeeze3A_547 : f32 to vector<16xf32>
        %mul3A_549 = arith.mulf %get3A_545, %mul3A_548 : vector<16xf32>
        %swap3A_550 = arith.index_cast %scan3A_497 : i32 to index
        %swap3A_551 = arith.constant 32 : index
        %swap3A_552 = tpu.vector_load %arg11[%swap3A_550, %swap3A_551] {strides = array<i32>} : memref<80x144xf32, #tpu.memory_space<vmem>>, vector<16xf32>,
        tpu.vector_store %arg11[%swap3A_550, %swap3A_551], %mul3A_549 {strides = array<i32>} : memref<80x144xf32, #tpu.memory_space<vmem>>, vector<16xf32>,
        %get3A_553 = arith.index_cast %scan3A_497 : i32 to index
        %get3A_554 = arith.constant 48 : index
        %get3A_555 = tpu.vector_load %arg11[%get3A_553, %get3A_554] {strides = array<i32>} : memref<80x144xf32, #tpu.memory_space<vmem>>, vector<16xf32>,
        %slice3A_556 = vector.extract_strided_slice %select_n3A_519 {offsets = [3], sizes = [1], strides = [1]} : vector<16xf32> to vector<1xf32>
        %squeeze3A_557 = vector.extract %slice3A_556[0] : f32 from vector<1xf32>
        %mul3A_558 = vector.broadcast %squeeze3A_557 : f32 to vector<16xf32>
        %mul3A_559 = arith.mulf %get3A_555, %mul3A_558 : vector<16xf32>
        %swap3A_560 = arith.index_cast %scan3A_497 : i32 to index
        %swap3A_561 = arith.constant 48 : index
        %swap3A_562 = tpu.vector_load %arg11[%swap3A_560, %swap3A_561] {strides = array<i32>} : memref<80x144xf32, #tpu.memory_space<vmem>>, vector<16xf32>,
        tpu.vector_store %arg11[%swap3A_560, %swap3A_561], %mul3A_559 {strides = array<i32>} : memref<80x144xf32, #tpu.memory_space<vmem>>, vector<16xf32>,
        %get3A_563 = arith.index_cast %scan3A_497 : i32 to index
        %get3A_564 = arith.constant 64 : index
        %get3A_565 = tpu.vector_load %arg11[%get3A_563, %get3A_564] {strides = array<i32>} : memref<80x144xf32, #tpu.memory_space<vmem>>, vector<16xf32>,
        %slice3A_566 = vector.extract_strided_slice %select_n3A_519 {offsets = [4], sizes = [1], strides = [1]} : vector<16xf32> to vector<1xf32>
        %squeeze3A_567 = vector.extract %slice3A_566[0] : f32 from vector<1xf32>
        %mul3A_568 = vector.broadcast %squeeze3A_567 : f32 to vector<16xf32>
        %mul3A_569 = arith.mulf %get3A_565, %mul3A_568 : vector<16xf32>
        %swap3A_570 = arith.index_cast %scan3A_497 : i32 to index
        %swap3A_571 = arith.constant 64 : index
        %swap3A_572 = tpu.vector_load %arg11[%swap3A_570, %swap3A_571] {strides = array<i32>} : memref<80x144xf32, #tpu.memory_space<vmem>>, vector<16xf32>,
        tpu.vector_store %arg11[%swap3A_570, %swap3A_571], %mul3A_569 {strides = array<i32>} : memref<80x144xf32, #tpu.memory_space<vmem>>, vector<16xf32>,
        %get3A_573 = arith.index_cast %scan3A_497 : i32 to index
        %get3A_574 = arith.constant 80 : index
        %get3A_575 = tpu.vector_load %arg11[%get3A_573, %get3A_574] {strides = array<i32>} : memref<80x144xf32, #tpu.memory_space<vmem>>, vector<16xf32>,
        %slice3A_576 = vector.extract_strided_slice %select_n3A_519 {offsets = [5], sizes = [1], strides = [1]} : vector<16xf32> to vector<1xf32>
        %squeeze3A_577 = vector.extract %slice3A_576[0] : f32 from vector<1xf32>
        %mul3A_578 = vector.broadcast %squeeze3A_577 : f32 to vector<16xf32>
        %mul3A_579 = arith.mulf %get3A_575, %mul3A_578 : vector<16xf32>
        %swap3A_580 = arith.index_cast %scan3A_497 : i32 to index
        %swap3A_581 = arith.constant 80 : index
        %swap3A_582 = tpu.vector_load %arg11[%swap3A_580, %swap3A_581] {strides = array<i32>} : memref<80x144xf32, #tpu.memory_space<vmem>>, vector<16xf32>,
        tpu.vector_store %arg11[%swap3A_580, %swap3A_581], %mul3A_579 {strides = array<i32>} : memref<80x144xf32, #tpu.memory_space<vmem>>, vector<16xf32>,
        %get3A_583 = arith.index_cast %scan3A_497 : i32 to index
        %get3A_584 = arith.constant 96 : index
        %get3A_585 = tpu.vector_load %arg11[%get3A_583, %get3A_584] {strides = array<i32>} : memref<80x144xf32, #tpu.memory_space<vmem>>, vector<16xf32>,
        %slice3A_586 = vector.extract_strided_slice %select_n3A_519 {offsets = [6], sizes = [1], strides = [1]} : vector<16xf32> to vector<1xf32>
        %squeeze3A_587 = vector.extract %slice3A_586[0] : f32 from vector<1xf32>
        %mul3A_588 = vector.broadcast %squeeze3A_587 : f32 to vector<16xf32>
        %mul3A_589 = arith.mulf %get3A_585, %mul3A_588 : vector<16xf32>
        %swap3A_590 = arith.index_cast %scan3A_497 : i32 to index
        %swap3A_591 = arith.constant 96 : index
        %swap3A_592 = tpu.vector_load %arg11[%swap3A_590, %swap3A_591] {strides = array<i32>} : memref<80x144xf32, #tpu.memory_space<vmem>>, vector<16xf32>,
        tpu.vector_store %arg11[%swap3A_590, %swap3A_591], %mul3A_589 {strides = array<i32>} : memref<80x144xf32, #tpu.memory_space<vmem>>, vector<16xf32>,
        %get3A_593 = arith.index_cast %scan3A_497 : i32 to index
        %get3A_594 = arith.constant 112 : index
        %get3A_595 = tpu.vector_load %arg11[%get3A_593, %get3A_594] {strides = array<i32>} : memref<80x144xf32, #tpu.memory_space<vmem>>, vector<16xf32>,
        %slice3A_596 = vector.extract_strided_slice %select_n3A_519 {offsets = [7], sizes = [1], strides = [1]} : vector<16xf32> to vector<1xf32>
        %squeeze3A_597 = vector.extract %slice3A_596[0] : f32 from vector<1xf32>
        %mul3A_598 = vector.broadcast %squeeze3A_597 : f32 to vector<16xf32>
        %mul3A_599 = arith.mulf %get3A_595, %mul3A_598 : vector<16xf32>
        %swap3A_600 = arith.index_cast %scan3A_497 : i32 to index
        %swap3A_601 = arith.constant 112 : index
        %swap3A_602 = tpu.vector_load %arg11[%swap3A_600, %swap3A_601] {strides = array<i32>} : memref<80x144xf32, #tpu.memory_space<vmem>>, vector<16xf32>,
        tpu.vector_store %arg11[%swap3A_600, %swap3A_601], %mul3A_599 {strides = array<i32>} : memref<80x144xf32, #tpu.memory_space<vmem>>, vector<16xf32>,
      }
      %scan3A_391 = arith.constant 80 : i32
      %dma_start3A_392 = arith.constant 1 : i32
      %dma_start3A_393 = arith.constant 0 : i32
      %dma_start3A_394 = tpu.memref_slice %arg8[%dma_start3A_392, %dma_start3A_393] : memref<2x80xi32, #tpu.memory_space<vmem>> -> memref<1x80xi32, #tpu.memory_space<vmem>>
      %dma_start3A_395 = tpu.memref_squeeze %dma_start3A_394 : memref<1x80xi32, #tpu.memory_space<vmem>> -> memref<80xi32, #tpu.memory_space<vmem>>
      %dma_start3A_396 = arith.constant 0 : i32
      %dma_start3A_397 = arith.constant 0 : i32
      %dma_start3A_398 = tpu.memref_slice %arg15[%dma_start3A_396, %dma_start3A_397] : memref<10240x144xf32, #tpu.memory_space<vmem_shared>> -> memref<10240x144xf32, #tpu.memory_space<vmem_shared>>
      tpu.enqueue_indirect_dma source(%arg11 : memref<80x144xf32, #tpu.memory_space<vmem>>) target(%dma_start3A_398 : memref<10240x144xf32, #tpu.memory_space<vmem_shared>>) offsets(%dma_start3A_395 : memref<80xi32, #tpu.memory_space<vmem>>) semaphore(%arg24 : memref<!tpu.dma_semaphore, #tpu.memory_space<semaphore_mem>>) {add = true}
    }
    %scan3A_132 = arith.constant 43 : i32
    %dma_wait3A_133 = arith.constant 0 : i32
    %dma_wait3A_134 = arith.constant 0 : i32
    %dma_wait3A_135 = tpu.memref_slice %arg2[%dma_wait3A_133, %dma_wait3A_134] : memref<10240x144xf32, #tpu.memory_space<hbm>> -> memref<80x144xf32, #tpu.memory_space<hbm>>
    %dma_wait3A_136 = arith.constant 0 : i32
    %dma_wait3A_137 = arith.constant 0 : i32
    %dma_wait3A_138 = tpu.memref_slice %arg2[%dma_wait3A_136, %dma_wait3A_137] : memref<10240x144xf32, #tpu.memory_space<hbm>> -> memref<80x144xf32, #tpu.memory_space<hbm>>
    tpu.wait_dma2 semaphore(%arg23 : memref<!tpu.dma_semaphore, #tpu.memory_space<semaphore_mem>>) src(%dma_wait3A_138 : memref<80x144xf32, #tpu.memory_space<hbm>>) dst(%arg10 : memref<80x144xf32, #tpu.memory_space<vmem>>)
    %dma_wait3A_139 = arith.constant 0 : i32
    %dma_wait3A_140 = arith.constant 0 : i32
    %dma_wait3A_141 = tpu.memref_slice %arg2[%dma_wait3A_139, %dma_wait3A_140] : memref<10240x144xf32, #tpu.memory_space<hbm>> -> memref<80x144xf32, #tpu.memory_space<hbm>>
    %dma_wait3A_142 = arith.constant 0 : i32
    %dma_wait3A_143 = arith.constant 0 : i32
    %dma_wait3A_144 = tpu.memref_slice %arg2[%dma_wait3A_142, %dma_wait3A_143] : memref<10240x144xf32, #tpu.memory_space<hbm>> -> memref<80x144xf32, #tpu.memory_space<hbm>>
    tpu.wait_dma2 semaphore(%arg24 : memref<!tpu.dma_semaphore, #tpu.memory_space<semaphore_mem>>) src(%dma_wait3A_144 : memref<80x144xf32, #tpu.memory_space<hbm>>) dst(%arg11 : memref<80x144xf32, #tpu.memory_space<vmem>>)
    %barrier3A_145 = arith.constant 0 : index
    tpu.barrier barrier_id(%barrier3A_145)
    %add3A_146 = arith.constant 0 : i32
    %add3A_147 = arith.addi %mul3A_2, %add3A_146 : i32
    "tpu.region"() ({
      %run_scoped3A = tpu.sem_alloc : memref<!tpu.dma_semaphore, #tpu.memory_space<semaphore_mem>>
      %dma_start3A_258 = arith.constant 0 : i32
      %dma_start3A_259 = tpu.memref_slice %arg15[%add3A_147, %dma_start3A_258] : memref<10240x144xf32, #tpu.memory_space<vmem_shared>> -> memref<80x144xf32, #tpu.memory_space<vmem_shared>>
      %dma_start3A_260 = arith.constant 0 : i32
      %dma_start3A_261 = tpu.memref_slice %arg15[%add3A_147, %dma_start3A_260] : memref<10240x144xf32, #tpu.memory_space<vmem_shared>> -> memref<80x144xf32, #tpu.memory_space<vmem_shared>>
      tpu.enqueue_dma source(%dma_start3A_261 : memref<80x144xf32, #tpu.memory_space<vmem_shared>>) target(%arg9 : memref<80x144xf32, #tpu.memory_space<vmem>>) target_semaphore(%run_scoped3A : memref<!tpu.dma_semaphore, #tpu.memory_space<semaphore_mem>>)
      %dma_wait3A_262 = arith.constant 0 : i32
      %dma_wait3A_263 = tpu.memref_slice %arg15[%add3A_147, %dma_wait3A_262] : memref<10240x144xf32, #tpu.memory_space<vmem_shared>> -> memref<80x144xf32, #tpu.memory_space<vmem_shared>>
      %dma_wait3A_264 = arith.constant 0 : i32
      %dma_wait3A_265 = tpu.memref_slice %arg15[%add3A_147, %dma_wait3A_264] : memref<10240x144xf32, #tpu.memory_space<vmem_shared>> -> memref<80x144xf32, #tpu.memory_space<vmem_shared>>
      tpu.wait_dma2 semaphore(%run_scoped3A : memref<!tpu.dma_semaphore, #tpu.memory_space<semaphore_mem>>) src(%dma_wait3A_265 : memref<80x144xf32, #tpu.memory_space<vmem_shared>>) dst(%arg9 : memref<80x144xf32, #tpu.memory_space<vmem>>)
      tpu.yield
    }) : () -> ()
    %dma_start3A_148 = arith.constant 0 : i32
    %dma_start3A_149 = tpu.memref_slice %arg5[%arg0, %add3A_147, %dma_start3A_148] : memref<2x10240x144xf32, #tpu.memory_space<hbm>> -> memref<1x80x144xf32, #tpu.memory_space<hbm>>
    %dma_start3A_150 = tpu.memref_squeeze %dma_start3A_149 : memref<1x80x144xf32, #tpu.memory_space<hbm>> -> memref<80x144xf32, #tpu.memory_space<hbm>>
    %dma_start3A_151 = arith.constant 0 : i32
    %dma_start3A_152 = tpu.memref_slice %arg5[%arg0, %add3A_147, %dma_start3A_151] : memref<2x10240x144xf32, #tpu.memory_space<hbm>> -> memref<1x80x144xf32, #tpu.memory_space<hbm>>
    %dma_start3A_153 = tpu.memref_squeeze %dma_start3A_152 : memref<1x80x144xf32, #tpu.memory_space<hbm>> -> memref<80x144xf32, #tpu.memory_space<hbm>>
    tpu.enqueue_dma source(%arg9 : memref<80x144xf32, #tpu.memory_space<vmem>>) target(%dma_start3A_153 : memref<80x144xf32, #tpu.memory_space<hbm>>) target_semaphore(%arg16 : memref<!tpu.dma_semaphore, #tpu.memory_space<semaphore_mem>>)
    %add3A_154 = arith.constant 80 : i32
    %add3A_155 = arith.addi %mul3A_2, %add3A_154 : i32
    "tpu.region"() ({
      %run_scoped3A = tpu.sem_alloc : memref<!tpu.dma_semaphore, #tpu.memory_space<semaphore_mem>>
      %dma_start3A_258 = arith.constant 0 : i32
      %dma_start3A_259 = tpu.memref_slice %arg15[%add3A_155, %dma_start3A_258] : memref<10240x144xf32, #tpu.memory_space<vmem_shared>> -> memref<80x144xf32, #tpu.memory_space<vmem_shared>>
      %dma_start3A_260 = arith.constant 0 : i32
      %dma_start3A_261 = tpu.memref_slice %arg15[%add3A_155, %dma_start3A_260] : memref<10240x144xf32, #tpu.memory_space<vmem_shared>> -> memref<80x144xf32, #tpu.memory_space<vmem_shared>>
      tpu.enqueue_dma source(%dma_start3A_261 : memref<80x144xf32, #tpu.memory_space<vmem_shared>>) target(%arg10 : memref<80x144xf32, #tpu.memory_space<vmem>>) target_semaphore(%run_scoped3A : memref<!tpu.dma_semaphore, #tpu.memory_space<semaphore_mem>>)
      %dma_wait3A_262 = arith.constant 0 : i32
      %dma_wait3A_263 = tpu.memref_slice %arg15[%add3A_155, %dma_wait3A_262] : memref<10240x144xf32, #tpu.memory_space<vmem_shared>> -> memref<80x144xf32, #tpu.memory_space<vmem_shared>>
      %dma_wait3A_264 = arith.constant 0 : i32
      %dma_wait3A_265 = tpu.memref_slice %arg15[%add3A_155, %dma_wait3A_264] : memref<10240x144xf32, #tpu.memory_space<vmem_shared>> -> memref<80x144xf32, #tpu.memory_space<vmem_shared>>
      tpu.wait_dma2 semaphore(%run_scoped3A : memref<!tpu.dma_semaphore, #tpu.memory_space<semaphore_mem>>) src(%dma_wait3A_265 : memref<80x144xf32, #tpu.memory_space<vmem_shared>>) dst(%arg10 : memref<80x144xf32, #tpu.memory_space<vmem>>)
      tpu.yield
    }) : () -> ()
    %dma_start3A_156 = arith.constant 0 : i32
    %dma_start3A_157 = tpu.memref_slice %arg5[%arg0, %add3A_155, %dma_start3A_156] : memref<2x10240x144xf32, #tpu.memory_space<hbm>> -> memref<1x80x144xf32, #tpu.memory_space<hbm>>
    %dma_start3A_158 = tpu.memref_squeeze %dma_start3A_157 : memref<1x80x144xf32, #tpu.memory_space<hbm>> -> memref<80x144xf32, #tpu.memory_space<hbm>>
    %dma_start3A_159 = arith.constant 0 : i32
    %dma_start3A_160 = tpu.memref_slice %arg5[%arg0, %add3A_155, %dma_start3A_159] : memref<2x10240x144xf32, #tpu.memory_space<hbm>> -> memref<1x80x144xf32, #tpu.memory_space<hbm>>
    %dma_start3A_161 = tpu.memref_squeeze %dma_start3A_160 : memref<1x80x144xf32, #tpu.memory_space<hbm>> -> memref<80x144xf32, #tpu.memory_space<hbm>>
    tpu.enqueue_dma source(%arg10 : memref<80x144xf32, #tpu.memory_space<vmem>>) target(%dma_start3A_161 : memref<80x144xf32, #tpu.memory_space<hbm>>) target_semaphore(%arg17 : memref<!tpu.dma_semaphore, #tpu.memory_space<semaphore_mem>>)
    %add3A_162 = arith.constant 160 : i32
    %add3A_163 = arith.addi %mul3A_2, %add3A_162 : i32
    %dma_wait3A_164 = arith.constant 0 : i32
    %dma_wait3A_165 = tpu.memref_slice %arg5[%arg0, %mul3A_2, %dma_wait3A_164] : memref<2x10240x144xf32, #tpu.memory_space<hbm>> -> memref<1x80x144xf32, #tpu.memory_space<hbm>>
    %dma_wait3A_166 = tpu.memref_squeeze %dma_wait3A_165 : memref<1x80x144xf32, #tpu.memory_space<hbm>> -> memref<80x144xf32, #tpu.memory_space<hbm>>
    %dma_wait3A_167 = arith.constant 0 : i32
    %dma_wait3A_168 = tpu.memref_slice %arg5[%arg0, %mul3A_2, %dma_wait3A_167] : memref<2x10240x144xf32, #tpu.memory_space<hbm>> -> memref<1x80x144xf32, #tpu.memory_space<hbm>>
    %dma_wait3A_169 = tpu.memref_squeeze %dma_wait3A_168 : memref<1x80x144xf32, #tpu.memory_space<hbm>> -> memref<80x144xf32, #tpu.memory_space<hbm>>
    tpu.wait_dma2 semaphore(%arg16 : memref<!tpu.dma_semaphore, #tpu.memory_space<semaphore_mem>>) src(%dma_wait3A_169 : memref<80x144xf32, #tpu.memory_space<hbm>>) dst(%arg9 : memref<80x144xf32, #tpu.memory_space<vmem>>)
    "tpu.region"() ({
      %run_scoped3A = tpu.sem_alloc : memref<!tpu.dma_semaphore, #tpu.memory_space<semaphore_mem>>
      %dma_start3A_258 = arith.constant 0 : i32
      %dma_start3A_259 = tpu.memref_slice %arg15[%add3A_163, %dma_start3A_258] : memref<10240x144xf32, #tpu.memory_space<vmem_shared>> -> memref<80x144xf32, #tpu.memory_space<vmem_shared>>
      %dma_start3A_260 = arith.constant 0 : i32
      %dma_start3A_261 = tpu.memref_slice %arg15[%add3A_163, %dma_start3A_260] : memref<10240x144xf32, #tpu.memory_space<vmem_shared>> -> memref<80x144xf32, #tpu.memory_space<vmem_shared>>
      tpu.enqueue_dma source(%dma_start3A_261 : memref<80x144xf32, #tpu.memory_space<vmem_shared>>) target(%arg9 : memref<80x144xf32, #tpu.memory_space<vmem>>) target_semaphore(%run_scoped3A : memref<!tpu.dma_semaphore, #tpu.memory_space<semaphore_mem>>)
      %dma_wait3A_262 = arith.constant 0 : i32
      %dma_wait3A_263 = tpu.memref_slice %arg15[%add3A_163, %dma_wait3A_262] : memref<10240x144xf32, #tpu.memory_space<vmem_shared>> -> memref<80x144xf32, #tpu.memory_space<vmem_shared>>
      %dma_wait3A_264 = arith.constant 0 : i32
      %dma_wait3A_265 = tpu.memref_slice %arg15[%add3A_163, %dma_wait3A_264] : memref<10240x144xf32, #tpu.memory_space<vmem_shared>> -> memref<80x144xf32, #tpu.memory_space<vmem_shared>>
      tpu.wait_dma2 semaphore(%run_scoped3A : memref<!tpu.dma_semaphore, #tpu.memory_space<semaphore_mem>>) src(%dma_wait3A_265 : memref<80x144xf32, #tpu.memory_space<vmem_shared>>) dst(%arg9 : memref<80x144xf32, #tpu.memory_space<vmem>>)
      tpu.yield
    }) : () -> ()
    %dma_start3A_170 = arith.constant 0 : i32
    %dma_start3A_171 = tpu.memref_slice %arg5[%arg0, %add3A_163, %dma_start3A_170] : memref<2x10240x144xf32, #tpu.memory_space<hbm>> -> memref<1x80x144xf32, #tpu.memory_space<hbm>>
    %dma_start3A_172 = tpu.memref_squeeze %dma_start3A_171 : memref<1x80x144xf32, #tpu.memory_space<hbm>> -> memref<80x144xf32, #tpu.memory_space<hbm>>
    %dma_start3A_173 = arith.constant 0 : i32
    %dma_start3A_174 = tpu.memref_slice %arg5[%arg0, %add3A_163, %dma_start3A_173] : memref<2x10240x144xf32, #tpu.memory_space<hbm>> -> memref<1x80x144xf32, #tpu.memory_space<hbm>>
    %dma_start3A_175 = tpu.memref_squeeze %dma_start3A_174 : memref<1x80x144xf32, #tpu.memory_space<hbm>> -> memref<80x144xf32, #tpu.memory_space<hbm>>
    tpu.enqueue_dma source(%arg9 : memref<80x144xf32, #tpu.memory_space<vmem>>) target(%dma_start3A_175 : memref<80x144xf32, #tpu.memory_space<hbm>>) target_semaphore(%arg16 : memref<!tpu.dma_semaphore, #tpu.memory_space<semaphore_mem>>)
    %add3A_176 = arith.constant 240 : i32
    %add3A_177 = arith.addi %mul3A_2, %add3A_176 : i32
    %dma_wait3A_178 = arith.constant 0 : i32
    %dma_wait3A_179 = tpu.memref_slice %arg5[%arg0, %mul3A_2, %dma_wait3A_178] : memref<2x10240x144xf32, #tpu.memory_space<hbm>> -> memref<1x80x144xf32, #tpu.memory_space<hbm>>
    %dma_wait3A_180 = tpu.memref_squeeze %dma_wait3A_179 : memref<1x80x144xf32, #tpu.memory_space<hbm>> -> memref<80x144xf32, #tpu.memory_space<hbm>>
    %dma_wait3A_181 = arith.constant 0 : i32
    %dma_wait3A_182 = tpu.memref_slice %arg5[%arg0, %mul3A_2, %dma_wait3A_181] : memref<2x10240x144xf32, #tpu.memory_space<hbm>> -> memref<1x80x144xf32, #tpu.memory_space<hbm>>
    %dma_wait3A_183 = tpu.memref_squeeze %dma_wait3A_182 : memref<1x80x144xf32, #tpu.memory_space<hbm>> -> memref<80x144xf32, #tpu.memory_space<hbm>>
    tpu.wait_dma2 semaphore(%arg17 : memref<!tpu.dma_semaphore, #tpu.memory_space<semaphore_mem>>) src(%dma_wait3A_183 : memref<80x144xf32, #tpu.memory_space<hbm>>) dst(%arg10 : memref<80x144xf32, #tpu.memory_space<vmem>>)
    "tpu.region"() ({
      %run_scoped3A = tpu.sem_alloc : memref<!tpu.dma_semaphore, #tpu.memory_space<semaphore_mem>>
      %dma_start3A_258 = arith.constant 0 : i32
      %dma_start3A_259 = tpu.memref_slice %arg15[%add3A_177, %dma_start3A_258] : memref<10240x144xf32, #tpu.memory_space<vmem_shared>> -> memref<80x144xf32, #tpu.memory_space<vmem_shared>>
      %dma_start3A_260 = arith.constant 0 : i32
      %dma_start3A_261 = tpu.memref_slice %arg15[%add3A_177, %dma_start3A_260] : memref<10240x144xf32, #tpu.memory_space<vmem_shared>> -> memref<80x144xf32, #tpu.memory_space<vmem_shared>>
      tpu.enqueue_dma source(%dma_start3A_261 : memref<80x144xf32, #tpu.memory_space<vmem_shared>>) target(%arg10 : memref<80x144xf32, #tpu.memory_space<vmem>>) target_semaphore(%run_scoped3A : memref<!tpu.dma_semaphore, #tpu.memory_space<semaphore_mem>>)
      %dma_wait3A_262 = arith.constant 0 : i32
      %dma_wait3A_263 = tpu.memref_slice %arg15[%add3A_177, %dma_wait3A_262] : memref<10240x144xf32, #tpu.memory_space<vmem_shared>> -> memref<80x144xf32, #tpu.memory_space<vmem_shared>>
      %dma_wait3A_264 = arith.constant 0 : i32
      %dma_wait3A_265 = tpu.memref_slice %arg15[%add3A_177, %dma_wait3A_264] : memref<10240x144xf32, #tpu.memory_space<vmem_shared>> -> memref<80x144xf32, #tpu.memory_space<vmem_shared>>
      tpu.wait_dma2 semaphore(%run_scoped3A : memref<!tpu.dma_semaphore, #tpu.memory_space<semaphore_mem>>) src(%dma_wait3A_265 : memref<80x144xf32, #tpu.memory_space<vmem_shared>>) dst(%arg10 : memref<80x144xf32, #tpu.memory_space<vmem>>)
      tpu.yield
    }) : () -> ()
    %dma_start3A_184 = arith.constant 0 : i32
    %dma_start3A_185 = tpu.memref_slice %arg5[%arg0, %add3A_177, %dma_start3A_184] : memref<2x10240x144xf32, #tpu.memory_space<hbm>> -> memref<1x80x144xf32, #tpu.memory_space<hbm>>
    %dma_start3A_186 = tpu.memref_squeeze %dma_start3A_185 : memref<1x80x144xf32, #tpu.memory_space<hbm>> -> memref<80x144xf32, #tpu.memory_space<hbm>>
    %dma_start3A_187 = arith.constant 0 : i32
    %dma_start3A_188 = tpu.memref_slice %arg5[%arg0, %add3A_177, %dma_start3A_187] : memref<2x10240x144xf32, #tpu.memory_space<hbm>> -> memref<1x80x144xf32, #tpu.memory_space<hbm>>
    %dma_start3A_189 = tpu.memref_squeeze %dma_start3A_188 : memref<1x80x144xf32, #tpu.memory_space<hbm>> -> memref<80x144xf32, #tpu.memory_space<hbm>>
    tpu.enqueue_dma source(%arg10 : memref<80x144xf32, #tpu.memory_space<vmem>>) target(%dma_start3A_189 : memref<80x144xf32, #tpu.memory_space<hbm>>) target_semaphore(%arg17 : memref<!tpu.dma_semaphore, #tpu.memory_space<semaphore_mem>>)
    %add3A_190 = arith.constant 320 : i32
    %add3A_191 = arith.addi %mul3A_2, %add3A_190 : i32
    %dma_wait3A_192 = arith.constant 0 : i32
    %dma_wait3A_193 = tpu.memref_slice %arg5[%arg0, %mul3A_2, %dma_wait3A_192] : memref<2x10240x144xf32, #tpu.memory_space<hbm>> -> memref<1x80x144xf32, #tpu.memory_space<hbm>>
    %dma_wait3A_194 = tpu.memref_squeeze %dma_wait3A_193 : memref<1x80x144xf32, #tpu.memory_space<hbm>> -> memref<80x144xf32, #tpu.memory_space<hbm>>
    %dma_wait3A_195 = arith.constant 0 : i32
    %dma_wait3A_196 = tpu.memref_slice %arg5[%arg0, %mul3A_2, %dma_wait3A_195] : memref<2x10240x144xf32, #tpu.memory_space<hbm>> -> memref<1x80x144xf32, #tpu.memory_space<hbm>>
    %dma_wait3A_197 = tpu.memref_squeeze %dma_wait3A_196 : memref<1x80x144xf32, #tpu.memory_space<hbm>> -> memref<80x144xf32, #tpu.memory_space<hbm>>
    tpu.wait_dma2 semaphore(%arg16 : memref<!tpu.dma_semaphore, #tpu.memory_space<semaphore_mem>>) src(%dma_wait3A_197 : memref<80x144xf32, #tpu.memory_space<hbm>>) dst(%arg9 : memref<80x144xf32, #tpu.memory_space<vmem>>)
    "tpu.region"() ({
      %run_scoped3A = tpu.sem_alloc : memref<!tpu.dma_semaphore, #tpu.memory_space<semaphore_mem>>
      %dma_start3A_258 = arith.constant 0 : i32
      %dma_start3A_259 = tpu.memref_slice %arg15[%add3A_191, %dma_start3A_258] : memref<10240x144xf32, #tpu.memory_space<vmem_shared>> -> memref<80x144xf32, #tpu.memory_space<vmem_shared>>
      %dma_start3A_260 = arith.constant 0 : i32
      %dma_start3A_261 = tpu.memref_slice %arg15[%add3A_191, %dma_start3A_260] : memref<10240x144xf32, #tpu.memory_space<vmem_shared>> -> memref<80x144xf32, #tpu.memory_space<vmem_shared>>
      tpu.enqueue_dma source(%dma_start3A_261 : memref<80x144xf32, #tpu.memory_space<vmem_shared>>) target(%arg9 : memref<80x144xf32, #tpu.memory_space<vmem>>) target_semaphore(%run_scoped3A : memref<!tpu.dma_semaphore, #tpu.memory_space<semaphore_mem>>)
      %dma_wait3A_262 = arith.constant 0 : i32
      %dma_wait3A_263 = tpu.memref_slice %arg15[%add3A_191, %dma_wait3A_262] : memref<10240x144xf32, #tpu.memory_space<vmem_shared>> -> memref<80x144xf32, #tpu.memory_space<vmem_shared>>
      %dma_wait3A_264 = arith.constant 0 : i32
      %dma_wait3A_265 = tpu.memref_slice %arg15[%add3A_191, %dma_wait3A_264] : memref<10240x144xf32, #tpu.memory_space<vmem_shared>> -> memref<80x144xf32, #tpu.memory_space<vmem_shared>>
      tpu.wait_dma2 semaphore(%run_scoped3A : memref<!tpu.dma_semaphore, #tpu.memory_space<semaphore_mem>>) src(%dma_wait3A_265 : memref<80x144xf32, #tpu.memory_space<vmem_shared>>) dst(%arg9 : memref<80x144xf32, #tpu.memory_space<vmem>>)
      tpu.yield
    }) : () -> ()
    %dma_start3A_198 = arith.constant 0 : i32
    %dma_start3A_199 = tpu.memref_slice %arg5[%arg0, %add3A_191, %dma_start3A_198] : memref<2x10240x144xf32, #tpu.memory_space<hbm>> -> memref<1x80x144xf32, #tpu.memory_space<hbm>>
    %dma_start3A_200 = tpu.memref_squeeze %dma_start3A_199 : memref<1x80x144xf32, #tpu.memory_space<hbm>> -> memref<80x144xf32, #tpu.memory_space<hbm>>
    %dma_start3A_201 = arith.constant 0 : i32
    %dma_start3A_202 = tpu.memref_slice %arg5[%arg0, %add3A_191, %dma_start3A_201] : memref<2x10240x144xf32, #tpu.memory_space<hbm>> -> memref<1x80x144xf32, #tpu.memory_space<hbm>>
    %dma_start3A_203 = tpu.memref_squeeze %dma_start3A_202 : memref<1x80x144xf32, #tpu.memory_space<hbm>> -> memref<80x144xf32, #tpu.memory_space<hbm>>
    tpu.enqueue_dma source(%arg9 : memref<80x144xf32, #tpu.memory_space<vmem>>) target(%dma_start3A_203 : memref<80x144xf32, #tpu.memory_space<hbm>>) target_semaphore(%arg16 : memref<!tpu.dma_semaphore, #tpu.memory_space<semaphore_mem>>)
    %add3A_204 = arith.constant 400 : i32
    %add3A_205 = arith.addi %mul3A_2, %add3A_204 : i32
    %dma_wait3A_206 = arith.constant 0 : i32
    %dma_wait3A_207 = tpu.memref_slice %arg5[%arg0, %mul3A_2, %dma_wait3A_206] : memref<2x10240x144xf32, #tpu.memory_space<hbm>> -> memref<1x80x144xf32, #tpu.memory_space<hbm>>
    %dma_wait3A_208 = tpu.memref_squeeze %dma_wait3A_207 : memref<1x80x144xf32, #tpu.memory_space<hbm>> -> memref<80x144xf32, #tpu.memory_space<hbm>>
    %dma_wait3A_209 = arith.constant 0 : i32
    %dma_wait3A_210 = tpu.memref_slice %arg5[%arg0, %mul3A_2, %dma_wait3A_209] : memref<2x10240x144xf32, #tpu.memory_space<hbm>> -> memref<1x80x144xf32, #tpu.memory_space<hbm>>
    %dma_wait3A_211 = tpu.memref_squeeze %dma_wait3A_210 : memref<1x80x144xf32, #tpu.memory_space<hbm>> -> memref<80x144xf32, #tpu.memory_space<hbm>>
    tpu.wait_dma2 semaphore(%arg17 : memref<!tpu.dma_semaphore, #tpu.memory_space<semaphore_mem>>) src(%dma_wait3A_211 : memref<80x144xf32, #tpu.memory_space<hbm>>) dst(%arg10 : memref<80x144xf32, #tpu.memory_space<vmem>>)
    "tpu.region"() ({
      %run_scoped3A = tpu.sem_alloc : memref<!tpu.dma_semaphore, #tpu.memory_space<semaphore_mem>>
      %dma_start3A_258 = arith.constant 0 : i32
      %dma_start3A_259 = tpu.memref_slice %arg15[%add3A_205, %dma_start3A_258] : memref<10240x144xf32, #tpu.memory_space<vmem_shared>> -> memref<80x144xf32, #tpu.memory_space<vmem_shared>>
      %dma_start3A_260 = arith.constant 0 : i32
      %dma_start3A_261 = tpu.memref_slice %arg15[%add3A_205, %dma_start3A_260] : memref<10240x144xf32, #tpu.memory_space<vmem_shared>> -> memref<80x144xf32, #tpu.memory_space<vmem_shared>>
      tpu.enqueue_dma source(%dma_start3A_261 : memref<80x144xf32, #tpu.memory_space<vmem_shared>>) target(%arg10 : memref<80x144xf32, #tpu.memory_space<vmem>>) target_semaphore(%run_scoped3A : memref<!tpu.dma_semaphore, #tpu.memory_space<semaphore_mem>>)
      %dma_wait3A_262 = arith.constant 0 : i32
      %dma_wait3A_263 = tpu.memref_slice %arg15[%add3A_205, %dma_wait3A_262] : memref<10240x144xf32, #tpu.memory_space<vmem_shared>> -> memref<80x144xf32, #tpu.memory_space<vmem_shared>>
      %dma_wait3A_264 = arith.constant 0 : i32
      %dma_wait3A_265 = tpu.memref_slice %arg15[%add3A_205, %dma_wait3A_264] : memref<10240x144xf32, #tpu.memory_space<vmem_shared>> -> memref<80x144xf32, #tpu.memory_space<vmem_shared>>
      tpu.wait_dma2 semaphore(%run_scoped3A : memref<!tpu.dma_semaphore, #tpu.memory_space<semaphore_mem>>) src(%dma_wait3A_265 : memref<80x144xf32, #tpu.memory_space<vmem_shared>>) dst(%arg10 : memref<80x144xf32, #tpu.memory_space<vmem>>)
      tpu.yield
    }) : () -> ()
    %dma_start3A_212 = arith.constant 0 : i32
    %dma_start3A_213 = tpu.memref_slice %arg5[%arg0, %add3A_205, %dma_start3A_212] : memref<2x10240x144xf32, #tpu.memory_space<hbm>> -> memref<1x80x144xf32, #tpu.memory_space<hbm>>
    %dma_start3A_214 = tpu.memref_squeeze %dma_start3A_213 : memref<1x80x144xf32, #tpu.memory_space<hbm>> -> memref<80x144xf32, #tpu.memory_space<hbm>>
    %dma_start3A_215 = arith.constant 0 : i32
    %dma_start3A_216 = tpu.memref_slice %arg5[%arg0, %add3A_205, %dma_start3A_215] : memref<2x10240x144xf32, #tpu.memory_space<hbm>> -> memref<1x80x144xf32, #tpu.memory_space<hbm>>
    %dma_start3A_217 = tpu.memref_squeeze %dma_start3A_216 : memref<1x80x144xf32, #tpu.memory_space<hbm>> -> memref<80x144xf32, #tpu.memory_space<hbm>>
    tpu.enqueue_dma source(%arg10 : memref<80x144xf32, #tpu.memory_space<vmem>>) target(%dma_start3A_217 : memref<80x144xf32, #tpu.memory_space<hbm>>) target_semaphore(%arg17 : memref<!tpu.dma_semaphore, #tpu.memory_space<semaphore_mem>>)
    %add3A_218 = arith.constant 480 : i32
    %add3A_219 = arith.addi %mul3A_2, %add3A_218 : i32
    %dma_wait3A_220 = arith.constant 0 : i32
    %dma_wait3A_221 = tpu.memref_slice %arg5[%arg0, %mul3A_2, %dma_wait3A_220] : memref<2x10240x144xf32, #tpu.memory_space<hbm>> -> memref<1x80x144xf32, #tpu.memory_space<hbm>>
    %dma_wait3A_222 = tpu.memref_squeeze %dma_wait3A_221 : memref<1x80x144xf32, #tpu.memory_space<hbm>> -> memref<80x144xf32, #tpu.memory_space<hbm>>
    %dma_wait3A_223 = arith.constant 0 : i32
    %dma_wait3A_224 = tpu.memref_slice %arg5[%arg0, %mul3A_2, %dma_wait3A_223] : memref<2x10240x144xf32, #tpu.memory_space<hbm>> -> memref<1x80x144xf32, #tpu.memory_space<hbm>>
    %dma_wait3A_225 = tpu.memref_squeeze %dma_wait3A_224 : memref<1x80x144xf32, #tpu.memory_space<hbm>> -> memref<80x144xf32, #tpu.memory_space<hbm>>
    tpu.wait_dma2 semaphore(%arg16 : memref<!tpu.dma_semaphore, #tpu.memory_space<semaphore_mem>>) src(%dma_wait3A_225 : memref<80x144xf32, #tpu.memory_space<hbm>>) dst(%arg9 : memref<80x144xf32, #tpu.memory_space<vmem>>)
    "tpu.region"() ({
      %run_scoped3A = tpu.sem_alloc : memref<!tpu.dma_semaphore, #tpu.memory_space<semaphore_mem>>
      %dma_start3A_258 = arith.constant 0 : i32
      %dma_start3A_259 = tpu.memref_slice %arg15[%add3A_219, %dma_start3A_258] : memref<10240x144xf32, #tpu.memory_space<vmem_shared>> -> memref<80x144xf32, #tpu.memory_space<vmem_shared>>
      %dma_start3A_260 = arith.constant 0 : i32
      %dma_start3A_261 = tpu.memref_slice %arg15[%add3A_219, %dma_start3A_260] : memref<10240x144xf32, #tpu.memory_space<vmem_shared>> -> memref<80x144xf32, #tpu.memory_space<vmem_shared>>
      tpu.enqueue_dma source(%dma_start3A_261 : memref<80x144xf32, #tpu.memory_space<vmem_shared>>) target(%arg9 : memref<80x144xf32, #tpu.memory_space<vmem>>) target_semaphore(%run_scoped3A : memref<!tpu.dma_semaphore, #tpu.memory_space<semaphore_mem>>)
      %dma_wait3A_262 = arith.constant 0 : i32
      %dma_wait3A_263 = tpu.memref_slice %arg15[%add3A_219, %dma_wait3A_262] : memref<10240x144xf32, #tpu.memory_space<vmem_shared>> -> memref<80x144xf32, #tpu.memory_space<vmem_shared>>
      %dma_wait3A_264 = arith.constant 0 : i32
      %dma_wait3A_265 = tpu.memref_slice %arg15[%add3A_219, %dma_wait3A_264] : memref<10240x144xf32, #tpu.memory_space<vmem_shared>> -> memref<80x144xf32, #tpu.memory_space<vmem_shared>>
      tpu.wait_dma2 semaphore(%run_scoped3A : memref<!tpu.dma_semaphore, #tpu.memory_space<semaphore_mem>>) src(%dma_wait3A_265 : memref<80x144xf32, #tpu.memory_space<vmem_shared>>) dst(%arg9 : memref<80x144xf32, #tpu.memory_space<vmem>>)
      tpu.yield
    }) : () -> ()
    %dma_start3A_226 = arith.constant 0 : i32
    %dma_start3A_227 = tpu.memref_slice %arg5[%arg0, %add3A_219, %dma_start3A_226] : memref<2x10240x144xf32, #tpu.memory_space<hbm>> -> memref<1x80x144xf32, #tpu.memory_space<hbm>>
    %dma_start3A_228 = tpu.memref_squeeze %dma_start3A_227 : memref<1x80x144xf32, #tpu.memory_space<hbm>> -> memref<80x144xf32, #tpu.memory_space<hbm>>
    %dma_start3A_229 = arith.constant 0 : i32
    %dma_start3A_230 = tpu.memref_slice %arg5[%arg0, %add3A_219, %dma_start3A_229] : memref<2x10240x144xf32, #tpu.memory_space<hbm>> -> memref<1x80x144xf32, #tpu.memory_space<hbm>>
    %dma_start3A_231 = tpu.memref_squeeze %dma_start3A_230 : memref<1x80x144xf32, #tpu.memory_space<hbm>> -> memref<80x144xf32, #tpu.memory_space<hbm>>
    tpu.enqueue_dma source(%arg9 : memref<80x144xf32, #tpu.memory_space<vmem>>) target(%dma_start3A_231 : memref<80x144xf32, #tpu.memory_space<hbm>>) target_semaphore(%arg16 : memref<!tpu.dma_semaphore, #tpu.memory_space<semaphore_mem>>)
    %add3A_232 = arith.constant 560 : i32
    %add3A_233 = arith.addi %mul3A_2, %add3A_232 : i32
    %dma_wait3A_234 = arith.constant 0 : i32
    %dma_wait3A_235 = tpu.memref_slice %arg5[%arg0, %mul3A_2, %dma_wait3A_234] : memref<2x10240x144xf32, #tpu.memory_space<hbm>> -> memref<1x80x144xf32, #tpu.memory_space<hbm>>
    %dma_wait3A_236 = tpu.memref_squeeze %dma_wait3A_235 : memref<1x80x144xf32, #tpu.memory_space<hbm>> -> memref<80x144xf32, #tpu.memory_space<hbm>>
    %dma_wait3A_237 = arith.constant 0 : i32
    %dma_wait3A_238 = tpu.memref_slice %arg5[%arg0, %mul3A_2, %dma_wait3A_237] : memref<2x10240x144xf32, #tpu.memory_space<hbm>> -> memref<1x80x144xf32, #tpu.memory_space<hbm>>
    %dma_wait3A_239 = tpu.memref_squeeze %dma_wait3A_238 : memref<1x80x144xf32, #tpu.memory_space<hbm>> -> memref<80x144xf32, #tpu.memory_space<hbm>>
    tpu.wait_dma2 semaphore(%arg17 : memref<!tpu.dma_semaphore, #tpu.memory_space<semaphore_mem>>) src(%dma_wait3A_239 : memref<80x144xf32, #tpu.memory_space<hbm>>) dst(%arg10 : memref<80x144xf32, #tpu.memory_space<vmem>>)
    "tpu.region"() ({
      %run_scoped3A = tpu.sem_alloc : memref<!tpu.dma_semaphore, #tpu.memory_space<semaphore_mem>>
      %dma_start3A_258 = arith.constant 0 : i32
      %dma_start3A_259 = tpu.memref_slice %arg15[%add3A_233, %dma_start3A_258] : memref<10240x144xf32, #tpu.memory_space<vmem_shared>> -> memref<80x144xf32, #tpu.memory_space<vmem_shared>>
      %dma_start3A_260 = arith.constant 0 : i32
      %dma_start3A_261 = tpu.memref_slice %arg15[%add3A_233, %dma_start3A_260] : memref<10240x144xf32, #tpu.memory_space<vmem_shared>> -> memref<80x144xf32, #tpu.memory_space<vmem_shared>>
      tpu.enqueue_dma source(%dma_start3A_261 : memref<80x144xf32, #tpu.memory_space<vmem_shared>>) target(%arg10 : memref<80x144xf32, #tpu.memory_space<vmem>>) target_semaphore(%run_scoped3A : memref<!tpu.dma_semaphore, #tpu.memory_space<semaphore_mem>>)
      %dma_wait3A_262 = arith.constant 0 : i32
      %dma_wait3A_263 = tpu.memref_slice %arg15[%add3A_233, %dma_wait3A_262] : memref<10240x144xf32, #tpu.memory_space<vmem_shared>> -> memref<80x144xf32, #tpu.memory_space<vmem_shared>>
      %dma_wait3A_264 = arith.constant 0 : i32
      %dma_wait3A_265 = tpu.memref_slice %arg15[%add3A_233, %dma_wait3A_264] : memref<10240x144xf32, #tpu.memory_space<vmem_shared>> -> memref<80x144xf32, #tpu.memory_space<vmem_shared>>
      tpu.wait_dma2 semaphore(%run_scoped3A : memref<!tpu.dma_semaphore, #tpu.memory_space<semaphore_mem>>) src(%dma_wait3A_265 : memref<80x144xf32, #tpu.memory_space<vmem_shared>>) dst(%arg10 : memref<80x144xf32, #tpu.memory_space<vmem>>)
      tpu.yield
    }) : () -> ()
    %dma_start3A_240 = arith.constant 0 : i32
    %dma_start3A_241 = tpu.memref_slice %arg5[%arg0, %add3A_233, %dma_start3A_240] : memref<2x10240x144xf32, #tpu.memory_space<hbm>> -> memref<1x80x144xf32, #tpu.memory_space<hbm>>
    %dma_start3A_242 = tpu.memref_squeeze %dma_start3A_241 : memref<1x80x144xf32, #tpu.memory_space<hbm>> -> memref<80x144xf32, #tpu.memory_space<hbm>>
    %dma_start3A_243 = arith.constant 0 : i32
    %dma_start3A_244 = tpu.memref_slice %arg5[%arg0, %add3A_233, %dma_start3A_243] : memref<2x10240x144xf32, #tpu.memory_space<hbm>> -> memref<1x80x144xf32, #tpu.memory_space<hbm>>
    %dma_start3A_245 = tpu.memref_squeeze %dma_start3A_244 : memref<1x80x144xf32, #tpu.memory_space<hbm>> -> memref<80x144xf32, #tpu.memory_space<hbm>>
    tpu.enqueue_dma source(%arg10 : memref<80x144xf32, #tpu.memory_space<vmem>>) target(%dma_start3A_245 : memref<80x144xf32, #tpu.memory_space<hbm>>) target_semaphore(%arg17 : memref<!tpu.dma_semaphore, #tpu.memory_space<semaphore_mem>>)
    %dma_wait3A_246 = arith.constant 0 : i32
    %dma_wait3A_247 = tpu.memref_slice %arg5[%arg0, %mul3A_2, %dma_wait3A_246] : memref<2x10240x144xf32, #tpu.memory_space<hbm>> -> memref<1x80x144xf32, #tpu.memory_space<hbm>>
    %dma_wait3A_248 = tpu.memref_squeeze %dma_wait3A_247 : memref<1x80x144xf32, #tpu.memory_space<hbm>> -> memref<80x144xf32, #tpu.memory_space<hbm>>
    %dma_wait3A_249 = arith.constant 0 : i32
    %dma_wait3A_250 = tpu.memref_slice %arg5[%arg0, %mul3A_2, %dma_wait3A_249] : memref<2x10240x144xf32, #tpu.memory_space<hbm>> -> memref<1x80x144xf32, #tpu.memory_space<hbm>>
    %dma_wait3A_251 = tpu.memref_squeeze %dma_wait3A_250 : memref<1x80x144xf32, #tpu.memory_space<hbm>> -> memref<80x144xf32, #tpu.memory_space<hbm>>
    tpu.wait_dma2 semaphore(%arg16 : memref<!tpu.dma_semaphore, #tpu.memory_space<semaphore_mem>>) src(%dma_wait3A_251 : memref<80x144xf32, #tpu.memory_space<hbm>>) dst(%arg9 : memref<80x144xf32, #tpu.memory_space<vmem>>)
    %dma_wait3A_252 = arith.constant 0 : i32
    %dma_wait3A_253 = tpu.memref_slice %arg5[%arg0, %mul3A_2, %dma_wait3A_252] : memref<2x10240x144xf32, #tpu.memory_space<hbm>> -> memref<1x80x144xf32, #tpu.memory_space<hbm>>
    %dma_wait3A_254 = tpu.memref_squeeze %dma_wait3A_253 : memref<1x80x144xf32, #tpu.memory_space<hbm>> -> memref<80x144xf32, #tpu.memory_space<hbm>>
    %dma_wait3A_255 = arith.constant 0 : i32
    %dma_wait3A_256 = tpu.memref_slice %arg5[%arg0, %mul3A_2, %dma_wait3A_255] : memref<2x10240x144xf32, #tpu.memory_space<hbm>> -> memref<1x80x144xf32, #tpu.memory_space<hbm>>
    %dma_wait3A_257 = tpu.memref_squeeze %dma_wait3A_256 : memref<1x80x144xf32, #tpu.memory_space<hbm>> -> memref<80x144xf32, #tpu.memory_space<hbm>>
    tpu.wait_dma2 semaphore(%arg17 : memref<!tpu.dma_semaphore, #tpu.memory_space<semaphore_mem>>) src(%dma_wait3A_257 : memref<80x144xf32, #tpu.memory_space<hbm>>) dst(%arg10 : memref<80x144xf32, #tpu.memory_space<vmem>>)
    return
  }
}

module attributes {stable_mosaic.version = 14 : i64} {
  func.func @_tc1_body(%arg0: i32, %arg1: memref<512x128xf32, #tpu.memory_space<vmem>>, %arg2: memref<128x128xf32, #tpu.memory_space<vmem>>, %arg3: memref<128x8xf32, #tpu.memory_space<vmem>>, %arg4: memref<128x8xf32, #tpu.memory_space<vmem>>, %arg5: memref<512x144xf32, #tpu.memory_space<vmem>>, %arg6: memref<512x16xf32, #tpu.memory_space<vmem>>) attributes {dimension_semantics = [#tpu.dimension_semantics<arbitrary>], iteration_bounds = array<i64: 20>, scalar_prefetch = 0 : i64, scratch_operands = 0 : i64, tpu.core_type = #tpu.core_type<tc>, window_params = [{transform_indices = @transform_0, window_bounds = array<i64: 512, 128>}, {pipeline_mode = #tpu.pipeline_mode<synchronous>, transform_indices = @transform_1, window_bounds = array<i64: 128, 128>}, {pipeline_mode = #tpu.pipeline_mode<synchronous>, transform_indices = @transform_2, window_bounds = array<i64: 128, 8>}, {pipeline_mode = #tpu.pipeline_mode<synchronous>, transform_indices = @transform_3, window_bounds = array<i64: 128, 8>}, {transform_indices = @transform_4, window_bounds = array<i64: 512, 144>}, {transform_indices = @transform_5, window_bounds = array<i64: 512, 16>}]} {
    %get3A = arith.constant 0 : index
    %get3A_0 = arith.constant 0 : index
    %get3A_1 = vector.load %arg1[%get3A, %get3A_0] : memref<512x128xf32, #tpu.memory_space<vmem>>, vector<512x128xf32>
    %get3A_2 = arith.constant 0 : index
    %get3A_3 = arith.constant 0 : index
    %get3A_4 = vector.load %arg2[%get3A_2, %get3A_3] : memref<128x128xf32, #tpu.memory_space<vmem>>, vector<128x128xf32>
    %dot_general3A = arith.constant dense<0.000000e+00> : vector<512x128xf32>
    %dot_general3A_5 = tpu.matmul %get3A_1, %get3A_4, %dot_general3A {dimension_numbers = #tpu.dot_dimension_numbers<[1], [0], [0], [1], [0, 0, 1, 1], [], []>, transpose_lhs_hint = false} : vector<512x128xf32>, vector<128x128xf32>, vector<512x128xf32> -> vector<512x128xf32>
    %get3A_6 = arith.constant 0 : index
    %get3A_7 = arith.constant 0 : index
    %get3A_8 = vector.load %arg3[%get3A_6, %get3A_7] : memref<128x8xf32, #tpu.memory_space<vmem>>, vector<128x8xf32>
    %dot_general3A_9 = arith.constant dense<0.000000e+00> : vector<512x8xf32>
    %dot_general3A_10 = tpu.matmul %dot_general3A_5, %get3A_8, %dot_general3A_9 {dimension_numbers = #tpu.dot_dimension_numbers<[1], [0], [0], [1], [0, 0, 1, 1], [], []>, transpose_lhs_hint = false} : vector<512x128xf32>, vector<128x8xf32>, vector<512x8xf32> -> vector<512x8xf32>
    %get3A_11 = arith.constant 0 : index
    %get3A_12 = arith.constant 0 : index
    %get3A_13 = vector.load %arg4[%get3A_11, %get3A_12] : memref<128x8xf32, #tpu.memory_space<vmem>>, vector<128x8xf32>
    %dot_general3A_14 = arith.constant dense<0.000000e+00> : vector<512x8xf32>
    %dot_general3A_15 = tpu.matmul %dot_general3A_5, %get3A_13, %dot_general3A_14 {dimension_numbers = #tpu.dot_dimension_numbers<[1], [0], [0], [1], [0, 0, 1, 1], [], []>, transpose_lhs_hint = false} : vector<512x128xf32>, vector<128x8xf32>, vector<512x8xf32> -> vector<512x8xf32>
    %broadcast_in_dim3A = arith.constant 0.000000e+00 : f32
    %broadcast_in_dim3A_16 = vector.broadcast %broadcast_in_dim3A : f32 to vector<512x8xf32>
    %concatenate3A = tpu.concatenate %dot_general3A_5, %dot_general3A_10, %broadcast_in_dim3A_16 in 1 : vector<512x128xf32>, vector<512x8xf32>, vector<512x8xf32> -> vector<512x144xf32>
    %swap3A = arith.constant 0 : index
    %swap3A_17 = arith.constant 0 : index
    %swap3A_18 = vector.load %arg5[%swap3A, %swap3A_17] : memref<512x144xf32, #tpu.memory_space<vmem>>, vector<512x144xf32>
    tpu.vector_store %arg5[%swap3A, %swap3A_17], %concatenate3A {strides = array<i32>} : memref<512x144xf32, #tpu.memory_space<vmem>>, vector<512x144xf32>,
    %concatenate3A_19 = tpu.concatenate %dot_general3A_15, %broadcast_in_dim3A_16 in 1 : vector<512x8xf32>, vector<512x8xf32> -> vector<512x16xf32>
    %swap3A_20 = arith.constant 0 : index
    %swap3A_21 = arith.constant 0 : index
    %swap3A_22 = vector.load %arg6[%swap3A_20, %swap3A_21] : memref<512x16xf32, #tpu.memory_space<vmem>>, vector<512x16xf32>
    tpu.vector_store %arg6[%swap3A_20, %swap3A_21], %concatenate3A_19 {strides = array<i32>} : memref<512x16xf32, #tpu.memory_space<vmem>>, vector<512x16xf32>,
    return
  }
  func.func @transform_0(%arg0: i32) -> (i32, i32) {
    %c0_i32 = arith.constant 0 : i32
    %c0_i32_0 = arith.constant 0 : i32
    return %arg0, %c0_i32 : i32, i32
  }
  func.func @transform_1(%arg0: i32) -> (i32, i32) {
    %c0_i32 = arith.constant 0 : i32
    %c0_i32_0 = arith.constant 0 : i32
    %c0_i32_1 = arith.constant 0 : i32
    return %c0_i32, %c0_i32_0 : i32, i32
  }
  func.func @transform_2(%arg0: i32) -> (i32, i32) {
    %c0_i32 = arith.constant 0 : i32
    %c0_i32_0 = arith.constant 0 : i32
    %c0_i32_1 = arith.constant 0 : i32
    return %c0_i32, %c0_i32_0 : i32, i32
  }
  func.func @transform_3(%arg0: i32) -> (i32, i32) {
    %c0_i32 = arith.constant 0 : i32
    %c0_i32_0 = arith.constant 0 : i32
    %c0_i32_1 = arith.constant 0 : i32
    return %c0_i32, %c0_i32_0 : i32, i32
  }
  func.func @transform_4(%arg0: i32) -> (i32, i32) {
    %c0_i32 = arith.constant 0 : i32
    %c0_i32_0 = arith.constant 0 : i32
    return %arg0, %c0_i32 : i32, i32
  }
  func.func @transform_5(%arg0: i32) -> (i32, i32) {
    %c0_i32 = arith.constant 0 : i32
    %c0_i32_0 = arith.constant 0 : i32
    return %arg0, %c0_i32 : i32, i32
  }
}

module attributes {stable_mosaic.version = 14 : i64} {
  func.func @_tc2_body(%arg0: i32, %arg1: memref<2x512x144xf32, #tpu.memory_space<vmem>>, %arg2: memref<1x128xf32, #tpu.memory_space<vmem>>, %arg3: memref<128x16xf32, #tpu.memory_space<vmem>>, %arg4: memref<8x128xf32, #tpu.memory_space<vmem>>, %arg5: memref<1x16xf32, #tpu.memory_space<vmem>>, %arg6: memref<1x16xf32, #tpu.memory_space<vmem>>, %arg7: memref<512x32xf32, #tpu.memory_space<vmem>>, %arg8: memref<512x2xf32, #tpu.memory_space<vmem>>) attributes {dimension_semantics = [#tpu.dimension_semantics<arbitrary>], iteration_bounds = array<i64: 20>, scalar_prefetch = 0 : i64, scratch_operands = 0 : i64, tpu.core_type = #tpu.core_type<tc>, window_params = [{transform_indices = @transform_0, window_bounds = array<i64: 2, 512, 144>}, {pipeline_mode = #tpu.pipeline_mode<synchronous>, transform_indices = @transform_1, window_bounds = array<i64: 1, 128>}, {pipeline_mode = #tpu.pipeline_mode<synchronous>, transform_indices = @transform_2, window_bounds = array<i64: 128, 16>}, {pipeline_mode = #tpu.pipeline_mode<synchronous>, transform_indices = @transform_3, window_bounds = array<i64: 8, 128>}, {pipeline_mode = #tpu.pipeline_mode<synchronous>, transform_indices = @transform_4, window_bounds = array<i64: 1, 16>}, {pipeline_mode = #tpu.pipeline_mode<synchronous>, transform_indices = @transform_5, window_bounds = array<i64: 1, 16>}, {transform_indices = @transform_6, window_bounds = array<i64: 512, 32>}, {transform_indices = @transform_7, window_bounds = array<i64: 512, 2>}]} {
    %get3A = arith.constant 0 : index
    %get3A_0 = arith.constant 0 : index
    %get3A_1 = arith.constant 0 : index
    %get3A_2 = vector.load %arg1[%get3A, %get3A_0, %get3A_1] : memref<2x512x144xf32, #tpu.memory_space<vmem>>, vector<1x512x144xf32>
    %get3A_3 = vector.shape_cast %get3A_2 : vector<1x512x144xf32> to vector<512x144xf32>
    %get3A_4 = arith.constant 1 : index
    %get3A_5 = arith.constant 0 : index
    %get3A_6 = arith.constant 0 : index
    %get3A_7 = vector.load %arg1[%get3A_4, %get3A_5, %get3A_6] : memref<2x512x144xf32, #tpu.memory_space<vmem>>, vector<1x512x144xf32>
    %get3A_8 = vector.shape_cast %get3A_7 : vector<1x512x144xf32> to vector<512x144xf32>
    %slice3A = vector.extract_strided_slice %get3A_3 {offsets = [0, 0], sizes = [512, 128], strides = [1, 1]} : vector<512x144xf32> to vector<512x128xf32>
    %slice3A_9 = vector.extract_strided_slice %get3A_8 {offsets = [0, 0], sizes = [512, 128], strides = [1, 1]} : vector<512x144xf32> to vector<512x128xf32>
    %add3A = arith.addf %slice3A, %slice3A_9 : vector<512x128xf32>
    %slice3A_10 = vector.extract_strided_slice %get3A_3 {offsets = [0, 128], sizes = [512, 8], strides = [1, 1]} : vector<512x144xf32> to vector<512x8xf32>
    %slice3A_11 = vector.extract_strided_slice %get3A_8 {offsets = [0, 128], sizes = [512, 8], strides = [1, 1]} : vector<512x144xf32> to vector<512x8xf32>
    %add3A_12 = arith.addf %slice3A_10, %slice3A_11 : vector<512x8xf32>
    %add3A_13 = arith.constant 1.000000e-16 : f32
    %add3A_14 = vector.broadcast %add3A_13 : f32 to vector<512x8xf32>
    %add3A_15 = arith.addf %add3A_12, %add3A_14 : vector<512x8xf32>
    %div3A = arith.constant 1.000000e+00 : f32
    %div3A_16 = vector.broadcast %div3A : f32 to vector<512x8xf32>
    %div3A_17 = arith.divf %div3A_16, %add3A_15 : vector<512x8xf32>
    %get3A_18 = arith.constant 0 : index
    %get3A_19 = arith.constant 0 : index
    %get3A_20 = vector.load %arg4[%get3A_18, %get3A_19] : memref<8x128xf32, #tpu.memory_space<vmem>>, vector<8x128xf32>
    %dot_general3A = arith.constant dense<0.000000e+00> : vector<512x128xf32>
    %dot_general3A_21 = tpu.matmul %div3A_17, %get3A_20, %dot_general3A {dimension_numbers = #tpu.dot_dimension_numbers<[1], [0], [0], [1], [0, 0, 1, 1], [], []>, transpose_lhs_hint = false} : vector<512x8xf32>, vector<8x128xf32>, vector<512x128xf32> -> vector<512x128xf32>
    %mul3A = arith.mulf %add3A, %dot_general3A_21 : vector<512x128xf32>
    %get3A_22 = arith.constant 0 : index
    %get3A_23 = arith.constant 0 : index
    %get3A_24 = vector.load %arg2[%get3A_22, %get3A_23] : memref<1x128xf32, #tpu.memory_space<vmem>>, vector<1x128xf32>
    %add3A_25 = vector.broadcast %get3A_24 : vector<1x128xf32> to vector<512x128xf32>
    %add3A_26 = arith.addf %mul3A, %add3A_25 : vector<512x128xf32>
    %max3A = arith.constant 0.000000e+00 : f32
    %max3A_27 = vector.broadcast %max3A : f32 to vector<512x128xf32>
    %max3A_28 = arith.maximumf %add3A_26, %max3A_27 : vector<512x128xf32>
    %get3A_29 = arith.constant 0 : index
    %get3A_30 = arith.constant 0 : index
    %get3A_31 = vector.load %arg3[%get3A_29, %get3A_30] : memref<128x16xf32, #tpu.memory_space<vmem>>, vector<128x16xf32>
    %dot_general3A_32 = arith.constant dense<0.000000e+00> : vector<512x16xf32>
    %dot_general3A_33 = tpu.matmul %max3A_28, %get3A_31, %dot_general3A_32 {dimension_numbers = #tpu.dot_dimension_numbers<[1], [0], [0], [1], [0, 0, 1, 1], [], []>, transpose_lhs_hint = false} : vector<512x128xf32>, vector<128x16xf32>, vector<512x16xf32> -> vector<512x16xf32>
    %get3A_34 = arith.constant 0 : index
    %get3A_35 = arith.constant 0 : index
    %get3A_36 = vector.load %arg5[%get3A_34, %get3A_35] : memref<1x16xf32, #tpu.memory_space<vmem>>, vector<1x16xf32>
    %mul3A_37 = vector.broadcast %get3A_36 : vector<1x16xf32> to vector<512x16xf32>
    %mul3A_38 = arith.mulf %dot_general3A_33, %mul3A_37 : vector<512x16xf32>
    %reduce_sum3A = arith.constant dense<0.000000e+00> : vector<512xf32>
    %reduce_sum3A_39 = vector.multi_reduction <add>, %mul3A_38, %reduce_sum3A [1] : vector<512x16xf32> to vector<512xf32>
    %broadcast_in_dim3A = vector.shape_cast %reduce_sum3A_39 : vector<512xf32> to vector<512x1xf32>
    %get3A_40 = arith.constant 0 : index
    %get3A_41 = arith.constant 0 : index
    %get3A_42 = vector.load %arg6[%get3A_40, %get3A_41] : memref<1x16xf32, #tpu.memory_space<vmem>>, vector<1x16xf32>
    %mul3A_43 = vector.broadcast %get3A_42 : vector<1x16xf32> to vector<512x16xf32>
    %mul3A_44 = arith.mulf %dot_general3A_33, %mul3A_43 : vector<512x16xf32>
    %reduce_sum3A_45 = arith.constant dense<0.000000e+00> : vector<512xf32>
    %reduce_sum3A_46 = vector.multi_reduction <add>, %mul3A_44, %reduce_sum3A_45 [1] : vector<512x16xf32> to vector<512xf32>
    %broadcast_in_dim3A_47 = vector.shape_cast %reduce_sum3A_46 : vector<512xf32> to vector<512x1xf32>
    %broadcast_in_dim3A_48 = arith.constant 0.000000e+00 : f32
    %broadcast_in_dim3A_49 = vector.broadcast %broadcast_in_dim3A_48 : f32 to vector<512x16xf32>
    %concatenate3A = tpu.concatenate %dot_general3A_33, %broadcast_in_dim3A_49 in 1 : vector<512x16xf32>, vector<512x16xf32> -> vector<512x32xf32>
    %swap3A = arith.constant 0 : index
    %swap3A_50 = arith.constant 0 : index
    %swap3A_51 = vector.load %arg7[%swap3A, %swap3A_50] : memref<512x32xf32, #tpu.memory_space<vmem>>, vector<512x32xf32>
    tpu.vector_store %arg7[%swap3A, %swap3A_50], %concatenate3A {strides = array<i32>} : memref<512x32xf32, #tpu.memory_space<vmem>>, vector<512x32xf32>,
    %concatenate3A_52 = tpu.concatenate %broadcast_in_dim3A, %broadcast_in_dim3A_47 in 1 : vector<512x1xf32>, vector<512x1xf32> -> vector<512x2xf32>
    %swap3A_53 = arith.constant 0 : index
    %swap3A_54 = arith.constant 0 : index
    %swap3A_55 = vector.load %arg8[%swap3A_53, %swap3A_54] : memref<512x2xf32, #tpu.memory_space<vmem>>, vector<512x2xf32>
    tpu.vector_store %arg8[%swap3A_53, %swap3A_54], %concatenate3A_52 {strides = array<i32>} : memref<512x2xf32, #tpu.memory_space<vmem>>, vector<512x2xf32>,
    return
  }
  func.func @transform_0(%arg0: i32) -> (i32, i32, i32) {
    %c0_i32 = arith.constant 0 : i32
    %c0_i32_0 = arith.constant 0 : i32
    %c0_i32_1 = arith.constant 0 : i32
    return %c0_i32, %arg0, %c0_i32_0 : i32, i32, i32
  }
  func.func @transform_1(%arg0: i32) -> (i32, i32) {
    %c0_i32 = arith.constant 0 : i32
    %c0_i32_0 = arith.constant 0 : i32
    %c0_i32_1 = arith.constant 0 : i32
    return %c0_i32, %c0_i32_0 : i32, i32
  }
  func.func @transform_2(%arg0: i32) -> (i32, i32) {
    %c0_i32 = arith.constant 0 : i32
    %c0_i32_0 = arith.constant 0 : i32
    %c0_i32_1 = arith.constant 0 : i32
    return %c0_i32, %c0_i32_0 : i32, i32
  }
  func.func @transform_3(%arg0: i32) -> (i32, i32) {
    %c0_i32 = arith.constant 0 : i32
    %c0_i32_0 = arith.constant 0 : i32
    %c0_i32_1 = arith.constant 0 : i32
    return %c0_i32, %c0_i32_0 : i32, i32
  }
  func.func @transform_4(%arg0: i32) -> (i32, i32) {
    %c0_i32 = arith.constant 0 : i32
    %c0_i32_0 = arith.constant 0 : i32
    %c0_i32_1 = arith.constant 0 : i32
    return %c0_i32, %c0_i32_0 : i32, i32
  }
  func.func @transform_5(%arg0: i32) -> (i32, i32) {
    %c0_i32 = arith.constant 0 : i32
    %c0_i32_0 = arith.constant 0 : i32
    %c0_i32_1 = arith.constant 0 : i32
    return %c0_i32, %c0_i32_0 : i32, i32
  }
  func.func @transform_6(%arg0: i32) -> (i32, i32) {
    %c0_i32 = arith.constant 0 : i32
    %c0_i32_0 = arith.constant 0 : i32
    return %arg0, %c0_i32 : i32, i32
  }
  func.func @transform_7(%arg0: i32) -> (i32, i32) {
    %c0_i32 = arith.constant 0 : i32
    %c0_i32_0 = arith.constant 0 : i32
    return %arg0, %c0_i32 : i32, i32
  }
}

module attributes {stable_mosaic.version = 14 : i64} {
  func.func @_tc3_body(%arg0: i32, %arg1: memref<2x512x32xf32, #tpu.memory_space<vmem>>, %arg2: memref<1x16xf32, #tpu.memory_space<vmem>>, %arg3: memref<16x40xf32, #tpu.memory_space<vmem>>, %arg4: memref<1x40xf32, #tpu.memory_space<vmem>>, %arg5: memref<512x40xf32, #tpu.memory_space<vmem>>) attributes {dimension_semantics = [#tpu.dimension_semantics<arbitrary>], iteration_bounds = array<i64: 20>, scalar_prefetch = 0 : i64, scratch_operands = 0 : i64, tpu.core_type = #tpu.core_type<tc>, window_params = [{transform_indices = @transform_0, window_bounds = array<i64: 2, 512, 32>}, {pipeline_mode = #tpu.pipeline_mode<synchronous>, transform_indices = @transform_1, window_bounds = array<i64: 1, 16>}, {pipeline_mode = #tpu.pipeline_mode<synchronous>, transform_indices = @transform_2, window_bounds = array<i64: 16, 40>}, {pipeline_mode = #tpu.pipeline_mode<synchronous>, transform_indices = @transform_3, window_bounds = array<i64: 1, 40>}, {transform_indices = @transform_4, window_bounds = array<i64: 512, 40>}]} {
    %get3A = arith.constant 0 : index
    %get3A_0 = arith.constant 0 : index
    %get3A_1 = arith.constant 0 : index
    %get3A_2 = vector.load %arg1[%get3A, %get3A_0, %get3A_1] : memref<2x512x32xf32, #tpu.memory_space<vmem>>, vector<1x512x32xf32>
    %get3A_3 = vector.shape_cast %get3A_2 : vector<1x512x32xf32> to vector<512x32xf32>
    %get3A_4 = arith.constant 1 : index
    %get3A_5 = arith.constant 0 : index
    %get3A_6 = arith.constant 0 : index
    %get3A_7 = vector.load %arg1[%get3A_4, %get3A_5, %get3A_6] : memref<2x512x32xf32, #tpu.memory_space<vmem>>, vector<1x512x32xf32>
    %get3A_8 = vector.shape_cast %get3A_7 : vector<1x512x32xf32> to vector<512x32xf32>
    %slice3A = vector.extract_strided_slice %get3A_3 {offsets = [0, 0], sizes = [512, 16], strides = [1, 1]} : vector<512x32xf32> to vector<512x16xf32>
    %slice3A_9 = vector.extract_strided_slice %get3A_8 {offsets = [0, 0], sizes = [512, 16], strides = [1, 1]} : vector<512x32xf32> to vector<512x16xf32>
    %add3A = arith.addf %slice3A, %slice3A_9 : vector<512x16xf32>
    %slice3A_10 = vector.extract_strided_slice %get3A_3 {offsets = [0, 16], sizes = [512, 1], strides = [1, 1]} : vector<512x32xf32> to vector<512x1xf32>
    %slice3A_11 = vector.extract_strided_slice %get3A_8 {offsets = [0, 16], sizes = [512, 1], strides = [1, 1]} : vector<512x32xf32> to vector<512x1xf32>
    %add3A_12 = arith.addf %slice3A_10, %slice3A_11 : vector<512x1xf32>
    %add3A_13 = arith.constant 1.000000e-16 : f32
    %add3A_14 = vector.broadcast %add3A_13 : f32 to vector<512x1xf32>
    %add3A_15 = arith.addf %add3A_12, %add3A_14 : vector<512x1xf32>
    %div3A = vector.broadcast %add3A_15 : vector<512x1xf32> to vector<512x16xf32>
    %div3A_16 = arith.divf %add3A, %div3A : vector<512x16xf32>
    %get3A_17 = arith.constant 0 : index
    %get3A_18 = arith.constant 0 : index
    %get3A_19 = vector.load %arg2[%get3A_17, %get3A_18] : memref<1x16xf32, #tpu.memory_space<vmem>>, vector<1x16xf32>
    %add3A_20 = vector.broadcast %get3A_19 : vector<1x16xf32> to vector<512x16xf32>
    %add3A_21 = arith.addf %div3A_16, %add3A_20 : vector<512x16xf32>
    %get3A_22 = arith.constant 0 : index
    %get3A_23 = arith.constant 0 : index
    %get3A_24 = vector.load %arg3[%get3A_22, %get3A_23] : memref<16x40xf32, #tpu.memory_space<vmem>>, vector<16x40xf32>
    %dot_general3A = arith.constant dense<0.000000e+00> : vector<512x40xf32>
    %dot_general3A_25 = tpu.matmul %add3A_21, %get3A_24, %dot_general3A {dimension_numbers = #tpu.dot_dimension_numbers<[1], [0], [0], [1], [0, 0, 1, 1], [], []>, transpose_lhs_hint = false} : vector<512x16xf32>, vector<16x40xf32>, vector<512x40xf32> -> vector<512x40xf32>
    %get3A_26 = arith.constant 0 : index
    %get3A_27 = arith.constant 0 : index
    %get3A_28 = vector.load %arg4[%get3A_26, %get3A_27] : memref<1x40xf32, #tpu.memory_space<vmem>>, vector<1x40xf32>
    %add3A_29 = vector.broadcast %get3A_28 : vector<1x40xf32> to vector<512x40xf32>
    %add3A_30 = arith.addf %dot_general3A_25, %add3A_29 : vector<512x40xf32>
    %reduce_max3A = arith.constant dense<0xFF800000> : vector<512xf32>
    %reduce_max3A_31 = vector.multi_reduction <maximumf>, %add3A_30, %reduce_max3A [1] : vector<512x40xf32> to vector<512xf32>
    %broadcast_in_dim3A = vector.shape_cast %reduce_max3A_31 : vector<512xf32> to vector<512x1xf32>
    %sub3A = vector.broadcast %broadcast_in_dim3A : vector<512x1xf32> to vector<512x40xf32>
    %sub3A_32 = arith.subf %add3A_30, %sub3A : vector<512x40xf32>
    %exp3A = math.exp %sub3A_32 : vector<512x40xf32>
    %reduce_sum3A = arith.constant dense<0.000000e+00> : vector<512xf32>
    %reduce_sum3A_33 = vector.multi_reduction <add>, %exp3A, %reduce_sum3A [1] : vector<512x40xf32> to vector<512xf32>
    %broadcast_in_dim3A_34 = vector.shape_cast %reduce_sum3A_33 : vector<512xf32> to vector<512x1xf32>
    %div3A_35 = vector.broadcast %broadcast_in_dim3A_34 : vector<512x1xf32> to vector<512x40xf32>
    %div3A_36 = arith.divf %exp3A, %div3A_35 : vector<512x40xf32>
    %swap3A = arith.constant 0 : index
    %swap3A_37 = arith.constant 0 : index
    %swap3A_38 = vector.load %arg5[%swap3A, %swap3A_37] : memref<512x40xf32, #tpu.memory_space<vmem>>, vector<512x40xf32>
    tpu.vector_store %arg5[%swap3A, %swap3A_37], %div3A_36 {strides = array<i32>} : memref<512x40xf32, #tpu.memory_space<vmem>>, vector<512x40xf32>,
    return
  }
  func.func @transform_0(%arg0: i32) -> (i32, i32, i32) {
    %c0_i32 = arith.constant 0 : i32
    %c0_i32_0 = arith.constant 0 : i32
    %c0_i32_1 = arith.constant 0 : i32
    return %c0_i32, %arg0, %c0_i32_0 : i32, i32, i32
  }
  func.func @transform_1(%arg0: i32) -> (i32, i32) {
    %c0_i32 = arith.constant 0 : i32
    %c0_i32_0 = arith.constant 0 : i32
    %c0_i32_1 = arith.constant 0 : i32
    return %c0_i32, %c0_i32_0 : i32, i32
  }
  func.func @transform_2(%arg0: i32) -> (i32, i32) {
    %c0_i32 = arith.constant 0 : i32
    %c0_i32_0 = arith.constant 0 : i32
    %c0_i32_1 = arith.constant 0 : i32
    return %c0_i32, %c0_i32_0 : i32, i32
  }
  func.func @transform_3(%arg0: i32) -> (i32, i32) {
    %c0_i32 = arith.constant 0 : i32
    %c0_i32_0 = arith.constant 0 : i32
    %c0_i32_1 = arith.constant 0 : i32
    return %c0_i32, %c0_i32_0 : i32, i32
  }
  func.func @transform_4(%arg0: i32) -> (i32, i32) {
    %c0_i32 = arith.constant 0 : i32
    %c0_i32_0 = arith.constant 0 : i32
    return %arg0, %c0_i32 : i32, i32
  }
}

</mosaic_0001>

<sc_bundles>
// kernel: kernel.10.cloned.1.call-start
scs
__scs_entry_jumppad:
0x0: {  	(pc) =	sbr.rel $0x88, $3  }
0x1: {  	(tag) =	ssettag $0x0;
	lr =	simm.s32 $0x1  }
0x2: {  	[smem:$0x3F95] =	sst lr;
	_ =	strace $0xD0000000  }
0x3: {  	_ = 	snop  }
0x4: {  	_ = 	snop  }
0x5: {  	_ = 	snop  }
0x6: {  	_ = 	snop  }
0x7: {  	_ = 	snop  }
__scs_overlays_trampoline_lowered:
0x8: {  	[smem:$0x3FA4] =	sst s0  }
0x9: {  	[smem:$0x3FA5] =	sst s1  }
0xa: {  	[smem:$0x3FA6] =	sst s2  }
0xb: {  	[smem:$0x3FA7] =	sst s3  }
0xc: {  	[smem:$0x3FA8] =	sst s4  }
0xd: {  	[smem:$0x3FA9] =	sst s5  }
0xe: {  	[smem:$0x3FAA] =	sst s6  }
0xf: {  	[smem:$0x3FAB] =	sst s7  }
0x10: {  	[smem:$0x3FAC] =	sst s8  }
0x11: {  	[smem:$0x3FAD] =	sst s9;
	s0 =	simm.s32 @!p0 $0x0  }
0x12: {  	s1 =	sld [smem:$0x3F93];
	s0 =	simm.s32 @p0 $0x1  }
0x13: {  	[smem:$0x3FAE] =	sst s0;
	s0 =	simm.s32 @!p1 $0x0  }
0x14: {  	s2 =	sld [smem:$0x3F92];
	s0 =	simm.s32 @p1 $0x1  }
0x15: {  	[smem:$0x3FAF] =	sst s0;
	s0 =	simm.s32 @!p2 $0x0  }
0x16: {  	s3 =	sld [smem:$0x3FDB];
	s0 =	simm.s32 @p2 $0x1  }
0x17: {  	s4 =	simm.s32 $0x1BF5;
	[smem:$0x3FB1] =	sst s0  }
0x18: {  	s0 =	sld [smem:$0x3F94];
	_ =	swait.ge [sflag:s4], $0x0  }
0x19: {  	s7 =	sld [smem:$0x3F95]  }
0x1a: {  	s8 =	sadd.s32 $0xFFFFE003, lr  }
0x1b: {  	s9 =	sadd.s32 $0xFFFFFEF7, lr;
	s5 =	simm.s32 $0xFFFFFFFF;
	p2 =	slt.u32 s8, $0xFFFFF086  }
0x1c: {  	p1 =	slt.u32 s9, $0xF7A;
	s5 =	simm.s32 @!p2 $0x0  }
0x1d: {  	s5 =	simm.s32 @p1 $0x1;
	p0 =	seq.s32 s7, s2  }
0x1e: {  	s7 =	smul.u32 @!p0 $0xF7A, s2;
	p2 =	seq.s32 @!p0 s5, $0x0  }
0x1f: {  	s9 =	smul.u32 $0xF7A, s1;
	s8 =	simm.s32 @!p0 $0x1BF5;
	p2 =	por !p2, p0  }
0x20: {  	[sflag:s8] =	ssyncset.s32 @!p0 $0xFFFFF086;
	s6 =	sadd.s32 @!p0 s3, s7;
	s7 =	simm.s32 @!p0 $0x108  }
0x21: {  	s3 =	sadd.s32 s3, s9;
	s6 =	sadd.s32 @!p0 $0x88, s6;
	s7 =	simm.s32 @p2 $0x1082  }
0x22: {  	[simem:s7], [sflag:s8] =	dma.local @!p0 [hbm:s6], $0xF7A  }
0x23: {  	s9 =	sor.u32 $0xD0000000, s2;
	s6 =	simm.s32 $0x108;
	_ =	swait.ge @!p0 [sflag:s8], $0x0  }
0x24: {  	s3 =	sadd.s32 $0x88, s3;
	s6 =	simm.s32 @!p1 $0x1082;
	[sflag:s4] =	ssyncset.s32 $0xFFFFF086  }
0x25: {  	[simem:s6], [sflag:s4] =	dma.local [hbm:s3], $0xF7A  }
0x26: {  	[smem:$0x3F95] =	sst s1;
	(tag) =	ssettag s2;
	_ =	strace s9  }
0x27: {  	s1 =	sld [smem:$0x3FA5]  }
0x28: {  	s2 =	sld [smem:$0x3FA6]  }
0x29: {  	s4 =	sld [smem:$0x3FA8]  }
0x2a: {  	p0 =	seq.s32 s5, $0x0;
	s5 =	sld [smem:$0x3FA9]  }
0x2b: {  	s6 =	sld [smem:$0x3FAA]  }
0x2c: {  	s7 =	sld [smem:$0x3FAB]  }
0x2d: {  	s3 =	simm.s32 $0x108;
	s8 =	sld [smem:$0x3FAC]  }
0x2e: {  	s3 =	simm.s32 @!p0 $0x1082;
	s9 =	sld [smem:$0x3FAD]  }
0x2f: {  	lr =	sadd.s32 s0, s3;
	s0 =	sld [smem:$0x3FA4]  }
0x30: {  	s3 =	sld [smem:$0x3FA7]  }
0x31: {  	[smem:$0x3FB0] =	sst s10  }
0x32: {  	s10 =	sld [smem:$0x3FAE];
	_ =	sdelay $0x3  }
0x33: {  	p0 =	seq.s32 s10, $0x1;
	s10 =	sld [smem:$0x3FB0];
	_ =	sdelay $0x3  }
0x34: {  	[smem:$0x3FB0] =	sst s10  }
0x35: {  	s10 =	sld [smem:$0x3FAF];
	_ =	sdelay $0x3  }
0x36: {  	p1 =	seq.s32 s10, $0x1;
	s10 =	sld [smem:$0x3FB0];
	_ =	sdelay $0x3  }
0x37: {  	[smem:$0x3FB0] =	sst s10  }
0x38: {  	s10 =	sld [smem:$0x3FB1]  }
0x39: {  	_ = 	snop;
	(pc) =	sbr.ind lr, $3  }
0x3a: {  	_ = 	snop  }
0x3b: {  	_ = 	snop  }
0x3c: {  	p2 =	seq.s32 s10, $0x1;
	s10 =	sld [smem:$0x3FB0]  }
0x3d: {  	_ =	shalt  }
0x3e: {  	_ =	shalt  }
0x3f: {  	_ =	shalt  }
0x40: {  	_ =	shalt  }
0x41: {  	_ =	shalt  }
0x42: {  	_ =	shalt  }
0x43: {  	_ =	shalt  }
0x44: {  	_ =	shalt  }
0x45: {  	_ =	shalt  }
0x46: {  	_ =	shalt  }
0x47: {  	_ =	shalt  }
0x48: {  	_ =	shalt  }
0x49: {  	_ =	shalt  }
0x4a: {  	_ =	shalt  }
0x4b: {  	_ =	shalt  }
0x4c: {  	_ =	shalt  }
0x4d: {  	_ =	shalt  }
0x4e: {  	_ =	shalt  }
0x4f: {  	_ =	shalt  }
0x50: {  	_ =	shalt  }
0x51: {  	_ =	shalt  }
0x52: {  	_ =	shalt  }
0x53: {  	_ =	shalt  }
0x54: {  	_ =	shalt  }
0x55: {  	_ =	shalt  }
0x56: {  	_ =	shalt  }
0x57: {  	_ =	shalt  }
0x58: {  	_ =	shalt  }
0x59: {  	_ =	shalt  }
0x5a: {  	_ =	shalt  }
0x5b: {  	_ =	shalt  }
0x5c: {  	_ =	shalt  }
0x5d: {  	_ =	shalt  }
0x5e: {  	_ =	shalt  }
0x5f: {  	_ =	shalt  }
0x60: {  	_ =	shalt  }
0x61: {  	_ =	shalt  }
0x62: {  	_ =	shalt  }
0x63: {  	_ =	shalt  }
0x64: {  	_ =	shalt  }
0x65: {  	_ =	shalt  }
0x66: {  	_ =	shalt  }
0x67: {  	_ =	shalt  }
0x68: {  	_ =	shalt  }
0x69: {  	_ =	shalt  }
0x6a: {  	_ =	shalt  }
0x6b: {  	_ =	shalt  }
0x6c: {  	_ =	shalt  }
0x6d: {  	_ =	shalt  }
0x6e: {  	_ =	shalt  }
0x6f: {  	_ =	shalt  }
0x70: {  	_ =	shalt  }
0x71: {  	_ =	shalt  }
0x72: {  	_ =	shalt  }
0x73: {  	_ =	shalt  }
0x74: {  	_ =	shalt  }
0x75: {  	_ =	shalt  }
0x76: {  	_ =	shalt  }
0x77: {  	_ =	shalt  }
0x78: {  	_ =	shalt  }
0x79: {  	_ =	shalt  }
0x7a: {  	_ =	shalt  }
0x7b: {  	_ =	shalt  }
0x7c: {  	_ =	shalt  }
0x7d: {  	_ =	shalt  }
0x7e: {  	_ =	shalt  }
0x7f: {  	_ =	shalt  }
0x80: {  	_ =	shalt  }
0x81: {  	_ =	shalt  }
0x82: {  	_ =	shalt  }
0x83: {  	_ =	shalt  }
0x84: {  	_ =	shalt  }
0x85: {  	_ =	shalt  }
0x86: {  	_ =	shalt  }
0x87: {  	_ =	shalt  }
.Lfunc_end0:
.L_simem_size_0:
called_computation.1_lowered:
.L_overlay_start_0:
0x88: {  	s2 =	sld [smem:$0x3FD9]  }
0x89: {  	s3 =	sld [smem:$0x3FFE];
	_ =	sdelay $0x1  }
0x8a: {  	s1 =	srdreg.scid  }
0x8b: {  	s0 =	sand.u32 $0x1, s1  }
0x8c: {  	s17 =	sshll.u32 s0, $0xA;
	s2 =	sadd.s32 s3, s2  }
0x8d: {  	s2 =	sadd.s32 s2, s17  }
0x8e: {  	[smem:$0x3FBC] =	sst s2  }
0x8f: {  	_ = 	snop  }
0x90: {  	s2 =	sld [smem:$0x3FD0];
	(tm) =	ssettm $0x1  }
0x91: {  	s18 =	sld [smem:$0x3FFB];
	_ =	sdelay $0x3  }
0x92: {  	_ =	strace s18  }
0x93: {  	s3 =	sld [smem:$0x3FFC];
	_ =	sdelay $0x3  }
0x94: {  	_ =	strace s3  }
0x95: {  	s3 =	sld [smem:$0x3FFD];
	_ =	sdelay $0x3  }
0x96: {  	_ =	strace s3  }
0x97: {  	_ =	strace $0x8FFFFFFF  }
0x98: {  	s19 =	sld [smem:$0x3FDB];
	_ =	sdelay $0x1  }
0x99: {  	s4 =	simm.s32 $_scs_section_size  }
0x9a: {  	s5 =	simm.s32 $_size__tile_overlayer_lowered;
	s6 =	simm.s32 $_tile_overlayer_lowered  }
0x9b: {  	s22 =	simm.s32 $0x1BFF;
	s21 =	sshll.u32 s6, $0x1;
	s3 =	sadd.s32 s4, s19  }
0x9c: {  	s7 =	simm.s32 $0x0;
	s20 =	sshll.u32 s5, $0x1;
	s5 =	sadd.s32 s21, s3  }
0x9d: {  	[timem:s7], [sflag:s22] =	dma.local [hbm:s5], s20  }
0x9e: {  	_ =	swait.ge [sflag:s22], s20  }
0x9f: {  	s4 =	ssub.s32 $0x0, s20;
	[sflag:s22] =	ssyncset.done $0x0  }
0xa0: {  	[sflag:s22] =	ssyncadd.s32 s4;
	_ =	sdelay $0x1  }
0xa1: {  	s23 =	simm.s32 $0x1B8B  }
0xa2: {  	_ =	swait.ge [sflag:s23], $0x1  }
0xa3: {  	[sflag:s23] =	ssyncset.done $0x0  }
0xa4: {  	s25 =	simm.s32 $0x1B8E;
	s24 =	sld [smem:$0x3FFE];
	[sflag:s23] =	ssyncadd.s32 $0xFFFFFFFF  }
0xa5: {  	s26 =	simm.s32 $execute0_lowered;
	[smem:$0x3FD2] =	sst s25  }
0xa6: {  	s5 =	sshll.u32 s26, $0x1;
	_ =	strace $0x80000049;
	[dreg:$0x1] =	wrdreg $0xFFFFFFFF  }
0xa7: {  	s28 =	simm.s32 $_size_execute0_lowered;
	s3 =	sadd.s32 s3, s5;
	[dreg:$0x0] =	wrdreg $0x0  }
0xa8: {  	s5 =	sshll.u32 s28, $0x1;
	[dreg:$0x2] =	wrdreg s3  }
0xa9: {  	[dreg:$0x3] =	wrdreg s5  }
0xaa: {  	[dreg:$0x4] =	wrdreg $0xC0  }
0xab: {  	_ =	task [dreg:s7], $0x5FFFF  }
0xac: {  	[dreg:$0x1] =	wrdreg $0xFFFFFFFF  }
0xad: {  	[dreg:$0x0] =	wrdreg $0x60  }
0xae: {  	[dreg:$0x2] =	wrdreg s2  }
0xaf: {  	[dreg:$0x3] =	wrdreg s24  }
0xb0: {  	[dreg:$0x4] =	wrdreg $0x15FE00  }
0xb1: {  	[dreg:$0x5] =	wrdreg $0x9  }
0xb2: {  	_ =	task.clear_ibuf [dreg:s7], $0x6FFFF;
	_ =	strace $0x90000049  }
0xb3: {  	s29 =	simm.s32 $0x9;
	_ =	strace $0x8000004B  }
0xb4: {  	_ =	swait.ge [sflag:s29], $0x1  }
0xb5: {  	[sflag:s29] =	ssyncadd.s32 $0xFFFFFFFF  }
0xb6: {  	_ =	strace $0x9000004B  }
0xb7: {  	_ =	sfence  }
0xb8: {  	s30 =	sld [smem:$0x0];
	_ =	sdelay $0x2  }
0xb9: {  	s31 =	sshll.u32 s1, $0xD;
	s1 =	sshrl.u32 s1, $0x2  }
0xba: {  	s3 =	sand.u32 $0x4000, s31;
	s1 =	sadd.s32 s1, s30  }
0xbb: {  	s0 =	sor.u32 s3, s0;
	s1 =	sshll.u32 s1, $0x11  }
0xbc: {  	s0 =	sor.u32 s1, s0  }
0xbd: {  	s0 =	sadd.s32 $0x8F2B, s0  }
0xbe: {  	[sflag:s0] =	ssyncadd.remote.s32 $0x1  }
0xbf: {  	_ =	sfence.sel $0xFFFF  }
0xc0: {  	[dreg:$0x0] =	wrdreg $0xFFFFFFFF;
	(pc) =	sbr.abs _section_cstart, $3  }
0xc1: {  	[dreg:$0x1] =	wrdreg $0xFFFFFFFF  }
0xc2: {  	_ =	task.clear_ibuf [dreg:s7], $0x2FFFF;
	_ =	strace $0x9FFFFFFF  }
0xc3: {  	(tm) =	ssettm $0x7FFFFFFF  }
tec
execute0_lowered:
.L_overlay_start_1:
0x0: {  	(tag) =	ssettag $0x1  }
0x1: {  	s1 =	rddreg [dreg:$0x0]  }
0x2: {  	s0 =	rddreg [dreg:$0x1]  }
0x3: {  	s2 =	rddreg [dreg:$0x2];
	s22 =	simm.s32 $0x0  }
0x4: {  	s3 =	srdreg.scid;
	s8 =	stileid.u32;
	s30 =	simm.s32 $0x1FE0  }
0x5: {  	s31 =	simm.s32 $0xA;
	s28 =	simm.s32 $0xF0;
	s29 =	simm.s32 $0x4  }
0x6: {  	[smem:$0x7FF] =	sst s22;
	s3 =	sand.u32 $0x1, s3;
	s4 =	sadd.s32 $0x1800, s0  }
0x7: {  	s6 =	sadd.s32 $0x2E800, s0;
	s7 =	smul.u32 $0x5000, s8;
	s0 =	sadd.s32 $0x4000, s0  }
0x8: {  	s17 =	sshll.u32 s8, $0x1;
	_ =	strace $0x8000004A;
	s16 =	ssub.s32 $0x2, s3  }
0x9: {  	[dreg:$0x4] =	wrdreg s4;
	s5 =	sshrl.u32 s16, $0x1;
	s18 =	sadd.s32 s7, s2  }
0xa: {  	s19 =	sor.u32 $0xA00, s7;
	s20 =	sadd.s32 $0x1400, s7;
	s10 =	sadd.s32 $0x1E00, s7  }
0xb: {  	s23 =	sadd.s32 $0x2800, s7;
	[dreg:$0x5] =	wrdreg s18;
	s9 =	sadd.s32 s19, s2  }
0xc: {  	s12 =	sadd.s32 $0x3200, s7;
	s11 =	sadd.s32 s20, s2;
	[dreg:$0x6] =	wrdreg s9  }
0xd: {  	s13 =	sadd.s32 $0x3C00, s7;
	s21 =	sadd.s32 s10, s2;
	[dreg:$0x7] =	wrdreg s11  }
0xe: {  	s4 =	ssub.s32 s16, s5;
	s14 =	sadd.s32 s23, s2;
	[dreg:$0x8] =	wrdreg s21  }
0xf: {  	s5 =	sor.u32 s3, s17;
	s24 =	sadd.s32 s12, s2;
	[dreg:$0x9] =	wrdreg s14  }
0x10: {  	s3 =	smul.u32 $0x50000, s3;
	s25 =	sadd.s32 s13, s2;
	[dreg:$0xa] =	wrdreg s24  }
0x11: {  	s26 =	sadd.s32 $0x4600, s7;
	[dreg:$0xb] =	wrdreg s25;
	s5 =	smul.u32 $0x50A0, s5  }
0x12: {  	s14 =	simm.s32 $0x190;
	s7 =	sadd.s32 s7, s3;
	s8 =	sadd.s32 s3, s19  }
0x13: {  	s9 =	sadd.s32 s3, s20;
	s10 =	sadd.s32 s3, s10;
	s11 =	sadd.s32 s3, s23  }
0x14: {  	s18 =	sadd.s32 s3, s12;
	s19 =	sadd.s32 s3, s13;
	s3 =	sadd.s32 s3, s26  }
0x15: {  	s23 =	smax.u32 s4, $0x1;
	s4 =	simm.s32 $0x1;
	s7 =	sshrl.u32 s7, $0x3  }
0x16: {  	s8 =	sshrl.u32 s8, $0x3;
	s15 =	sshrl.u32 s10, $0x3;
	s16 =	sshrl.u32 s11, $0x3  }
0x17: {  	s20 =	sshrl.u32 s19, $0x3;
	s3 =	sshrl.u32 s3, $0x3;
	s21 =	sshrl.u32 s5, $0x3  }
0x18: {  	s10 =	sadd.s32 s26, s2;
	s24 =	sadd.s32 $0x140, s5;
	s25 =	sadd.s32 $0x1E0, s5  }
0x19: {  	s26 =	sadd.s32 $0x280, s5;
	[dreg:$0x16] =	wrdreg s23;
	s5 =	simm.s32 $0xA0  }
0x1a: {  	s19 =	simm.s32 $0x9;
	s7 =	sadd.s32 s0, s7;
	[dreg:$0x14] =	wrdreg s10  }
0x1b: {  	s8 =	sadd.s32 s0, s8;
	[dreg:$0xc] =	wrdreg s7;
	s7 =	sshrl.u32 s9, $0x3  }
0x1c: {  	s23 =	simm.s32 $0x3;
	[dreg:$0xd] =	wrdreg s8;
	s7 =	sadd.s32 s0, s7  }
0x1d: {  	s17 =	sadd.s32 s0, s16;
	[dreg:$0xe] =	wrdreg s7;
	s7 =	sadd.s32 s0, s15  }
0x1e: {  	s16 =	simm.s32 $0x8;
	[dreg:$0xf] =	wrdreg s7;
	s7 =	sshrl.u32 s18, $0x3  }
0x1f: {  	[dreg:$0x10] =	wrdreg s17;
	s17 =	simm.s32 $0xBE0;
	s7 =	sadd.s32 s0, s7  }
0x20: {  	s15 =	simm.s32 $0x50;
	[dreg:$0x11] =	wrdreg s7;
	s7 =	sadd.s32 s0, s20  }
0x21: {  	s18 =	simm.s32 $0x140;
	s0 =	sadd.s32 s0, s3;
	[dreg:$0x12] =	wrdreg s7  }
0x22: {  	s20 =	simm.s32 $0x15E0;
	[dreg:$0x13] =	wrdreg s0;
	s0 =	sadd.s32 s6, s21  }
0x23: {  	v1 =	vlaneseq.u32;
	s21 =	simm.s32 $0x2;
	[dreg:$0x15] =	wrdreg s0;
	s0 =	sadd.s32 $0x14, s0  }
0x24: {  	v0 =	vimm.f32 $0.0e+00;
	v1 =	vmul.u32 $0x20, v1;
	s7 =	simm.s32 $0x0;
	[dreg:$0x17] =	wrdreg s0;
	s0 =	simm.s32 $0x1E0  }
.LBB2_1:
0x25: {  	s3 =	rddreg [dreg:$0x4]  }
0x26: {  	[tilespmem:s30], [sflag:$0xA] =	stream.linear.gather [hbm4b:s3+s22], $0x14000, $0x38;
	[tilespmem:$0x1AFE0] =	vst v63  }
0x27: {  	_ =	swait.ge [sflag:s31], $0x14000  }
0x28: {  	[sflag:s31] =	ssyncset.done $0x0  }
0x29: {  	s8 =	simm.s32 $0x0;
	s3 =	simm.s32 $0x80;
	[sflag:s31] =	ssyncadd.s32 $0xFFFEC000  }
.LBB2_2:
0x2a: {  	p0 =	sne.s32 s3, $0x2780;
	[tilespmem:s8+$0x1E0] =	vst v0;
	s9 =	smov.u32 s3;
	s3 =	sadd.s32 $0x80, s3  }
.Ltmp0:
0x2b: {  	[tilespmem:s8+$0x1F0] =	vst v0;
	(pc) =	sbr.rel @p0 .LBB2_2-.Ltmp0, $2  }
0x2c: {  	_ =	sdelay $0x2  }
0x2d: {  	s8 =	sshra.s32 s9, $0x2  }
0x2e: {  	[tilespmem:s8+$0x1E0] =	vst v0  }
0x2f: {  	[tilespmem:s8+$0x1F0] =	vst v0;
	s3 =	rddreg [dreg:$0x5]  }
0x30: {  	[spmem:s3] =	stream.linear.scatter [tilespmem:s0], [sflag:$0x1], $0xA00, $0x38;
	[tilespmem:$0x1AFE0] =	vst v63  }
0x31: {  	s12 =	rddreg [dreg:$0x6]  }
0x32: {  	[spmem:s12] =	stream.linear.scatter [tilespmem:s0], [sflag:$0x1], $0xA00, $0x38;
	[tilespmem:$0x1AFE0] =	vst v63  }
0x33: {  	s13 =	rddreg [dreg:$0x7]  }
0x34: {  	[spmem:s13] =	stream.linear.scatter [tilespmem:s0], [sflag:$0x1], $0xA00, $0x38;
	[tilespmem:$0x1AFE0] =	vst v63  }
0x35: {  	s22 =	rddreg [dreg:$0x8]  }
0x36: {  	[spmem:s22] =	stream.linear.scatter [tilespmem:s0], [sflag:$0x1], $0xA00, $0x38;
	[tilespmem:$0x1AFE0] =	vst v63  }
0x37: {  	s8 =	rddreg [dreg:$0x9]  }
0x38: {  	[spmem:s8] =	stream.linear.scatter [tilespmem:s0], [sflag:$0x1], $0xA00, $0x38;
	[tilespmem:$0x1AFE0] =	vst v63  }
0x39: {  	s9 =	rddreg [dreg:$0xa]  }
0x3a: {  	[spmem:s9] =	stream.linear.scatter [tilespmem:s0], [sflag:$0x1], $0xA00, $0x38;
	[tilespmem:$0x1AFE0] =	vst v63  }
0x3b: {  	s11 =	rddreg [dreg:$0xb]  }
0x3c: {  	[spmem:s11] =	stream.linear.scatter [tilespmem:s0], [sflag:$0x1], $0xA00, $0x38;
	[tilespmem:$0x1AFE0] =	vst v63  }
0x3d: {  	_ = 	snop  }
0x3e: {  	[spmem:s10] =	stream.linear.scatter [tilespmem:s0], [sflag:$0x1], $0xA00, $0x38;
	[tilespmem:$0x1AFE0] =	vst v63  }
0x3f: {  	_ =	swait.ge [sflag:s4], $0xA00  }
0x40: {  	[sflag:s4] =	ssyncset.done $0x0  }
0x41: {  	[sflag:s4] =	ssyncadd.s32 $0xFFFFF600  }
0x42: {  	_ =	swait.ge [sflag:s4], $0xA00  }
0x43: {  	[sflag:s4] =	ssyncset.done $0x0  }
0x44: {  	[sflag:s4] =	ssyncadd.s32 $0xFFFFF600  }
0x45: {  	_ =	swait.ge [sflag:s4], $0xA00  }
0x46: {  	[sflag:s4] =	ssyncset.done $0x0  }
0x47: {  	[sflag:s4] =	ssyncadd.s32 $0xFFFFF600  }
0x48: {  	_ =	swait.ge [sflag:s4], $0xA00  }
0x49: {  	[sflag:s4] =	ssyncset.done $0x0  }
0x4a: {  	[sflag:s4] =	ssyncadd.s32 $0xFFFFF600  }
0x4b: {  	_ =	swait.ge [sflag:s4], $0xA00  }
0x4c: {  	[sflag:s4] =	ssyncset.done $0x0  }
0x4d: {  	[sflag:s4] =	ssyncadd.s32 $0xFFFFF600  }
0x4e: {  	_ =	swait.ge [sflag:s4], $0xA00  }
0x4f: {  	[sflag:s4] =	ssyncset.done $0x0  }
0x50: {  	[sflag:s4] =	ssyncadd.s32 $0xFFFFF600  }
0x51: {  	_ =	swait.ge [sflag:s4], $0xA00  }
0x52: {  	[sflag:s4] =	ssyncset.done $0x0  }
0x53: {  	[sflag:s4] =	ssyncadd.s32 $0xFFFFF600  }
0x54: {  	_ =	swait.ge [sflag:s4], $0xA00  }
0x55: {  	[sflag:s4] =	ssyncset.done $0x0  }
0x56: {  	[sflag:s4] =	ssyncadd.s32 $0xFFFFF600  }
0x57: {  	[bflag:$0x0] =	sbarrier.arrive $0xFFFF  }
0x58: {  	s8 =	simm.s32 $0x0;
	s12 =	rddreg [dreg:$0x15]  }
0x59: {  	[tilespmem:s8], [sflag:$0x7] =	stream.linear.gather [hbm4b:s12+s8], $0xA0, $0x38;
	[tilespmem:$0x1AFE0] =	vst v63  }
0x5a: {  	s22 =	simm.s32 $0x7;
	s13 =	rddreg [dreg:$0x17]  }
0x5b: {  	[tilespmem:s5], [sflag:$0x8] =	stream.linear.gather [hbm4b:s13+s8], $0xA0, $0x38;
	[tilespmem:$0x1AFE0] =	vst v63  }
0x5c: {  	_ =	swait.ge [sflag:s22], $0xA0  }
0x5d: {  	[sflag:s22] =	ssyncset.done $0x0  }
0x5e: {  	s9 =	simm.s32 $0x0;
	[sflag:s22] =	ssyncadd.s32 $0xFFFFFF60  }
0x5f: {  	[tilespmem:s0], [sflag:$0x1] =	stream.indirect.gather [hbm4b:s1+s15], $0x20, s8, s15, $0xb8;
	[tilespmem:$0x1AFE0] =	vst v63  }
.LBB2_4:
0x60: {  	p0 =	seq.s32 s9, $0x0  }
0x61: {  	s3 =	simm.s32 @!p0 $0x5  }
0x62: {  	_ =	swait.ge @!p0 [sflag:s3], $0xA00  }
0x63: {  	[sflag:s3] =	ssyncset.done @!p0 $0x0  }
0x64: {  	s10 =	smul.u32 $0x1E0, s9;
	[sflag:s3] =	ssyncadd.s32 @!p0 $0xFFFFF600  }
0x65: {  	_ =	swait.ge [sflag:s16], $0xA0  }
0x66: {  	s22 =	sadd.s32 s10, s24;
	[sflag:s16] =	ssyncset.done $0x0  }
0x67: {  	s12 =	simm.s32 $0x50;
	s3 =	sshrl.u32 s22, $0x3;
	[sflag:s16] =	ssyncadd.s32 $0xFFFFFF60  }
0x68: {  	[tilespmem:s17], [sflag:$0x2] =	stream.indirect.gather [hbm4b:s1+s12], $0x20, s5, s12, $0xb8;
	[tilespmem:$0x1AFE0] =	vst v63  }
0x69: {  	s3 =	sadd.s32 s6, s3  }
0x6a: {  	[tilespmem:s18], [sflag:$0x9] =	stream.linear.gather [hbm4b:s3+s8], $0xA0, $0x38;
	[tilespmem:$0x1AFE0] =	vst v63  }
0x6b: {  	_ =	swait.ge [sflag:s4], $0xA00  }
0x6c: {  	[sflag:s4] =	ssyncset.done $0x0  }
0x6d: {  	[sflag:s4] =	ssyncadd.s32 $0xFFFFF600  }
0x6e: {  	v2 =	vld [tilespmem:s12+$0xFFFFFFB0]  }
0x6f: {  	v3 =	vld [tilespmem:s12+$0x0];
	_ =	sdelay $0x4  }
0x70: {  	v2 =	vshll.u32 v2, $0x3;
	v3 =	vshll.u32 v3, $0x3  }
0x71: {  	v3 =	vor.u32 $0x1, v3;
	_ =	sdelay $0x3  }
0x72: {  	v2 =	vld.idx.msk [tilespmem:v2+s30+$0x0], $0xffff  }
0x73: {  	v3 =	vld.idx.msk [tilespmem:v3+s30+$0x0], $0xffff;
	_ =	sdelay $0x4  }
0x74: {  	v2 =	vadd.f32 v3, v2;
	_ =	sdelay $0x1  }
0x75: {  	v3 =	vmul.f32 $2.000000030e-01, v2  }
0x76: {  	vm0 =	vge.f32 v2, $0.0e+00  }
0x77: {  	v2 =	vsel vm0, v2, v3  }
0x78: {  	v2 =	vmul.f32 $1.442695020e+00, v2;
	_ =	sdelay $0x1  }
0x79: {  	(erf) = vpow2.f32 v2;
	_ =	sdelay $0x1  }
0x7a: {  	v2 =	vmov s8  }
0x7b: {  	v2 =	vshll.u32 v2, $0x5  }
0x7c: {  	v2 =	vor.u32 v1, v2  }
0x7d: {  	v3 =	vor.u32 $0x10, v2;
	_ =	sdelay $0x3  }
0x7e: {  	v2 =	vpop (erf)  }
0x7f: {  	s11 =	simm.s32 $0x2E0;
	[tilespmem:v3+s0+$0x0] =	vst.idx.msk $0xffff, v2  }
0x80: {  	v10 =	vld [tilespmem:s11+$0x80]  }
0x81: {  	v5 =	vbroadcast v2, $0x2;
	v8 =	vld [tilespmem:s11+$0xFFFFFF00]  }
0x82: {  	v4 =	vbroadcast v2, $0x3;
	v7 =	vbroadcast v2, $0x0;
	v9 =	vld [tilespmem:s11+$0xFFFFFF20]  }
0x83: {  	s13 =	simm.s32 $0x10;
	s22 =	simm.s32 $0x2E0;
	v3 =	vbroadcast v2, $0x4;
	v11 =	vbroadcast v2, $0xC;
	v6 =	vld [tilespmem:s11+$0xFFFFFF40]  }
.LBB2_5:
0x84: {  	p1 =	sne.s32 s13, $0x40;
	v12 =	vld [tilespmem:s11+$0xFFFFFF60];
	s12 =	sadd.s32 $0x10, s12;
	s22 =	sadd.s32 $0x200, s22  }
0x85: {  	v13 =	vbroadcast v2, $0x1;
	s3 =	smov.u32 s13;
	s13 =	sadd.s32 $0x10, s13;
	v14 =	vld [tilespmem:s11+$0xFFFFFF80];
	v10 =	vmul.f32 v10, v11  }
0x86: {  	v7 =	vmul.f32 v7, v8;
	v8 =	vld [tilespmem:s11+$0xFFFFFFA0]  }
0x87: {  	v9 =	vmul.f32 v13, v9;
	v11 =	vld [tilespmem:s11+$0xFFFFFFC0];
	[tilespmem:s11+$0x80] =	vst v10  }
0x88: {  	[tilespmem:s11+$0xFFFFFF00] =	vst v7;
	v5 =	vmul.f32 v5, v6;
	v6 =	vld [tilespmem:s11+$0xFFFFFFE0]  }
0x89: {  	v7 =	vbroadcast v2, $0x5;
	[tilespmem:s11+$0xFFFFFF20] =	vst v9;
	v4 =	vmul.f32 v12, v4;
	v9 =	vld [tilespmem:s11+$0x0]  }
0x8a: {  	[tilespmem:s11+$0xFFFFFF40] =	vst v5;
	v3 =	vmul.f32 v14, v3;
	v5 =	vbroadcast v2, $0x6;
	v10 =	vld [tilespmem:s11+$0x20]  }
0x8b: {  	[tilespmem:s11+$0xFFFFFF60] =	vst v4;
	v4 =	vmul.f32 v8, v7;
	v7 =	vbroadcast v2, $0x7;
	v8 =	vld [tilespmem:s11+$0x40]  }
0x8c: {  	[tilespmem:s11+$0xFFFFFF80] =	vst v3;
	v3 =	vmul.f32 v11, v5;
	v5 =	vbroadcast v2, $0x8;
	v11 =	vld [tilespmem:s11+$0x60]  }
0x8d: {  	[tilespmem:s11+$0xFFFFFFA0] =	vst v4;
	v4 =	vmul.f32 v6, v7;
	v6 =	vbroadcast v2, $0x9;
	v7 =	vld [tilespmem:s11+$0xA0]  }
0x8e: {  	[tilespmem:s11+$0xFFFFFFC0] =	vst v3;
	v3 =	vmul.f32 v9, v5;
	v5 =	vbroadcast v2, $0xA;
	v9 =	vld [tilespmem:s11+$0xC0]  }
0x8f: {  	[tilespmem:s11+$0xFFFFFFE0] =	vst v4;
	v4 =	vmul.f32 v10, v6;
	v6 =	vbroadcast v2, $0xB;
	v10 =	vld [tilespmem:s11+$0xE0]  }
0x90: {  	[tilespmem:s11+$0x0] =	vst v3;
	v3 =	vmul.f32 v8, v5;
	v5 =	vbroadcast v2, $0xD  }
0x91: {  	[tilespmem:s11+$0x20] =	vst v4;
	v4 =	vmul.f32 v11, v6;
	v6 =	vbroadcast v2, $0xE  }
0x92: {  	v2 =	vbroadcast v2, $0xF;
	[tilespmem:s11+$0x40] =	vst v3;
	v3 =	vmul.f32 v7, v5  }
0x93: {  	[tilespmem:s11+$0x60] =	vst v4;
	v4 =	vmul.f32 v9, v6  }
0x94: {  	[tilespmem:s11+$0xA0] =	vst v3;
	v2 =	vmul.f32 v10, v2  }
0x95: {  	[tilespmem:s11+$0xC0] =	vst v4  }
0x96: {  	[tilespmem:s11+$0xE0] =	vst v2;
	s11 =	smov.u32 s22  }
0x97: {  	v2 =	vld [tilespmem:s12+$0xFFFFFFB0]  }
0x98: {  	v3 =	vld [tilespmem:s12+$0x0];
	_ =	sdelay $0x3  }
0x99: {  	v2 =	vshll.u32 v2, $0x3  }
0x9a: {  	v3 =	vshll.u32 v3, $0x3  }
0x9b: {  	v3 =	vor.u32 $0x1, v3;
	_ =	sdelay $0x2  }
0x9c: {  	v2 =	vld.idx.msk [tilespmem:v2+s30+$0x0], $0xffff;
	_ =	sdelay $0x1  }
0x9d: {  	v3 =	vld.idx.msk [tilespmem:v3+s30+$0x0], $0xffff;
	_ =	sdelay $0x5  }
0x9e: {  	v2 =	vadd.f32 v3, v2;
	_ =	sdelay $0x1  }
0x9f: {  	v3 =	vmul.f32 $2.000000030e-01, v2  }
0xa0: {  	vm0 =	vge.f32 v2, $0.0e+00  }
0xa1: {  	v2 =	vsel vm0, v2, v3  }
0xa2: {  	v2 =	vmul.f32 $1.442695020e+00, v2;
	_ =	sdelay $0x1  }
0xa3: {  	(erf) = vpow2.f32 v2;
	_ =	sdelay $0x1  }
0xa4: {  	v2 =	vmov s3  }
0xa5: {  	v2 =	vshll.u32 v2, $0x5  }
0xa6: {  	v2 =	vor.u32 v1, v2  }
0xa7: {  	v3 =	vor.u32 $0x10, v2;
	_ =	sdelay $0x3  }
0xa8: {  	v2 =	vpop (erf)  }
.Ltmp1:
0xa9: {  	[tilespmem:v3+s0+$0x0] =	vst.idx.msk $0xffff, v2;
	v5 =	vbroadcast v2, $0x2;
	v4 =	vbroadcast v2, $0x3;
	(pc) =	sbr.rel @p1 .LBB2_5-.Ltmp1, $4  }
0xaa: {  	v7 =	vbroadcast v2, $0x0;
	v3 =	vbroadcast v2, $0x4;
	v10 =	vld [tilespmem:s22+$0x80]  }
0xab: {  	v8 =	vld [tilespmem:s22+$0xFFFFFF00]  }
0xac: {  	v9 =	vld [tilespmem:s22+$0xFFFFFF20]  }
0xad: {  	v11 =	vbroadcast v2, $0xC;
	v6 =	vld [tilespmem:s22+$0xFFFFFF40]  }
0xae: {  	v12 =	vld [tilespmem:s11+$0xFFFFFF60]  }
0xaf: {  	v13 =	vbroadcast v2, $0x1;
	v14 =	vld [tilespmem:s11+$0xFFFFFF80];
	v10 =	vmul.f32 v10, v11  }
0xb0: {  	v7 =	vmul.f32 v7, v8;
	v8 =	vld [tilespmem:s11+$0xFFFFFFA0]  }
0xb1: {  	v11 =	vld [tilespmem:s11+$0xFFFFFFC0];
	v9 =	vmul.f32 v13, v9;
	[tilespmem:s11+$0x80] =	vst v10  }
0xb2: {  	[tilespmem:s11+$0xFFFFFF00] =	vst v7;
	v5 =	vmul.f32 v5, v6;
	v6 =	vld [tilespmem:s11+$0xFFFFFFE0]  }
0xb3: {  	v7 =	vbroadcast v2, $0x5;
	[tilespmem:s11+$0xFFFFFF20] =	vst v9;
	v4 =	vmul.f32 v12, v4;
	v9 =	vld [tilespmem:s11+$0x0]  }
0xb4: {  	v10 =	vld [tilespmem:s11+$0x20];
	v3 =	vmul.f32 v14, v3;
	[tilespmem:s11+$0xFFFFFF40] =	vst v5;
	v5 =	vbroadcast v2, $0x6  }
0xb5: {  	[tilespmem:s11+$0xFFFFFF60] =	vst v4;
	v4 =	vmul.f32 v8, v7;
	v7 =	vbroadcast v2, $0x7;
	v8 =	vld [tilespmem:s11+$0x40]  }
0xb6: {  	[tilespmem:s11+$0xFFFFFF80] =	vst v3;
	v3 =	vmul.f32 v11, v5;
	v5 =	vbroadcast v2, $0x8;
	v11 =	vld [tilespmem:s11+$0x60]  }
0xb7: {  	[tilespmem:s11+$0xFFFFFFA0] =	vst v4;
	v4 =	vmul.f32 v6, v7;
	v6 =	vbroadcast v2, $0x9;
	v7 =	vld [tilespmem:s11+$0xA0]  }
0xb8: {  	[tilespmem:s11+$0xFFFFFFC0] =	vst v3;
	v3 =	vmul.f32 v9, v5;
	v5 =	vbroadcast v2, $0xA;
	v9 =	vld [tilespmem:s11+$0xC0]  }
0xb9: {  	[tilespmem:s11+$0xFFFFFFE0] =	vst v4;
	v4 =	vmul.f32 v10, v6;
	v6 =	vbroadcast v2, $0xB;
	v10 =	vld [tilespmem:s11+$0xE0]  }
0xba: {  	[tilespmem:s11+$0x0] =	vst v3;
	v3 =	vmul.f32 v8, v5;
	v5 =	vbroadcast v2, $0xD  }
0xbb: {  	[tilespmem:s11+$0x20] =	vst v4;
	v4 =	vmul.f32 v11, v6;
	v6 =	vbroadcast v2, $0xE  }
0xbc: {  	v2 =	vbroadcast v2, $0xF;
	[tilespmem:s11+$0x40] =	vst v3;
	v3 =	vmul.f32 v7, v5  }
0xbd: {  	[tilespmem:s11+$0x60] =	vst v4;
	v4 =	vmul.f32 v9, v6  }
0xbe: {  	[tilespmem:s11+$0xA0] =	vst v3;
	v2 =	vmul.f32 v10, v2  }
0xbf: {  	[tilespmem:s11+$0xC0] =	vst v4  }
0xc0: {  	s3 =	simm.s32 @!p0 $0x6;
	[tilespmem:s11+$0xE0] =	vst v2  }
0xc1: {  	[spmem:s2] =	stream.indirect.scatter.add.f32 [tilespmem:s0], [sflag:$0x4], $0x20, s15, s15, $0xb8;
	[tilespmem:$0x1AFE0] =	vst v63  }
0xc2: {  	_ =	swait.ge @!p0 [sflag:s3], $0xA00  }
0xc3: {  	[sflag:s3] =	ssyncset.done @!p0 $0x0  }
0xc4: {  	[sflag:s3] =	ssyncadd.s32 @!p0 $0xFFFFF600  }
0xc5: {  	p0 =	seq.s32 s9, $0x2A;
	_ =	swait.ge [sflag:s19], $0xA0  }
0xc6: {  	s3 =	sadd.s32 @!p0 s10, s25;
	[sflag:s19] =	ssyncset.done $0x0  }
0xc7: {  	s3 =	sshrl.u32 @!p0 s3, $0x3;
	[sflag:s19] =	ssyncadd.s32 $0xFFFFFF60  }
0xc8: {  	[tilespmem:s20], [sflag:$0x3] =	stream.indirect.gather [hbm4b:s1+s15], $0x20, s18, s15, $0xb8;
	[tilespmem:$0x1AFE0] =	vst v63  }
0xc9: {  	s11 =	simm.s32 @!p0 $0x0;
	s3 =	sadd.s32 @!p0 s6, s3  }
0xca: {  	[tilespmem:s11], [sflag:$0x7] =	stream.linear.gather @!p0 [hbm4b:s3+s11], $0xA0, $0x38;
	[tilespmem:$0x1AFE0] =	vst v63  }
0xcb: {  	_ =	swait.ge [sflag:s21], $0xA00  }
0xcc: {  	[sflag:s21] =	ssyncset.done $0x0  }
0xcd: {  	s12 =	simm.s32 $0xF0;
	[sflag:s21] =	ssyncadd.s32 $0xFFFFF600  }
0xce: {  	v2 =	vld [tilespmem:s12+$0xFFFFFFB0]  }
0xcf: {  	v3 =	vld [tilespmem:s12+$0x0];
	_ =	sdelay $0x4  }
0xd0: {  	v2 =	vshll.u32 v2, $0x3;
	v3 =	vshll.u32 v3, $0x3  }
0xd1: {  	v3 =	vor.u32 $0x1, v3;
	_ =	sdelay $0x3  }
0xd2: {  	v2 =	vld.idx.msk [tilespmem:v2+s30+$0x0], $0xffff  }
0xd3: {  	v3 =	vld.idx.msk [tilespmem:v3+s30+$0x0], $0xffff;
	_ =	sdelay $0x4  }
0xd4: {  	v2 =	vadd.f32 v3, v2;
	_ =	sdelay $0x1  }
0xd5: {  	v3 =	vmul.f32 $2.000000030e-01, v2  }
0xd6: {  	vm0 =	vge.f32 v2, $0.0e+00  }
0xd7: {  	v2 =	vsel vm0, v2, v3  }
0xd8: {  	v2 =	vmul.f32 $1.442695020e+00, v2;
	_ =	sdelay $0x1  }
0xd9: {  	(erf) = vpow2.f32 v2  }
0xda: {  	s22 =	simm.s32 $0x0  }
0xdb: {  	v2 =	vmov s22  }
0xdc: {  	v2 =	vshll.u32 v2, $0x5  }
0xdd: {  	v2 =	vor.u32 v1, v2  }
0xde: {  	v3 =	vor.u32 $0x10, v2;
	_ =	sdelay $0x3  }
0xdf: {  	v2 =	vpop (erf)  }
0xe0: {  	s11 =	simm.s32 $0xCE0;
	[tilespmem:v3+s17+$0x0] =	vst.idx.msk $0xffff, v2  }
0xe1: {  	v10 =	vld [tilespmem:s11+$0x80]  }
0xe2: {  	v5 =	vbroadcast v2, $0x2;
	v8 =	vld [tilespmem:s11+$0xFFFFFF00]  }
0xe3: {  	v4 =	vbroadcast v2, $0x3;
	v7 =	vbroadcast v2, $0x0;
	v9 =	vld [tilespmem:s11+$0xFFFFFF20]  }
0xe4: {  	s13 =	simm.s32 $0x10;
	s22 =	simm.s32 $0xCE0;
	v3 =	vbroadcast v2, $0x4;
	v11 =	vbroadcast v2, $0xC;
	v6 =	vld [tilespmem:s11+$0xFFFFFF40]  }
.LBB2_7:
0xe5: {  	p1 =	sne.s32 s13, $0x40;
	v12 =	vld [tilespmem:s11+$0xFFFFFF60];
	s12 =	sadd.s32 $0x10, s12;
	s22 =	sadd.s32 $0x200, s22  }
0xe6: {  	v13 =	vbroadcast v2, $0x1;
	s3 =	smov.u32 s13;
	s13 =	sadd.s32 $0x10, s13;
	v14 =	vld [tilespmem:s11+$0xFFFFFF80];
	v10 =	vmul.f32 v10, v11  }
0xe7: {  	v7 =	vmul.f32 v7, v8;
	v8 =	vld [tilespmem:s11+$0xFFFFFFA0]  }
0xe8: {  	v9 =	vmul.f32 v13, v9;
	v11 =	vld [tilespmem:s11+$0xFFFFFFC0];
	[tilespmem:s11+$0x80] =	vst v10  }
0xe9: {  	[tilespmem:s11+$0xFFFFFF00] =	vst v7;
	v5 =	vmul.f32 v5, v6;
	v6 =	vld [tilespmem:s11+$0xFFFFFFE0]  }
0xea: {  	v7 =	vbroadcast v2, $0x5;
	[tilespmem:s11+$0xFFFFFF20] =	vst v9;
	v4 =	vmul.f32 v12, v4;
	v9 =	vld [tilespmem:s11+$0x0]  }
0xeb: {  	[tilespmem:s11+$0xFFFFFF40] =	vst v5;
	v3 =	vmul.f32 v14, v3;
	v5 =	vbroadcast v2, $0x6;
	v10 =	vld [tilespmem:s11+$0x20]  }
0xec: {  	[tilespmem:s11+$0xFFFFFF60] =	vst v4;
	v4 =	vmul.f32 v8, v7;
	v7 =	vbroadcast v2, $0x7;
	v8 =	vld [tilespmem:s11+$0x40]  }
0xed: {  	[tilespmem:s11+$0xFFFFFF80] =	vst v3;
	v3 =	vmul.f32 v11, v5;
	v5 =	vbroadcast v2, $0x8;
	v11 =	vld [tilespmem:s11+$0x60]  }
0xee: {  	[tilespmem:s11+$0xFFFFFFA0] =	vst v4;
	v4 =	vmul.f32 v6, v7;
	v6 =	vbroadcast v2, $0x9;
	v7 =	vld [tilespmem:s11+$0xA0]  }
0xef: {  	[tilespmem:s11+$0xFFFFFFC0] =	vst v3;
	v3 =	vmul.f32 v9, v5;
	v5 =	vbroadcast v2, $0xA;
	v9 =	vld [tilespmem:s11+$0xC0]  }
0xf0: {  	[tilespmem:s11+$0xFFFFFFE0] =	vst v4;
	v4 =	vmul.f32 v10, v6;
	v6 =	vbroadcast v2, $0xB;
	v10 =	vld [tilespmem:s11+$0xE0]  }
0xf1: {  	[tilespmem:s11+$0x0] =	vst v3;
	v3 =	vmul.f32 v8, v5;
	v5 =	vbroadcast v2, $0xD  }
0xf2: {  	[tilespmem:s11+$0x20] =	vst v4;
	v4 =	vmul.f32 v11, v6;
	v6 =	vbroadcast v2, $0xE  }
0xf3: {  	v2 =	vbroadcast v2, $0xF;
	[tilespmem:s11+$0x40] =	vst v3;
	v3 =	vmul.f32 v7, v5  }
0xf4: {  	[tilespmem:s11+$0x60] =	vst v4;
	v4 =	vmul.f32 v9, v6  }
0xf5: {  	[tilespmem:s11+$0xA0] =	vst v3;
	v2 =	vmul.f32 v10, v2  }
0xf6: {  	[tilespmem:s11+$0xC0] =	vst v4  }
0xf7: {  	[tilespmem:s11+$0xE0] =	vst v2;
	s11 =	smov.u32 s22  }
0xf8: {  	v2 =	vld [tilespmem:s12+$0xFFFFFFB0]  }
0xf9: {  	v3 =	vld [tilespmem:s12+$0x0];
	_ =	sdelay $0x3  }
0xfa: {  	v2 =	vshll.u32 v2, $0x3  }
0xfb: {  	v3 =	vshll.u32 v3, $0x3  }
0xfc: {  	v3 =	vor.u32 $0x1, v3;
	_ =	sdelay $0x2  }
0xfd: {  	v2 =	vld.idx.msk [tilespmem:v2+s30+$0x0], $0xffff;
	_ =	sdelay $0x1  }
0xfe: {  	v3 =	vld.idx.msk [tilespmem:v3+s30+$0x0], $0xffff;
	_ =	sdelay $0x5  }
0xff: {  	v2 =	vadd.f32 v3, v2;
	_ =	sdelay $0x1  }
0x100: {  	v3 =	vmul.f32 $2.000000030e-01, v2  }
0x101: {  	vm0 =	vge.f32 v2, $0.0e+00  }
0x102: {  	v2 =	vsel vm0, v2, v3  }
0x103: {  	v2 =	vmul.f32 $1.442695020e+00, v2;
	_ =	sdelay $0x1  }
0x104: {  	(erf) = vpow2.f32 v2;
	_ =	sdelay $0x1  }
0x105: {  	v2 =	vmov s3  }
0x106: {  	v2 =	vshll.u32 v2, $0x5  }
0x107: {  	v2 =	vor.u32 v1, v2  }
0x108: {  	v3 =	vor.u32 $0x10, v2;
	_ =	sdelay $0x3  }
0x109: {  	v2 =	vpop (erf)  }
.Ltmp2:
0x10a: {  	[tilespmem:v3+s17+$0x0] =	vst.idx.msk $0xffff, v2;
	v5 =	vbroadcast v2, $0x2;
	v4 =	vbroadcast v2, $0x3;
	(pc) =	sbr.rel @p1 .LBB2_7-.Ltmp2, $4  }
0x10b: {  	v7 =	vbroadcast v2, $0x0;
	v3 =	vbroadcast v2, $0x4;
	v10 =	vld [tilespmem:s22+$0x80]  }
0x10c: {  	v8 =	vld [tilespmem:s22+$0xFFFFFF00]  }
0x10d: {  	v9 =	vld [tilespmem:s22+$0xFFFFFF20]  }
0x10e: {  	v11 =	vbroadcast v2, $0xC;
	v6 =	vld [tilespmem:s22+$0xFFFFFF40]  }
0x10f: {  	v12 =	vld [tilespmem:s11+$0xFFFFFF60]  }
0x110: {  	v13 =	vbroadcast v2, $0x1;
	v14 =	vld [tilespmem:s11+$0xFFFFFF80];
	v10 =	vmul.f32 v10, v11  }
0x111: {  	v7 =	vmul.f32 v7, v8;
	v8 =	vld [tilespmem:s11+$0xFFFFFFA0]  }
0x112: {  	v11 =	vld [tilespmem:s11+$0xFFFFFFC0];
	v9 =	vmul.f32 v13, v9;
	[tilespmem:s11+$0x80] =	vst v10  }
0x113: {  	[tilespmem:s11+$0xFFFFFF00] =	vst v7;
	v5 =	vmul.f32 v5, v6;
	v6 =	vld [tilespmem:s11+$0xFFFFFFE0]  }
0x114: {  	v7 =	vbroadcast v2, $0x5;
	[tilespmem:s11+$0xFFFFFF20] =	vst v9;
	v4 =	vmul.f32 v12, v4;
	v9 =	vld [tilespmem:s11+$0x0]  }
0x115: {  	v10 =	vld [tilespmem:s11+$0x20];
	v3 =	vmul.f32 v14, v3;
	[tilespmem:s11+$0xFFFFFF40] =	vst v5;
	v5 =	vbroadcast v2, $0x6  }
0x116: {  	[tilespmem:s11+$0xFFFFFF60] =	vst v4;
	v4 =	vmul.f32 v8, v7;
	v7 =	vbroadcast v2, $0x7;
	v8 =	vld [tilespmem:s11+$0x40]  }
0x117: {  	[tilespmem:s11+$0xFFFFFF80] =	vst v3;
	v3 =	vmul.f32 v11, v5;
	v5 =	vbroadcast v2, $0x8;
	v11 =	vld [tilespmem:s11+$0x60]  }
0x118: {  	[tilespmem:s11+$0xFFFFFFA0] =	vst v4;
	v4 =	vmul.f32 v6, v7;
	v6 =	vbroadcast v2, $0x9;
	v7 =	vld [tilespmem:s11+$0xA0]  }
0x119: {  	[tilespmem:s11+$0xFFFFFFC0] =	vst v3;
	v3 =	vmul.f32 v9, v5;
	v5 =	vbroadcast v2, $0xA;
	v9 =	vld [tilespmem:s11+$0xC0]  }
0x11a: {  	[tilespmem:s11+$0xFFFFFFE0] =	vst v4;
	v4 =	vmul.f32 v10, v6;
	v6 =	vbroadcast v2, $0xB;
	v10 =	vld [tilespmem:s11+$0xE0]  }
0x11b: {  	[tilespmem:s11+$0x0] =	vst v3;
	v3 =	vmul.f32 v8, v5;
	v5 =	vbroadcast v2, $0xD  }
0x11c: {  	[tilespmem:s11+$0x20] =	vst v4;
	v4 =	vmul.f32 v11, v6;
	v6 =	vbroadcast v2, $0xE  }
0x11d: {  	v2 =	vbroadcast v2, $0xF;
	[tilespmem:s11+$0x40] =	vst v3;
	v3 =	vmul.f32 v7, v5  }
0x11e: {  	[tilespmem:s11+$0x60] =	vst v4;
	v4 =	vmul.f32 v9, v6  }
0x11f: {  	[tilespmem:s11+$0xA0] =	vst v3;
	v2 =	vmul.f32 v10, v2  }
0x120: {  	[tilespmem:s11+$0xC0] =	vst v4  }
0x121: {  	[tilespmem:s11+$0xE0] =	vst v2  }
0x122: {  	[spmem:s2] =	stream.indirect.scatter.add.f32 [tilespmem:s17], [sflag:$0x5], $0x20, s28, s15, $0xb8;
	[tilespmem:$0x1AFE0] =	vst v63  }
0x123: {  	_ =	swait.ge [sflag:s29], $0xA00  }
0x124: {  	[sflag:s29] =	ssyncset.done $0x0  }
0x125: {  	s3 =	simm.s32 @!p0 $0x7;
	[sflag:s29] =	ssyncadd.s32 $0xFFFFF600  }
0x126: {  	_ =	swait.ge @!p0 [sflag:s3], $0xA0  }
0x127: {  	s12 =	simm.s32 @!p0 $0x1E0;
	[sflag:s3] =	ssyncset.done @!p0 $0x0  }
0x128: {  	s11 =	simm.s32 @!p0 $0x0;
	[sflag:s3] =	ssyncadd.s32 @!p0 $0xFFFFFF60;
	s3 =	simm.s32 @!p0 $0x50  }
0x129: {  	[tilespmem:s12], [sflag:$0x1] =	stream.indirect.gather @!p0 [hbm4b:s1+s3], $0x20, s11, s3, $0xb8;
	[tilespmem:$0x1AFE0] =	vst v63  }
0x12a: {  	s3 =	sadd.s32 @!p0 s10, s26  }
0x12b: {  	s3 =	sshrl.u32 @!p0 s3, $0x3  }
0x12c: {  	s10 =	simm.s32 @!p0 $0xA0;
	s3 =	sadd.s32 @!p0 s6, s3  }
0x12d: {  	[tilespmem:s10], [sflag:$0x8] =	stream.linear.gather @!p0 [hbm4b:s3+s11], $0xA0, $0x38;
	[tilespmem:$0x1AFE0] =	vst v63  }
0x12e: {  	_ =	swait.ge [sflag:s23], $0xA00  }
0x12f: {  	[sflag:s23] =	ssyncset.done $0x0  }
0x130: {  	s11 =	simm.s32 $0x190;
	[sflag:s23] =	ssyncadd.s32 $0xFFFFF600  }
0x131: {  	v2 =	vld [tilespmem:s11+$0xFFFFFFB0]  }
0x132: {  	v3 =	vld [tilespmem:s11+$0x0];
	_ =	sdelay $0x4  }
0x133: {  	v2 =	vshll.u32 v2, $0x3;
	v3 =	vshll.u32 v3, $0x3  }
0x134: {  	v3 =	vor.u32 $0x1, v3;
	_ =	sdelay $0x3  }
0x135: {  	v2 =	vld.idx.msk [tilespmem:v2+s30+$0x0], $0xffff  }
0x136: {  	v3 =	vld.idx.msk [tilespmem:v3+s30+$0x0], $0xffff;
	_ =	sdelay $0x4  }
0x137: {  	v2 =	vadd.f32 v3, v2;
	_ =	sdelay $0x1  }
0x138: {  	v3 =	vmul.f32 $2.000000030e-01, v2  }
0x139: {  	vm0 =	vge.f32 v2, $0.0e+00  }
0x13a: {  	v2 =	vsel vm0, v2, v3  }
0x13b: {  	v2 =	vmul.f32 $1.442695020e+00, v2;
	_ =	sdelay $0x1  }
0x13c: {  	(erf) = vpow2.f32 v2  }
0x13d: {  	s22 =	simm.s32 $0x0  }
0x13e: {  	v2 =	vmov s22  }
0x13f: {  	v2 =	vshll.u32 v2, $0x5  }
0x140: {  	v2 =	vor.u32 v1, v2  }
0x141: {  	v3 =	vor.u32 $0x10, v2;
	_ =	sdelay $0x3  }
0x142: {  	v2 =	vpop (erf)  }
0x143: {  	s10 =	simm.s32 $0x16E0;
	[tilespmem:v3+s20+$0x0] =	vst.idx.msk $0xffff, v2  }
0x144: {  	v10 =	vld [tilespmem:s10+$0x80]  }
0x145: {  	v5 =	vbroadcast v2, $0x2;
	v8 =	vld [tilespmem:s10+$0xFFFFFF00]  }
0x146: {  	v4 =	vbroadcast v2, $0x3;
	v7 =	vbroadcast v2, $0x0;
	v9 =	vld [tilespmem:s10+$0xFFFFFF20]  }
0x147: {  	s13 =	simm.s32 $0x16E0;
	s12 =	simm.s32 $0x10;
	v3 =	vbroadcast v2, $0x4;
	v11 =	vbroadcast v2, $0xC;
	v6 =	vld [tilespmem:s10+$0xFFFFFF40]  }
.LBB2_9:
0x148: {  	p0 =	sne.s32 s12, $0x40;
	v12 =	vld [tilespmem:s10+$0xFFFFFF60];
	s11 =	sadd.s32 $0x10, s11;
	s13 =	sadd.s32 $0x200, s13  }
0x149: {  	v13 =	vbroadcast v2, $0x1;
	s3 =	smov.u32 s12;
	s12 =	sadd.s32 $0x10, s12;
	v14 =	vld [tilespmem:s10+$0xFFFFFF80];
	v10 =	vmul.f32 v10, v11  }
0x14a: {  	v7 =	vmul.f32 v7, v8;
	v8 =	vld [tilespmem:s10+$0xFFFFFFA0]  }
0x14b: {  	v9 =	vmul.f32 v13, v9;
	v11 =	vld [tilespmem:s10+$0xFFFFFFC0];
	[tilespmem:s10+$0x80] =	vst v10  }
0x14c: {  	[tilespmem:s10+$0xFFFFFF00] =	vst v7;
	v5 =	vmul.f32 v5, v6;
	v6 =	vld [tilespmem:s10+$0xFFFFFFE0]  }
0x14d: {  	v7 =	vbroadcast v2, $0x5;
	[tilespmem:s10+$0xFFFFFF20] =	vst v9;
	v4 =	vmul.f32 v12, v4;
	v9 =	vld [tilespmem:s10+$0x0]  }
0x14e: {  	[tilespmem:s10+$0xFFFFFF40] =	vst v5;
	v3 =	vmul.f32 v14, v3;
	v5 =	vbroadcast v2, $0x6;
	v10 =	vld [tilespmem:s10+$0x20]  }
0x14f: {  	[tilespmem:s10+$0xFFFFFF60] =	vst v4;
	v4 =	vmul.f32 v8, v7;
	v7 =	vbroadcast v2, $0x7;
	v8 =	vld [tilespmem:s10+$0x40]  }
0x150: {  	[tilespmem:s10+$0xFFFFFF80] =	vst v3;
	v3 =	vmul.f32 v11, v5;
	v5 =	vbroadcast v2, $0x8;
	v11 =	vld [tilespmem:s10+$0x60]  }
0x151: {  	[tilespmem:s10+$0xFFFFFFA0] =	vst v4;
	v4 =	vmul.f32 v6, v7;
	v6 =	vbroadcast v2, $0x9;
	v7 =	vld [tilespmem:s10+$0xA0]  }
0x152: {  	[tilespmem:s10+$0xFFFFFFC0] =	vst v3;
	v3 =	vmul.f32 v9, v5;
	v5 =	vbroadcast v2, $0xA;
	v9 =	vld [tilespmem:s10+$0xC0]  }
0x153: {  	[tilespmem:s10+$0xFFFFFFE0] =	vst v4;
	v4 =	vmul.f32 v10, v6;
	v6 =	vbroadcast v2, $0xB;
	v10 =	vld [tilespmem:s10+$0xE0]  }
0x154: {  	[tilespmem:s10+$0x0] =	vst v3;
	v3 =	vmul.f32 v8, v5;
	v5 =	vbroadcast v2, $0xD  }
0x155: {  	[tilespmem:s10+$0x20] =	vst v4;
	v4 =	vmul.f32 v11, v6;
	v6 =	vbroadcast v2, $0xE  }
0x156: {  	v2 =	vbroadcast v2, $0xF;
	[tilespmem:s10+$0x40] =	vst v3;
	v3 =	vmul.f32 v7, v5  }
0x157: {  	[tilespmem:s10+$0x60] =	vst v4;
	v4 =	vmul.f32 v9, v6  }
0x158: {  	[tilespmem:s10+$0xA0] =	vst v3;
	v2 =	vmul.f32 v10, v2  }
0x159: {  	[tilespmem:s10+$0xC0] =	vst v4  }
0x15a: {  	[tilespmem:s10+$0xE0] =	vst v2;
	s10 =	smov.u32 s13  }
0x15b: {  	v2 =	vld [tilespmem:s11+$0xFFFFFFB0]  }
0x15c: {  	v3 =	vld [tilespmem:s11+$0x0];
	_ =	sdelay $0x3  }
0x15d: {  	v2 =	vshll.u32 v2, $0x3  }
0x15e: {  	v3 =	vshll.u32 v3, $0x3  }
0x15f: {  	v3 =	vor.u32 $0x1, v3;
	_ =	sdelay $0x2  }
0x160: {  	v2 =	vld.idx.msk [tilespmem:v2+s30+$0x0], $0xffff;
	_ =	sdelay $0x1  }
0x161: {  	v3 =	vld.idx.msk [tilespmem:v3+s30+$0x0], $0xffff;
	_ =	sdelay $0x5  }
0x162: {  	v2 =	vadd.f32 v3, v2;
	_ =	sdelay $0x1  }
0x163: {  	v3 =	vmul.f32 $2.000000030e-01, v2  }
0x164: {  	vm0 =	vge.f32 v2, $0.0e+00  }
0x165: {  	v2 =	vsel vm0, v2, v3  }
0x166: {  	v2 =	vmul.f32 $1.442695020e+00, v2;
	_ =	sdelay $0x1  }
0x167: {  	(erf) = vpow2.f32 v2;
	_ =	sdelay $0x1  }
0x168: {  	v2 =	vmov s3  }
0x169: {  	v2 =	vshll.u32 v2, $0x5  }
0x16a: {  	v2 =	vor.u32 v1, v2  }
0x16b: {  	v3 =	vor.u32 $0x10, v2;
	_ =	sdelay $0x3  }
0x16c: {  	v2 =	vpop (erf)  }
.Ltmp3:
0x16d: {  	[tilespmem:v3+s20+$0x0] =	vst.idx.msk $0xffff, v2;
	v5 =	vbroadcast v2, $0x2;
	v4 =	vbroadcast v2, $0x3;
	(pc) =	sbr.rel @p0 .LBB2_9-.Ltmp3, $4  }
0x16e: {  	v7 =	vbroadcast v2, $0x0;
	v3 =	vbroadcast v2, $0x4;
	v10 =	vld [tilespmem:s13+$0x80]  }
0x16f: {  	v8 =	vld [tilespmem:s13+$0xFFFFFF00]  }
0x170: {  	v9 =	vld [tilespmem:s13+$0xFFFFFF20]  }
0x171: {  	v11 =	vbroadcast v2, $0xC;
	v6 =	vld [tilespmem:s13+$0xFFFFFF40]  }
0x172: {  	v12 =	vld [tilespmem:s10+$0xFFFFFF60]  }
0x173: {  	v13 =	vbroadcast v2, $0x1;
	v14 =	vld [tilespmem:s10+$0xFFFFFF80];
	v10 =	vmul.f32 v10, v11  }
0x174: {  	v40 =	vld [tilespmem:s10+$0xFFFFFFA0];
	v7 =	vmul.f32 v7, v8  }
0x175: {  	v42 =	vld [tilespmem:s10+$0xFFFFFFE0];
	v9 =	vmul.f32 v13, v9;
	[tilespmem:s10+$0x80] =	vst v10  }
0x176: {  	v43 =	vbroadcast v2, $0x5;
	v46 =	vld [tilespmem:s10+$0x20];
	[tilespmem:s10+$0xFFFFFF00] =	vst v7;
	v5 =	vmul.f32 v5, v6  }
0x177: {  	v41 =	vld [tilespmem:s10+$0xFFFFFFC0];
	v45 =	vbroadcast v2, $0x6;
	[tilespmem:s10+$0xFFFFFF20] =	vst v9;
	v4 =	vmul.f32 v12, v4  }
0x178: {  	v48 =	vbroadcast v2, $0x7;
	v51 =	vld [tilespmem:s10+$0x60];
	v3 =	vmul.f32 v14, v3;
	[tilespmem:s10+$0xFFFFFF40] =	vst v5  }
0x179: {  	v44 =	vld [tilespmem:s10+$0x0];
	v53 =	vbroadcast v2, $0x9;
	v47 =	vmul.f32 v40, v43;
	[tilespmem:s10+$0xFFFFFF60] =	vst v4  }
0x17a: {  	v50 =	vbroadcast v2, $0x8;
	v56 =	vld [tilespmem:s10+$0xC0];
	v52 =	vmul.f32 v42, v48;
	[tilespmem:s10+$0xFFFFFF80] =	vst v3  }
0x17b: {  	v49 =	vld [tilespmem:s10+$0x40];
	v58 =	vbroadcast v2, $0xB;
	v57 =	vmul.f32 v46, v53;
	[tilespmem:s10+$0xFFFFFFA0] =	vst v47  }
0x17c: {  	v55 =	vbroadcast v2, $0xA;
	v59 =	vld [tilespmem:s10+$0xE0];
	v3 =	vmul.f32 v41, v45;
	[tilespmem:s10+$0xFFFFFFE0] =	vst v52  }
0x17d: {  	v54 =	vld [tilespmem:s10+$0xA0];
	v62 =	vbroadcast v2, $0xE;
	v61 =	vmul.f32 v51, v58;
	[tilespmem:s10+$0x20] =	vst v57  }
0x17e: {  	v60 =	vbroadcast v2, $0xD;
	[tilespmem:s10+$0xFFFFFFC0] =	vst v3;
	v3 =	vmul.f32 v44, v50  }
0x17f: {  	v2 =	vbroadcast v2, $0xF;
	s9 =	sadd.s32 $0x1, s9;
	v63 =	vmul.f32 v56, v62;
	[tilespmem:s10+$0x60] =	vst v61  }
0x180: {  	p0 =	sne.s32 s9, $0x2B;
	[tilespmem:s10+$0x0] =	vst v3;
	v3 =	vmul.f32 v49, v55  }
.Ltmp4:
0x181: {  	v2 =	vmul.f32 v59, v2;
	[tilespmem:s10+$0xC0] =	vst v63;
	(pc) =	sbr.rel @p0 .LBB2_4-.Ltmp4, $4  }
0x182: {  	[tilespmem:s10+$0x40] =	vst v3;
	v3 =	vmul.f32 v54, v60  }
0x183: {  	[tilespmem:s10+$0xE0] =	vst v2  }
0x184: {  	[tilespmem:s10+$0xA0] =	vst v3  }
0x185: {  	[spmem:s2] =	stream.indirect.scatter.add.f32 [tilespmem:s20], [sflag:$0x6], $0x20, s14, s15, $0xb8;
	[tilespmem:$0x1AFE0] =	vst v63  }
0x186: {  	s3 =	simm.s32 $0x5  }
0x187: {  	_ =	swait.ge [sflag:s3], $0xA00  }
0x188: {  	[sflag:s3] =	ssyncset.done $0x0  }
0x189: {  	s9 =	simm.s32 $0x6;
	[sflag:s3] =	ssyncadd.s32 $0xFFFFF600  }
0x18a: {  	_ =	swait.ge [sflag:s9], $0xA00  }
0x18b: {  	[sflag:s9] =	ssyncset.done $0x0  }
0x18c: {  	[sflag:s9] =	ssyncadd.s32 $0xFFFFF600  }
0x18d: {  	[bflag:$0x0] =	sbarrier.arrive $0xFFFF  }
0x18e: {  	s10 =	rddreg [dreg:$0x5]  }
0x18f: {  	[tilespmem:s0], [sflag:$0xA] =	stream.linear.gather [spmem:s10], $0xA00, $0x38;
	[tilespmem:$0x1AFE0] =	vst v63  }
0x190: {  	_ =	swait.ge [sflag:s31], $0xA00  }
0x191: {  	[sflag:s31] =	ssyncset.done $0x0  }
0x192: {  	s22 =	simm.s32 $0x0;
	s11 =	rddreg [dreg:$0xc];
	[sflag:s31] =	ssyncadd.s32 $0xFFFFF600  }
0x193: {  	[hbm4b:s11+s22] =	stream.linear.scatter [tilespmem:s0], [sflag:$0x1], $0xA00, $0x38;
	[tilespmem:$0x1AFE0] =	vst v63  }
0x194: {  	s12 =	rddreg [dreg:$0x6]  }
0x195: {  	[tilespmem:s17], [sflag:$0xA] =	stream.linear.gather [spmem:s12], $0xA00, $0x38;
	[tilespmem:$0x1AFE0] =	vst v63  }
0x196: {  	_ =	swait.ge [sflag:s31], $0xA00  }
0x197: {  	[sflag:s31] =	ssyncset.done $0x0  }
0x198: {  	s13 =	rddreg [dreg:$0xd];
	[sflag:s31] =	ssyncadd.s32 $0xFFFFF600  }
0x199: {  	[hbm4b:s13+s22] =	stream.linear.scatter [tilespmem:s17], [sflag:$0x2], $0xA00, $0x38;
	[tilespmem:$0x1AFE0] =	vst v63  }
0x19a: {  	_ =	swait.ge [sflag:s4], $0xA00  }
0x19b: {  	[sflag:s4] =	ssyncset.done $0x0  }
0x19c: {  	s8 =	rddreg [dreg:$0x7];
	[sflag:s4] =	ssyncadd.s32 $0xFFFFF600  }
0x19d: {  	[tilespmem:s0], [sflag:$0xA] =	stream.linear.gather [spmem:s8], $0xA00, $0x38;
	[tilespmem:$0x1AFE0] =	vst v63  }
0x19e: {  	_ =	swait.ge [sflag:s31], $0xA00  }
0x19f: {  	[sflag:s31] =	ssyncset.done $0x0  }
0x1a0: {  	s9 =	rddreg [dreg:$0xe];
	[sflag:s31] =	ssyncadd.s32 $0xFFFFF600  }
0x1a1: {  	[hbm4b:s9+s22] =	stream.linear.scatter [tilespmem:s0], [sflag:$0x1], $0xA00, $0x38;
	[tilespmem:$0x1AFE0] =	vst v63  }
0x1a2: {  	_ =	swait.ge [sflag:s21], $0xA00  }
0x1a3: {  	[sflag:s21] =	ssyncset.done $0x0  }
0x1a4: {  	s10 =	rddreg [dreg:$0x8];
	[sflag:s21] =	ssyncadd.s32 $0xFFFFF600  }
0x1a5: {  	[tilespmem:s17], [sflag:$0xA] =	stream.linear.gather [spmem:s10], $0xA00, $0x38;
	[tilespmem:$0x1AFE0] =	vst v63  }
0x1a6: {  	_ =	swait.ge [sflag:s31], $0xA00  }
0x1a7: {  	[sflag:s31] =	ssyncset.done $0x0  }
0x1a8: {  	s11 =	rddreg [dreg:$0xf];
	[sflag:s31] =	ssyncadd.s32 $0xFFFFF600  }
0x1a9: {  	[hbm4b:s11+s22] =	stream.linear.scatter [tilespmem:s17], [sflag:$0x2], $0xA00, $0x38;
	[tilespmem:$0x1AFE0] =	vst v63  }
0x1aa: {  	_ =	swait.ge [sflag:s4], $0xA00  }
0x1ab: {  	[sflag:s4] =	ssyncset.done $0x0  }
0x1ac: {  	s12 =	rddreg [dreg:$0x9];
	[sflag:s4] =	ssyncadd.s32 $0xFFFFF600  }
0x1ad: {  	[tilespmem:s0], [sflag:$0xA] =	stream.linear.gather [spmem:s12], $0xA00, $0x38;
	[tilespmem:$0x1AFE0] =	vst v63  }
0x1ae: {  	_ =	swait.ge [sflag:s31], $0xA00  }
0x1af: {  	[sflag:s31] =	ssyncset.done $0x0  }
0x1b0: {  	s13 =	rddreg [dreg:$0x10];
	[sflag:s31] =	ssyncadd.s32 $0xFFFFF600  }
0x1b1: {  	[hbm4b:s13+s22] =	stream.linear.scatter [tilespmem:s0], [sflag:$0x1], $0xA00, $0x38;
	[tilespmem:$0x1AFE0] =	vst v63  }
0x1b2: {  	_ =	swait.ge [sflag:s21], $0xA00  }
0x1b3: {  	[sflag:s21] =	ssyncset.done $0x0  }
0x1b4: {  	s8 =	rddreg [dreg:$0xa];
	[sflag:s21] =	ssyncadd.s32 $0xFFFFF600  }
0x1b5: {  	[tilespmem:s17], [sflag:$0xA] =	stream.linear.gather [spmem:s8], $0xA00, $0x38;
	[tilespmem:$0x1AFE0] =	vst v63  }
0x1b6: {  	_ =	swait.ge [sflag:s31], $0xA00  }
0x1b7: {  	[sflag:s31] =	ssyncset.done $0x0  }
0x1b8: {  	s9 =	rddreg [dreg:$0x11];
	[sflag:s31] =	ssyncadd.s32 $0xFFFFF600  }
0x1b9: {  	[hbm4b:s9+s22] =	stream.linear.scatter [tilespmem:s17], [sflag:$0x2], $0xA00, $0x38;
	[tilespmem:$0x1AFE0] =	vst v63  }
0x1ba: {  	_ =	swait.ge [sflag:s4], $0xA00  }
0x1bb: {  	[sflag:s4] =	ssyncset.done $0x0  }
0x1bc: {  	s10 =	rddreg [dreg:$0xb];
	[sflag:s4] =	ssyncadd.s32 $0xFFFFF600  }
0x1bd: {  	[tilespmem:s0], [sflag:$0xA] =	stream.linear.gather [spmem:s10], $0xA00, $0x38;
	[tilespmem:$0x1AFE0] =	vst v63  }
0x1be: {  	_ =	swait.ge [sflag:s31], $0xA00  }
0x1bf: {  	[sflag:s31] =	ssyncset.done $0x0  }
0x1c0: {  	s11 =	rddreg [dreg:$0x12];
	[sflag:s31] =	ssyncadd.s32 $0xFFFFF600  }
0x1c1: {  	[hbm4b:s11+s22] =	stream.linear.scatter [tilespmem:s0], [sflag:$0x1], $0xA00, $0x38;
	[tilespmem:$0x1AFE0] =	vst v63  }
0x1c2: {  	_ =	swait.ge [sflag:s21], $0xA00  }
0x1c3: {  	[sflag:s21] =	ssyncset.done $0x0  }
0x1c4: {  	s10 =	rddreg [dreg:$0x14];
	[sflag:s21] =	ssyncadd.s32 $0xFFFFF600  }
0x1c5: {  	[tilespmem:s17], [sflag:$0xA] =	stream.linear.gather [spmem:s10], $0xA00, $0x38;
	[tilespmem:$0x1AFE0] =	vst v63  }
0x1c6: {  	_ =	swait.ge [sflag:s31], $0xA00  }
0x1c7: {  	[sflag:s31] =	ssyncset.done $0x0  }
0x1c8: {  	s12 =	rddreg [dreg:$0x13];
	[sflag:s31] =	ssyncadd.s32 $0xFFFFF600  }
0x1c9: {  	[hbm4b:s12+s22] =	stream.linear.scatter [tilespmem:s17], [sflag:$0x2], $0xA00, $0x38;
	[tilespmem:$0x1AFE0] =	vst v63  }
0x1ca: {  	_ =	swait.ge [sflag:s4], $0xA00  }
0x1cb: {  	[sflag:s4] =	ssyncset.done $0x0  }
0x1cc: {  	[sflag:s4] =	ssyncadd.s32 $0xFFFFF600  }
0x1cd: {  	_ =	swait.ge [sflag:s21], $0xA00  }
0x1ce: {  	s7 =	sadd.s32 $0x1, s7;
	s13 =	rddreg [dreg:$0x16]  }
0x1cf: {  	p0 =	sne.s32 s7, s13  }
.Ltmp5:
0x1d0: {  	_ = 	snop;
	(pc) =	sbr.rel @p0 .LBB2_1-.Ltmp5, $3  }
0x1d1: {  	_ =	sdelay $0x1  }
0x1d2: {  	[sflag:s21] =	ssyncset.done $0x0  }
0x1d3: {  	[sflag:s21] =	ssyncadd.s32 $0xFFFFF600  }
0x1d4: {  	_ =	sfence.sel $0x180000  }
0x1d5: {  	[bflag:$0x0] =	sbarrier.arrive $0xFFFF  }
0x1d6: {  	_ =	strace $0x9000004A  }
0x1d7: {  	s0 =	stileid.u32;
	[bflag:$0x2] =	sbarrier.arrive $0xFFFF  }
0x1d8: {  	p0 =	sne.s32 s0, $0x0;
	s0 =	rddreg [dreg:$0x3]  }
0x1d9: {  	s0 =	sadd.s32 @!p0 $0x100000, s0  }
0x1da: {  	[sflag:s0] =	ssyncadd.tile.s32 @!p0 $0x1;
	_ =	shalt  }
.Lfunc_end2:
_tile_overlayer_lowered:
.L_overlay_start_2:
0x1db: {  	(tag) =	ssettag $0x2  }
0x1dc: {  	s0 =	rddreg [dreg:$0x0];
	s2 =	stileid.u32  }
0x1dd: {  	s1 =	rddreg [dreg:$0x1];
	p0 =	sne.s32 s2, $0x0  }
0x1de: {  	s3 =	rddreg [dreg:$0x2];
	[bflag:$0x3] =	sbarrier.arrive $0xFFFF;
	s2 =	simm.s32 @!p0 $0x1C0A  }
0x1df: {  	[timem:s3], [sflag:s2] =	dma.local @!p0 [hbm:s0], s1  }
0x1e0: {  	s0 =	simm.s32 @!p0 $0xA  }
0x1e1: {  	_ =	swait.ge @!p0 [sflag:s0], s1  }
0x1e2: {  	s1 =	ssub.s32 @!p0 $0x0, s1;
	[sflag:s0] =	ssyncset.done @!p0 $0x0  }
0x1e3: {  	[sflag:s0] =	ssyncadd.s32 @!p0 s1  }
0x1e4: {  	[bflag:$0x3] =	sbarrier.arrive $0xFFFF  }
0x1e5: {  	_ =	shalt  }

// kernel: kernel.7.cloned.1.call-start
scs
__scs_entry_jumppad:
0x0: {  	(pc) =	sbr.rel $0x88, $3  }
0x1: {  	(tag) =	ssettag $0x0;
	lr =	simm.s32 $0x1  }
0x2: {  	[smem:$0x3F95] =	sst lr;
	_ =	strace $0xD0000000  }
0x3: {  	_ = 	snop  }
0x4: {  	_ = 	snop  }
0x5: {  	_ = 	snop  }
0x6: {  	_ = 	snop  }
0x7: {  	_ = 	snop  }
__scs_overlays_trampoline_lowered:
0x8: {  	[smem:$0x3FA4] =	sst s0  }
0x9: {  	[smem:$0x3FA5] =	sst s1  }
0xa: {  	[smem:$0x3FA6] =	sst s2  }
0xb: {  	[smem:$0x3FA7] =	sst s3  }
0xc: {  	[smem:$0x3FA8] =	sst s4  }
0xd: {  	[smem:$0x3FA9] =	sst s5  }
0xe: {  	[smem:$0x3FAA] =	sst s6  }
0xf: {  	[smem:$0x3FAB] =	sst s7  }
0x10: {  	[smem:$0x3FAC] =	sst s8  }
0x11: {  	[smem:$0x3FAD] =	sst s9;
	s0 =	simm.s32 @!p0 $0x0  }
0x12: {  	s1 =	sld [smem:$0x3F93];
	s0 =	simm.s32 @p0 $0x1  }
0x13: {  	[smem:$0x3FAE] =	sst s0;
	s0 =	simm.s32 @!p1 $0x0  }
0x14: {  	s2 =	sld [smem:$0x3F92];
	s0 =	simm.s32 @p1 $0x1  }
0x15: {  	[smem:$0x3FAF] =	sst s0;
	s0 =	simm.s32 @!p2 $0x0  }
0x16: {  	s3 =	sld [smem:$0x3FDB];
	s0 =	simm.s32 @p2 $0x1  }
0x17: {  	s4 =	simm.s32 $0x1BF5;
	[smem:$0x3FB1] =	sst s0  }
0x18: {  	s0 =	sld [smem:$0x3F94];
	_ =	swait.ge [sflag:s4], $0x0  }
0x19: {  	s7 =	sld [smem:$0x3F95]  }
0x1a: {  	s8 =	sadd.s32 $0xFFFFE003, lr  }
0x1b: {  	s9 =	sadd.s32 $0xFFFFFEF7, lr;
	s5 =	simm.s32 $0xFFFFFFFF;
	p2 =	slt.u32 s8, $0xFFFFF086  }
0x1c: {  	p1 =	slt.u32 s9, $0xF7A;
	s5 =	simm.s32 @!p2 $0x0  }
0x1d: {  	s5 =	simm.s32 @p1 $0x1;
	p0 =	seq.s32 s7, s2  }
0x1e: {  	s7 =	smul.u32 @!p0 $0xF7A, s2;
	p2 =	seq.s32 @!p0 s5, $0x0  }
0x1f: {  	s9 =	smul.u32 $0xF7A, s1;
	s8 =	simm.s32 @!p0 $0x1BF5;
	p2 =	por !p2, p0  }
0x20: {  	[sflag:s8] =	ssyncset.s32 @!p0 $0xFFFFF086;
	s6 =	sadd.s32 @!p0 s3, s7;
	s7 =	simm.s32 @!p0 $0x108  }
0x21: {  	s3 =	sadd.s32 s3, s9;
	s6 =	sadd.s32 @!p0 $0x88, s6;
	s7 =	simm.s32 @p2 $0x1082  }
0x22: {  	[simem:s7], [sflag:s8] =	dma.local @!p0 [hbm:s6], $0xF7A  }
0x23: {  	s9 =	sor.u32 $0xD0000000, s2;
	s6 =	simm.s32 $0x108;
	_ =	swait.ge @!p0 [sflag:s8], $0x0  }
0x24: {  	s3 =	sadd.s32 $0x88, s3;
	s6 =	simm.s32 @!p1 $0x1082;
	[sflag:s4] =	ssyncset.s32 $0xFFFFF086  }
0x25: {  	[simem:s6], [sflag:s4] =	dma.local [hbm:s3], $0xF7A  }
0x26: {  	[smem:$0x3F95] =	sst s1;
	(tag) =	ssettag s2;
	_ =	strace s9  }
0x27: {  	s1 =	sld [smem:$0x3FA5]  }
0x28: {  	s2 =	sld [smem:$0x3FA6]  }
0x29: {  	s4 =	sld [smem:$0x3FA8]  }
0x2a: {  	p0 =	seq.s32 s5, $0x0;
	s5 =	sld [smem:$0x3FA9]  }
0x2b: {  	s6 =	sld [smem:$0x3FAA]  }
0x2c: {  	s7 =	sld [smem:$0x3FAB]  }
0x2d: {  	s3 =	simm.s32 $0x108;
	s8 =	sld [smem:$0x3FAC]  }
0x2e: {  	s3 =	simm.s32 @!p0 $0x1082;
	s9 =	sld [smem:$0x3FAD]  }
0x2f: {  	lr =	sadd.s32 s0, s3;
	s0 =	sld [smem:$0x3FA4]  }
0x30: {  	s3 =	sld [smem:$0x3FA7]  }
0x31: {  	[smem:$0x3FB0] =	sst s10  }
0x32: {  	s10 =	sld [smem:$0x3FAE];
	_ =	sdelay $0x3  }
0x33: {  	p0 =	seq.s32 s10, $0x1;
	s10 =	sld [smem:$0x3FB0];
	_ =	sdelay $0x3  }
0x34: {  	[smem:$0x3FB0] =	sst s10  }
0x35: {  	s10 =	sld [smem:$0x3FAF];
	_ =	sdelay $0x3  }
0x36: {  	p1 =	seq.s32 s10, $0x1;
	s10 =	sld [smem:$0x3FB0];
	_ =	sdelay $0x3  }
0x37: {  	[smem:$0x3FB0] =	sst s10  }
0x38: {  	s10 =	sld [smem:$0x3FB1]  }
0x39: {  	_ = 	snop;
	(pc) =	sbr.ind lr, $3  }
0x3a: {  	_ = 	snop  }
0x3b: {  	_ = 	snop  }
0x3c: {  	p2 =	seq.s32 s10, $0x1;
	s10 =	sld [smem:$0x3FB0]  }
0x3d: {  	_ =	shalt  }
0x3e: {  	_ =	shalt  }
0x3f: {  	_ =	shalt  }
0x40: {  	_ =	shalt  }
0x41: {  	_ =	shalt  }
0x42: {  	_ =	shalt  }
0x43: {  	_ =	shalt  }
0x44: {  	_ =	shalt  }
0x45: {  	_ =	shalt  }
0x46: {  	_ =	shalt  }
0x47: {  	_ =	shalt  }
0x48: {  	_ =	shalt  }
0x49: {  	_ =	shalt  }
0x4a: {  	_ =	shalt  }
0x4b: {  	_ =	shalt  }
0x4c: {  	_ =	shalt  }
0x4d: {  	_ =	shalt  }
0x4e: {  	_ =	shalt  }
0x4f: {  	_ =	shalt  }
0x50: {  	_ =	shalt  }
0x51: {  	_ =	shalt  }
0x52: {  	_ =	shalt  }
0x53: {  	_ =	shalt  }
0x54: {  	_ =	shalt  }
0x55: {  	_ =	shalt  }
0x56: {  	_ =	shalt  }
0x57: {  	_ =	shalt  }
0x58: {  	_ =	shalt  }
0x59: {  	_ =	shalt  }
0x5a: {  	_ =	shalt  }
0x5b: {  	_ =	shalt  }
0x5c: {  	_ =	shalt  }
0x5d: {  	_ =	shalt  }
0x5e: {  	_ =	shalt  }
0x5f: {  	_ =	shalt  }
0x60: {  	_ =	shalt  }
0x61: {  	_ =	shalt  }
0x62: {  	_ =	shalt  }
0x63: {  	_ =	shalt  }
0x64: {  	_ =	shalt  }
0x65: {  	_ =	shalt  }
0x66: {  	_ =	shalt  }
0x67: {  	_ =	shalt  }
0x68: {  	_ =	shalt  }
0x69: {  	_ =	shalt  }
0x6a: {  	_ =	shalt  }
0x6b: {  	_ =	shalt  }
0x6c: {  	_ =	shalt  }
0x6d: {  	_ =	shalt  }
0x6e: {  	_ =	shalt  }
0x6f: {  	_ =	shalt  }
0x70: {  	_ =	shalt  }
0x71: {  	_ =	shalt  }
0x72: {  	_ =	shalt  }
0x73: {  	_ =	shalt  }
0x74: {  	_ =	shalt  }
0x75: {  	_ =	shalt  }
0x76: {  	_ =	shalt  }
0x77: {  	_ =	shalt  }
0x78: {  	_ =	shalt  }
0x79: {  	_ =	shalt  }
0x7a: {  	_ =	shalt  }
0x7b: {  	_ =	shalt  }
0x7c: {  	_ =	shalt  }
0x7d: {  	_ =	shalt  }
0x7e: {  	_ =	shalt  }
0x7f: {  	_ =	shalt  }
0x80: {  	_ =	shalt  }
0x81: {  	_ =	shalt  }
0x82: {  	_ =	shalt  }
0x83: {  	_ =	shalt  }
0x84: {  	_ =	shalt  }
0x85: {  	_ =	shalt  }
0x86: {  	_ =	shalt  }
0x87: {  	_ =	shalt  }
.Lfunc_end0:
.L_simem_size_0:
called_computation_lowered:
.L_overlay_start_0:
0x88: {  	s2 =	sld [smem:$0x3FD9]  }
0x89: {  	s3 =	sld [smem:$0x3FFE];
	_ =	sdelay $0x1  }
0x8a: {  	s1 =	srdreg.scid  }
0x8b: {  	s0 =	sand.u32 $0x1, s1  }
0x8c: {  	s17 =	sshll.u32 s0, $0xA;
	s2 =	sadd.s32 s3, s2  }
0x8d: {  	s2 =	sadd.s32 s2, s17  }
0x8e: {  	[smem:$0x3FBC] =	sst s2  }
0x8f: {  	_ = 	snop  }
0x90: {  	s2 =	sld [smem:$0x3FD0];
	(tm) =	ssettm $0x1  }
0x91: {  	s18 =	sld [smem:$0x3FFB];
	_ =	sdelay $0x3  }
0x92: {  	_ =	strace s18  }
0x93: {  	s3 =	sld [smem:$0x3FFC];
	_ =	sdelay $0x3  }
0x94: {  	_ =	strace s3  }
0x95: {  	s3 =	sld [smem:$0x3FFD];
	_ =	sdelay $0x3  }
0x96: {  	_ =	strace s3  }
0x97: {  	_ =	strace $0x8FFFFFFF  }
0x98: {  	s19 =	sld [smem:$0x3FDB];
	_ =	sdelay $0x1  }
0x99: {  	s4 =	simm.s32 $_scs_section_size  }
0x9a: {  	s5 =	simm.s32 $_size__tile_overlayer_lowered;
	s6 =	simm.s32 $_tile_overlayer_lowered  }
0x9b: {  	s22 =	simm.s32 $0x1BFF;
	s21 =	sshll.u32 s6, $0x1;
	s3 =	sadd.s32 s4, s19  }
0x9c: {  	s7 =	simm.s32 $0x0;
	s20 =	sshll.u32 s5, $0x1;
	s5 =	sadd.s32 s21, s3  }
0x9d: {  	[timem:s7], [sflag:s22] =	dma.local [hbm:s5], s20  }
0x9e: {  	_ =	swait.ge [sflag:s22], s20  }
0x9f: {  	s4 =	ssub.s32 $0x0, s20;
	[sflag:s22] =	ssyncset.done $0x0  }
0xa0: {  	[sflag:s22] =	ssyncadd.s32 s4;
	_ =	sdelay $0x1  }
0xa1: {  	s23 =	simm.s32 $0x1B8B  }
0xa2: {  	_ =	swait.ge [sflag:s23], $0x1  }
0xa3: {  	[sflag:s23] =	ssyncset.done $0x0  }
0xa4: {  	s25 =	simm.s32 $0x1B8E;
	s24 =	sld [smem:$0x3FFE];
	[sflag:s23] =	ssyncadd.s32 $0xFFFFFFFF  }
0xa5: {  	s26 =	simm.s32 $execute0_lowered;
	[smem:$0x3FD2] =	sst s25  }
0xa6: {  	s5 =	sshll.u32 s26, $0x1;
	_ =	strace $0x80000046;
	[dreg:$0x1] =	wrdreg $0xFFFFFFFF  }
0xa7: {  	s28 =	simm.s32 $_size_execute0_lowered;
	s3 =	sadd.s32 s3, s5;
	[dreg:$0x0] =	wrdreg $0x0  }
0xa8: {  	s5 =	sshll.u32 s28, $0x1;
	[dreg:$0x2] =	wrdreg s3  }
0xa9: {  	[dreg:$0x3] =	wrdreg s5  }
0xaa: {  	[dreg:$0x4] =	wrdreg $0xC0  }
0xab: {  	_ =	task [dreg:s7], $0x5FFFF  }
0xac: {  	[dreg:$0x1] =	wrdreg $0xFFFFFFFF  }
0xad: {  	[dreg:$0x0] =	wrdreg $0x60  }
0xae: {  	[dreg:$0x2] =	wrdreg s24  }
0xaf: {  	[dreg:$0x3] =	wrdreg s2  }
0xb0: {  	[dreg:$0x4] =	wrdreg $0x97E00  }
0xb1: {  	[dreg:$0x5] =	wrdreg $0x9  }
0xb2: {  	_ =	task.clear_ibuf [dreg:s7], $0x6FFFF;
	_ =	strace $0x90000046  }
0xb3: {  	s29 =	simm.s32 $0x9;
	_ =	strace $0x80000048  }
0xb4: {  	_ =	swait.ge [sflag:s29], $0x1  }
0xb5: {  	[sflag:s29] =	ssyncadd.s32 $0xFFFFFFFF  }
0xb6: {  	_ =	strace $0x90000048  }
0xb7: {  	_ =	sfence  }
0xb8: {  	s30 =	sld [smem:$0x0];
	_ =	sdelay $0x2  }
0xb9: {  	s31 =	sshll.u32 s1, $0xD;
	s1 =	sshrl.u32 s1, $0x2  }
0xba: {  	s3 =	sand.u32 $0x4000, s31;
	s1 =	sadd.s32 s1, s30  }
0xbb: {  	s0 =	sor.u32 s3, s0;
	s1 =	sshll.u32 s1, $0x11  }
0xbc: {  	s0 =	sor.u32 s1, s0  }
0xbd: {  	s0 =	sadd.s32 $0x8F2B, s0  }
0xbe: {  	[sflag:s0] =	ssyncadd.remote.s32 $0x1  }
0xbf: {  	_ =	sfence.sel $0xFFFF  }
0xc0: {  	[dreg:$0x0] =	wrdreg $0xFFFFFFFF;
	(pc) =	sbr.abs _section_cstart, $3  }
0xc1: {  	[dreg:$0x1] =	wrdreg $0xFFFFFFFF  }
0xc2: {  	_ =	task.clear_ibuf [dreg:s7], $0x2FFFF;
	_ =	strace $0x9FFFFFFF  }
0xc3: {  	(tm) =	ssettm $0x7FFFFFFF  }
tec
execute0_lowered:
.L_overlay_start_1:
0x0: {  	(tag) =	ssettag $0x1  }
0x1: {  	s0 =	rddreg [dreg:$0x0]  }
0x2: {  	s1 =	rddreg [dreg:$0x1]  }
0x3: {  	s2 =	rddreg [dreg:$0x2]  }
0x4: {  	s3 =	simm.s32 $0x0;
	s4 =	srdreg.scid;
	s10 =	stileid.u32  }
0x5: {  	s30 =	simm.s32 $0x1E0;
	s31 =	simm.s32 $0x1;
	s28 =	simm.s32 $0x5BE0  }
0x6: {  	s29 =	simm.s32 $0x190;
	[smem:$0x7FF] =	sst s3;
	s5 =	sadd.s32 $0x1800, s0  }
0x7: {  	s4 =	sand.u32 $0x1, s4;
	s6 =	sadd.s32 $0x2E800, s0;
	s8 =	smul.u32 $0x16800, s10  }
0x8: {  	s0 =	sadd.s32 $0x42C00, s0;
	s10 =	sshll.u32 s10, $0x1;
	_ =	strace $0x80000047  }
0x9: {  	s7 =	ssub.s32 $0x2, s4;
	s25 =	sor.u32 s4, s10;
	s4 =	smul.u32 $0x168000, s4  }
0xa: {  	s9 =	sshrl.u32 s7, $0x1;
	s17 =	sadd.s32 s8, s2;
	s26 =	sadd.s32 $0x2D00, s8  }
0xb: {  	s11 =	sadd.s32 $0x5A00, s8;
	s12 =	sadd.s32 $0x8700, s8;
	s13 =	sadd.s32 $0xB400, s8  }
0xc: {  	s14 =	sadd.s32 $0xE100, s8;
	s7 =	ssub.s32 s7, s9;
	s21 =	sadd.s32 s26, s2  }
0xd: {  	s22 =	sadd.s32 s11, s2;
	s23 =	sadd.s32 s12, s2;
	s15 =	sadd.s32 s13, s2  }
0xe: {  	s16 =	sadd.s32 s14, s2;
	s10 =	sadd.s32 s4, s26;
	s9 =	smul.u32 $0x50A0, s25  }
0xf: {  	s19 =	sadd.s32 s4, s11;
	s20 =	sadd.s32 s4, s12;
	[dreg:$0x4] =	wrdreg s17  }
0x10: {  	s24 =	sadd.s32 s4, s13;
	s12 =	sadd.s32 s4, s14;
	[dreg:$0x8] =	wrdreg s15  }
0x11: {  	[dreg:$0x9] =	wrdreg s16;
	s15 =	sadd.s32 $0x10E00, s8;
	s16 =	sadd.s32 $0x13B00, s8  }
0x12: {  	s8 =	sadd.s32 s8, s4;
	s10 =	sshrl.u32 s10, $0x3;
	[dreg:$0x5] =	wrdreg s21  }
0x13: {  	s25 =	sshrl.u32 s20, $0x3;
	s26 =	sshrl.u32 s24, $0x3;
	[dreg:$0x6] =	wrdreg s22  }
0x14: {  	s20 =	smax.u32 s7, $0x1;
	s7 =	simm.s32 $0x5;
	[dreg:$0x7] =	wrdreg s23  }
0x15: {  	s8 =	sshrl.u32 s8, $0x3;
	s18 =	sadd.s32 s0, s10;
	s11 =	sadd.s32 s0, s26  }
0x16: {  	s13 =	sadd.s32 s4, s15;
	s4 =	sadd.s32 s4, s16;
	s24 =	sadd.s32 $0x140, s9  }
0x17: {  	s26 =	sadd.s32 $0x280, s9;
	[dreg:$0x15] =	wrdreg s20;
	s20 =	simm.s32 $0xC  }
0x18: {  	s10 =	simm.s32 $0x6;
	s8 =	sadd.s32 s0, s8;
	[dreg:$0xb] =	wrdreg s18  }
0x19: {  	[dreg:$0xe] =	wrdreg s11;
	s14 =	sshrl.u32 s13, $0x3;
	s4 =	sshrl.u32 s4, $0x3  }
0x1a: {  	s18 =	sshrl.u32 s9, $0x3;
	s13 =	simm.s32 $0x50;
	s11 =	simm.s32 $0x0  }
0x1b: {  	[dreg:$0xa] =	wrdreg s8;
	s8 =	sshrl.u32 s19, $0x3;
	s19 =	sadd.s32 s16, s2  }
0x1c: {  	s16 =	simm.s32 $0xF0;
	s8 =	sadd.s32 s0, s8;
	[dreg:$0x13] =	wrdreg s19  }
0x1d: {  	s19 =	simm.s32 $0x4;
	[dreg:$0xc] =	wrdreg s8;
	s8 =	sadd.s32 s0, s25  }
0x1e: {  	[dreg:$0xd] =	wrdreg s8;
	s8 =	sshrl.u32 s12, $0x3;
	s12 =	sadd.s32 s15, s2  }
0x1f: {  	s25 =	sadd.s32 $0x1E0, s9;
	s8 =	sadd.s32 s0, s8;
	[dreg:$0x12] =	wrdreg s12  }
0x20: {  	s9 =	simm.s32 $0x3;
	[dreg:$0xf] =	wrdreg s8;
	s8 =	sadd.s32 s0, s14  }
0x21: {  	s15 =	simm.s32 $0x2EE0;
	s0 =	sadd.s32 s0, s4;
	[dreg:$0x10] =	wrdreg s8  }
0x22: {  	s14 =	simm.s32 $0xB;
	[dreg:$0x11] =	wrdreg s0;
	s0 =	sadd.s32 s6, s18  }
0x23: {  	s4 =	simm.s32 $0x2;
	[dreg:$0x14] =	wrdreg s0;
	s0 =	sadd.s32 $0x14, s0  }
0x24: {  	v0 =	vimm.f32 $0.0e+00;
	vm0 =	vmmov $0xff;
	s18 =	simm.s32 $0x140;
	s8 =	simm.s32 $0x7;
	[dreg:$0x16] =	wrdreg s0  }
.LBB2_1:
0x25: {  	[dreg:$0x17] =	wrdreg s11;
	s0 =	simm.s32 $0x0;
	s11 =	simm.s32 $0x240  }
.LBB2_2:
0x26: {  	p0 =	sne.s32 s11, $0xB1C0;
	[tilespmem:s0+$0x260] =	vst v0  }
0x27: {  	[tilespmem:s0+$0x1E0] =	vst v0  }
0x28: {  	[tilespmem:s0+$0x1F0] =	vst v0  }
0x29: {  	[tilespmem:s0+$0x200] =	vst v0  }
.Ltmp0:
0x2a: {  	[tilespmem:s0+$0x210] =	vst v0;
	(pc) =	sbr.rel @p0 .LBB2_2-.Ltmp0, $4  }
0x2b: {  	[tilespmem:s0+$0x220] =	vst v0  }
0x2c: {  	[tilespmem:s0+$0x230] =	vst v0  }
0x2d: {  	[tilespmem:s0+$0x240] =	vst v0  }
0x2e: {  	[tilespmem:s0+$0x250] =	vst v0;
	s0 =	sshra.s32 s11, $0x2;
	s11 =	sadd.s32 $0x240, s11  }
0x2f: {  	[tilespmem:s0+$0x260] =	vst v0  }
0x30: {  	[tilespmem:s0+$0x1E0] =	vst v0  }
0x31: {  	[tilespmem:s0+$0x1F0] =	vst v0  }
0x32: {  	[tilespmem:s0+$0x200] =	vst v0  }
0x33: {  	[tilespmem:s0+$0x210] =	vst v0  }
0x34: {  	[tilespmem:s0+$0x220] =	vst v0  }
0x35: {  	[tilespmem:s0+$0x230] =	vst v0  }
0x36: {  	[tilespmem:s0+$0x240] =	vst v0  }
0x37: {  	[tilespmem:s0+$0x250] =	vst v0  }
0x38: {  	[spmem:s17] =	stream.linear.scatter [tilespmem:s30], [sflag:$0x1], $0x2D00, $0x38;
	v63 =	vld [tilespmem:$0x0]  }
0x39: {  	_ = 	snop  }
0x3a: {  	[spmem:s21] =	stream.linear.scatter [tilespmem:s30], [sflag:$0x1], $0x2D00, $0x38;
	v63 =	vld [tilespmem:$0x0]  }
0x3b: {  	_ = 	snop  }
0x3c: {  	[spmem:s22] =	stream.linear.scatter [tilespmem:s30], [sflag:$0x1], $0x2D00, $0x38;
	v63 =	vld [tilespmem:$0x0]  }
0x3d: {  	_ = 	snop  }
0x3e: {  	[spmem:s23] =	stream.linear.scatter [tilespmem:s30], [sflag:$0x1], $0x2D00, $0x38;
	v63 =	vld [tilespmem:$0x0]  }
0x3f: {  	s22 =	rddreg [dreg:$0x8]  }
0x40: {  	[spmem:s22] =	stream.linear.scatter [tilespmem:s30], [sflag:$0x1], $0x2D00, $0x38;
	v63 =	vld [tilespmem:$0x0]  }
0x41: {  	s23 =	rddreg [dreg:$0x9]  }
0x42: {  	[spmem:s23] =	stream.linear.scatter [tilespmem:s30], [sflag:$0x1], $0x2D00, $0x38;
	v63 =	vld [tilespmem:$0x0]  }
0x43: {  	_ = 	snop  }
0x44: {  	[spmem:s12] =	stream.linear.scatter [tilespmem:s30], [sflag:$0x1], $0x2D00, $0x38;
	v63 =	vld [tilespmem:$0x0]  }
0x45: {  	s11 =	rddreg [dreg:$0x13]  }
0x46: {  	[spmem:s11] =	stream.linear.scatter [tilespmem:s30], [sflag:$0x1], $0x2D00, $0x38;
	v63 =	vld [tilespmem:$0x0]  }
0x47: {  	_ =	swait.ge [sflag:s31], $0x2D00  }
0x48: {  	[sflag:s31] =	ssyncset.done $0x0  }
0x49: {  	[sflag:s31] =	ssyncadd.s32 $0xFFFFD300  }
0x4a: {  	_ =	swait.ge [sflag:s31], $0x2D00  }
0x4b: {  	[sflag:s31] =	ssyncset.done $0x0  }
0x4c: {  	[sflag:s31] =	ssyncadd.s32 $0xFFFFD300  }
0x4d: {  	_ =	swait.ge [sflag:s31], $0x2D00  }
0x4e: {  	[sflag:s31] =	ssyncset.done $0x0  }
0x4f: {  	[sflag:s31] =	ssyncadd.s32 $0xFFFFD300  }
0x50: {  	_ =	swait.ge [sflag:s31], $0x2D00  }
0x51: {  	[sflag:s31] =	ssyncset.done $0x0  }
0x52: {  	[sflag:s31] =	ssyncadd.s32 $0xFFFFD300  }
0x53: {  	_ =	swait.ge [sflag:s31], $0x2D00  }
0x54: {  	[sflag:s31] =	ssyncset.done $0x0  }
0x55: {  	[sflag:s31] =	ssyncadd.s32 $0xFFFFD300  }
0x56: {  	_ =	swait.ge [sflag:s31], $0x2D00  }
0x57: {  	[sflag:s31] =	ssyncset.done $0x0  }
0x58: {  	[sflag:s31] =	ssyncadd.s32 $0xFFFFD300  }
0x59: {  	_ =	swait.ge [sflag:s31], $0x2D00  }
0x5a: {  	[sflag:s31] =	ssyncset.done $0x0  }
0x5b: {  	[sflag:s31] =	ssyncadd.s32 $0xFFFFD300  }
0x5c: {  	_ =	swait.ge [sflag:s31], $0x2D00  }
0x5d: {  	[sflag:s31] =	ssyncset.done $0x0  }
0x5e: {  	[sflag:s31] =	ssyncadd.s32 $0xFFFFD300  }
0x5f: {  	[bflag:$0x0] =	sbarrier.arrive $0xFFFF  }
0x60: {  	s21 =	simm.s32 $0x0;
	s12 =	rddreg [dreg:$0x14]  }
0x61: {  	[tilespmem:s21], [sflag:$0xA] =	stream.linear.gather [hbm4b:s12+s21], $0xA0, $0x38;
	v63 =	vld [tilespmem:$0x0]  }
0x62: {  	s22 =	simm.s32 $0xA;
	s11 =	simm.s32 $0xA0;
	s17 =	rddreg [dreg:$0x16]  }
0x63: {  	[tilespmem:s11], [sflag:$0xB] =	stream.linear.gather [hbm4b:s17+s21], $0xA0, $0x38;
	v63 =	vld [tilespmem:$0x0]  }
0x64: {  	_ =	swait.ge [sflag:s22], $0xA0  }
0x65: {  	[sflag:s22] =	ssyncset.done $0x0  }
0x66: {  	[sflag:s22] =	ssyncadd.s32 $0xFFFFFF60  }
0x67: {  	[tilespmem:s30], [sflag:$0x1] =	stream.indirect.gather [hbm4b:s5+s13], $0x90, s21, s13, $0xb8;
	v63 =	vld [tilespmem:$0x0]  }
0x68: {  	s23 =	simm.s32 $0x88E0  }
0x69: {  	[tilespmem:s23], [sflag:$0x4] =	stream.indirect.gather [hbm4b:s1+s13], $0x10, s13, s13, $0xb8;
	v63 =	vld [tilespmem:$0x0]  }
.LBB2_4:
0x6a: {  	p0 =	seq.s32 s21, $0x0  }
0x6b: {  	s0 =	simm.s32 @!p0 $0x8  }
0x6c: {  	_ =	swait.ge @!p0 [sflag:s0], $0x2D00  }
0x6d: {  	[sflag:s0] =	ssyncset.done @!p0 $0x0  }
0x6e: {  	[sflag:s0] =	ssyncadd.s32 @!p0 $0xFFFFD300  }
0x6f: {  	s22 =	smul.u32 $0x1E0, s21;
	_ =	swait.ge [sflag:s14], $0xA0  }
0x70: {  	[sflag:s14] =	ssyncset.done $0x0  }
0x71: {  	s12 =	simm.s32 $0xA0;
	s23 =	sadd.s32 s22, s24;
	[sflag:s14] =	ssyncadd.s32 $0xFFFFFF60  }
0x72: {  	[tilespmem:s15], [sflag:$0x2] =	stream.indirect.gather [hbm4b:s5+s13], $0x90, s12, s13, $0xb8;
	v63 =	vld [tilespmem:$0x0]  }
0x73: {  	s17 =	simm.s32 $0x8DE0;
	s0 =	sshrl.u32 s23, $0x3  }
0x74: {  	[tilespmem:s17], [sflag:$0x5] =	stream.indirect.gather [hbm4b:s1+s13], $0x10, s16, s13, $0xb8;
	v63 =	vld [tilespmem:$0x0]  }
0x75: {  	s0 =	sadd.s32 s6, s0  }
0x76: {  	[tilespmem:s18], [sflag:$0xC] =	stream.linear.gather [hbm4b:s0+s3], $0xA0, $0x38;
	v63 =	vld [tilespmem:$0x0]  }
0x77: {  	_ =	swait.ge [sflag:s31], $0x2D00  }
0x78: {  	[sflag:s31] =	ssyncset.done $0x0  }
0x79: {  	[sflag:s31] =	ssyncadd.s32 $0xFFFFD300  }
0x7a: {  	_ =	swait.ge [sflag:s19], $0x500  }
0x7b: {  	[sflag:s19] =	ssyncset.done $0x0  }
0x7c: {  	s11 =	simm.s32 $0x270;
	[sflag:s19] =	ssyncadd.s32 $0xFFFFFB00  }
0x7d: {  	s17 =	simm.s32 $0x88F0;
	v1 =	vld [tilespmem:s11+$0xFFFFFFF0]  }
0x7e: {  	v2 =	vld [tilespmem:s17+$0xFFFFFFF0];
	_ =	sdelay $0x4  }
0x7f: {  	v1 =	vadd.f32 v2, v1;
	_ =	sdelay $0x1  }
0x80: {  	v2 =	vmul.f32 $2.000000030e-01, v1  }
0x81: {  	vm1 =	vge.f32 v1, $0.0e+00  }
0x82: {  	v1 =	vsel vm1, v1, v2  }
0x83: {  	v1 =	vmul.f32 $1.442695020e+00, v1;
	_ =	sdelay $0x1  }
0x84: {  	(erf) = vpow2.f32 v1;
	_ =	sdelay $0x4  }
0x85: {  	v10 =	vld [tilespmem:s11+$0xFFFFFFD0]  }
0x86: {  	v3 =	vld [tilespmem:s11+$0xFFFFFFB0]  }
0x87: {  	v9 =	vld [tilespmem:s11+$0xFFFFFFC0]  }
0x88: {  	v6 =	vld [tilespmem:s11+$0xFFFFFF90]  }
0x89: {  	v4 =	vld [tilespmem:s11+$0xFFFFFFE0];
	v2 =	vpop (erf)  }
0x8a: {  	v1 =	vld [tilespmem:s11+$0xFFFFFF70];
	v5 =	vbroadcast v2, $0x4;
	v13 =	vbroadcast v2, $0x6;
	v8 =	vnsel vm0, $0x0, v2  }
0x8b: {  	v7 =	vbroadcast v2, $0x0;
	v12 =	vbroadcast v2, $0x5;
	[tilespmem:s11+$0xFFFFFFF0] =	vst v8;
	v8 =	vld [tilespmem:s11+$0xFFFFFFA0]  }
0x8c: {  	s23 =	simm.s32 $0x88F0;
	s12 =	simm.s32 $0x270;
	s0 =	simm.s32 $0x0;
	v11 =	vbroadcast v2, $0x2;
	v10 =	vmul.f32 v10, v13  }
.LBB2_5:
0x8d: {  	s0 =	sadd.s32 $0x2, s0;
	v9 =	vmul.f32 v9, v12;
	v12 =	vbroadcast v2, $0x7;
	s17 =	sadd.s32 $0x20, s17;
	s11 =	sadd.s32 $0x120, s11  }
0x8e: {  	p1 =	slt.u32 s0, $0x4E;
	v13 =	vld [tilespmem:s12+$0xFFFFFF80];
	v6 =	vmul.f32 v11, v6;
	v11 =	vbroadcast v2, $0x3;
	[tilespmem:s12+$0xFFFFFFD0] =	vst v10  }
0x8f: {  	v3 =	vmul.f32 v3, v5;
	[tilespmem:s12+$0xFFFFFFC0] =	vst v9;
	v4 =	vmul.f32 v4, v12  }
0x90: {  	v1 =	vmul.f32 v7, v1;
	[tilespmem:s12+$0xFFFFFF90] =	vst v6;
	v5 =	vmul.f32 v8, v11  }
0x91: {  	v2 =	vbroadcast v2, $0x1;
	[tilespmem:s12+$0xFFFFFFB0] =	vst v3  }
0x92: {  	[tilespmem:s12+$0xFFFFFF70] =	vst v1  }
0x93: {  	v1 =	vmul.f32 v2, v13;
	[tilespmem:s12+$0xFFFFFFA0] =	vst v5  }
0x94: {  	[tilespmem:s12+$0xFFFFFFE0] =	vst v4  }
0x95: {  	[tilespmem:s12+$0xFFFFFF80] =	vst v1;
	v1 =	vld [tilespmem:s12+$0x80]  }
0x96: {  	v2 =	vld [tilespmem:s23+$0x0];
	s23 =	smov.u32 s17;
	_ =	sdelay $0x4  }
0x97: {  	v1 =	vadd.f32 v2, v1;
	_ =	sdelay $0x1  }
0x98: {  	v2 =	vmul.f32 $2.000000030e-01, v1  }
0x99: {  	vm1 =	vge.f32 v1, $0.0e+00  }
0x9a: {  	v1 =	vsel vm1, v1, v2  }
0x9b: {  	v1 =	vmul.f32 $1.442695020e+00, v1;
	_ =	sdelay $0x1  }
0x9c: {  	(erf) = vpow2.f32 v1;
	_ =	sdelay $0x4  }
0x9d: {  	v1 =	vld [tilespmem:s12+$0x70]  }
0x9e: {  	v2 =	vld [tilespmem:s12+$0x50]  }
0x9f: {  	v3 =	vld [tilespmem:s12+$0x20]  }
0xa0: {  	v4 =	vld [tilespmem:s12+$0x30]  }
0xa1: {  	v5 =	vld [tilespmem:s12+$0x40];
	v6 =	vpop (erf)  }
0xa2: {  	v7 =	vnsel vm0, $0x0, v6;
	v8 =	vld [tilespmem:s12+$0x0];
	v9 =	vbroadcast v6, $0x0;
	v10 =	vbroadcast v6, $0x1  }
0xa3: {  	v11 =	vbroadcast v6, $0x2;
	v12 =	vbroadcast v6, $0x3;
	[tilespmem:s12+$0x80] =	vst v7;
	v7 =	vld [tilespmem:s12+$0x10]  }
0xa4: {  	v13 =	vbroadcast v6, $0x4;
	v14 =	vbroadcast v6, $0x5;
	v15 =	vld [tilespmem:s12+$0x60]  }
0xa5: {  	v3 =	vmul.f32 v11, v3;
	v4 =	vmul.f32 v4, v12  }
0xa6: {  	v2 =	vmul.f32 v2, v14;
	v5 =	vmul.f32 v5, v13  }
0xa7: {  	[tilespmem:s12+$0x20] =	vst v3;
	v3 =	vbroadcast v6, $0x6;
	v6 =	vbroadcast v6, $0x7  }
0xa8: {  	v8 =	vmul.f32 v9, v8;
	v7 =	vmul.f32 v10, v7;
	[tilespmem:s12+$0x30] =	vst v4  }
0xa9: {  	[tilespmem:s12+$0x40] =	vst v5;
	v3 =	vmul.f32 v15, v3;
	v1 =	vmul.f32 v1, v6  }
0xaa: {  	[tilespmem:s12+$0x50] =	vst v2  }
0xab: {  	[tilespmem:s12+$0x70] =	vst v1  }
0xac: {  	[tilespmem:s12+$0x60] =	vst v3  }
0xad: {  	[tilespmem:s12+$0x0] =	vst v8  }
0xae: {  	v1 =	vld [tilespmem:s11+$0xFFFFFFF0];
	[tilespmem:s12+$0x10] =	vst v7;
	s12 =	smov.u32 s11  }
0xaf: {  	v2 =	vld [tilespmem:s17+$0xFFFFFFF0];
	_ =	sdelay $0x4  }
0xb0: {  	v1 =	vadd.f32 v2, v1;
	_ =	sdelay $0x1  }
0xb1: {  	v2 =	vmul.f32 $2.000000030e-01, v1  }
0xb2: {  	vm1 =	vge.f32 v1, $0.0e+00  }
0xb3: {  	v1 =	vsel vm1, v1, v2  }
0xb4: {  	v1 =	vmul.f32 $1.442695020e+00, v1;
	_ =	sdelay $0x1  }
0xb5: {  	(erf) = vpow2.f32 v1;
	_ =	sdelay $0x4  }
0xb6: {  	v1 =	vld [tilespmem:s11+$0xFFFFFF70]  }
0xb7: {  	v3 =	vld [tilespmem:s11+$0xFFFFFFB0]  }
0xb8: {  	v10 =	vld [tilespmem:s11+$0xFFFFFFD0]  }
.Ltmp1:
0xb9: {  	v9 =	vld [tilespmem:s11+$0xFFFFFFC0];
	(pc) =	sbr.rel @p1 .LBB2_5-.Ltmp1, $4  }
0xba: {  	v6 =	vld [tilespmem:s11+$0xFFFFFF90];
	v2 =	vpop (erf)  }
0xbb: {  	v7 =	vnsel vm0, $0x0, v2;
	v5 =	vbroadcast v2, $0x4;
	v13 =	vbroadcast v2, $0x6;
	v4 =	vld [tilespmem:s11+$0xFFFFFFE0]  }
0xbc: {  	v12 =	vbroadcast v2, $0x5;
	[tilespmem:s11+$0xFFFFFFF0] =	vst v7;
	v7 =	vbroadcast v2, $0x0;
	v8 =	vld [tilespmem:s11+$0xFFFFFFA0]  }
0xbd: {  	v11 =	vbroadcast v2, $0x2;
	v10 =	vmul.f32 v10, v13  }
0xbe: {  	v9 =	vmul.f32 v9, v12  }
0xbf: {  	v12 =	vld [tilespmem:s12+$0xFFFFFF80];
	v3 =	vmul.f32 v3, v5;
	[tilespmem:s12+$0xFFFFFFD0] =	vst v10  }
0xc0: {  	v5 =	vbroadcast v2, $0x7;
	v1 =	vmul.f32 v7, v1;
	[tilespmem:s12+$0xFFFFFFC0] =	vst v9  }
0xc1: {  	v6 =	vmul.f32 v11, v6;
	v10 =	vbroadcast v2, $0x3;
	[tilespmem:s12+$0xFFFFFFB0] =	vst v3  }
0xc2: {  	v2 =	vbroadcast v2, $0x1;
	v3 =	vmul.f32 v4, v5;
	[tilespmem:s12+$0xFFFFFF70] =	vst v1  }
0xc3: {  	[tilespmem:s12+$0xFFFFFF90] =	vst v6;
	v6 =	vmul.f32 v8, v10  }
0xc4: {  	[tilespmem:s12+$0xFFFFFFE0] =	vst v3;
	v1 =	vmul.f32 v2, v12  }
0xc5: {  	[tilespmem:s12+$0xFFFFFFA0] =	vst v6  }
0xc6: {  	[tilespmem:s12+$0xFFFFFF80] =	vst v1;
	v1 =	vld [tilespmem:s12+$0x80]  }
0xc7: {  	v2 =	vld [tilespmem:s23+$0x0];
	_ =	sdelay $0x4  }
0xc8: {  	v1 =	vadd.f32 v2, v1;
	_ =	sdelay $0x1  }
0xc9: {  	v2 =	vmul.f32 $2.000000030e-01, v1  }
0xca: {  	vm1 =	vge.f32 v1, $0.0e+00  }
0xcb: {  	v1 =	vsel vm1, v1, v2  }
0xcc: {  	v1 =	vmul.f32 $1.442695020e+00, v1;
	_ =	sdelay $0x1  }
0xcd: {  	(erf) = vpow2.f32 v1;
	_ =	sdelay $0x6  }
0xce: {  	v2 =	vld [tilespmem:s12+$0x20]  }
0xcf: {  	v4 =	vld [tilespmem:s12+$0x40]  }
0xd0: {  	v3 =	vld [tilespmem:s12+$0x30];
	v5 =	vpop (erf)  }
0xd1: {  	v6 =	vld [tilespmem:s12+$0x50];
	v8 =	vbroadcast v5, $0x2  }
0xd2: {  	v11 =	vld [tilespmem:s12+$0x60];
	v7 =	vnsel vm0, $0x0, v5;
	v10 =	vbroadcast v5, $0x4  }
0xd3: {  	v1 =	vld [tilespmem:s12+$0x70];
	[tilespmem:s12+$0x80] =	vst v7;
	v7 =	vbroadcast v5, $0x3;
	v2 =	vmul.f32 v8, v2  }
0xd4: {  	v9 =	vld [tilespmem:s12+$0x0];
	v12 =	vbroadcast v5, $0x5;
	v4 =	vmul.f32 v4, v10  }
0xd5: {  	v8 =	vld [tilespmem:s12+$0x10];
	v3 =	vmul.f32 v3, v7;
	v7 =	vbroadcast v5, $0x6;
	[tilespmem:s12+$0x20] =	vst v2  }
0xd6: {  	v6 =	vmul.f32 v6, v12;
	v2 =	vbroadcast v5, $0x7;
	[tilespmem:s12+$0x40] =	vst v4  }
0xd7: {  	[tilespmem:s12+$0x30] =	vst v3;
	v3 =	vbroadcast v5, $0x0;
	v4 =	vmul.f32 v11, v7  }
0xd8: {  	[tilespmem:s12+$0x50] =	vst v6;
	v1 =	vmul.f32 v1, v2;
	v2 =	vbroadcast v5, $0x1  }
0xd9: {  	v3 =	vmul.f32 v3, v9;
	[tilespmem:s12+$0x60] =	vst v4  }
0xda: {  	[tilespmem:s12+$0x70] =	vst v1;
	v1 =	vmul.f32 v2, v8  }
0xdb: {  	[tilespmem:s12+$0x0] =	vst v3  }
0xdc: {  	s0 =	simm.s32 @!p0 $0x9;
	[tilespmem:s12+$0x10] =	vst v1  }
0xdd: {  	[spmem:s2] =	stream.indirect.scatter.add.f32 [tilespmem:s30], [sflag:$0x7], $0x90, s13, s13, $0xb8;
	v63 =	vld [tilespmem:$0x0]  }
0xde: {  	_ =	swait.ge @!p0 [sflag:s0], $0x2D00  }
0xdf: {  	[sflag:s0] =	ssyncset.done @!p0 $0x0  }
0xe0: {  	[sflag:s0] =	ssyncadd.s32 @!p0 $0xFFFFD300  }
0xe1: {  	_ =	swait.ge [sflag:s20], $0xA0  }
0xe2: {  	p0 =	seq.s32 s21, $0x2A;
	[sflag:s20] =	ssyncset.done $0x0  }
0xe3: {  	s0 =	sadd.s32 @!p0 s22, s25;
	[sflag:s20] =	ssyncadd.s32 $0xFFFFFF60  }
0xe4: {  	[tilespmem:s28], [sflag:$0x3] =	stream.indirect.gather [hbm4b:s5+s13], $0x90, s18, s13, $0xb8;
	v63 =	vld [tilespmem:$0x0]  }
0xe5: {  	s23 =	simm.s32 $0x92E0;
	s0 =	sshrl.u32 @!p0 s0, $0x3  }
0xe6: {  	[tilespmem:s23], [sflag:$0x6] =	stream.indirect.gather [hbm4b:s1+s13], $0x10, s29, s13, $0xb8;
	v63 =	vld [tilespmem:$0x0]  }
0xe7: {  	s11 =	simm.s32 @!p0 $0x0;
	s0 =	sadd.s32 @!p0 s6, s0  }
0xe8: {  	[tilespmem:s11], [sflag:$0xA] =	stream.linear.gather @!p0 [hbm4b:s0+s11], $0xA0, $0x38;
	v63 =	vld [tilespmem:$0x0]  }
0xe9: {  	_ =	swait.ge [sflag:s4], $0x2D00  }
0xea: {  	[sflag:s4] =	ssyncset.done $0x0  }
0xeb: {  	[sflag:s4] =	ssyncadd.s32 $0xFFFFD300  }
0xec: {  	_ =	swait.ge [sflag:s7], $0x500  }
0xed: {  	[sflag:s7] =	ssyncset.done $0x0  }
0xee: {  	s11 =	simm.s32 $0x2F70;
	[sflag:s7] =	ssyncadd.s32 $0xFFFFFB00  }
0xef: {  	s17 =	simm.s32 $0x8DF0;
	v1 =	vld [tilespmem:s11+$0xFFFFFFF0]  }
0xf0: {  	v2 =	vld [tilespmem:s17+$0xFFFFFFF0];
	_ =	sdelay $0x4  }
0xf1: {  	v1 =	vadd.f32 v2, v1;
	_ =	sdelay $0x1  }
0xf2: {  	v2 =	vmul.f32 $2.000000030e-01, v1  }
0xf3: {  	vm1 =	vge.f32 v1, $0.0e+00  }
0xf4: {  	v1 =	vsel vm1, v1, v2  }
0xf5: {  	v1 =	vmul.f32 $1.442695020e+00, v1;
	_ =	sdelay $0x1  }
0xf6: {  	(erf) = vpow2.f32 v1;
	_ =	sdelay $0x4  }
0xf7: {  	v10 =	vld [tilespmem:s11+$0xFFFFFFD0]  }
0xf8: {  	v3 =	vld [tilespmem:s11+$0xFFFFFFB0]  }
0xf9: {  	v9 =	vld [tilespmem:s11+$0xFFFFFFC0]  }
0xfa: {  	v6 =	vld [tilespmem:s11+$0xFFFFFF90]  }
0xfb: {  	v4 =	vld [tilespmem:s11+$0xFFFFFFE0];
	v2 =	vpop (erf)  }
0xfc: {  	v1 =	vld [tilespmem:s11+$0xFFFFFF70];
	v5 =	vbroadcast v2, $0x4;
	v13 =	vbroadcast v2, $0x6;
	v8 =	vnsel vm0, $0x0, v2  }
0xfd: {  	v7 =	vbroadcast v2, $0x0;
	v12 =	vbroadcast v2, $0x5;
	[tilespmem:s11+$0xFFFFFFF0] =	vst v8;
	v8 =	vld [tilespmem:s11+$0xFFFFFFA0]  }
0xfe: {  	s12 =	simm.s32 $0x2F70;
	s23 =	simm.s32 $0x8DF0;
	s0 =	simm.s32 $0x0;
	v11 =	vbroadcast v2, $0x2;
	v10 =	vmul.f32 v10, v13  }
.LBB2_7:
0xff: {  	s0 =	sadd.s32 $0x2, s0;
	v9 =	vmul.f32 v9, v12;
	v12 =	vbroadcast v2, $0x7;
	s17 =	sadd.s32 $0x20, s17;
	s11 =	sadd.s32 $0x120, s11  }
0x100: {  	p1 =	slt.u32 s0, $0x4E;
	v13 =	vld [tilespmem:s12+$0xFFFFFF80];
	v6 =	vmul.f32 v11, v6;
	v11 =	vbroadcast v2, $0x3;
	[tilespmem:s12+$0xFFFFFFD0] =	vst v10  }
0x101: {  	v3 =	vmul.f32 v3, v5;
	[tilespmem:s12+$0xFFFFFFC0] =	vst v9;
	v4 =	vmul.f32 v4, v12  }
0x102: {  	v1 =	vmul.f32 v7, v1;
	[tilespmem:s12+$0xFFFFFF90] =	vst v6;
	v5 =	vmul.f32 v8, v11  }
0x103: {  	v2 =	vbroadcast v2, $0x1;
	[tilespmem:s12+$0xFFFFFFB0] =	vst v3  }
0x104: {  	[tilespmem:s12+$0xFFFFFF70] =	vst v1  }
0x105: {  	v1 =	vmul.f32 v2, v13;
	[tilespmem:s12+$0xFFFFFFA0] =	vst v5  }
0x106: {  	[tilespmem:s12+$0xFFFFFFE0] =	vst v4  }
0x107: {  	[tilespmem:s12+$0xFFFFFF80] =	vst v1;
	v1 =	vld [tilespmem:s12+$0x80]  }
0x108: {  	v2 =	vld [tilespmem:s23+$0x0];
	s23 =	smov.u32 s17;
	_ =	sdelay $0x4  }
0x109: {  	v1 =	vadd.f32 v2, v1;
	_ =	sdelay $0x1  }
0x10a: {  	v2 =	vmul.f32 $2.000000030e-01, v1  }
0x10b: {  	vm1 =	vge.f32 v1, $0.0e+00  }
0x10c: {  	v1 =	vsel vm1, v1, v2  }
0x10d: {  	v1 =	vmul.f32 $1.442695020e+00, v1;
	_ =	sdelay $0x1  }
0x10e: {  	(erf) = vpow2.f32 v1;
	_ =	sdelay $0x4  }
0x10f: {  	v1 =	vld [tilespmem:s12+$0x70]  }
0x110: {  	v2 =	vld [tilespmem:s12+$0x50]  }
0x111: {  	v3 =	vld [tilespmem:s12+$0x20]  }
0x112: {  	v4 =	vld [tilespmem:s12+$0x30]  }
0x113: {  	v5 =	vld [tilespmem:s12+$0x40];
	v6 =	vpop (erf)  }
0x114: {  	v7 =	vnsel vm0, $0x0, v6;
	v8 =	vld [tilespmem:s12+$0x0];
	v9 =	vbroadcast v6, $0x0;
	v10 =	vbroadcast v6, $0x1  }
0x115: {  	v11 =	vbroadcast v6, $0x2;
	v12 =	vbroadcast v6, $0x3;
	[tilespmem:s12+$0x80] =	vst v7;
	v7 =	vld [tilespmem:s12+$0x10]  }
0x116: {  	v13 =	vbroadcast v6, $0x4;
	v14 =	vbroadcast v6, $0x5;
	v15 =	vld [tilespmem:s12+$0x60]  }
0x117: {  	v3 =	vmul.f32 v11, v3;
	v4 =	vmul.f32 v4, v12  }
0x118: {  	v2 =	vmul.f32 v2, v14;
	v5 =	vmul.f32 v5, v13  }
0x119: {  	[tilespmem:s12+$0x20] =	vst v3;
	v3 =	vbroadcast v6, $0x6;
	v6 =	vbroadcast v6, $0x7  }
0x11a: {  	v8 =	vmul.f32 v9, v8;
	v7 =	vmul.f32 v10, v7;
	[tilespmem:s12+$0x30] =	vst v4  }
0x11b: {  	[tilespmem:s12+$0x40] =	vst v5;
	v3 =	vmul.f32 v15, v3;
	v1 =	vmul.f32 v1, v6  }
0x11c: {  	[tilespmem:s12+$0x50] =	vst v2  }
0x11d: {  	[tilespmem:s12+$0x70] =	vst v1  }
0x11e: {  	[tilespmem:s12+$0x60] =	vst v3  }
0x11f: {  	[tilespmem:s12+$0x0] =	vst v8  }
0x120: {  	v1 =	vld [tilespmem:s11+$0xFFFFFFF0];
	[tilespmem:s12+$0x10] =	vst v7;
	s12 =	smov.u32 s11  }
0x121: {  	v2 =	vld [tilespmem:s17+$0xFFFFFFF0];
	_ =	sdelay $0x4  }
0x122: {  	v1 =	vadd.f32 v2, v1;
	_ =	sdelay $0x1  }
0x123: {  	v2 =	vmul.f32 $2.000000030e-01, v1  }
0x124: {  	vm1 =	vge.f32 v1, $0.0e+00  }
0x125: {  	v1 =	vsel vm1, v1, v2  }
0x126: {  	v1 =	vmul.f32 $1.442695020e+00, v1;
	_ =	sdelay $0x1  }
0x127: {  	(erf) = vpow2.f32 v1;
	_ =	sdelay $0x4  }
0x128: {  	v1 =	vld [tilespmem:s11+$0xFFFFFF70]  }
0x129: {  	v3 =	vld [tilespmem:s11+$0xFFFFFFB0]  }
0x12a: {  	v10 =	vld [tilespmem:s11+$0xFFFFFFD0]  }
.Ltmp2:
0x12b: {  	v9 =	vld [tilespmem:s11+$0xFFFFFFC0];
	(pc) =	sbr.rel @p1 .LBB2_7-.Ltmp2, $4  }
0x12c: {  	v6 =	vld [tilespmem:s11+$0xFFFFFF90];
	v2 =	vpop (erf)  }
0x12d: {  	v7 =	vnsel vm0, $0x0, v2;
	v5 =	vbroadcast v2, $0x4;
	v13 =	vbroadcast v2, $0x6;
	v4 =	vld [tilespmem:s11+$0xFFFFFFE0]  }
0x12e: {  	v12 =	vbroadcast v2, $0x5;
	[tilespmem:s11+$0xFFFFFFF0] =	vst v7;
	v7 =	vbroadcast v2, $0x0;
	v8 =	vld [tilespmem:s11+$0xFFFFFFA0]  }
0x12f: {  	v11 =	vbroadcast v2, $0x2;
	v10 =	vmul.f32 v10, v13  }
0x130: {  	v9 =	vmul.f32 v9, v12  }
0x131: {  	v12 =	vld [tilespmem:s12+$0xFFFFFF80];
	v3 =	vmul.f32 v3, v5;
	[tilespmem:s12+$0xFFFFFFD0] =	vst v10  }
0x132: {  	v5 =	vbroadcast v2, $0x7;
	v1 =	vmul.f32 v7, v1;
	[tilespmem:s12+$0xFFFFFFC0] =	vst v9  }
0x133: {  	v6 =	vmul.f32 v11, v6;
	v10 =	vbroadcast v2, $0x3;
	[tilespmem:s12+$0xFFFFFFB0] =	vst v3  }
0x134: {  	v2 =	vbroadcast v2, $0x1;
	v3 =	vmul.f32 v4, v5;
	[tilespmem:s12+$0xFFFFFF70] =	vst v1  }
0x135: {  	[tilespmem:s12+$0xFFFFFF90] =	vst v6;
	v6 =	vmul.f32 v8, v10  }
0x136: {  	[tilespmem:s12+$0xFFFFFFE0] =	vst v3;
	v1 =	vmul.f32 v2, v12  }
0x137: {  	[tilespmem:s12+$0xFFFFFFA0] =	vst v6  }
0x138: {  	[tilespmem:s12+$0xFFFFFF80] =	vst v1;
	v1 =	vld [tilespmem:s12+$0x80]  }
0x139: {  	v2 =	vld [tilespmem:s23+$0x0];
	_ =	sdelay $0x4  }
0x13a: {  	v1 =	vadd.f32 v2, v1;
	_ =	sdelay $0x1  }
0x13b: {  	v2 =	vmul.f32 $2.000000030e-01, v1  }
0x13c: {  	vm1 =	vge.f32 v1, $0.0e+00  }
0x13d: {  	v1 =	vsel vm1, v1, v2  }
0x13e: {  	v1 =	vmul.f32 $1.442695020e+00, v1;
	_ =	sdelay $0x1  }
0x13f: {  	(erf) = vpow2.f32 v1;
	_ =	sdelay $0x6  }
0x140: {  	v2 =	vld [tilespmem:s12+$0x20]  }
0x141: {  	v4 =	vld [tilespmem:s12+$0x40]  }
0x142: {  	v3 =	vld [tilespmem:s12+$0x30];
	v5 =	vpop (erf)  }
0x143: {  	v6 =	vld [tilespmem:s12+$0x50];
	v8 =	vbroadcast v5, $0x2  }
0x144: {  	v11 =	vld [tilespmem:s12+$0x60];
	v7 =	vnsel vm0, $0x0, v5;
	v10 =	vbroadcast v5, $0x4  }
0x145: {  	v1 =	vld [tilespmem:s12+$0x70];
	[tilespmem:s12+$0x80] =	vst v7;
	v7 =	vbroadcast v5, $0x3;
	v2 =	vmul.f32 v8, v2  }
0x146: {  	v9 =	vld [tilespmem:s12+$0x0];
	v12 =	vbroadcast v5, $0x5;
	v4 =	vmul.f32 v4, v10  }
0x147: {  	v8 =	vld [tilespmem:s12+$0x10];
	v3 =	vmul.f32 v3, v7;
	v7 =	vbroadcast v5, $0x6;
	[tilespmem:s12+$0x20] =	vst v2  }
0x148: {  	v6 =	vmul.f32 v6, v12;
	v2 =	vbroadcast v5, $0x7;
	[tilespmem:s12+$0x40] =	vst v4  }
0x149: {  	[tilespmem:s12+$0x30] =	vst v3;
	v3 =	vbroadcast v5, $0x0;
	v4 =	vmul.f32 v11, v7  }
0x14a: {  	[tilespmem:s12+$0x50] =	vst v6;
	v1 =	vmul.f32 v1, v2;
	v2 =	vbroadcast v5, $0x1  }
0x14b: {  	v3 =	vmul.f32 v3, v9;
	[tilespmem:s12+$0x60] =	vst v4  }
0x14c: {  	[tilespmem:s12+$0x70] =	vst v1;
	v1 =	vmul.f32 v2, v8  }
0x14d: {  	[tilespmem:s12+$0x0] =	vst v3  }
0x14e: {  	[tilespmem:s12+$0x10] =	vst v1  }
0x14f: {  	[spmem:s2] =	stream.indirect.scatter.add.f32 [tilespmem:s15], [sflag:$0x8], $0x90, s16, s13, $0xb8;
	v63 =	vld [tilespmem:$0x0]  }
0x150: {  	_ =	swait.ge [sflag:s8], $0x2D00  }
0x151: {  	[sflag:s8] =	ssyncset.done $0x0  }
0x152: {  	s0 =	simm.s32 @!p0 $0xA;
	[sflag:s8] =	ssyncadd.s32 $0xFFFFD300  }
0x153: {  	_ =	swait.ge @!p0 [sflag:s0], $0xA0  }
0x154: {  	s11 =	simm.s32 @!p0 $0x0;
	[sflag:s0] =	ssyncset.done @!p0 $0x0  }
0x155: {  	s12 =	simm.s32 @!p0 $0x1E0;
	[sflag:s0] =	ssyncadd.s32 @!p0 $0xFFFFFF60;
	s0 =	simm.s32 @!p0 $0x50  }
0x156: {  	[tilespmem:s12], [sflag:$0x1] =	stream.indirect.gather @!p0 [hbm4b:s5+s0], $0x90, s11, s0, $0xb8;
	v63 =	vld [tilespmem:$0x0]  }
0x157: {  	s12 =	simm.s32 @!p0 $0x88E0  }
0x158: {  	[tilespmem:s12], [sflag:$0x4] =	stream.indirect.gather @!p0 [hbm4b:s1+s0], $0x10, s0, s0, $0xb8;
	v63 =	vld [tilespmem:$0x0]  }
0x159: {  	s0 =	sadd.s32 @!p0 s22, s26  }
0x15a: {  	s0 =	sshrl.u32 @!p0 s0, $0x3  }
0x15b: {  	s12 =	simm.s32 @!p0 $0xA0;
	s0 =	sadd.s32 @!p0 s6, s0  }
0x15c: {  	[tilespmem:s12], [sflag:$0xB] =	stream.linear.gather @!p0 [hbm4b:s0+s11], $0xA0, $0x38;
	v63 =	vld [tilespmem:$0x0]  }
0x15d: {  	_ =	swait.ge [sflag:s9], $0x2D00  }
0x15e: {  	[sflag:s9] =	ssyncset.done $0x0  }
0x15f: {  	[sflag:s9] =	ssyncadd.s32 $0xFFFFD300  }
0x160: {  	_ =	swait.ge [sflag:s10], $0x500  }
0x161: {  	[sflag:s10] =	ssyncset.done $0x0  }
0x162: {  	s11 =	simm.s32 $0x5C70;
	[sflag:s10] =	ssyncadd.s32 $0xFFFFFB00  }
0x163: {  	s17 =	simm.s32 $0x92F0;
	v1 =	vld [tilespmem:s11+$0xFFFFFFF0]  }
0x164: {  	v2 =	vld [tilespmem:s17+$0xFFFFFFF0];
	_ =	sdelay $0x4  }
0x165: {  	v1 =	vadd.f32 v2, v1;
	_ =	sdelay $0x1  }
0x166: {  	v2 =	vmul.f32 $2.000000030e-01, v1  }
0x167: {  	vm1 =	vge.f32 v1, $0.0e+00  }
0x168: {  	v1 =	vsel vm1, v1, v2  }
0x169: {  	v1 =	vmul.f32 $1.442695020e+00, v1;
	_ =	sdelay $0x1  }
0x16a: {  	(erf) = vpow2.f32 v1;
	_ =	sdelay $0x4  }
0x16b: {  	v10 =	vld [tilespmem:s11+$0xFFFFFFD0]  }
0x16c: {  	v3 =	vld [tilespmem:s11+$0xFFFFFFB0]  }
0x16d: {  	v9 =	vld [tilespmem:s11+$0xFFFFFFC0]  }
0x16e: {  	v6 =	vld [tilespmem:s11+$0xFFFFFF90]  }
0x16f: {  	v4 =	vld [tilespmem:s11+$0xFFFFFFE0];
	v2 =	vpop (erf)  }
0x170: {  	v1 =	vld [tilespmem:s11+$0xFFFFFF70];
	v5 =	vbroadcast v2, $0x4;
	v13 =	vbroadcast v2, $0x6;
	v8 =	vnsel vm0, $0x0, v2  }
0x171: {  	v7 =	vbroadcast v2, $0x0;
	v12 =	vbroadcast v2, $0x5;
	[tilespmem:s11+$0xFFFFFFF0] =	vst v8;
	v8 =	vld [tilespmem:s11+$0xFFFFFFA0]  }
0x172: {  	s22 =	simm.s32 $0x92F0;
	s0 =	simm.s32 $0x0;
	s12 =	simm.s32 $0x5C70;
	v11 =	vbroadcast v2, $0x2;
	v10 =	vmul.f32 v10, v13  }
.LBB2_9:
0x173: {  	s0 =	sadd.s32 $0x2, s0;
	v9 =	vmul.f32 v9, v12;
	v12 =	vbroadcast v2, $0x7;
	s17 =	sadd.s32 $0x20, s17;
	s11 =	sadd.s32 $0x120, s11  }
0x174: {  	p0 =	slt.u32 s0, $0x4E;
	v13 =	vld [tilespmem:s12+$0xFFFFFF80];
	v6 =	vmul.f32 v11, v6;
	v11 =	vbroadcast v2, $0x3;
	[tilespmem:s12+$0xFFFFFFD0] =	vst v10  }
0x175: {  	v3 =	vmul.f32 v3, v5;
	[tilespmem:s12+$0xFFFFFFC0] =	vst v9;
	v4 =	vmul.f32 v4, v12  }
0x176: {  	v1 =	vmul.f32 v7, v1;
	[tilespmem:s12+$0xFFFFFF90] =	vst v6;
	v5 =	vmul.f32 v8, v11  }
0x177: {  	v2 =	vbroadcast v2, $0x1;
	[tilespmem:s12+$0xFFFFFFB0] =	vst v3  }
0x178: {  	[tilespmem:s12+$0xFFFFFF70] =	vst v1  }
0x179: {  	v1 =	vmul.f32 v2, v13;
	[tilespmem:s12+$0xFFFFFFA0] =	vst v5  }
0x17a: {  	[tilespmem:s12+$0xFFFFFFE0] =	vst v4  }
0x17b: {  	[tilespmem:s12+$0xFFFFFF80] =	vst v1;
	v1 =	vld [tilespmem:s12+$0x80]  }
0x17c: {  	v2 =	vld [tilespmem:s22+$0x0];
	s22 =	smov.u32 s17;
	_ =	sdelay $0x4  }
0x17d: {  	v1 =	vadd.f32 v2, v1;
	_ =	sdelay $0x1  }
0x17e: {  	v2 =	vmul.f32 $2.000000030e-01, v1  }
0x17f: {  	vm1 =	vge.f32 v1, $0.0e+00  }
0x180: {  	v1 =	vsel vm1, v1, v2  }
0x181: {  	v1 =	vmul.f32 $1.442695020e+00, v1;
	_ =	sdelay $0x1  }
0x182: {  	(erf) = vpow2.f32 v1;
	_ =	sdelay $0x4  }
0x183: {  	v1 =	vld [tilespmem:s12+$0x70]  }
0x184: {  	v2 =	vld [tilespmem:s12+$0x50]  }
0x185: {  	v3 =	vld [tilespmem:s12+$0x20]  }
0x186: {  	v4 =	vld [tilespmem:s12+$0x30]  }
0x187: {  	v5 =	vld [tilespmem:s12+$0x40];
	v6 =	vpop (erf)  }
0x188: {  	v7 =	vnsel vm0, $0x0, v6;
	v8 =	vld [tilespmem:s12+$0x0];
	v9 =	vbroadcast v6, $0x0;
	v10 =	vbroadcast v6, $0x1  }
0x189: {  	v11 =	vbroadcast v6, $0x2;
	v12 =	vbroadcast v6, $0x3;
	[tilespmem:s12+$0x80] =	vst v7;
	v7 =	vld [tilespmem:s12+$0x10]  }
0x18a: {  	v13 =	vbroadcast v6, $0x4;
	v14 =	vbroadcast v6, $0x5;
	v15 =	vld [tilespmem:s12+$0x60]  }
0x18b: {  	v3 =	vmul.f32 v11, v3;
	v4 =	vmul.f32 v4, v12  }
0x18c: {  	v2 =	vmul.f32 v2, v14;
	v5 =	vmul.f32 v5, v13  }
0x18d: {  	[tilespmem:s12+$0x20] =	vst v3;
	v3 =	vbroadcast v6, $0x6;
	v6 =	vbroadcast v6, $0x7  }
0x18e: {  	v8 =	vmul.f32 v9, v8;
	v7 =	vmul.f32 v10, v7;
	[tilespmem:s12+$0x30] =	vst v4  }
0x18f: {  	[tilespmem:s12+$0x40] =	vst v5;
	v3 =	vmul.f32 v15, v3;
	v1 =	vmul.f32 v1, v6  }
0x190: {  	[tilespmem:s12+$0x50] =	vst v2  }
0x191: {  	[tilespmem:s12+$0x70] =	vst v1  }
0x192: {  	[tilespmem:s12+$0x60] =	vst v3  }
0x193: {  	[tilespmem:s12+$0x0] =	vst v8  }
0x194: {  	v1 =	vld [tilespmem:s11+$0xFFFFFFF0];
	[tilespmem:s12+$0x10] =	vst v7;
	s12 =	smov.u32 s11  }
0x195: {  	v2 =	vld [tilespmem:s17+$0xFFFFFFF0];
	_ =	sdelay $0x4  }
0x196: {  	v1 =	vadd.f32 v2, v1;
	_ =	sdelay $0x1  }
0x197: {  	v2 =	vmul.f32 $2.000000030e-01, v1  }
0x198: {  	vm1 =	vge.f32 v1, $0.0e+00  }
0x199: {  	v1 =	vsel vm1, v1, v2  }
0x19a: {  	v1 =	vmul.f32 $1.442695020e+00, v1;
	_ =	sdelay $0x1  }
0x19b: {  	(erf) = vpow2.f32 v1;
	_ =	sdelay $0x4  }
0x19c: {  	v1 =	vld [tilespmem:s11+$0xFFFFFF70]  }
0x19d: {  	v3 =	vld [tilespmem:s11+$0xFFFFFFB0]  }
0x19e: {  	v10 =	vld [tilespmem:s11+$0xFFFFFFD0]  }
.Ltmp3:
0x19f: {  	v9 =	vld [tilespmem:s11+$0xFFFFFFC0];
	(pc) =	sbr.rel @p0 .LBB2_9-.Ltmp3, $4  }
0x1a0: {  	v6 =	vld [tilespmem:s11+$0xFFFFFF90];
	v2 =	vpop (erf)  }
0x1a1: {  	v7 =	vnsel vm0, $0x0, v2;
	v5 =	vbroadcast v2, $0x4;
	v13 =	vbroadcast v2, $0x6;
	v4 =	vld [tilespmem:s11+$0xFFFFFFE0]  }
0x1a2: {  	v12 =	vbroadcast v2, $0x5;
	[tilespmem:s11+$0xFFFFFFF0] =	vst v7;
	v7 =	vbroadcast v2, $0x0;
	v8 =	vld [tilespmem:s11+$0xFFFFFFA0]  }
0x1a3: {  	v11 =	vbroadcast v2, $0x2;
	v10 =	vmul.f32 v10, v13  }
0x1a4: {  	v9 =	vmul.f32 v9, v12  }
0x1a5: {  	v46 =	vld [tilespmem:s12+$0xFFFFFF80];
	v3 =	vmul.f32 v3, v5;
	[tilespmem:s12+$0xFFFFFFD0] =	vst v10  }
0x1a6: {  	v48 =	vbroadcast v2, $0x7;
	v1 =	vmul.f32 v7, v1;
	[tilespmem:s12+$0xFFFFFFC0] =	vst v9  }
0x1a7: {  	v47 =	vbroadcast v2, $0x3;
	v6 =	vmul.f32 v11, v6;
	[tilespmem:s12+$0xFFFFFFB0] =	vst v3  }
0x1a8: {  	v2 =	vbroadcast v2, $0x1;
	v3 =	vmul.f32 v4, v48;
	[tilespmem:s12+$0xFFFFFF70] =	vst v1  }
0x1a9: {  	[tilespmem:s12+$0xFFFFFF90] =	vst v6;
	v49 =	vmul.f32 v8, v47  }
0x1aa: {  	[tilespmem:s12+$0xFFFFFFE0] =	vst v3;
	v1 =	vmul.f32 v2, v46  }
0x1ab: {  	[tilespmem:s12+$0xFFFFFFA0] =	vst v49  }
0x1ac: {  	[tilespmem:s12+$0xFFFFFF80] =	vst v1;
	v1 =	vld [tilespmem:s12+$0x80]  }
0x1ad: {  	v2 =	vld [tilespmem:s22+$0x0];
	_ =	sdelay $0x4  }
0x1ae: {  	v1 =	vadd.f32 v2, v1;
	_ =	sdelay $0x1  }
0x1af: {  	v2 =	vmul.f32 $2.000000030e-01, v1  }
0x1b0: {  	vm1 =	vge.f32 v1, $0.0e+00  }
0x1b1: {  	v1 =	vsel vm1, v1, v2  }
0x1b2: {  	v1 =	vmul.f32 $1.442695020e+00, v1;
	_ =	sdelay $0x1  }
0x1b3: {  	(erf) = vpow2.f32 v1;
	_ =	sdelay $0x6  }
0x1b4: {  	v2 =	vld [tilespmem:s12+$0x20]  }
0x1b5: {  	v3 =	vld [tilespmem:s12+$0x30]  }
0x1b6: {  	v50 =	vld [tilespmem:s12+$0x40];
	v51 =	vpop (erf)  }
0x1b7: {  	v52 =	vld [tilespmem:s12+$0x50];
	v54 =	vbroadcast v51, $0x2  }
0x1b8: {  	v58 =	vld [tilespmem:s12+$0x60];
	v56 =	vbroadcast v51, $0x3  }
0x1b9: {  	v1 =	vld [tilespmem:s12+$0x70];
	v53 =	vnsel vm0, $0x0, v51;
	v57 =	vbroadcast v51, $0x4;
	v2 =	vmul.f32 v54, v2  }
0x1ba: {  	v55 =	vld [tilespmem:s12+$0x0];
	v60 =	vbroadcast v51, $0x5;
	[tilespmem:s12+$0x80] =	vst v53;
	v3 =	vmul.f32 v3, v56  }
0x1bb: {  	v59 =	vld [tilespmem:s12+$0x10];
	v61 =	vbroadcast v51, $0x6;
	v4 =	vmul.f32 v50, v57;
	[tilespmem:s12+$0x20] =	vst v2  }
0x1bc: {  	v6 =	vmul.f32 v52, v60;
	v2 =	vbroadcast v51, $0x7;
	[tilespmem:s12+$0x30] =	vst v3  }
0x1bd: {  	s21 =	sadd.s32 $0x1, s21;
	v62 =	vmul.f32 v58, v61;
	v3 =	vbroadcast v51, $0x0;
	[tilespmem:s12+$0x40] =	vst v4  }
0x1be: {  	p0 =	sne.s32 s21, $0x2B;
	[tilespmem:s12+$0x50] =	vst v6;
	v1 =	vmul.f32 v1, v2;
	v2 =	vbroadcast v51, $0x1  }
.Ltmp4:
0x1bf: {  	[tilespmem:s12+$0x60] =	vst v62;
	v3 =	vmul.f32 v3, v55;
	(pc) =	sbr.rel @p0 .LBB2_4-.Ltmp4, $4  }
0x1c0: {  	[tilespmem:s12+$0x70] =	vst v1;
	v1 =	vmul.f32 v2, v59  }
0x1c1: {  	[tilespmem:s12+$0x0] =	vst v3  }
0x1c2: {  	[tilespmem:s12+$0x10] =	vst v1  }
0x1c3: {  	[spmem:s2] =	stream.indirect.scatter.add.f32 [tilespmem:s28], [sflag:$0x9], $0x90, s29, s13, $0xb8;
	v63 =	vld [tilespmem:$0x0]  }
0x1c4: {  	s0 =	simm.s32 $0x8  }
0x1c5: {  	_ =	swait.ge [sflag:s0], $0x2D00  }
0x1c6: {  	[sflag:s0] =	ssyncset.done $0x0  }
0x1c7: {  	s17 =	simm.s32 $0x9;
	[sflag:s0] =	ssyncadd.s32 $0xFFFFD300  }
0x1c8: {  	_ =	swait.ge [sflag:s17], $0x2D00  }
0x1c9: {  	[sflag:s17] =	ssyncset.done $0x0  }
0x1ca: {  	[sflag:s17] =	ssyncadd.s32 $0xFFFFD300  }
0x1cb: {  	[bflag:$0x0] =	sbarrier.arrive $0xFFFF  }
0x1cc: {  	s11 =	simm.s32 $0xD;
	s17 =	rddreg [dreg:$0x4]  }
0x1cd: {  	[tilespmem:s30], [sflag:$0xD] =	stream.linear.gather [spmem:s17], $0x2D00, $0x38;
	v63 =	vld [tilespmem:$0x0]  }
0x1ce: {  	_ =	swait.ge [sflag:s11], $0x2D00  }
0x1cf: {  	[sflag:s11] =	ssyncset.done $0x0  }
0x1d0: {  	s21 =	rddreg [dreg:$0xa];
	[sflag:s11] =	ssyncadd.s32 $0xFFFFD300  }
0x1d1: {  	[hbm4b:s21+s3] =	stream.linear.scatter [tilespmem:s30], [sflag:$0x1], $0x2D00, $0x38;
	v63 =	vld [tilespmem:$0x0]  }
0x1d2: {  	s21 =	rddreg [dreg:$0x5]  }
0x1d3: {  	[tilespmem:s15], [sflag:$0xD] =	stream.linear.gather [spmem:s21], $0x2D00, $0x38;
	v63 =	vld [tilespmem:$0x0]  }
0x1d4: {  	_ =	swait.ge [sflag:s11], $0x2D00  }
0x1d5: {  	[sflag:s11] =	ssyncset.done $0x0  }
0x1d6: {  	s22 =	rddreg [dreg:$0xb];
	[sflag:s11] =	ssyncadd.s32 $0xFFFFD300  }
0x1d7: {  	[hbm4b:s22+s3] =	stream.linear.scatter [tilespmem:s15], [sflag:$0x2], $0x2D00, $0x38;
	v63 =	vld [tilespmem:$0x0]  }
0x1d8: {  	_ =	swait.ge [sflag:s31], $0x2D00  }
0x1d9: {  	[sflag:s31] =	ssyncset.done $0x0  }
0x1da: {  	s22 =	rddreg [dreg:$0x6];
	[sflag:s31] =	ssyncadd.s32 $0xFFFFD300  }
0x1db: {  	[tilespmem:s30], [sflag:$0xD] =	stream.linear.gather [spmem:s22], $0x2D00, $0x38;
	v63 =	vld [tilespmem:$0x0]  }
0x1dc: {  	_ =	swait.ge [sflag:s11], $0x2D00  }
0x1dd: {  	[sflag:s11] =	ssyncset.done $0x0  }
0x1de: {  	s23 =	rddreg [dreg:$0xc];
	[sflag:s11] =	ssyncadd.s32 $0xFFFFD300  }
0x1df: {  	[hbm4b:s23+s3] =	stream.linear.scatter [tilespmem:s30], [sflag:$0x1], $0x2D00, $0x38;
	v63 =	vld [tilespmem:$0x0]  }
0x1e0: {  	_ =	swait.ge [sflag:s4], $0x2D00  }
0x1e1: {  	[sflag:s4] =	ssyncset.done $0x0  }
0x1e2: {  	s23 =	rddreg [dreg:$0x7];
	[sflag:s4] =	ssyncadd.s32 $0xFFFFD300  }
0x1e3: {  	[tilespmem:s15], [sflag:$0xD] =	stream.linear.gather [spmem:s23], $0x2D00, $0x38;
	v63 =	vld [tilespmem:$0x0]  }
0x1e4: {  	_ =	swait.ge [sflag:s11], $0x2D00  }
0x1e5: {  	[sflag:s11] =	ssyncset.done $0x0  }
0x1e6: {  	s12 =	rddreg [dreg:$0xd];
	[sflag:s11] =	ssyncadd.s32 $0xFFFFD300  }
0x1e7: {  	[hbm4b:s12+s3] =	stream.linear.scatter [tilespmem:s15], [sflag:$0x2], $0x2D00, $0x38;
	v63 =	vld [tilespmem:$0x0]  }
0x1e8: {  	_ =	swait.ge [sflag:s31], $0x2D00  }
0x1e9: {  	[sflag:s31] =	ssyncset.done $0x0  }
0x1ea: {  	s12 =	rddreg [dreg:$0x8];
	[sflag:s31] =	ssyncadd.s32 $0xFFFFD300  }
0x1eb: {  	[tilespmem:s30], [sflag:$0xD] =	stream.linear.gather [spmem:s12], $0x2D00, $0x38;
	v63 =	vld [tilespmem:$0x0]  }
0x1ec: {  	_ =	swait.ge [sflag:s11], $0x2D00  }
0x1ed: {  	[sflag:s11] =	ssyncset.done $0x0  }
0x1ee: {  	s12 =	rddreg [dreg:$0xe];
	[sflag:s11] =	ssyncadd.s32 $0xFFFFD300  }
0x1ef: {  	[hbm4b:s12+s3] =	stream.linear.scatter [tilespmem:s30], [sflag:$0x1], $0x2D00, $0x38;
	v63 =	vld [tilespmem:$0x0]  }
0x1f0: {  	_ =	swait.ge [sflag:s4], $0x2D00  }
0x1f1: {  	[sflag:s4] =	ssyncset.done $0x0  }
0x1f2: {  	s12 =	rddreg [dreg:$0x9];
	[sflag:s4] =	ssyncadd.s32 $0xFFFFD300  }
0x1f3: {  	[tilespmem:s15], [sflag:$0xD] =	stream.linear.gather [spmem:s12], $0x2D00, $0x38;
	v63 =	vld [tilespmem:$0x0]  }
0x1f4: {  	_ =	swait.ge [sflag:s11], $0x2D00  }
0x1f5: {  	[sflag:s11] =	ssyncset.done $0x0  }
0x1f6: {  	s12 =	rddreg [dreg:$0xf];
	[sflag:s11] =	ssyncadd.s32 $0xFFFFD300  }
0x1f7: {  	[hbm4b:s12+s3] =	stream.linear.scatter [tilespmem:s15], [sflag:$0x2], $0x2D00, $0x38;
	v63 =	vld [tilespmem:$0x0]  }
0x1f8: {  	_ =	swait.ge [sflag:s31], $0x2D00  }
0x1f9: {  	[sflag:s31] =	ssyncset.done $0x0  }
0x1fa: {  	s12 =	rddreg [dreg:$0x12];
	[sflag:s31] =	ssyncadd.s32 $0xFFFFD300  }
0x1fb: {  	[tilespmem:s30], [sflag:$0xD] =	stream.linear.gather [spmem:s12], $0x2D00, $0x38;
	v63 =	vld [tilespmem:$0x0]  }
0x1fc: {  	_ =	swait.ge [sflag:s11], $0x2D00  }
0x1fd: {  	[sflag:s11] =	ssyncset.done $0x0  }
0x1fe: {  	s0 =	rddreg [dreg:$0x10];
	[sflag:s11] =	ssyncadd.s32 $0xFFFFD300  }
0x1ff: {  	[hbm4b:s0+s3] =	stream.linear.scatter [tilespmem:s30], [sflag:$0x1], $0x2D00, $0x38;
	v63 =	vld [tilespmem:$0x0]  }
0x200: {  	_ =	swait.ge [sflag:s4], $0x2D00  }
0x201: {  	[sflag:s4] =	ssyncset.done $0x0  }
0x202: {  	s0 =	rddreg [dreg:$0x13];
	[sflag:s4] =	ssyncadd.s32 $0xFFFFD300  }
0x203: {  	[tilespmem:s15], [sflag:$0xD] =	stream.linear.gather [spmem:s0], $0x2D00, $0x38;
	v63 =	vld [tilespmem:$0x0]  }
0x204: {  	_ =	swait.ge [sflag:s11], $0x2D00  }
0x205: {  	[sflag:s11] =	ssyncset.done $0x0  }
0x206: {  	[sflag:s11] =	ssyncadd.s32 $0xFFFFD300;
	s11 =	rddreg [dreg:$0x11]  }
0x207: {  	[hbm4b:s11+s3] =	stream.linear.scatter [tilespmem:s15], [sflag:$0x2], $0x2D00, $0x38;
	v63 =	vld [tilespmem:$0x0]  }
0x208: {  	_ =	swait.ge [sflag:s31], $0x2D00  }
0x209: {  	[sflag:s31] =	ssyncset.done $0x0  }
0x20a: {  	[sflag:s31] =	ssyncadd.s32 $0xFFFFD300  }
0x20b: {  	_ =	swait.ge [sflag:s4], $0x2D00  }
0x20c: {  	s0 =	rddreg [dreg:$0x17]  }
0x20d: {  	s11 =	sadd.s32 $0x1, s0;
	s0 =	rddreg [dreg:$0x15]  }
0x20e: {  	p0 =	sne.s32 s11, s0  }
.Ltmp5:
0x20f: {  	_ = 	snop;
	(pc) =	sbr.rel @p0 .LBB2_1-.Ltmp5, $3  }
0x210: {  	_ =	sdelay $0x1  }
0x211: {  	[sflag:s4] =	ssyncset.done $0x0  }
0x212: {  	[sflag:s4] =	ssyncadd.s32 $0xFFFFD300  }
0x213: {  	_ =	sfence.sel $0x180000  }
0x214: {  	[bflag:$0x0] =	sbarrier.arrive $0xFFFF  }
0x215: {  	_ =	strace $0x90000047  }
0x216: {  	s0 =	stileid.u32;
	[bflag:$0x2] =	sbarrier.arrive $0xFFFF  }
0x217: {  	p0 =	sne.s32 s0, $0x0;
	s0 =	rddreg [dreg:$0x3]  }
0x218: {  	s0 =	sadd.s32 @!p0 $0x100000, s0  }
0x219: {  	[sflag:s0] =	ssyncadd.tile.s32 @!p0 $0x1;
	_ =	shalt  }
.Lfunc_end2:
_tile_overlayer_lowered:
.L_overlay_start_2:
0x21a: {  	(tag) =	ssettag $0x2  }
0x21b: {  	s0 =	rddreg [dreg:$0x0];
	s2 =	stileid.u32  }
0x21c: {  	s1 =	rddreg [dreg:$0x1];
	p0 =	sne.s32 s2, $0x0  }
0x21d: {  	s3 =	rddreg [dreg:$0x2];
	[bflag:$0x3] =	sbarrier.arrive $0xFFFF;
	s2 =	simm.s32 @!p0 $0x1C0D  }
0x21e: {  	[timem:s3], [sflag:s2] =	dma.local @!p0 [hbm:s0], s1  }
0x21f: {  	s0 =	simm.s32 @!p0 $0xD  }
0x220: {  	_ =	swait.ge @!p0 [sflag:s0], s1  }
0x221: {  	s1 =	ssub.s32 @!p0 $0x0, s1;
	[sflag:s0] =	ssyncset.done @!p0 $0x0  }
0x222: {  	[sflag:s0] =	ssyncadd.s32 @!p0 s1  }
0x223: {  	[bflag:$0x3] =	sbarrier.arrive $0xFFFF  }
0x224: {  	_ =	shalt  }

</sc_bundles>
